<compile_context>
chip_gen: v7x
topology: tpu7x:2x2x1
jax: 0.10.2.dev20260603
libtpu: 0.0.44.dev20260713+nightly
codegen_flags: <defaults>
</compile_context>

<pallas_src>
import functools

import jax
import jax.numpy as jnp
from jax import lax
from jax.experimental import pallas as pl
from jax.experimental.pallas import tpu as pltpu
from jax.experimental.pallas import tpu_sc as plsc

VOCAB = 1000000
EMBED = 32
B = 16384
L = 50

NC = 2
NS = 16
NW = NC * NS
B_PER_W = B // NW
BB = 16
NSTEP = B_PER_W // BB
CHUNK = BB * L


def _transpose_block(rows, outst):
    iota = lax.iota(jnp.int32, 16)
    jv0 = iota
    jv1 = iota + 16

    @plsc.parallel_loop(0, L, unroll=2)
    def tl(l):
        lv = jnp.full((16,), l, jnp.int32)
        for b_loc in range(BB):
            k = b_loc * L + l
            bv = jnp.full((16,), b_loc, jnp.int32)
            v0 = rows[k, pl.ds(0, 16)]
            v1 = rows[k, pl.ds(16, 16)]
            plsc.store_scatter(outst, [lv, jv0, bv], v0)
            plsc.store_scatter(outst, [lv, jv1, bv], v1)


@functools.partial(
    pl.kernel,
    out_type=jax.ShapeDtypeStruct((L, EMBED, B), jnp.float32),
    mesh=plsc.VectorSubcoreMesh(core_axis_name="c", subcore_axis_name="s"),
    scratch_types=[
        pltpu.VMEM((NSTEP, CHUNK), jnp.int32),
        pltpu.VMEM((CHUNK, EMBED), jnp.float32),
        pltpu.VMEM((CHUNK, EMBED), jnp.float32),
        pltpu.VMEM((L, EMBED, BB), jnp.float32),
        pltpu.VMEM((L, EMBED, BB), jnp.float32),
        pltpu.SemaphoreType.DMA,
        pltpu.SemaphoreType.DMA,
        pltpu.SemaphoreType.DMA,
        pltpu.SemaphoreType.DMA,
    ],
    compiler_params=pltpu.CompilerParams(
        use_tc_tiling_on_sc=False, needs_layout_passes=False),
)
def _gather_sc(idx_hbm, table_hbm, out_hbm, idx_v, rows0, rows1, outst0,
               outst1, gsem0, gsem1, osem0, osem1):
    wid = lax.axis_index("s") * NC + lax.axis_index("c")
    base_b = wid * B_PER_W

    pltpu.sync_copy(idx_hbm.at[wid], idx_v)

    rows = [rows0, rows1]
    gsems = [gsem0, gsem1]
    outst = [outst0, outst1]
    osems = [osem0, osem1]

    def out_dst(k):
        return out_hbm.at[:, :, pl.ds(base_b + k * BB, BB)]

    def step(k, b, first):
        pltpu.make_async_copy(table_hbm.at[idx_v.at[k]], rows[b], gsems[b]).wait()
        if not first:
            pltpu.make_async_copy(outst[b], out_dst(k - 2), osems[b]).wait()
        _transpose_block(rows[b], outst[b])
        pltpu.async_copy(outst[b], out_dst(k), osems[b])
        @pl.when(k + 2 < NSTEP)
        def _():
            pltpu.async_copy(table_hbm.at[idx_v.at[k + 2]], rows[b], gsems[b])

    pltpu.async_copy(table_hbm.at[idx_v.at[0]], rows[0], gsems[0])
    pltpu.async_copy(table_hbm.at[idx_v.at[1]], rows[1], gsems[1])

    step(0, 0, True)
    step(1, 1, True)

    def pair(t, c):
        k0 = t * 2
        step(k0, 0, False)
        step(k0 + 1, 1, False)
        return c

    lax.fori_loop(1, NSTEP // 2, pair, 0)

    pltpu.make_async_copy(outst[0], out_dst(NSTEP - 2), osems[0]).wait()
    pltpu.make_async_copy(outst[1], out_dst(NSTEP - 1), osems[1]).wait()


def kernel(x, embeddings):
    idx = x.reshape(NW, NSTEP, CHUNK)
    out_phys = _gather_sc(idx, embeddings)
    return out_phys.transpose(2, 0, 1)

# --- scband reference (transcript-rebuilt; emitter-appended) ---
"""Pipeline reference for scband-embeddings-6674379178289 (READ-ONLY COPY).

The authoritative reference and input builder live on the scoring server;
editing this copy changes nothing except your own understanding.
"""

import jax, jax.numpy as jnp
import numpy as np

VOCAB = 1000000
EMBED = 32
B = 16384
L = 50

def setup_inputs(seed: int = 0) -> dict:
    key = jax.random.key(seed)
    k1, k2 = jax.random.split(key)
    x = jax.random.randint(k1, (B, L), 0, VOCAB, dtype=jnp.int64 if jax.config.jax_enable_x64 else jnp.int32)
    embeddings = jax.random.uniform(k2, (VOCAB, EMBED), dtype=jnp.float32) * 2.0 - 1.0
    return {"x": x, "embeddings": embeddings}

def reference(x, embeddings):
    # Faithful to: return self.embeddings[x, :]
    return jnp.take(embeddings, x, axis=0)

if __name__ == "__main__":
    import jax
    _d = setup_inputs()
    print(jax.jit(kernel)(*tuple(_d.values())))

</pallas_src>

<mosaic_0001>
#map = affine_map<(d0, d1) -> (0, 0, 0)>
#map1 = affine_map<(d0, d1) -> (0, 0)>
module attributes {stable_mosaic.version = 14 : i64} {
  func.func @_gather_sc(%arg0: i32, %arg1: i32, %arg2: memref<32x32x800xi32, #tpu.memory_space<hbm>>, %arg3: memref<1000000x32xf32, #tpu.memory_space<hbm>>, %arg4: memref<50x32x16384xf32, #tpu.memory_space<hbm>>, %arg5: memref<32x800xi32, #tpu.memory_space<vmem>>, %arg6: memref<800x32xf32, #tpu.memory_space<vmem>>, %arg7: memref<800x32xf32, #tpu.memory_space<vmem>>, %arg8: memref<50x32x16xf32, #tpu.memory_space<vmem>>, %arg9: memref<50x32x16xf32, #tpu.memory_space<vmem>>, %arg10: memref<!tpu.dma_semaphore, #tpu.memory_space<semaphore_mem>>, %arg11: memref<!tpu.dma_semaphore, #tpu.memory_space<semaphore_mem>>, %arg12: memref<!tpu.dma_semaphore, #tpu.memory_space<semaphore_mem>>, %arg13: memref<!tpu.dma_semaphore, #tpu.memory_space<semaphore_mem>>) attributes {dimension_semantics = [#tpu.dimension_semantics<core_parallel>, #tpu.dimension_semantics<subcore_parallel>], iteration_bounds = array<i64: 2, 16>, scalar_prefetch = 0 : i64, scratch_operands = 9 : i64, tpu.core_type = #tpu.core_type<sc_vector_subcore>, window_params = [{transform_indices = #map}, {transform_indices = #map1}, {transform_indices = #map}]} {
    %mul3A = arith.constant 2 : i32
    %mul3A_0 = arith.muli %arg1, %mul3A : i32
    %add3A = arith.addi %mul3A_0, %arg0 : i32
    %mul3A_1 = arith.constant 512 : i32
    %mul3A_2 = arith.muli %add3A, %mul3A_1 : i32
    "tpu.region"() ({
      %run_scoped3A = tpu.sem_alloc : memref<!tpu.dma_semaphore, #tpu.memory_space<semaphore_mem>>
      %dma_start3A_92 = arith.constant 0 : i32
      %dma_start3A_93 = arith.constant 0 : i32
      %dma_start3A_94 = tpu.memref_slice %arg2[%add3A, %dma_start3A_92, %dma_start3A_93] : memref<32x32x800xi32, #tpu.memory_space<hbm>> -> memref<1x32x800xi32, #tpu.memory_space<hbm>>
      %dma_start3A_95 = tpu.memref_squeeze %dma_start3A_94 : memref<1x32x800xi32, #tpu.memory_space<hbm>> -> memref<32x800xi32, #tpu.memory_space<hbm>>
      %dma_start3A_96 = arith.constant 0 : i32
      %dma_start3A_97 = arith.constant 0 : i32
      %dma_start3A_98 = tpu.memref_slice %arg2[%add3A, %dma_start3A_96, %dma_start3A_97] : memref<32x32x800xi32, #tpu.memory_space<hbm>> -> memref<1x32x800xi32, #tpu.memory_space<hbm>>
      %dma_start3A_99 = tpu.memref_squeeze %dma_start3A_98 : memref<1x32x800xi32, #tpu.memory_space<hbm>> -> memref<32x800xi32, #tpu.memory_space<hbm>>
      tpu.enqueue_dma source(%dma_start3A_99 : memref<32x800xi32, #tpu.memory_space<hbm>>) target(%arg5 : memref<32x800xi32, #tpu.memory_space<vmem>>) target_semaphore(%run_scoped3A : memref<!tpu.dma_semaphore, #tpu.memory_space<semaphore_mem>>)
      %dma_wait3A_100 = arith.constant 0 : i32
      %dma_wait3A_101 = arith.constant 0 : i32
      %dma_wait3A_102 = tpu.memref_slice %arg2[%add3A, %dma_wait3A_100, %dma_wait3A_101] : memref<32x32x800xi32, #tpu.memory_space<hbm>> -> memref<1x32x800xi32, #tpu.memory_space<hbm>>
      %dma_wait3A_103 = tpu.memref_squeeze %dma_wait3A_102 : memref<1x32x800xi32, #tpu.memory_space<hbm>> -> memref<32x800xi32, #tpu.memory_space<hbm>>
      %dma_wait3A_104 = arith.constant 0 : i32
      %dma_wait3A_105 = arith.constant 0 : i32
      %dma_wait3A_106 = tpu.memref_slice %arg2[%add3A, %dma_wait3A_104, %dma_wait3A_105] : memref<32x32x800xi32, #tpu.memory_space<hbm>> -> memref<1x32x800xi32, #tpu.memory_space<hbm>>
      %dma_wait3A_107 = tpu.memref_squeeze %dma_wait3A_106 : memref<1x32x800xi32, #tpu.memory_space<hbm>> -> memref<32x800xi32, #tpu.memory_space<hbm>>
      tpu.wait_dma2 semaphore(%run_scoped3A : memref<!tpu.dma_semaphore, #tpu.memory_space<semaphore_mem>>) src(%dma_wait3A_107 : memref<32x800xi32, #tpu.memory_space<hbm>>) dst(%arg5 : memref<32x800xi32, #tpu.memory_space<vmem>>)
      tpu.yield
    }) : () -> ()
    %dma_start3A = arith.constant 0 : i32
    %dma_start3A_3 = arith.constant 0 : i32
    %dma_start3A_4 = tpu.memref_slice %arg5[%dma_start3A, %dma_start3A_3] : memref<32x800xi32, #tpu.memory_space<vmem>> -> memref<1x800xi32, #tpu.memory_space<vmem>>
    %dma_start3A_5 = tpu.memref_squeeze %dma_start3A_4 : memref<1x800xi32, #tpu.memory_space<vmem>> -> memref<800xi32, #tpu.memory_space<vmem>>
    %dma_start3A_6 = arith.constant 0 : i32
    %dma_start3A_7 = arith.constant 0 : i32
    %dma_start3A_8 = tpu.memref_slice %arg3[%dma_start3A_6, %dma_start3A_7] : memref<1000000x32xf32, #tpu.memory_space<hbm>> -> memref<1000000x32xf32, #tpu.memory_space<hbm>>
    tpu.enqueue_indirect_dma source(%dma_start3A_8 : memref<1000000x32xf32, #tpu.memory_space<hbm>>) target(%arg6 : memref<800x32xf32, #tpu.memory_space<vmem>>) offsets(%dma_start3A_5 : memref<800xi32, #tpu.memory_space<vmem>>) semaphore(%arg10 : memref<!tpu.dma_semaphore, #tpu.memory_space<semaphore_mem>>)
    %dma_start3A_9 = arith.constant 1 : i32
    %dma_start3A_10 = arith.constant 0 : i32
    %dma_start3A_11 = tpu.memref_slice %arg5[%dma_start3A_9, %dma_start3A_10] : memref<32x800xi32, #tpu.memory_space<vmem>> -> memref<1x800xi32, #tpu.memory_space<vmem>>
    %dma_start3A_12 = tpu.memref_squeeze %dma_start3A_11 : memref<1x800xi32, #tpu.memory_space<vmem>> -> memref<800xi32, #tpu.memory_space<vmem>>
    %dma_start3A_13 = arith.constant 0 : i32
    %dma_start3A_14 = arith.constant 0 : i32
    %dma_start3A_15 = tpu.memref_slice %arg3[%dma_start3A_13, %dma_start3A_14] : memref<1000000x32xf32, #tpu.memory_space<hbm>> -> memref<1000000x32xf32, #tpu.memory_space<hbm>>
    tpu.enqueue_indirect_dma source(%dma_start3A_15 : memref<1000000x32xf32, #tpu.memory_space<hbm>>) target(%arg7 : memref<800x32xf32, #tpu.memory_space<vmem>>) offsets(%dma_start3A_12 : memref<800xi32, #tpu.memory_space<vmem>>) semaphore(%arg11 : memref<!tpu.dma_semaphore, #tpu.memory_space<semaphore_mem>>)
    %dma_wait3A = arith.constant 0 : i32
    %dma_wait3A_16 = arith.constant 0 : i32
    %dma_wait3A_17 = tpu.memref_slice %arg5[%dma_wait3A, %dma_wait3A_16] : memref<32x800xi32, #tpu.memory_space<vmem>> -> memref<1x800xi32, #tpu.memory_space<vmem>>
    %dma_wait3A_18 = tpu.memref_squeeze %dma_wait3A_17 : memref<1x800xi32, #tpu.memory_space<vmem>> -> memref<800xi32, #tpu.memory_space<vmem>>
    %dma_wait3A_19 = arith.constant 0 : i32
    %dma_wait3A_20 = arith.constant 0 : i32
    %dma_wait3A_21 = tpu.memref_slice %arg3[%dma_wait3A_19, %dma_wait3A_20] : memref<1000000x32xf32, #tpu.memory_space<hbm>> -> memref<1000000x32xf32, #tpu.memory_space<hbm>>
    tpu.wait_indirect_dma semaphore(%arg10 : memref<!tpu.dma_semaphore, #tpu.memory_space<semaphore_mem>>) src(%dma_wait3A_21 : memref<1000000x32xf32, #tpu.memory_space<hbm>>) dst(%arg6 : memref<800x32xf32, #tpu.memory_space<vmem>>)
    %iota3A = tpu.iota {dimensions = array<i32: 0>} : vector<16xi32>
    %add3A_22 = arith.constant 16 : i32
    %add3A_23 = vector.broadcast %add3A_22 : i32 to vector<16xi32>
    %add3A_24 = arith.addi %iota3A, %add3A_23 : vector<16xi32>
    %parallel_loop3A = arith.constant 0 : i32
    %parallel_loop3A_25 = arith.constant 50 : i32
    %parallel_loop3A_26 = arith.constant 1 : i32
    scf.for %parallel_loop3A_92 = %parallel_loop3A to %parallel_loop3A_25 step %parallel_loop3A_26  : i32 {
      %parallel_loop3A_93 = vector.broadcast %parallel_loop3A_92 : i32 to vector<16xi32>
      %parallel_loop3A_94 = arith.constant 0 : i32
      %parallel_loop3A_95 = arith.addi %parallel_loop3A_94, %parallel_loop3A_92 : i32
      %parallel_loop3A_96 = arith.constant 0 : i32
      %parallel_loop3A_97 = vector.broadcast %parallel_loop3A_96 : i32 to vector<16xi32>
      %parallel_loop3A_98 = arith.index_cast %parallel_loop3A_95 : i32 to index
      %parallel_loop3A_99 = arith.constant 0 : index
      %parallel_loop3A_100 = tpu.vector_load %arg6[%parallel_loop3A_98, %parallel_loop3A_99] {strides = array<i32>} : memref<800x32xf32, #tpu.memory_space<vmem>>, vector<16xf32>,
      %parallel_loop3A_101 = arith.index_cast %parallel_loop3A_95 : i32 to index
      %parallel_loop3A_102 = arith.constant 16 : index
      %parallel_loop3A_103 = tpu.vector_load %arg6[%parallel_loop3A_101, %parallel_loop3A_102] {strides = array<i32>} : memref<800x32xf32, #tpu.memory_space<vmem>>, vector<16xf32>,
      tpu.vector_store_idx %arg8[%parallel_loop3A_93, %iota3A, %parallel_loop3A_97], %parallel_loop3A_100 : memref<50x32x16xf32, #tpu.memory_space<vmem>>[vector<16xi32>, vector<16xi32>, vector<16xi32>], vector<16xf32>,
      tpu.vector_store_idx %arg8[%parallel_loop3A_93, %add3A_24, %parallel_loop3A_97], %parallel_loop3A_103 : memref<50x32x16xf32, #tpu.memory_space<vmem>>[vector<16xi32>, vector<16xi32>, vector<16xi32>], vector<16xf32>,
      %parallel_loop3A_104 = arith.constant 50 : i32
      %parallel_loop3A_105 = arith.addi %parallel_loop3A_104, %parallel_loop3A_92 : i32
      %parallel_loop3A_106 = arith.constant 1 : i32
      %parallel_loop3A_107 = vector.broadcast %parallel_loop3A_106 : i32 to vector<16xi32>
      %parallel_loop3A_108 = arith.index_cast %parallel_loop3A_105 : i32 to index
      %parallel_loop3A_109 = arith.constant 0 : index
      %parallel_loop3A_110 = tpu.vector_load %arg6[%parallel_loop3A_108, %parallel_loop3A_109] {strides = array<i32>} : memref<800x32xf32, #tpu.memory_space<vmem>>, vector<16xf32>,
      %parallel_loop3A_111 = arith.index_cast %parallel_loop3A_105 : i32 to index
      %parallel_loop3A_112 = arith.constant 16 : index
      %parallel_loop3A_113 = tpu.vector_load %arg6[%parallel_loop3A_111, %parallel_loop3A_112] {strides = array<i32>} : memref<800x32xf32, #tpu.memory_space<vmem>>, vector<16xf32>,
      tpu.vector_store_idx %arg8[%parallel_loop3A_93, %iota3A, %parallel_loop3A_107], %parallel_loop3A_110 : memref<50x32x16xf32, #tpu.memory_space<vmem>>[vector<16xi32>, vector<16xi32>, vector<16xi32>], vector<16xf32>,
      tpu.vector_store_idx %arg8[%parallel_loop3A_93, %add3A_24, %parallel_loop3A_107], %parallel_loop3A_113 : memref<50x32x16xf32, #tpu.memory_space<vmem>>[vector<16xi32>, vector<16xi32>, vector<16xi32>], vector<16xf32>,
      %parallel_loop3A_114 = arith.constant 100 : i32
      %parallel_loop3A_115 = arith.addi %parallel_loop3A_114, %parallel_loop3A_92 : i32
      %parallel_loop3A_116 = arith.constant 2 : i32
      %parallel_loop3A_117 = vector.broadcast %parallel_loop3A_116 : i32 to vector<16xi32>
      %parallel_loop3A_118 = arith.index_cast %parallel_loop3A_115 : i32 to index
      %parallel_loop3A_119 = arith.constant 0 : index
      %parallel_loop3A_120 = tpu.vector_load %arg6[%parallel_loop3A_118, %parallel_loop3A_119] {strides = array<i32>} : memref<800x32xf32, #tpu.memory_space<vmem>>, vector<16xf32>,
      %parallel_loop3A_121 = arith.index_cast %parallel_loop3A_115 : i32 to index
      %parallel_loop3A_122 = arith.constant 16 : index
      %parallel_loop3A_123 = tpu.vector_load %arg6[%parallel_loop3A_121, %parallel_loop3A_122] {strides = array<i32>} : memref<800x32xf32, #tpu.memory_space<vmem>>, vector<16xf32>,
      tpu.vector_store_idx %arg8[%parallel_loop3A_93, %iota3A, %parallel_loop3A_117], %parallel_loop3A_120 : memref<50x32x16xf32, #tpu.memory_space<vmem>>[vector<16xi32>, vector<16xi32>, vector<16xi32>], vector<16xf32>,
      tpu.vector_store_idx %arg8[%parallel_loop3A_93, %add3A_24, %parallel_loop3A_117], %parallel_loop3A_123 : memref<50x32x16xf32, #tpu.memory_space<vmem>>[vector<16xi32>, vector<16xi32>, vector<16xi32>], vector<16xf32>,
      %parallel_loop3A_124 = arith.constant 150 : i32
      %parallel_loop3A_125 = arith.addi %parallel_loop3A_124, %parallel_loop3A_92 : i32
      %parallel_loop3A_126 = arith.constant 3 : i32
      %parallel_loop3A_127 = vector.broadcast %parallel_loop3A_126 : i32 to vector<16xi32>
      %parallel_loop3A_128 = arith.index_cast %parallel_loop3A_125 : i32 to index
      %parallel_loop3A_129 = arith.constant 0 : index
      %parallel_loop3A_130 = tpu.vector_load %arg6[%parallel_loop3A_128, %parallel_loop3A_129] {strides = array<i32>} : memref<800x32xf32, #tpu.memory_space<vmem>>, vector<16xf32>,
      %parallel_loop3A_131 = arith.index_cast %parallel_loop3A_125 : i32 to index
      %parallel_loop3A_132 = arith.constant 16 : index
      %parallel_loop3A_133 = tpu.vector_load %arg6[%parallel_loop3A_131, %parallel_loop3A_132] {strides = array<i32>} : memref<800x32xf32, #tpu.memory_space<vmem>>, vector<16xf32>,
      tpu.vector_store_idx %arg8[%parallel_loop3A_93, %iota3A, %parallel_loop3A_127], %parallel_loop3A_130 : memref<50x32x16xf32, #tpu.memory_space<vmem>>[vector<16xi32>, vector<16xi32>, vector<16xi32>], vector<16xf32>,
      tpu.vector_store_idx %arg8[%parallel_loop3A_93, %add3A_24, %parallel_loop3A_127], %parallel_loop3A_133 : memref<50x32x16xf32, #tpu.memory_space<vmem>>[vector<16xi32>, vector<16xi32>, vector<16xi32>], vector<16xf32>,
      %parallel_loop3A_134 = arith.constant 200 : i32
      %parallel_loop3A_135 = arith.addi %parallel_loop3A_134, %parallel_loop3A_92 : i32
      %parallel_loop3A_136 = arith.constant 4 : i32
      %parallel_loop3A_137 = vector.broadcast %parallel_loop3A_136 : i32 to vector<16xi32>
      %parallel_loop3A_138 = arith.index_cast %parallel_loop3A_135 : i32 to index
      %parallel_loop3A_139 = arith.constant 0 : index
      %parallel_loop3A_140 = tpu.vector_load %arg6[%parallel_loop3A_138, %parallel_loop3A_139] {strides = array<i32>} : memref<800x32xf32, #tpu.memory_space<vmem>>, vector<16xf32>,
      %parallel_loop3A_141 = arith.index_cast %parallel_loop3A_135 : i32 to index
      %parallel_loop3A_142 = arith.constant 16 : index
      %parallel_loop3A_143 = tpu.vector_load %arg6[%parallel_loop3A_141, %parallel_loop3A_142] {strides = array<i32>} : memref<800x32xf32, #tpu.memory_space<vmem>>, vector<16xf32>,
      tpu.vector_store_idx %arg8[%parallel_loop3A_93, %iota3A, %parallel_loop3A_137], %parallel_loop3A_140 : memref<50x32x16xf32, #tpu.memory_space<vmem>>[vector<16xi32>, vector<16xi32>, vector<16xi32>], vector<16xf32>,
      tpu.vector_store_idx %arg8[%parallel_loop3A_93, %add3A_24, %parallel_loop3A_137], %parallel_loop3A_143 : memref<50x32x16xf32, #tpu.memory_space<vmem>>[vector<16xi32>, vector<16xi32>, vector<16xi32>], vector<16xf32>,
      %parallel_loop3A_144 = arith.constant 250 : i32
      %parallel_loop3A_145 = arith.addi %parallel_loop3A_144, %parallel_loop3A_92 : i32
      %parallel_loop3A_146 = arith.constant 5 : i32
      %parallel_loop3A_147 = vector.broadcast %parallel_loop3A_146 : i32 to vector<16xi32>
      %parallel_loop3A_148 = arith.index_cast %parallel_loop3A_145 : i32 to index
      %parallel_loop3A_149 = arith.constant 0 : index
      %parallel_loop3A_150 = tpu.vector_load %arg6[%parallel_loop3A_148, %parallel_loop3A_149] {strides = array<i32>} : memref<800x32xf32, #tpu.memory_space<vmem>>, vector<16xf32>,
      %parallel_loop3A_151 = arith.index_cast %parallel_loop3A_145 : i32 to index
      %parallel_loop3A_152 = arith.constant 16 : index
      %parallel_loop3A_153 = tpu.vector_load %arg6[%parallel_loop3A_151, %parallel_loop3A_152] {strides = array<i32>} : memref<800x32xf32, #tpu.memory_space<vmem>>, vector<16xf32>,
      tpu.vector_store_idx %arg8[%parallel_loop3A_93, %iota3A, %parallel_loop3A_147], %parallel_loop3A_150 : memref<50x32x16xf32, #tpu.memory_space<vmem>>[vector<16xi32>, vector<16xi32>, vector<16xi32>], vector<16xf32>,
      tpu.vector_store_idx %arg8[%parallel_loop3A_93, %add3A_24, %parallel_loop3A_147], %parallel_loop3A_153 : memref<50x32x16xf32, #tpu.memory_space<vmem>>[vector<16xi32>, vector<16xi32>, vector<16xi32>], vector<16xf32>,
      %parallel_loop3A_154 = arith.constant 300 : i32
      %parallel_loop3A_155 = arith.addi %parallel_loop3A_154, %parallel_loop3A_92 : i32
      %parallel_loop3A_156 = arith.constant 6 : i32
      %parallel_loop3A_157 = vector.broadcast %parallel_loop3A_156 : i32 to vector<16xi32>
      %parallel_loop3A_158 = arith.index_cast %parallel_loop3A_155 : i32 to index
      %parallel_loop3A_159 = arith.constant 0 : index
      %parallel_loop3A_160 = tpu.vector_load %arg6[%parallel_loop3A_158, %parallel_loop3A_159] {strides = array<i32>} : memref<800x32xf32, #tpu.memory_space<vmem>>, vector<16xf32>,
      %parallel_loop3A_161 = arith.index_cast %parallel_loop3A_155 : i32 to index
      %parallel_loop3A_162 = arith.constant 16 : index
      %parallel_loop3A_163 = tpu.vector_load %arg6[%parallel_loop3A_161, %parallel_loop3A_162] {strides = array<i32>} : memref<800x32xf32, #tpu.memory_space<vmem>>, vector<16xf32>,
      tpu.vector_store_idx %arg8[%parallel_loop3A_93, %iota3A, %parallel_loop3A_157], %parallel_loop3A_160 : memref<50x32x16xf32, #tpu.memory_space<vmem>>[vector<16xi32>, vector<16xi32>, vector<16xi32>], vector<16xf32>,
      tpu.vector_store_idx %arg8[%parallel_loop3A_93, %add3A_24, %parallel_loop3A_157], %parallel_loop3A_163 : memref<50x32x16xf32, #tpu.memory_space<vmem>>[vector<16xi32>, vector<16xi32>, vector<16xi32>], vector<16xf32>,
      %parallel_loop3A_164 = arith.constant 350 : i32
      %parallel_loop3A_165 = arith.addi %parallel_loop3A_164, %parallel_loop3A_92 : i32
      %parallel_loop3A_166 = arith.constant 7 : i32
      %parallel_loop3A_167 = vector.broadcast %parallel_loop3A_166 : i32 to vector<16xi32>
      %parallel_loop3A_168 = arith.index_cast %parallel_loop3A_165 : i32 to index
      %parallel_loop3A_169 = arith.constant 0 : index
      %parallel_loop3A_170 = tpu.vector_load %arg6[%parallel_loop3A_168, %parallel_loop3A_169] {strides = array<i32>} : memref<800x32xf32, #tpu.memory_space<vmem>>, vector<16xf32>,
      %parallel_loop3A_171 = arith.index_cast %parallel_loop3A_165 : i32 to index
      %parallel_loop3A_172 = arith.constant 16 : index
      %parallel_loop3A_173 = tpu.vector_load %arg6[%parallel_loop3A_171, %parallel_loop3A_172] {strides = array<i32>} : memref<800x32xf32, #tpu.memory_space<vmem>>, vector<16xf32>,
      tpu.vector_store_idx %arg8[%parallel_loop3A_93, %iota3A, %parallel_loop3A_167], %parallel_loop3A_170 : memref<50x32x16xf32, #tpu.memory_space<vmem>>[vector<16xi32>, vector<16xi32>, vector<16xi32>], vector<16xf32>,
      tpu.vector_store_idx %arg8[%parallel_loop3A_93, %add3A_24, %parallel_loop3A_167], %parallel_loop3A_173 : memref<50x32x16xf32, #tpu.memory_space<vmem>>[vector<16xi32>, vector<16xi32>, vector<16xi32>], vector<16xf32>,
      %parallel_loop3A_174 = arith.constant 400 : i32
      %parallel_loop3A_175 = arith.addi %parallel_loop3A_174, %parallel_loop3A_92 : i32
      %parallel_loop3A_176 = arith.constant 8 : i32
      %parallel_loop3A_177 = vector.broadcast %parallel_loop3A_176 : i32 to vector<16xi32>
      %parallel_loop3A_178 = arith.index_cast %parallel_loop3A_175 : i32 to index
      %parallel_loop3A_179 = arith.constant 0 : index
      %parallel_loop3A_180 = tpu.vector_load %arg6[%parallel_loop3A_178, %parallel_loop3A_179] {strides = array<i32>} : memref<800x32xf32, #tpu.memory_space<vmem>>, vector<16xf32>,
      %parallel_loop3A_181 = arith.index_cast %parallel_loop3A_175 : i32 to index
      %parallel_loop3A_182 = arith.constant 16 : index
      %parallel_loop3A_183 = tpu.vector_load %arg6[%parallel_loop3A_181, %parallel_loop3A_182] {strides = array<i32>} : memref<800x32xf32, #tpu.memory_space<vmem>>, vector<16xf32>,
      tpu.vector_store_idx %arg8[%parallel_loop3A_93, %iota3A, %parallel_loop3A_177], %parallel_loop3A_180 : memref<50x32x16xf32, #tpu.memory_space<vmem>>[vector<16xi32>, vector<16xi32>, vector<16xi32>], vector<16xf32>,
      tpu.vector_store_idx %arg8[%parallel_loop3A_93, %add3A_24, %parallel_loop3A_177], %parallel_loop3A_183 : memref<50x32x16xf32, #tpu.memory_space<vmem>>[vector<16xi32>, vector<16xi32>, vector<16xi32>], vector<16xf32>,
      %parallel_loop3A_184 = arith.constant 450 : i32
      %parallel_loop3A_185 = arith.addi %parallel_loop3A_184, %parallel_loop3A_92 : i32
      %parallel_loop3A_186 = arith.constant 9 : i32
      %parallel_loop3A_187 = vector.broadcast %parallel_loop3A_186 : i32 to vector<16xi32>
      %parallel_loop3A_188 = arith.index_cast %parallel_loop3A_185 : i32 to index
      %parallel_loop3A_189 = arith.constant 0 : index
      %parallel_loop3A_190 = tpu.vector_load %arg6[%parallel_loop3A_188, %parallel_loop3A_189] {strides = array<i32>} : memref<800x32xf32, #tpu.memory_space<vmem>>, vector<16xf32>,
      %parallel_loop3A_191 = arith.index_cast %parallel_loop3A_185 : i32 to index
      %parallel_loop3A_192 = arith.constant 16 : index
      %parallel_loop3A_193 = tpu.vector_load %arg6[%parallel_loop3A_191, %parallel_loop3A_192] {strides = array<i32>} : memref<800x32xf32, #tpu.memory_space<vmem>>, vector<16xf32>,
      tpu.vector_store_idx %arg8[%parallel_loop3A_93, %iota3A, %parallel_loop3A_187], %parallel_loop3A_190 : memref<50x32x16xf32, #tpu.memory_space<vmem>>[vector<16xi32>, vector<16xi32>, vector<16xi32>], vector<16xf32>,
      tpu.vector_store_idx %arg8[%parallel_loop3A_93, %add3A_24, %parallel_loop3A_187], %parallel_loop3A_193 : memref<50x32x16xf32, #tpu.memory_space<vmem>>[vector<16xi32>, vector<16xi32>, vector<16xi32>], vector<16xf32>,
      %parallel_loop3A_194 = arith.constant 500 : i32
      %parallel_loop3A_195 = arith.addi %parallel_loop3A_194, %parallel_loop3A_92 : i32
      %parallel_loop3A_196 = arith.constant 10 : i32
      %parallel_loop3A_197 = vector.broadcast %parallel_loop3A_196 : i32 to vector<16xi32>
      %parallel_loop3A_198 = arith.index_cast %parallel_loop3A_195 : i32 to index
      %parallel_loop3A_199 = arith.constant 0 : index
      %parallel_loop3A_200 = tpu.vector_load %arg6[%parallel_loop3A_198, %parallel_loop3A_199] {strides = array<i32>} : memref<800x32xf32, #tpu.memory_space<vmem>>, vector<16xf32>,
      %parallel_loop3A_201 = arith.index_cast %parallel_loop3A_195 : i32 to index
      %parallel_loop3A_202 = arith.constant 16 : index
      %parallel_loop3A_203 = tpu.vector_load %arg6[%parallel_loop3A_201, %parallel_loop3A_202] {strides = array<i32>} : memref<800x32xf32, #tpu.memory_space<vmem>>, vector<16xf32>,
      tpu.vector_store_idx %arg8[%parallel_loop3A_93, %iota3A, %parallel_loop3A_197], %parallel_loop3A_200 : memref<50x32x16xf32, #tpu.memory_space<vmem>>[vector<16xi32>, vector<16xi32>, vector<16xi32>], vector<16xf32>,
      tpu.vector_store_idx %arg8[%parallel_loop3A_93, %add3A_24, %parallel_loop3A_197], %parallel_loop3A_203 : memref<50x32x16xf32, #tpu.memory_space<vmem>>[vector<16xi32>, vector<16xi32>, vector<16xi32>], vector<16xf32>,
      %parallel_loop3A_204 = arith.constant 550 : i32
      %parallel_loop3A_205 = arith.addi %parallel_loop3A_204, %parallel_loop3A_92 : i32
      %parallel_loop3A_206 = arith.constant 11 : i32
      %parallel_loop3A_207 = vector.broadcast %parallel_loop3A_206 : i32 to vector<16xi32>
      %parallel_loop3A_208 = arith.index_cast %parallel_loop3A_205 : i32 to index
      %parallel_loop3A_209 = arith.constant 0 : index
      %parallel_loop3A_210 = tpu.vector_load %arg6[%parallel_loop3A_208, %parallel_loop3A_209] {strides = array<i32>} : memref<800x32xf32, #tpu.memory_space<vmem>>, vector<16xf32>,
      %parallel_loop3A_211 = arith.index_cast %parallel_loop3A_205 : i32 to index
      %parallel_loop3A_212 = arith.constant 16 : index
      %parallel_loop3A_213 = tpu.vector_load %arg6[%parallel_loop3A_211, %parallel_loop3A_212] {strides = array<i32>} : memref<800x32xf32, #tpu.memory_space<vmem>>, vector<16xf32>,
      tpu.vector_store_idx %arg8[%parallel_loop3A_93, %iota3A, %parallel_loop3A_207], %parallel_loop3A_210 : memref<50x32x16xf32, #tpu.memory_space<vmem>>[vector<16xi32>, vector<16xi32>, vector<16xi32>], vector<16xf32>,
      tpu.vector_store_idx %arg8[%parallel_loop3A_93, %add3A_24, %parallel_loop3A_207], %parallel_loop3A_213 : memref<50x32x16xf32, #tpu.memory_space<vmem>>[vector<16xi32>, vector<16xi32>, vector<16xi32>], vector<16xf32>,
      %parallel_loop3A_214 = arith.constant 600 : i32
      %parallel_loop3A_215 = arith.addi %parallel_loop3A_214, %parallel_loop3A_92 : i32
      %parallel_loop3A_216 = arith.constant 12 : i32
      %parallel_loop3A_217 = vector.broadcast %parallel_loop3A_216 : i32 to vector<16xi32>
      %parallel_loop3A_218 = arith.index_cast %parallel_loop3A_215 : i32 to index
      %parallel_loop3A_219 = arith.constant 0 : index
      %parallel_loop3A_220 = tpu.vector_load %arg6[%parallel_loop3A_218, %parallel_loop3A_219] {strides = array<i32>} : memref<800x32xf32, #tpu.memory_space<vmem>>, vector<16xf32>,
      %parallel_loop3A_221 = arith.index_cast %parallel_loop3A_215 : i32 to index
      %parallel_loop3A_222 = arith.constant 16 : index
      %parallel_loop3A_223 = tpu.vector_load %arg6[%parallel_loop3A_221, %parallel_loop3A_222] {strides = array<i32>} : memref<800x32xf32, #tpu.memory_space<vmem>>, vector<16xf32>,
      tpu.vector_store_idx %arg8[%parallel_loop3A_93, %iota3A, %parallel_loop3A_217], %parallel_loop3A_220 : memref<50x32x16xf32, #tpu.memory_space<vmem>>[vector<16xi32>, vector<16xi32>, vector<16xi32>], vector<16xf32>,
      tpu.vector_store_idx %arg8[%parallel_loop3A_93, %add3A_24, %parallel_loop3A_217], %parallel_loop3A_223 : memref<50x32x16xf32, #tpu.memory_space<vmem>>[vector<16xi32>, vector<16xi32>, vector<16xi32>], vector<16xf32>,
      %parallel_loop3A_224 = arith.constant 650 : i32
      %parallel_loop3A_225 = arith.addi %parallel_loop3A_224, %parallel_loop3A_92 : i32
      %parallel_loop3A_226 = arith.constant 13 : i32
      %parallel_loop3A_227 = vector.broadcast %parallel_loop3A_226 : i32 to vector<16xi32>
      %parallel_loop3A_228 = arith.index_cast %parallel_loop3A_225 : i32 to index
      %parallel_loop3A_229 = arith.constant 0 : index
      %parallel_loop3A_230 = tpu.vector_load %arg6[%parallel_loop3A_228, %parallel_loop3A_229] {strides = array<i32>} : memref<800x32xf32, #tpu.memory_space<vmem>>, vector<16xf32>,
      %parallel_loop3A_231 = arith.index_cast %parallel_loop3A_225 : i32 to index
      %parallel_loop3A_232 = arith.constant 16 : index
      %parallel_loop3A_233 = tpu.vector_load %arg6[%parallel_loop3A_231, %parallel_loop3A_232] {strides = array<i32>} : memref<800x32xf32, #tpu.memory_space<vmem>>, vector<16xf32>,
      tpu.vector_store_idx %arg8[%parallel_loop3A_93, %iota3A, %parallel_loop3A_227], %parallel_loop3A_230 : memref<50x32x16xf32, #tpu.memory_space<vmem>>[vector<16xi32>, vector<16xi32>, vector<16xi32>], vector<16xf32>,
      tpu.vector_store_idx %arg8[%parallel_loop3A_93, %add3A_24, %parallel_loop3A_227], %parallel_loop3A_233 : memref<50x32x16xf32, #tpu.memory_space<vmem>>[vector<16xi32>, vector<16xi32>, vector<16xi32>], vector<16xf32>,
      %parallel_loop3A_234 = arith.constant 700 : i32
      %parallel_loop3A_235 = arith.addi %parallel_loop3A_234, %parallel_loop3A_92 : i32
      %parallel_loop3A_236 = arith.constant 14 : i32
      %parallel_loop3A_237 = vector.broadcast %parallel_loop3A_236 : i32 to vector<16xi32>
      %parallel_loop3A_238 = arith.index_cast %parallel_loop3A_235 : i32 to index
      %parallel_loop3A_239 = arith.constant 0 : index
      %parallel_loop3A_240 = tpu.vector_load %arg6[%parallel_loop3A_238, %parallel_loop3A_239] {strides = array<i32>} : memref<800x32xf32, #tpu.memory_space<vmem>>, vector<16xf32>,
      %parallel_loop3A_241 = arith.index_cast %parallel_loop3A_235 : i32 to index
      %parallel_loop3A_242 = arith.constant 16 : index
      %parallel_loop3A_243 = tpu.vector_load %arg6[%parallel_loop3A_241, %parallel_loop3A_242] {strides = array<i32>} : memref<800x32xf32, #tpu.memory_space<vmem>>, vector<16xf32>,
      tpu.vector_store_idx %arg8[%parallel_loop3A_93, %iota3A, %parallel_loop3A_237], %parallel_loop3A_240 : memref<50x32x16xf32, #tpu.memory_space<vmem>>[vector<16xi32>, vector<16xi32>, vector<16xi32>], vector<16xf32>,
      tpu.vector_store_idx %arg8[%parallel_loop3A_93, %add3A_24, %parallel_loop3A_237], %parallel_loop3A_243 : memref<50x32x16xf32, #tpu.memory_space<vmem>>[vector<16xi32>, vector<16xi32>, vector<16xi32>], vector<16xf32>,
      %parallel_loop3A_244 = arith.constant 750 : i32
      %parallel_loop3A_245 = arith.addi %parallel_loop3A_244, %parallel_loop3A_92 : i32
      %parallel_loop3A_246 = arith.constant 15 : i32
      %parallel_loop3A_247 = vector.broadcast %parallel_loop3A_246 : i32 to vector<16xi32>
      %parallel_loop3A_248 = arith.index_cast %parallel_loop3A_245 : i32 to index
      %parallel_loop3A_249 = arith.constant 0 : index
      %parallel_loop3A_250 = tpu.vector_load %arg6[%parallel_loop3A_248, %parallel_loop3A_249] {strides = array<i32>} : memref<800x32xf32, #tpu.memory_space<vmem>>, vector<16xf32>,
      %parallel_loop3A_251 = arith.index_cast %parallel_loop3A_245 : i32 to index
      %parallel_loop3A_252 = arith.constant 16 : index
      %parallel_loop3A_253 = tpu.vector_load %arg6[%parallel_loop3A_251, %parallel_loop3A_252] {strides = array<i32>} : memref<800x32xf32, #tpu.memory_space<vmem>>, vector<16xf32>,
      tpu.vector_store_idx %arg8[%parallel_loop3A_93, %iota3A, %parallel_loop3A_247], %parallel_loop3A_250 : memref<50x32x16xf32, #tpu.memory_space<vmem>>[vector<16xi32>, vector<16xi32>, vector<16xi32>], vector<16xf32>,
      tpu.vector_store_idx %arg8[%parallel_loop3A_93, %add3A_24, %parallel_loop3A_247], %parallel_loop3A_253 : memref<50x32x16xf32, #tpu.memory_space<vmem>>[vector<16xi32>, vector<16xi32>, vector<16xi32>], vector<16xf32>,
    } {sc.loop_unroll_factor = 2 : i64, sc.parallel_access}
    %add3A_27 = arith.constant 0 : i32
    %add3A_28 = arith.addi %mul3A_2, %add3A_27 : i32
    %dma_start3A_29 = arith.constant 0 : i32
    %dma_start3A_30 = arith.constant 0 : i32
    %dma_start3A_31 = tpu.memref_slice %arg4[%dma_start3A_29, %dma_start3A_30, %add3A_28] : memref<50x32x16384xf32, #tpu.memory_space<hbm>> -> memref<50x32x16xf32, #tpu.memory_space<hbm>>
    %dma_start3A_32 = arith.constant 0 : i32
    %dma_start3A_33 = arith.constant 0 : i32
    %dma_start3A_34 = tpu.memref_slice %arg4[%dma_start3A_32, %dma_start3A_33, %add3A_28] : memref<50x32x16384xf32, #tpu.memory_space<hbm>> -> memref<50x32x16xf32, #tpu.memory_space<hbm>>
    tpu.enqueue_dma source(%arg8 : memref<50x32x16xf32, #tpu.memory_space<vmem>>) target(%dma_start3A_34 : memref<50x32x16xf32, #tpu.memory_space<hbm>>) target_semaphore(%arg12 : memref<!tpu.dma_semaphore, #tpu.memory_space<semaphore_mem>>)
    %dma_start3A_35 = arith.constant 2 : i32
    %dma_start3A_36 = arith.constant 0 : i32
    %dma_start3A_37 = tpu.memref_slice %arg5[%dma_start3A_35, %dma_start3A_36] : memref<32x800xi32, #tpu.memory_space<vmem>> -> memref<1x800xi32, #tpu.memory_space<vmem>>
    %dma_start3A_38 = tpu.memref_squeeze %dma_start3A_37 : memref<1x800xi32, #tpu.memory_space<vmem>> -> memref<800xi32, #tpu.memory_space<vmem>>
    %dma_start3A_39 = arith.constant 0 : i32
    %dma_start3A_40 = arith.constant 0 : i32
    %dma_start3A_41 = tpu.memref_slice %arg3[%dma_start3A_39, %dma_start3A_40] : memref<1000000x32xf32, #tpu.memory_space<hbm>> -> memref<1000000x32xf32, #tpu.memory_space<hbm>>
    tpu.enqueue_indirect_dma source(%dma_start3A_41 : memref<1000000x32xf32, #tpu.memory_space<hbm>>) target(%arg6 : memref<800x32xf32, #tpu.memory_space<vmem>>) offsets(%dma_start3A_38 : memref<800xi32, #tpu.memory_space<vmem>>) semaphore(%arg10 : memref<!tpu.dma_semaphore, #tpu.memory_space<semaphore_mem>>)
    %dma_wait3A_42 = arith.constant 1 : i32
    %dma_wait3A_43 = arith.constant 0 : i32
    %dma_wait3A_44 = tpu.memref_slice %arg5[%dma_wait3A_42, %dma_wait3A_43] : memref<32x800xi32, #tpu.memory_space<vmem>> -> memref<1x800xi32, #tpu.memory_space<vmem>>
    %dma_wait3A_45 = tpu.memref_squeeze %dma_wait3A_44 : memref<1x800xi32, #tpu.memory_space<vmem>> -> memref<800xi32, #tpu.memory_space<vmem>>
    %dma_wait3A_46 = arith.constant 0 : i32
    %dma_wait3A_47 = arith.constant 0 : i32
    %dma_wait3A_48 = tpu.memref_slice %arg3[%dma_wait3A_46, %dma_wait3A_47] : memref<1000000x32xf32, #tpu.memory_space<hbm>> -> memref<1000000x32xf32, #tpu.memory_space<hbm>>
    tpu.wait_indirect_dma semaphore(%arg11 : memref<!tpu.dma_semaphore, #tpu.memory_space<semaphore_mem>>) src(%dma_wait3A_48 : memref<1000000x32xf32, #tpu.memory_space<hbm>>) dst(%arg7 : memref<800x32xf32, #tpu.memory_space<vmem>>)
    %iota3A_49 = tpu.iota {dimensions = array<i32: 0>} : vector<16xi32>
    %add3A_50 = arith.constant 16 : i32
    %add3A_51 = vector.broadcast %add3A_50 : i32 to vector<16xi32>
    %add3A_52 = arith.addi %iota3A_49, %add3A_51 : vector<16xi32>
    %parallel_loop3A_53 = arith.constant 0 : i32
    %parallel_loop3A_54 = arith.constant 50 : i32
    %parallel_loop3A_55 = arith.constant 1 : i32
    scf.for %parallel_loop3A_92 = %parallel_loop3A_53 to %parallel_loop3A_54 step %parallel_loop3A_55  : i32 {
      %parallel_loop3A_93 = vector.broadcast %parallel_loop3A_92 : i32 to vector<16xi32>
      %parallel_loop3A_94 = arith.constant 0 : i32
      %parallel_loop3A_95 = arith.addi %parallel_loop3A_94, %parallel_loop3A_92 : i32
      %parallel_loop3A_96 = arith.constant 0 : i32
      %parallel_loop3A_97 = vector.broadcast %parallel_loop3A_96 : i32 to vector<16xi32>
      %parallel_loop3A_98 = arith.index_cast %parallel_loop3A_95 : i32 to index
      %parallel_loop3A_99 = arith.constant 0 : index
      %parallel_loop3A_100 = tpu.vector_load %arg7[%parallel_loop3A_98, %parallel_loop3A_99] {strides = array<i32>} : memref<800x32xf32, #tpu.memory_space<vmem>>, vector<16xf32>,
      %parallel_loop3A_101 = arith.index_cast %parallel_loop3A_95 : i32 to index
      %parallel_loop3A_102 = arith.constant 16 : index
      %parallel_loop3A_103 = tpu.vector_load %arg7[%parallel_loop3A_101, %parallel_loop3A_102] {strides = array<i32>} : memref<800x32xf32, #tpu.memory_space<vmem>>, vector<16xf32>,
      tpu.vector_store_idx %arg9[%parallel_loop3A_93, %iota3A_49, %parallel_loop3A_97], %parallel_loop3A_100 : memref<50x32x16xf32, #tpu.memory_space<vmem>>[vector<16xi32>, vector<16xi32>, vector<16xi32>], vector<16xf32>,
      tpu.vector_store_idx %arg9[%parallel_loop3A_93, %add3A_52, %parallel_loop3A_97], %parallel_loop3A_103 : memref<50x32x16xf32, #tpu.memory_space<vmem>>[vector<16xi32>, vector<16xi32>, vector<16xi32>], vector<16xf32>,
      %parallel_loop3A_104 = arith.constant 50 : i32
      %parallel_loop3A_105 = arith.addi %parallel_loop3A_104, %parallel_loop3A_92 : i32
      %parallel_loop3A_106 = arith.constant 1 : i32
      %parallel_loop3A_107 = vector.broadcast %parallel_loop3A_106 : i32 to vector<16xi32>
      %parallel_loop3A_108 = arith.index_cast %parallel_loop3A_105 : i32 to index
      %parallel_loop3A_109 = arith.constant 0 : index
      %parallel_loop3A_110 = tpu.vector_load %arg7[%parallel_loop3A_108, %parallel_loop3A_109] {strides = array<i32>} : memref<800x32xf32, #tpu.memory_space<vmem>>, vector<16xf32>,
      %parallel_loop3A_111 = arith.index_cast %parallel_loop3A_105 : i32 to index
      %parallel_loop3A_112 = arith.constant 16 : index
      %parallel_loop3A_113 = tpu.vector_load %arg7[%parallel_loop3A_111, %parallel_loop3A_112] {strides = array<i32>} : memref<800x32xf32, #tpu.memory_space<vmem>>, vector<16xf32>,
      tpu.vector_store_idx %arg9[%parallel_loop3A_93, %iota3A_49, %parallel_loop3A_107], %parallel_loop3A_110 : memref<50x32x16xf32, #tpu.memory_space<vmem>>[vector<16xi32>, vector<16xi32>, vector<16xi32>], vector<16xf32>,
      tpu.vector_store_idx %arg9[%parallel_loop3A_93, %add3A_52, %parallel_loop3A_107], %parallel_loop3A_113 : memref<50x32x16xf32, #tpu.memory_space<vmem>>[vector<16xi32>, vector<16xi32>, vector<16xi32>], vector<16xf32>,
      %parallel_loop3A_114 = arith.constant 100 : i32
      %parallel_loop3A_115 = arith.addi %parallel_loop3A_114, %parallel_loop3A_92 : i32
      %parallel_loop3A_116 = arith.constant 2 : i32
      %parallel_loop3A_117 = vector.broadcast %parallel_loop3A_116 : i32 to vector<16xi32>
      %parallel_loop3A_118 = arith.index_cast %parallel_loop3A_115 : i32 to index
      %parallel_loop3A_119 = arith.constant 0 : index
      %parallel_loop3A_120 = tpu.vector_load %arg7[%parallel_loop3A_118, %parallel_loop3A_119] {strides = array<i32>} : memref<800x32xf32, #tpu.memory_space<vmem>>, vector<16xf32>,
      %parallel_loop3A_121 = arith.index_cast %parallel_loop3A_115 : i32 to index
      %parallel_loop3A_122 = arith.constant 16 : index
      %parallel_loop3A_123 = tpu.vector_load %arg7[%parallel_loop3A_121, %parallel_loop3A_122] {strides = array<i32>} : memref<800x32xf32, #tpu.memory_space<vmem>>, vector<16xf32>,
      tpu.vector_store_idx %arg9[%parallel_loop3A_93, %iota3A_49, %parallel_loop3A_117], %parallel_loop3A_120 : memref<50x32x16xf32, #tpu.memory_space<vmem>>[vector<16xi32>, vector<16xi32>, vector<16xi32>], vector<16xf32>,
      tpu.vector_store_idx %arg9[%parallel_loop3A_93, %add3A_52, %parallel_loop3A_117], %parallel_loop3A_123 : memref<50x32x16xf32, #tpu.memory_space<vmem>>[vector<16xi32>, vector<16xi32>, vector<16xi32>], vector<16xf32>,
      %parallel_loop3A_124 = arith.constant 150 : i32
      %parallel_loop3A_125 = arith.addi %parallel_loop3A_124, %parallel_loop3A_92 : i32
      %parallel_loop3A_126 = arith.constant 3 : i32
      %parallel_loop3A_127 = vector.broadcast %parallel_loop3A_126 : i32 to vector<16xi32>
      %parallel_loop3A_128 = arith.index_cast %parallel_loop3A_125 : i32 to index
      %parallel_loop3A_129 = arith.constant 0 : index
      %parallel_loop3A_130 = tpu.vector_load %arg7[%parallel_loop3A_128, %parallel_loop3A_129] {strides = array<i32>} : memref<800x32xf32, #tpu.memory_space<vmem>>, vector<16xf32>,
      %parallel_loop3A_131 = arith.index_cast %parallel_loop3A_125 : i32 to index
      %parallel_loop3A_132 = arith.constant 16 : index
      %parallel_loop3A_133 = tpu.vector_load %arg7[%parallel_loop3A_131, %parallel_loop3A_132] {strides = array<i32>} : memref<800x32xf32, #tpu.memory_space<vmem>>, vector<16xf32>,
      tpu.vector_store_idx %arg9[%parallel_loop3A_93, %iota3A_49, %parallel_loop3A_127], %parallel_loop3A_130 : memref<50x32x16xf32, #tpu.memory_space<vmem>>[vector<16xi32>, vector<16xi32>, vector<16xi32>], vector<16xf32>,
      tpu.vector_store_idx %arg9[%parallel_loop3A_93, %add3A_52, %parallel_loop3A_127], %parallel_loop3A_133 : memref<50x32x16xf32, #tpu.memory_space<vmem>>[vector<16xi32>, vector<16xi32>, vector<16xi32>], vector<16xf32>,
      %parallel_loop3A_134 = arith.constant 200 : i32
      %parallel_loop3A_135 = arith.addi %parallel_loop3A_134, %parallel_loop3A_92 : i32
      %parallel_loop3A_136 = arith.constant 4 : i32
      %parallel_loop3A_137 = vector.broadcast %parallel_loop3A_136 : i32 to vector<16xi32>
      %parallel_loop3A_138 = arith.index_cast %parallel_loop3A_135 : i32 to index
      %parallel_loop3A_139 = arith.constant 0 : index
      %parallel_loop3A_140 = tpu.vector_load %arg7[%parallel_loop3A_138, %parallel_loop3A_139] {strides = array<i32>} : memref<800x32xf32, #tpu.memory_space<vmem>>, vector<16xf32>,
      %parallel_loop3A_141 = arith.index_cast %parallel_loop3A_135 : i32 to index
      %parallel_loop3A_142 = arith.constant 16 : index
      %parallel_loop3A_143 = tpu.vector_load %arg7[%parallel_loop3A_141, %parallel_loop3A_142] {strides = array<i32>} : memref<800x32xf32, #tpu.memory_space<vmem>>, vector<16xf32>,
      tpu.vector_store_idx %arg9[%parallel_loop3A_93, %iota3A_49, %parallel_loop3A_137], %parallel_loop3A_140 : memref<50x32x16xf32, #tpu.memory_space<vmem>>[vector<16xi32>, vector<16xi32>, vector<16xi32>], vector<16xf32>,
      tpu.vector_store_idx %arg9[%parallel_loop3A_93, %add3A_52, %parallel_loop3A_137], %parallel_loop3A_143 : memref<50x32x16xf32, #tpu.memory_space<vmem>>[vector<16xi32>, vector<16xi32>, vector<16xi32>], vector<16xf32>,
      %parallel_loop3A_144 = arith.constant 250 : i32
      %parallel_loop3A_145 = arith.addi %parallel_loop3A_144, %parallel_loop3A_92 : i32
      %parallel_loop3A_146 = arith.constant 5 : i32
      %parallel_loop3A_147 = vector.broadcast %parallel_loop3A_146 : i32 to vector<16xi32>
      %parallel_loop3A_148 = arith.index_cast %parallel_loop3A_145 : i32 to index
      %parallel_loop3A_149 = arith.constant 0 : index
      %parallel_loop3A_150 = tpu.vector_load %arg7[%parallel_loop3A_148, %parallel_loop3A_149] {strides = array<i32>} : memref<800x32xf32, #tpu.memory_space<vmem>>, vector<16xf32>,
      %parallel_loop3A_151 = arith.index_cast %parallel_loop3A_145 : i32 to index
      %parallel_loop3A_152 = arith.constant 16 : index
      %parallel_loop3A_153 = tpu.vector_load %arg7[%parallel_loop3A_151, %parallel_loop3A_152] {strides = array<i32>} : memref<800x32xf32, #tpu.memory_space<vmem>>, vector<16xf32>,
      tpu.vector_store_idx %arg9[%parallel_loop3A_93, %iota3A_49, %parallel_loop3A_147], %parallel_loop3A_150 : memref<50x32x16xf32, #tpu.memory_space<vmem>>[vector<16xi32>, vector<16xi32>, vector<16xi32>], vector<16xf32>,
      tpu.vector_store_idx %arg9[%parallel_loop3A_93, %add3A_52, %parallel_loop3A_147], %parallel_loop3A_153 : memref<50x32x16xf32, #tpu.memory_space<vmem>>[vector<16xi32>, vector<16xi32>, vector<16xi32>], vector<16xf32>,
      %parallel_loop3A_154 = arith.constant 300 : i32
      %parallel_loop3A_155 = arith.addi %parallel_loop3A_154, %parallel_loop3A_92 : i32
      %parallel_loop3A_156 = arith.constant 6 : i32
      %parallel_loop3A_157 = vector.broadcast %parallel_loop3A_156 : i32 to vector<16xi32>
      %parallel_loop3A_158 = arith.index_cast %parallel_loop3A_155 : i32 to index
      %parallel_loop3A_159 = arith.constant 0 : index
      %parallel_loop3A_160 = tpu.vector_load %arg7[%parallel_loop3A_158, %parallel_loop3A_159] {strides = array<i32>} : memref<800x32xf32, #tpu.memory_space<vmem>>, vector<16xf32>,
      %parallel_loop3A_161 = arith.index_cast %parallel_loop3A_155 : i32 to index
      %parallel_loop3A_162 = arith.constant 16 : index
      %parallel_loop3A_163 = tpu.vector_load %arg7[%parallel_loop3A_161, %parallel_loop3A_162] {strides = array<i32>} : memref<800x32xf32, #tpu.memory_space<vmem>>, vector<16xf32>,
      tpu.vector_store_idx %arg9[%parallel_loop3A_93, %iota3A_49, %parallel_loop3A_157], %parallel_loop3A_160 : memref<50x32x16xf32, #tpu.memory_space<vmem>>[vector<16xi32>, vector<16xi32>, vector<16xi32>], vector<16xf32>,
      tpu.vector_store_idx %arg9[%parallel_loop3A_93, %add3A_52, %parallel_loop3A_157], %parallel_loop3A_163 : memref<50x32x16xf32, #tpu.memory_space<vmem>>[vector<16xi32>, vector<16xi32>, vector<16xi32>], vector<16xf32>,
      %parallel_loop3A_164 = arith.constant 350 : i32
      %parallel_loop3A_165 = arith.addi %parallel_loop3A_164, %parallel_loop3A_92 : i32
      %parallel_loop3A_166 = arith.constant 7 : i32
      %parallel_loop3A_167 = vector.broadcast %parallel_loop3A_166 : i32 to vector<16xi32>
      %parallel_loop3A_168 = arith.index_cast %parallel_loop3A_165 : i32 to index
      %parallel_loop3A_169 = arith.constant 0 : index
      %parallel_loop3A_170 = tpu.vector_load %arg7[%parallel_loop3A_168, %parallel_loop3A_169] {strides = array<i32>} : memref<800x32xf32, #tpu.memory_space<vmem>>, vector<16xf32>,
      %parallel_loop3A_171 = arith.index_cast %parallel_loop3A_165 : i32 to index
      %parallel_loop3A_172 = arith.constant 16 : index
      %parallel_loop3A_173 = tpu.vector_load %arg7[%parallel_loop3A_171, %parallel_loop3A_172] {strides = array<i32>} : memref<800x32xf32, #tpu.memory_space<vmem>>, vector<16xf32>,
      tpu.vector_store_idx %arg9[%parallel_loop3A_93, %iota3A_49, %parallel_loop3A_167], %parallel_loop3A_170 : memref<50x32x16xf32, #tpu.memory_space<vmem>>[vector<16xi32>, vector<16xi32>, vector<16xi32>], vector<16xf32>,
      tpu.vector_store_idx %arg9[%parallel_loop3A_93, %add3A_52, %parallel_loop3A_167], %parallel_loop3A_173 : memref<50x32x16xf32, #tpu.memory_space<vmem>>[vector<16xi32>, vector<16xi32>, vector<16xi32>], vector<16xf32>,
      %parallel_loop3A_174 = arith.constant 400 : i32
      %parallel_loop3A_175 = arith.addi %parallel_loop3A_174, %parallel_loop3A_92 : i32
      %parallel_loop3A_176 = arith.constant 8 : i32
      %parallel_loop3A_177 = vector.broadcast %parallel_loop3A_176 : i32 to vector<16xi32>
      %parallel_loop3A_178 = arith.index_cast %parallel_loop3A_175 : i32 to index
      %parallel_loop3A_179 = arith.constant 0 : index
      %parallel_loop3A_180 = tpu.vector_load %arg7[%parallel_loop3A_178, %parallel_loop3A_179] {strides = array<i32>} : memref<800x32xf32, #tpu.memory_space<vmem>>, vector<16xf32>,
      %parallel_loop3A_181 = arith.index_cast %parallel_loop3A_175 : i32 to index
      %parallel_loop3A_182 = arith.constant 16 : index
      %parallel_loop3A_183 = tpu.vector_load %arg7[%parallel_loop3A_181, %parallel_loop3A_182] {strides = array<i32>} : memref<800x32xf32, #tpu.memory_space<vmem>>, vector<16xf32>,
      tpu.vector_store_idx %arg9[%parallel_loop3A_93, %iota3A_49, %parallel_loop3A_177], %parallel_loop3A_180 : memref<50x32x16xf32, #tpu.memory_space<vmem>>[vector<16xi32>, vector<16xi32>, vector<16xi32>], vector<16xf32>,
      tpu.vector_store_idx %arg9[%parallel_loop3A_93, %add3A_52, %parallel_loop3A_177], %parallel_loop3A_183 : memref<50x32x16xf32, #tpu.memory_space<vmem>>[vector<16xi32>, vector<16xi32>, vector<16xi32>], vector<16xf32>,
      %parallel_loop3A_184 = arith.constant 450 : i32
      %parallel_loop3A_185 = arith.addi %parallel_loop3A_184, %parallel_loop3A_92 : i32
      %parallel_loop3A_186 = arith.constant 9 : i32
      %parallel_loop3A_187 = vector.broadcast %parallel_loop3A_186 : i32 to vector<16xi32>
      %parallel_loop3A_188 = arith.index_cast %parallel_loop3A_185 : i32 to index
      %parallel_loop3A_189 = arith.constant 0 : index
      %parallel_loop3A_190 = tpu.vector_load %arg7[%parallel_loop3A_188, %parallel_loop3A_189] {strides = array<i32>} : memref<800x32xf32, #tpu.memory_space<vmem>>, vector<16xf32>,
      %parallel_loop3A_191 = arith.index_cast %parallel_loop3A_185 : i32 to index
      %parallel_loop3A_192 = arith.constant 16 : index
      %parallel_loop3A_193 = tpu.vector_load %arg7[%parallel_loop3A_191, %parallel_loop3A_192] {strides = array<i32>} : memref<800x32xf32, #tpu.memory_space<vmem>>, vector<16xf32>,
      tpu.vector_store_idx %arg9[%parallel_loop3A_93, %iota3A_49, %parallel_loop3A_187], %parallel_loop3A_190 : memref<50x32x16xf32, #tpu.memory_space<vmem>>[vector<16xi32>, vector<16xi32>, vector<16xi32>], vector<16xf32>,
      tpu.vector_store_idx %arg9[%parallel_loop3A_93, %add3A_52, %parallel_loop3A_187], %parallel_loop3A_193 : memref<50x32x16xf32, #tpu.memory_space<vmem>>[vector<16xi32>, vector<16xi32>, vector<16xi32>], vector<16xf32>,
      %parallel_loop3A_194 = arith.constant 500 : i32
      %parallel_loop3A_195 = arith.addi %parallel_loop3A_194, %parallel_loop3A_92 : i32
      %parallel_loop3A_196 = arith.constant 10 : i32
      %parallel_loop3A_197 = vector.broadcast %parallel_loop3A_196 : i32 to vector<16xi32>
      %parallel_loop3A_198 = arith.index_cast %parallel_loop3A_195 : i32 to index
      %parallel_loop3A_199 = arith.constant 0 : index
      %parallel_loop3A_200 = tpu.vector_load %arg7[%parallel_loop3A_198, %parallel_loop3A_199] {strides = array<i32>} : memref<800x32xf32, #tpu.memory_space<vmem>>, vector<16xf32>,
      %parallel_loop3A_201 = arith.index_cast %parallel_loop3A_195 : i32 to index
      %parallel_loop3A_202 = arith.constant 16 : index
      %parallel_loop3A_203 = tpu.vector_load %arg7[%parallel_loop3A_201, %parallel_loop3A_202] {strides = array<i32>} : memref<800x32xf32, #tpu.memory_space<vmem>>, vector<16xf32>,
      tpu.vector_store_idx %arg9[%parallel_loop3A_93, %iota3A_49, %parallel_loop3A_197], %parallel_loop3A_200 : memref<50x32x16xf32, #tpu.memory_space<vmem>>[vector<16xi32>, vector<16xi32>, vector<16xi32>], vector<16xf32>,
      tpu.vector_store_idx %arg9[%parallel_loop3A_93, %add3A_52, %parallel_loop3A_197], %parallel_loop3A_203 : memref<50x32x16xf32, #tpu.memory_space<vmem>>[vector<16xi32>, vector<16xi32>, vector<16xi32>], vector<16xf32>,
      %parallel_loop3A_204 = arith.constant 550 : i32
      %parallel_loop3A_205 = arith.addi %parallel_loop3A_204, %parallel_loop3A_92 : i32
      %parallel_loop3A_206 = arith.constant 11 : i32
      %parallel_loop3A_207 = vector.broadcast %parallel_loop3A_206 : i32 to vector<16xi32>
      %parallel_loop3A_208 = arith.index_cast %parallel_loop3A_205 : i32 to index
      %parallel_loop3A_209 = arith.constant 0 : index
      %parallel_loop3A_210 = tpu.vector_load %arg7[%parallel_loop3A_208, %parallel_loop3A_209] {strides = array<i32>} : memref<800x32xf32, #tpu.memory_space<vmem>>, vector<16xf32>,
      %parallel_loop3A_211 = arith.index_cast %parallel_loop3A_205 : i32 to index
      %parallel_loop3A_212 = arith.constant 16 : index
      %parallel_loop3A_213 = tpu.vector_load %arg7[%parallel_loop3A_211, %parallel_loop3A_212] {strides = array<i32>} : memref<800x32xf32, #tpu.memory_space<vmem>>, vector<16xf32>,
      tpu.vector_store_idx %arg9[%parallel_loop3A_93, %iota3A_49, %parallel_loop3A_207], %parallel_loop3A_210 : memref<50x32x16xf32, #tpu.memory_space<vmem>>[vector<16xi32>, vector<16xi32>, vector<16xi32>], vector<16xf32>,
      tpu.vector_store_idx %arg9[%parallel_loop3A_93, %add3A_52, %parallel_loop3A_207], %parallel_loop3A_213 : memref<50x32x16xf32, #tpu.memory_space<vmem>>[vector<16xi32>, vector<16xi32>, vector<16xi32>], vector<16xf32>,
      %parallel_loop3A_214 = arith.constant 600 : i32
      %parallel_loop3A_215 = arith.addi %parallel_loop3A_214, %parallel_loop3A_92 : i32
      %parallel_loop3A_216 = arith.constant 12 : i32
      %parallel_loop3A_217 = vector.broadcast %parallel_loop3A_216 : i32 to vector<16xi32>
      %parallel_loop3A_218 = arith.index_cast %parallel_loop3A_215 : i32 to index
      %parallel_loop3A_219 = arith.constant 0 : index
      %parallel_loop3A_220 = tpu.vector_load %arg7[%parallel_loop3A_218, %parallel_loop3A_219] {strides = array<i32>} : memref<800x32xf32, #tpu.memory_space<vmem>>, vector<16xf32>,
      %parallel_loop3A_221 = arith.index_cast %parallel_loop3A_215 : i32 to index
      %parallel_loop3A_222 = arith.constant 16 : index
      %parallel_loop3A_223 = tpu.vector_load %arg7[%parallel_loop3A_221, %parallel_loop3A_222] {strides = array<i32>} : memref<800x32xf32, #tpu.memory_space<vmem>>, vector<16xf32>,
      tpu.vector_store_idx %arg9[%parallel_loop3A_93, %iota3A_49, %parallel_loop3A_217], %parallel_loop3A_220 : memref<50x32x16xf32, #tpu.memory_space<vmem>>[vector<16xi32>, vector<16xi32>, vector<16xi32>], vector<16xf32>,
      tpu.vector_store_idx %arg9[%parallel_loop3A_93, %add3A_52, %parallel_loop3A_217], %parallel_loop3A_223 : memref<50x32x16xf32, #tpu.memory_space<vmem>>[vector<16xi32>, vector<16xi32>, vector<16xi32>], vector<16xf32>,
      %parallel_loop3A_224 = arith.constant 650 : i32
      %parallel_loop3A_225 = arith.addi %parallel_loop3A_224, %parallel_loop3A_92 : i32
      %parallel_loop3A_226 = arith.constant 13 : i32
      %parallel_loop3A_227 = vector.broadcast %parallel_loop3A_226 : i32 to vector<16xi32>
      %parallel_loop3A_228 = arith.index_cast %parallel_loop3A_225 : i32 to index
      %parallel_loop3A_229 = arith.constant 0 : index
      %parallel_loop3A_230 = tpu.vector_load %arg7[%parallel_loop3A_228, %parallel_loop3A_229] {strides = array<i32>} : memref<800x32xf32, #tpu.memory_space<vmem>>, vector<16xf32>,
      %parallel_loop3A_231 = arith.index_cast %parallel_loop3A_225 : i32 to index
      %parallel_loop3A_232 = arith.constant 16 : index
      %parallel_loop3A_233 = tpu.vector_load %arg7[%parallel_loop3A_231, %parallel_loop3A_232] {strides = array<i32>} : memref<800x32xf32, #tpu.memory_space<vmem>>, vector<16xf32>,
      tpu.vector_store_idx %arg9[%parallel_loop3A_93, %iota3A_49, %parallel_loop3A_227], %parallel_loop3A_230 : memref<50x32x16xf32, #tpu.memory_space<vmem>>[vector<16xi32>, vector<16xi32>, vector<16xi32>], vector<16xf32>,
      tpu.vector_store_idx %arg9[%parallel_loop3A_93, %add3A_52, %parallel_loop3A_227], %parallel_loop3A_233 : memref<50x32x16xf32, #tpu.memory_space<vmem>>[vector<16xi32>, vector<16xi32>, vector<16xi32>], vector<16xf32>,
      %parallel_loop3A_234 = arith.constant 700 : i32
      %parallel_loop3A_235 = arith.addi %parallel_loop3A_234, %parallel_loop3A_92 : i32
      %parallel_loop3A_236 = arith.constant 14 : i32
      %parallel_loop3A_237 = vector.broadcast %parallel_loop3A_236 : i32 to vector<16xi32>
      %parallel_loop3A_238 = arith.index_cast %parallel_loop3A_235 : i32 to index
      %parallel_loop3A_239 = arith.constant 0 : index
      %parallel_loop3A_240 = tpu.vector_load %arg7[%parallel_loop3A_238, %parallel_loop3A_239] {strides = array<i32>} : memref<800x32xf32, #tpu.memory_space<vmem>>, vector<16xf32>,
      %parallel_loop3A_241 = arith.index_cast %parallel_loop3A_235 : i32 to index
      %parallel_loop3A_242 = arith.constant 16 : index
      %parallel_loop3A_243 = tpu.vector_load %arg7[%parallel_loop3A_241, %parallel_loop3A_242] {strides = array<i32>} : memref<800x32xf32, #tpu.memory_space<vmem>>, vector<16xf32>,
      tpu.vector_store_idx %arg9[%parallel_loop3A_93, %iota3A_49, %parallel_loop3A_237], %parallel_loop3A_240 : memref<50x32x16xf32, #tpu.memory_space<vmem>>[vector<16xi32>, vector<16xi32>, vector<16xi32>], vector<16xf32>,
      tpu.vector_store_idx %arg9[%parallel_loop3A_93, %add3A_52, %parallel_loop3A_237], %parallel_loop3A_243 : memref<50x32x16xf32, #tpu.memory_space<vmem>>[vector<16xi32>, vector<16xi32>, vector<16xi32>], vector<16xf32>,
      %parallel_loop3A_244 = arith.constant 750 : i32
      %parallel_loop3A_245 = arith.addi %parallel_loop3A_244, %parallel_loop3A_92 : i32
      %parallel_loop3A_246 = arith.constant 15 : i32
      %parallel_loop3A_247 = vector.broadcast %parallel_loop3A_246 : i32 to vector<16xi32>
      %parallel_loop3A_248 = arith.index_cast %parallel_loop3A_245 : i32 to index
      %parallel_loop3A_249 = arith.constant 0 : index
      %parallel_loop3A_250 = tpu.vector_load %arg7[%parallel_loop3A_248, %parallel_loop3A_249] {strides = array<i32>} : memref<800x32xf32, #tpu.memory_space<vmem>>, vector<16xf32>,
      %parallel_loop3A_251 = arith.index_cast %parallel_loop3A_245 : i32 to index
      %parallel_loop3A_252 = arith.constant 16 : index
      %parallel_loop3A_253 = tpu.vector_load %arg7[%parallel_loop3A_251, %parallel_loop3A_252] {strides = array<i32>} : memref<800x32xf32, #tpu.memory_space<vmem>>, vector<16xf32>,
      tpu.vector_store_idx %arg9[%parallel_loop3A_93, %iota3A_49, %parallel_loop3A_247], %parallel_loop3A_250 : memref<50x32x16xf32, #tpu.memory_space<vmem>>[vector<16xi32>, vector<16xi32>, vector<16xi32>], vector<16xf32>,
      tpu.vector_store_idx %arg9[%parallel_loop3A_93, %add3A_52, %parallel_loop3A_247], %parallel_loop3A_253 : memref<50x32x16xf32, #tpu.memory_space<vmem>>[vector<16xi32>, vector<16xi32>, vector<16xi32>], vector<16xf32>,
    } {sc.loop_unroll_factor = 2 : i64, sc.parallel_access}
    %add3A_56 = arith.constant 16 : i32
    %add3A_57 = arith.addi %mul3A_2, %add3A_56 : i32
    %dma_start3A_58 = arith.constant 0 : i32
    %dma_start3A_59 = arith.constant 0 : i32
    %dma_start3A_60 = tpu.memref_slice %arg4[%dma_start3A_58, %dma_start3A_59, %add3A_57] : memref<50x32x16384xf32, #tpu.memory_space<hbm>> -> memref<50x32x16xf32, #tpu.memory_space<hbm>>
    %dma_start3A_61 = arith.constant 0 : i32
    %dma_start3A_62 = arith.constant 0 : i32
    %dma_start3A_63 = tpu.memref_slice %arg4[%dma_start3A_61, %dma_start3A_62, %add3A_57] : memref<50x32x16384xf32, #tpu.memory_space<hbm>> -> memref<50x32x16xf32, #tpu.memory_space<hbm>>
    tpu.enqueue_dma source(%arg9 : memref<50x32x16xf32, #tpu.memory_space<vmem>>) target(%dma_start3A_63 : memref<50x32x16xf32, #tpu.memory_space<hbm>>) target_semaphore(%arg13 : memref<!tpu.dma_semaphore, #tpu.memory_space<semaphore_mem>>)
    %dma_start3A_64 = arith.constant 3 : i32
    %dma_start3A_65 = arith.constant 0 : i32
    %dma_start3A_66 = tpu.memref_slice %arg5[%dma_start3A_64, %dma_start3A_65] : memref<32x800xi32, #tpu.memory_space<vmem>> -> memref<1x800xi32, #tpu.memory_space<vmem>>
    %dma_start3A_67 = tpu.memref_squeeze %dma_start3A_66 : memref<1x800xi32, #tpu.memory_space<vmem>> -> memref<800xi32, #tpu.memory_space<vmem>>
    %dma_start3A_68 = arith.constant 0 : i32
    %dma_start3A_69 = arith.constant 0 : i32
    %dma_start3A_70 = tpu.memref_slice %arg3[%dma_start3A_68, %dma_start3A_69] : memref<1000000x32xf32, #tpu.memory_space<hbm>> -> memref<1000000x32xf32, #tpu.memory_space<hbm>>
    tpu.enqueue_indirect_dma source(%dma_start3A_70 : memref<1000000x32xf32, #tpu.memory_space<hbm>>) target(%arg7 : memref<800x32xf32, #tpu.memory_space<vmem>>) offsets(%dma_start3A_67 : memref<800xi32, #tpu.memory_space<vmem>>) semaphore(%arg11 : memref<!tpu.dma_semaphore, #tpu.memory_space<semaphore_mem>>)
    %scan3A = arith.constant 0 : i32
    %scan3A_71 = arith.constant 1 : i32
    %scan3A_72 = arith.constant 15 : i32
    %scan3A_73 = arith.addi %scan3A_71, %scan3A_72 : i32
    %scan3A_74 = arith.constant 1 : i32
    scf.for %scan3A_92 = %scan3A_71 to %scan3A_73 step %scan3A_74  : i32 {
      %mul3A_93 = arith.constant 2 : i32
      %mul3A_94 = arith.muli %scan3A_92, %mul3A_93 : i32
      %dma_wait3A_95 = arith.constant 0 : i32
      %dma_wait3A_96 = tpu.memref_slice %arg5[%mul3A_94, %dma_wait3A_95] : memref<32x800xi32, #tpu.memory_space<vmem>> -> memref<1x800xi32, #tpu.memory_space<vmem>>
      %dma_wait3A_97 = tpu.memref_squeeze %dma_wait3A_96 : memref<1x800xi32, #tpu.memory_space<vmem>> -> memref<800xi32, #tpu.memory_space<vmem>>
      %dma_wait3A_98 = arith.constant 0 : i32
      %dma_wait3A_99 = arith.constant 0 : i32
      %dma_wait3A_100 = tpu.memref_slice %arg3[%dma_wait3A_98, %dma_wait3A_99] : memref<1000000x32xf32, #tpu.memory_space<hbm>> -> memref<1000000x32xf32, #tpu.memory_space<hbm>>
      tpu.wait_indirect_dma semaphore(%arg10 : memref<!tpu.dma_semaphore, #tpu.memory_space<semaphore_mem>>) src(%dma_wait3A_100 : memref<1000000x32xf32, #tpu.memory_space<hbm>>) dst(%arg6 : memref<800x32xf32, #tpu.memory_space<vmem>>)
      %sub3A = arith.constant 2 : i32
      %sub3A_101 = arith.subi %mul3A_94, %sub3A : i32
      %mul3A_102 = arith.constant 16 : i32
      %mul3A_103 = arith.muli %sub3A_101, %mul3A_102 : i32
      %add3A_104 = arith.addi %mul3A_2, %mul3A_103 : i32
      %dma_wait3A_105 = arith.constant 0 : i32
      %dma_wait3A_106 = arith.constant 0 : i32
      %dma_wait3A_107 = tpu.memref_slice %arg4[%dma_wait3A_105, %dma_wait3A_106, %add3A_104] : memref<50x32x16384xf32, #tpu.memory_space<hbm>> -> memref<50x32x16xf32, #tpu.memory_space<hbm>>
      %dma_wait3A_108 = arith.constant 0 : i32
      %dma_wait3A_109 = arith.constant 0 : i32
      %dma_wait3A_110 = tpu.memref_slice %arg4[%dma_wait3A_108, %dma_wait3A_109, %add3A_104] : memref<50x32x16384xf32, #tpu.memory_space<hbm>> -> memref<50x32x16xf32, #tpu.memory_space<hbm>>
      tpu.wait_dma2 semaphore(%arg12 : memref<!tpu.dma_semaphore, #tpu.memory_space<semaphore_mem>>) src(%arg8 : memref<50x32x16xf32, #tpu.memory_space<vmem>>) dst(%dma_wait3A_110 : memref<50x32x16xf32, #tpu.memory_space<hbm>>)
      %iota3A_111 = tpu.iota {dimensions = array<i32: 0>} : vector<16xi32>
      %add3A_112 = arith.constant 16 : i32
      %add3A_113 = vector.broadcast %add3A_112 : i32 to vector<16xi32>
      %add3A_114 = arith.addi %iota3A_111, %add3A_113 : vector<16xi32>
      %parallel_loop3A_115 = arith.constant 0 : i32
      %parallel_loop3A_116 = arith.constant 50 : i32
      %parallel_loop3A_117 = arith.constant 1 : i32
      scf.for %parallel_loop3A_173 = %parallel_loop3A_115 to %parallel_loop3A_116 step %parallel_loop3A_117  : i32 {
        %parallel_loop3A_174 = vector.broadcast %parallel_loop3A_173 : i32 to vector<16xi32>
        %parallel_loop3A_175 = arith.constant 0 : i32
        %parallel_loop3A_176 = arith.addi %parallel_loop3A_175, %parallel_loop3A_173 : i32
        %parallel_loop3A_177 = arith.constant 0 : i32
        %parallel_loop3A_178 = vector.broadcast %parallel_loop3A_177 : i32 to vector<16xi32>
        %parallel_loop3A_179 = arith.index_cast %parallel_loop3A_176 : i32 to index
        %parallel_loop3A_180 = arith.constant 0 : index
        %parallel_loop3A_181 = tpu.vector_load %arg6[%parallel_loop3A_179, %parallel_loop3A_180] {strides = array<i32>} : memref<800x32xf32, #tpu.memory_space<vmem>>, vector<16xf32>,
        %parallel_loop3A_182 = arith.index_cast %parallel_loop3A_176 : i32 to index
        %parallel_loop3A_183 = arith.constant 16 : index
        %parallel_loop3A_184 = tpu.vector_load %arg6[%parallel_loop3A_182, %parallel_loop3A_183] {strides = array<i32>} : memref<800x32xf32, #tpu.memory_space<vmem>>, vector<16xf32>,
        tpu.vector_store_idx %arg8[%parallel_loop3A_174, %iota3A_111, %parallel_loop3A_178], %parallel_loop3A_181 : memref<50x32x16xf32, #tpu.memory_space<vmem>>[vector<16xi32>, vector<16xi32>, vector<16xi32>], vector<16xf32>,
        tpu.vector_store_idx %arg8[%parallel_loop3A_174, %add3A_114, %parallel_loop3A_178], %parallel_loop3A_184 : memref<50x32x16xf32, #tpu.memory_space<vmem>>[vector<16xi32>, vector<16xi32>, vector<16xi32>], vector<16xf32>,
        %parallel_loop3A_185 = arith.constant 50 : i32
        %parallel_loop3A_186 = arith.addi %parallel_loop3A_185, %parallel_loop3A_173 : i32
        %parallel_loop3A_187 = arith.constant 1 : i32
        %parallel_loop3A_188 = vector.broadcast %parallel_loop3A_187 : i32 to vector<16xi32>
        %parallel_loop3A_189 = arith.index_cast %parallel_loop3A_186 : i32 to index
        %parallel_loop3A_190 = arith.constant 0 : index
        %parallel_loop3A_191 = tpu.vector_load %arg6[%parallel_loop3A_189, %parallel_loop3A_190] {strides = array<i32>} : memref<800x32xf32, #tpu.memory_space<vmem>>, vector<16xf32>,
        %parallel_loop3A_192 = arith.index_cast %parallel_loop3A_186 : i32 to index
        %parallel_loop3A_193 = arith.constant 16 : index
        %parallel_loop3A_194 = tpu.vector_load %arg6[%parallel_loop3A_192, %parallel_loop3A_193] {strides = array<i32>} : memref<800x32xf32, #tpu.memory_space<vmem>>, vector<16xf32>,
        tpu.vector_store_idx %arg8[%parallel_loop3A_174, %iota3A_111, %parallel_loop3A_188], %parallel_loop3A_191 : memref<50x32x16xf32, #tpu.memory_space<vmem>>[vector<16xi32>, vector<16xi32>, vector<16xi32>], vector<16xf32>,
        tpu.vector_store_idx %arg8[%parallel_loop3A_174, %add3A_114, %parallel_loop3A_188], %parallel_loop3A_194 : memref<50x32x16xf32, #tpu.memory_space<vmem>>[vector<16xi32>, vector<16xi32>, vector<16xi32>], vector<16xf32>,
        %parallel_loop3A_195 = arith.constant 100 : i32
        %parallel_loop3A_196 = arith.addi %parallel_loop3A_195, %parallel_loop3A_173 : i32
        %parallel_loop3A_197 = arith.constant 2 : i32
        %parallel_loop3A_198 = vector.broadcast %parallel_loop3A_197 : i32 to vector<16xi32>
        %parallel_loop3A_199 = arith.index_cast %parallel_loop3A_196 : i32 to index
        %parallel_loop3A_200 = arith.constant 0 : index
        %parallel_loop3A_201 = tpu.vector_load %arg6[%parallel_loop3A_199, %parallel_loop3A_200] {strides = array<i32>} : memref<800x32xf32, #tpu.memory_space<vmem>>, vector<16xf32>,
        %parallel_loop3A_202 = arith.index_cast %parallel_loop3A_196 : i32 to index
        %parallel_loop3A_203 = arith.constant 16 : index
        %parallel_loop3A_204 = tpu.vector_load %arg6[%parallel_loop3A_202, %parallel_loop3A_203] {strides = array<i32>} : memref<800x32xf32, #tpu.memory_space<vmem>>, vector<16xf32>,
        tpu.vector_store_idx %arg8[%parallel_loop3A_174, %iota3A_111, %parallel_loop3A_198], %parallel_loop3A_201 : memref<50x32x16xf32, #tpu.memory_space<vmem>>[vector<16xi32>, vector<16xi32>, vector<16xi32>], vector<16xf32>,
        tpu.vector_store_idx %arg8[%parallel_loop3A_174, %add3A_114, %parallel_loop3A_198], %parallel_loop3A_204 : memref<50x32x16xf32, #tpu.memory_space<vmem>>[vector<16xi32>, vector<16xi32>, vector<16xi32>], vector<16xf32>,
        %parallel_loop3A_205 = arith.constant 150 : i32
        %parallel_loop3A_206 = arith.addi %parallel_loop3A_205, %parallel_loop3A_173 : i32
        %parallel_loop3A_207 = arith.constant 3 : i32
        %parallel_loop3A_208 = vector.broadcast %parallel_loop3A_207 : i32 to vector<16xi32>
        %parallel_loop3A_209 = arith.index_cast %parallel_loop3A_206 : i32 to index
        %parallel_loop3A_210 = arith.constant 0 : index
        %parallel_loop3A_211 = tpu.vector_load %arg6[%parallel_loop3A_209, %parallel_loop3A_210] {strides = array<i32>} : memref<800x32xf32, #tpu.memory_space<vmem>>, vector<16xf32>,
        %parallel_loop3A_212 = arith.index_cast %parallel_loop3A_206 : i32 to index
        %parallel_loop3A_213 = arith.constant 16 : index
        %parallel_loop3A_214 = tpu.vector_load %arg6[%parallel_loop3A_212, %parallel_loop3A_213] {strides = array<i32>} : memref<800x32xf32, #tpu.memory_space<vmem>>, vector<16xf32>,
        tpu.vector_store_idx %arg8[%parallel_loop3A_174, %iota3A_111, %parallel_loop3A_208], %parallel_loop3A_211 : memref<50x32x16xf32, #tpu.memory_space<vmem>>[vector<16xi32>, vector<16xi32>, vector<16xi32>], vector<16xf32>,
        tpu.vector_store_idx %arg8[%parallel_loop3A_174, %add3A_114, %parallel_loop3A_208], %parallel_loop3A_214 : memref<50x32x16xf32, #tpu.memory_space<vmem>>[vector<16xi32>, vector<16xi32>, vector<16xi32>], vector<16xf32>,
        %parallel_loop3A_215 = arith.constant 200 : i32
        %parallel_loop3A_216 = arith.addi %parallel_loop3A_215, %parallel_loop3A_173 : i32
        %parallel_loop3A_217 = arith.constant 4 : i32
        %parallel_loop3A_218 = vector.broadcast %parallel_loop3A_217 : i32 to vector<16xi32>
        %parallel_loop3A_219 = arith.index_cast %parallel_loop3A_216 : i32 to index
        %parallel_loop3A_220 = arith.constant 0 : index
        %parallel_loop3A_221 = tpu.vector_load %arg6[%parallel_loop3A_219, %parallel_loop3A_220] {strides = array<i32>} : memref<800x32xf32, #tpu.memory_space<vmem>>, vector<16xf32>,
        %parallel_loop3A_222 = arith.index_cast %parallel_loop3A_216 : i32 to index
        %parallel_loop3A_223 = arith.constant 16 : index
        %parallel_loop3A_224 = tpu.vector_load %arg6[%parallel_loop3A_222, %parallel_loop3A_223] {strides = array<i32>} : memref<800x32xf32, #tpu.memory_space<vmem>>, vector<16xf32>,
        tpu.vector_store_idx %arg8[%parallel_loop3A_174, %iota3A_111, %parallel_loop3A_218], %parallel_loop3A_221 : memref<50x32x16xf32, #tpu.memory_space<vmem>>[vector<16xi32>, vector<16xi32>, vector<16xi32>], vector<16xf32>,
        tpu.vector_store_idx %arg8[%parallel_loop3A_174, %add3A_114, %parallel_loop3A_218], %parallel_loop3A_224 : memref<50x32x16xf32, #tpu.memory_space<vmem>>[vector<16xi32>, vector<16xi32>, vector<16xi32>], vector<16xf32>,
        %parallel_loop3A_225 = arith.constant 250 : i32
        %parallel_loop3A_226 = arith.addi %parallel_loop3A_225, %parallel_loop3A_173 : i32
        %parallel_loop3A_227 = arith.constant 5 : i32
        %parallel_loop3A_228 = vector.broadcast %parallel_loop3A_227 : i32 to vector<16xi32>
        %parallel_loop3A_229 = arith.index_cast %parallel_loop3A_226 : i32 to index
        %parallel_loop3A_230 = arith.constant 0 : index
        %parallel_loop3A_231 = tpu.vector_load %arg6[%parallel_loop3A_229, %parallel_loop3A_230] {strides = array<i32>} : memref<800x32xf32, #tpu.memory_space<vmem>>, vector<16xf32>,
        %parallel_loop3A_232 = arith.index_cast %parallel_loop3A_226 : i32 to index
        %parallel_loop3A_233 = arith.constant 16 : index
        %parallel_loop3A_234 = tpu.vector_load %arg6[%parallel_loop3A_232, %parallel_loop3A_233] {strides = array<i32>} : memref<800x32xf32, #tpu.memory_space<vmem>>, vector<16xf32>,
        tpu.vector_store_idx %arg8[%parallel_loop3A_174, %iota3A_111, %parallel_loop3A_228], %parallel_loop3A_231 : memref<50x32x16xf32, #tpu.memory_space<vmem>>[vector<16xi32>, vector<16xi32>, vector<16xi32>], vector<16xf32>,
        tpu.vector_store_idx %arg8[%parallel_loop3A_174, %add3A_114, %parallel_loop3A_228], %parallel_loop3A_234 : memref<50x32x16xf32, #tpu.memory_space<vmem>>[vector<16xi32>, vector<16xi32>, vector<16xi32>], vector<16xf32>,
        %parallel_loop3A_235 = arith.constant 300 : i32
        %parallel_loop3A_236 = arith.addi %parallel_loop3A_235, %parallel_loop3A_173 : i32
        %parallel_loop3A_237 = arith.constant 6 : i32
        %parallel_loop3A_238 = vector.broadcast %parallel_loop3A_237 : i32 to vector<16xi32>
        %parallel_loop3A_239 = arith.index_cast %parallel_loop3A_236 : i32 to index
        %parallel_loop3A_240 = arith.constant 0 : index
        %parallel_loop3A_241 = tpu.vector_load %arg6[%parallel_loop3A_239, %parallel_loop3A_240] {strides = array<i32>} : memref<800x32xf32, #tpu.memory_space<vmem>>, vector<16xf32>,
        %parallel_loop3A_242 = arith.index_cast %parallel_loop3A_236 : i32 to index
        %parallel_loop3A_243 = arith.constant 16 : index
        %parallel_loop3A_244 = tpu.vector_load %arg6[%parallel_loop3A_242, %parallel_loop3A_243] {strides = array<i32>} : memref<800x32xf32, #tpu.memory_space<vmem>>, vector<16xf32>,
        tpu.vector_store_idx %arg8[%parallel_loop3A_174, %iota3A_111, %parallel_loop3A_238], %parallel_loop3A_241 : memref<50x32x16xf32, #tpu.memory_space<vmem>>[vector<16xi32>, vector<16xi32>, vector<16xi32>], vector<16xf32>,
        tpu.vector_store_idx %arg8[%parallel_loop3A_174, %add3A_114, %parallel_loop3A_238], %parallel_loop3A_244 : memref<50x32x16xf32, #tpu.memory_space<vmem>>[vector<16xi32>, vector<16xi32>, vector<16xi32>], vector<16xf32>,
        %parallel_loop3A_245 = arith.constant 350 : i32
        %parallel_loop3A_246 = arith.addi %parallel_loop3A_245, %parallel_loop3A_173 : i32
        %parallel_loop3A_247 = arith.constant 7 : i32
        %parallel_loop3A_248 = vector.broadcast %parallel_loop3A_247 : i32 to vector<16xi32>
        %parallel_loop3A_249 = arith.index_cast %parallel_loop3A_246 : i32 to index
        %parallel_loop3A_250 = arith.constant 0 : index
        %parallel_loop3A_251 = tpu.vector_load %arg6[%parallel_loop3A_249, %parallel_loop3A_250] {strides = array<i32>} : memref<800x32xf32, #tpu.memory_space<vmem>>, vector<16xf32>,
        %parallel_loop3A_252 = arith.index_cast %parallel_loop3A_246 : i32 to index
        %parallel_loop3A_253 = arith.constant 16 : index
        %parallel_loop3A_254 = tpu.vector_load %arg6[%parallel_loop3A_252, %parallel_loop3A_253] {strides = array<i32>} : memref<800x32xf32, #tpu.memory_space<vmem>>, vector<16xf32>,
        tpu.vector_store_idx %arg8[%parallel_loop3A_174, %iota3A_111, %parallel_loop3A_248], %parallel_loop3A_251 : memref<50x32x16xf32, #tpu.memory_space<vmem>>[vector<16xi32>, vector<16xi32>, vector<16xi32>], vector<16xf32>,
        tpu.vector_store_idx %arg8[%parallel_loop3A_174, %add3A_114, %parallel_loop3A_248], %parallel_loop3A_254 : memref<50x32x16xf32, #tpu.memory_space<vmem>>[vector<16xi32>, vector<16xi32>, vector<16xi32>], vector<16xf32>,
        %parallel_loop3A_255 = arith.constant 400 : i32
        %parallel_loop3A_256 = arith.addi %parallel_loop3A_255, %parallel_loop3A_173 : i32
        %parallel_loop3A_257 = arith.constant 8 : i32
        %parallel_loop3A_258 = vector.broadcast %parallel_loop3A_257 : i32 to vector<16xi32>
        %parallel_loop3A_259 = arith.index_cast %parallel_loop3A_256 : i32 to index
        %parallel_loop3A_260 = arith.constant 0 : index
        %parallel_loop3A_261 = tpu.vector_load %arg6[%parallel_loop3A_259, %parallel_loop3A_260] {strides = array<i32>} : memref<800x32xf32, #tpu.memory_space<vmem>>, vector<16xf32>,
        %parallel_loop3A_262 = arith.index_cast %parallel_loop3A_256 : i32 to index
        %parallel_loop3A_263 = arith.constant 16 : index
        %parallel_loop3A_264 = tpu.vector_load %arg6[%parallel_loop3A_262, %parallel_loop3A_263] {strides = array<i32>} : memref<800x32xf32, #tpu.memory_space<vmem>>, vector<16xf32>,
        tpu.vector_store_idx %arg8[%parallel_loop3A_174, %iota3A_111, %parallel_loop3A_258], %parallel_loop3A_261 : memref<50x32x16xf32, #tpu.memory_space<vmem>>[vector<16xi32>, vector<16xi32>, vector<16xi32>], vector<16xf32>,
        tpu.vector_store_idx %arg8[%parallel_loop3A_174, %add3A_114, %parallel_loop3A_258], %parallel_loop3A_264 : memref<50x32x16xf32, #tpu.memory_space<vmem>>[vector<16xi32>, vector<16xi32>, vector<16xi32>], vector<16xf32>,
        %parallel_loop3A_265 = arith.constant 450 : i32
        %parallel_loop3A_266 = arith.addi %parallel_loop3A_265, %parallel_loop3A_173 : i32
        %parallel_loop3A_267 = arith.constant 9 : i32
        %parallel_loop3A_268 = vector.broadcast %parallel_loop3A_267 : i32 to vector<16xi32>
        %parallel_loop3A_269 = arith.index_cast %parallel_loop3A_266 : i32 to index
        %parallel_loop3A_270 = arith.constant 0 : index
        %parallel_loop3A_271 = tpu.vector_load %arg6[%parallel_loop3A_269, %parallel_loop3A_270] {strides = array<i32>} : memref<800x32xf32, #tpu.memory_space<vmem>>, vector<16xf32>,
        %parallel_loop3A_272 = arith.index_cast %parallel_loop3A_266 : i32 to index
        %parallel_loop3A_273 = arith.constant 16 : index
        %parallel_loop3A_274 = tpu.vector_load %arg6[%parallel_loop3A_272, %parallel_loop3A_273] {strides = array<i32>} : memref<800x32xf32, #tpu.memory_space<vmem>>, vector<16xf32>,
        tpu.vector_store_idx %arg8[%parallel_loop3A_174, %iota3A_111, %parallel_loop3A_268], %parallel_loop3A_271 : memref<50x32x16xf32, #tpu.memory_space<vmem>>[vector<16xi32>, vector<16xi32>, vector<16xi32>], vector<16xf32>,
        tpu.vector_store_idx %arg8[%parallel_loop3A_174, %add3A_114, %parallel_loop3A_268], %parallel_loop3A_274 : memref<50x32x16xf32, #tpu.memory_space<vmem>>[vector<16xi32>, vector<16xi32>, vector<16xi32>], vector<16xf32>,
        %parallel_loop3A_275 = arith.constant 500 : i32
        %parallel_loop3A_276 = arith.addi %parallel_loop3A_275, %parallel_loop3A_173 : i32
        %parallel_loop3A_277 = arith.constant 10 : i32
        %parallel_loop3A_278 = vector.broadcast %parallel_loop3A_277 : i32 to vector<16xi32>
        %parallel_loop3A_279 = arith.index_cast %parallel_loop3A_276 : i32 to index
        %parallel_loop3A_280 = arith.constant 0 : index
        %parallel_loop3A_281 = tpu.vector_load %arg6[%parallel_loop3A_279, %parallel_loop3A_280] {strides = array<i32>} : memref<800x32xf32, #tpu.memory_space<vmem>>, vector<16xf32>,
        %parallel_loop3A_282 = arith.index_cast %parallel_loop3A_276 : i32 to index
        %parallel_loop3A_283 = arith.constant 16 : index
        %parallel_loop3A_284 = tpu.vector_load %arg6[%parallel_loop3A_282, %parallel_loop3A_283] {strides = array<i32>} : memref<800x32xf32, #tpu.memory_space<vmem>>, vector<16xf32>,
        tpu.vector_store_idx %arg8[%parallel_loop3A_174, %iota3A_111, %parallel_loop3A_278], %parallel_loop3A_281 : memref<50x32x16xf32, #tpu.memory_space<vmem>>[vector<16xi32>, vector<16xi32>, vector<16xi32>], vector<16xf32>,
        tpu.vector_store_idx %arg8[%parallel_loop3A_174, %add3A_114, %parallel_loop3A_278], %parallel_loop3A_284 : memref<50x32x16xf32, #tpu.memory_space<vmem>>[vector<16xi32>, vector<16xi32>, vector<16xi32>], vector<16xf32>,
        %parallel_loop3A_285 = arith.constant 550 : i32
        %parallel_loop3A_286 = arith.addi %parallel_loop3A_285, %parallel_loop3A_173 : i32
        %parallel_loop3A_287 = arith.constant 11 : i32
        %parallel_loop3A_288 = vector.broadcast %parallel_loop3A_287 : i32 to vector<16xi32>
        %parallel_loop3A_289 = arith.index_cast %parallel_loop3A_286 : i32 to index
        %parallel_loop3A_290 = arith.constant 0 : index
        %parallel_loop3A_291 = tpu.vector_load %arg6[%parallel_loop3A_289, %parallel_loop3A_290] {strides = array<i32>} : memref<800x32xf32, #tpu.memory_space<vmem>>, vector<16xf32>,
        %parallel_loop3A_292 = arith.index_cast %parallel_loop3A_286 : i32 to index
        %parallel_loop3A_293 = arith.constant 16 : index
        %parallel_loop3A_294 = tpu.vector_load %arg6[%parallel_loop3A_292, %parallel_loop3A_293] {strides = array<i32>} : memref<800x32xf32, #tpu.memory_space<vmem>>, vector<16xf32>,
        tpu.vector_store_idx %arg8[%parallel_loop3A_174, %iota3A_111, %parallel_loop3A_288], %parallel_loop3A_291 : memref<50x32x16xf32, #tpu.memory_space<vmem>>[vector<16xi32>, vector<16xi32>, vector<16xi32>], vector<16xf32>,
        tpu.vector_store_idx %arg8[%parallel_loop3A_174, %add3A_114, %parallel_loop3A_288], %parallel_loop3A_294 : memref<50x32x16xf32, #tpu.memory_space<vmem>>[vector<16xi32>, vector<16xi32>, vector<16xi32>], vector<16xf32>,
        %parallel_loop3A_295 = arith.constant 600 : i32
        %parallel_loop3A_296 = arith.addi %parallel_loop3A_295, %parallel_loop3A_173 : i32
        %parallel_loop3A_297 = arith.constant 12 : i32
        %parallel_loop3A_298 = vector.broadcast %parallel_loop3A_297 : i32 to vector<16xi32>
        %parallel_loop3A_299 = arith.index_cast %parallel_loop3A_296 : i32 to index
        %parallel_loop3A_300 = arith.constant 0 : index
        %parallel_loop3A_301 = tpu.vector_load %arg6[%parallel_loop3A_299, %parallel_loop3A_300] {strides = array<i32>} : memref<800x32xf32, #tpu.memory_space<vmem>>, vector<16xf32>,
        %parallel_loop3A_302 = arith.index_cast %parallel_loop3A_296 : i32 to index
        %parallel_loop3A_303 = arith.constant 16 : index
        %parallel_loop3A_304 = tpu.vector_load %arg6[%parallel_loop3A_302, %parallel_loop3A_303] {strides = array<i32>} : memref<800x32xf32, #tpu.memory_space<vmem>>, vector<16xf32>,
        tpu.vector_store_idx %arg8[%parallel_loop3A_174, %iota3A_111, %parallel_loop3A_298], %parallel_loop3A_301 : memref<50x32x16xf32, #tpu.memory_space<vmem>>[vector<16xi32>, vector<16xi32>, vector<16xi32>], vector<16xf32>,
        tpu.vector_store_idx %arg8[%parallel_loop3A_174, %add3A_114, %parallel_loop3A_298], %parallel_loop3A_304 : memref<50x32x16xf32, #tpu.memory_space<vmem>>[vector<16xi32>, vector<16xi32>, vector<16xi32>], vector<16xf32>,
        %parallel_loop3A_305 = arith.constant 650 : i32
        %parallel_loop3A_306 = arith.addi %parallel_loop3A_305, %parallel_loop3A_173 : i32
        %parallel_loop3A_307 = arith.constant 13 : i32
        %parallel_loop3A_308 = vector.broadcast %parallel_loop3A_307 : i32 to vector<16xi32>
        %parallel_loop3A_309 = arith.index_cast %parallel_loop3A_306 : i32 to index
        %parallel_loop3A_310 = arith.constant 0 : index
        %parallel_loop3A_311 = tpu.vector_load %arg6[%parallel_loop3A_309, %parallel_loop3A_310] {strides = array<i32>} : memref<800x32xf32, #tpu.memory_space<vmem>>, vector<16xf32>,
        %parallel_loop3A_312 = arith.index_cast %parallel_loop3A_306 : i32 to index
        %parallel_loop3A_313 = arith.constant 16 : index
        %parallel_loop3A_314 = tpu.vector_load %arg6[%parallel_loop3A_312, %parallel_loop3A_313] {strides = array<i32>} : memref<800x32xf32, #tpu.memory_space<vmem>>, vector<16xf32>,
        tpu.vector_store_idx %arg8[%parallel_loop3A_174, %iota3A_111, %parallel_loop3A_308], %parallel_loop3A_311 : memref<50x32x16xf32, #tpu.memory_space<vmem>>[vector<16xi32>, vector<16xi32>, vector<16xi32>], vector<16xf32>,
        tpu.vector_store_idx %arg8[%parallel_loop3A_174, %add3A_114, %parallel_loop3A_308], %parallel_loop3A_314 : memref<50x32x16xf32, #tpu.memory_space<vmem>>[vector<16xi32>, vector<16xi32>, vector<16xi32>], vector<16xf32>,
        %parallel_loop3A_315 = arith.constant 700 : i32
        %parallel_loop3A_316 = arith.addi %parallel_loop3A_315, %parallel_loop3A_173 : i32
        %parallel_loop3A_317 = arith.constant 14 : i32
        %parallel_loop3A_318 = vector.broadcast %parallel_loop3A_317 : i32 to vector<16xi32>
        %parallel_loop3A_319 = arith.index_cast %parallel_loop3A_316 : i32 to index
        %parallel_loop3A_320 = arith.constant 0 : index
        %parallel_loop3A_321 = tpu.vector_load %arg6[%parallel_loop3A_319, %parallel_loop3A_320] {strides = array<i32>} : memref<800x32xf32, #tpu.memory_space<vmem>>, vector<16xf32>,
        %parallel_loop3A_322 = arith.index_cast %parallel_loop3A_316 : i32 to index
        %parallel_loop3A_323 = arith.constant 16 : index
        %parallel_loop3A_324 = tpu.vector_load %arg6[%parallel_loop3A_322, %parallel_loop3A_323] {strides = array<i32>} : memref<800x32xf32, #tpu.memory_space<vmem>>, vector<16xf32>,
        tpu.vector_store_idx %arg8[%parallel_loop3A_174, %iota3A_111, %parallel_loop3A_318], %parallel_loop3A_321 : memref<50x32x16xf32, #tpu.memory_space<vmem>>[vector<16xi32>, vector<16xi32>, vector<16xi32>], vector<16xf32>,
        tpu.vector_store_idx %arg8[%parallel_loop3A_174, %add3A_114, %parallel_loop3A_318], %parallel_loop3A_324 : memref<50x32x16xf32, #tpu.memory_space<vmem>>[vector<16xi32>, vector<16xi32>, vector<16xi32>], vector<16xf32>,
        %parallel_loop3A_325 = arith.constant 750 : i32
        %parallel_loop3A_326 = arith.addi %parallel_loop3A_325, %parallel_loop3A_173 : i32
        %parallel_loop3A_327 = arith.constant 15 : i32
        %parallel_loop3A_328 = vector.broadcast %parallel_loop3A_327 : i32 to vector<16xi32>
        %parallel_loop3A_329 = arith.index_cast %parallel_loop3A_326 : i32 to index
        %parallel_loop3A_330 = arith.constant 0 : index
        %parallel_loop3A_331 = tpu.vector_load %arg6[%parallel_loop3A_329, %parallel_loop3A_330] {strides = array<i32>} : memref<800x32xf32, #tpu.memory_space<vmem>>, vector<16xf32>,
        %parallel_loop3A_332 = arith.index_cast %parallel_loop3A_326 : i32 to index
        %parallel_loop3A_333 = arith.constant 16 : index
        %parallel_loop3A_334 = tpu.vector_load %arg6[%parallel_loop3A_332, %parallel_loop3A_333] {strides = array<i32>} : memref<800x32xf32, #tpu.memory_space<vmem>>, vector<16xf32>,
        tpu.vector_store_idx %arg8[%parallel_loop3A_174, %iota3A_111, %parallel_loop3A_328], %parallel_loop3A_331 : memref<50x32x16xf32, #tpu.memory_space<vmem>>[vector<16xi32>, vector<16xi32>, vector<16xi32>], vector<16xf32>,
        tpu.vector_store_idx %arg8[%parallel_loop3A_174, %add3A_114, %parallel_loop3A_328], %parallel_loop3A_334 : memref<50x32x16xf32, #tpu.memory_space<vmem>>[vector<16xi32>, vector<16xi32>, vector<16xi32>], vector<16xf32>,
      } {sc.loop_unroll_factor = 2 : i64, sc.parallel_access}
      %mul3A_118 = arith.constant 16 : i32
      %mul3A_119 = arith.muli %mul3A_94, %mul3A_118 : i32
      %add3A_120 = arith.addi %mul3A_2, %mul3A_119 : i32
      %dma_start3A_121 = arith.constant 0 : i32
      %dma_start3A_122 = arith.constant 0 : i32
      %dma_start3A_123 = tpu.memref_slice %arg4[%dma_start3A_121, %dma_start3A_122, %add3A_120] : memref<50x32x16384xf32, #tpu.memory_space<hbm>> -> memref<50x32x16xf32, #tpu.memory_space<hbm>>
      %dma_start3A_124 = arith.constant 0 : i32
      %dma_start3A_125 = arith.constant 0 : i32
      %dma_start3A_126 = tpu.memref_slice %arg4[%dma_start3A_124, %dma_start3A_125, %add3A_120] : memref<50x32x16384xf32, #tpu.memory_space<hbm>> -> memref<50x32x16xf32, #tpu.memory_space<hbm>>
      tpu.enqueue_dma source(%arg8 : memref<50x32x16xf32, #tpu.memory_space<vmem>>) target(%dma_start3A_126 : memref<50x32x16xf32, #tpu.memory_space<hbm>>) target_semaphore(%arg12 : memref<!tpu.dma_semaphore, #tpu.memory_space<semaphore_mem>>)
      %add3A_127 = arith.constant 2 : i32
      %add3A_128 = arith.addi %mul3A_94, %add3A_127 : i32
      %lt3A = arith.constant 32 : i32
      %lt3A_129 = arith.cmpi slt, %add3A_128, %lt3A : i32
      %convert_element_type3A = arith.extui %lt3A_129 : i1 to i32
      %cond3A = arith.constant 0 : i32
      %cond3A_130 = arith.cmpi ne, %convert_element_type3A, %cond3A : i32
      scf.if %cond3A_130 {
        %add3A_173 = arith.constant 2 : i32
        %add3A_174 = arith.addi %mul3A_94, %add3A_173 : i32
        %dma_start3A_175 = arith.constant 0 : i32
        %dma_start3A_176 = tpu.memref_slice %arg5[%add3A_174, %dma_start3A_175] : memref<32x800xi32, #tpu.memory_space<vmem>> -> memref<1x800xi32, #tpu.memory_space<vmem>>
        %dma_start3A_177 = tpu.memref_squeeze %dma_start3A_176 : memref<1x800xi32, #tpu.memory_space<vmem>> -> memref<800xi32, #tpu.memory_space<vmem>>
        %dma_start3A_178 = arith.constant 0 : i32
        %dma_start3A_179 = arith.constant 0 : i32
        %dma_start3A_180 = tpu.memref_slice %arg3[%dma_start3A_178, %dma_start3A_179] : memref<1000000x32xf32, #tpu.memory_space<hbm>> -> memref<1000000x32xf32, #tpu.memory_space<hbm>>
        tpu.enqueue_indirect_dma source(%dma_start3A_180 : memref<1000000x32xf32, #tpu.memory_space<hbm>>) target(%arg6 : memref<800x32xf32, #tpu.memory_space<vmem>>) offsets(%dma_start3A_177 : memref<800xi32, #tpu.memory_space<vmem>>) semaphore(%arg10 : memref<!tpu.dma_semaphore, #tpu.memory_space<semaphore_mem>>)
      } else {
      }
      %add3A_131 = arith.constant 1 : i32
      %add3A_132 = arith.addi %mul3A_94, %add3A_131 : i32
      %dma_wait3A_133 = arith.constant 0 : i32
      %dma_wait3A_134 = tpu.memref_slice %arg5[%add3A_132, %dma_wait3A_133] : memref<32x800xi32, #tpu.memory_space<vmem>> -> memref<1x800xi32, #tpu.memory_space<vmem>>
      %dma_wait3A_135 = tpu.memref_squeeze %dma_wait3A_134 : memref<1x800xi32, #tpu.memory_space<vmem>> -> memref<800xi32, #tpu.memory_space<vmem>>
      %dma_wait3A_136 = arith.constant 0 : i32
      %dma_wait3A_137 = arith.constant 0 : i32
      %dma_wait3A_138 = tpu.memref_slice %arg3[%dma_wait3A_136, %dma_wait3A_137] : memref<1000000x32xf32, #tpu.memory_space<hbm>> -> memref<1000000x32xf32, #tpu.memory_space<hbm>>
      tpu.wait_indirect_dma semaphore(%arg11 : memref<!tpu.dma_semaphore, #tpu.memory_space<semaphore_mem>>) src(%dma_wait3A_138 : memref<1000000x32xf32, #tpu.memory_space<hbm>>) dst(%arg7 : memref<800x32xf32, #tpu.memory_space<vmem>>)
      %sub3A_139 = arith.constant 2 : i32
      %sub3A_140 = arith.subi %add3A_132, %sub3A_139 : i32
      %mul3A_141 = arith.constant 16 : i32
      %mul3A_142 = arith.muli %sub3A_140, %mul3A_141 : i32
      %add3A_143 = arith.addi %mul3A_2, %mul3A_142 : i32
      %dma_wait3A_144 = arith.constant 0 : i32
      %dma_wait3A_145 = arith.constant 0 : i32
      %dma_wait3A_146 = tpu.memref_slice %arg4[%dma_wait3A_144, %dma_wait3A_145, %add3A_143] : memref<50x32x16384xf32, #tpu.memory_space<hbm>> -> memref<50x32x16xf32, #tpu.memory_space<hbm>>
      %dma_wait3A_147 = arith.constant 0 : i32
      %dma_wait3A_148 = arith.constant 0 : i32
      %dma_wait3A_149 = tpu.memref_slice %arg4[%dma_wait3A_147, %dma_wait3A_148, %add3A_143] : memref<50x32x16384xf32, #tpu.memory_space<hbm>> -> memref<50x32x16xf32, #tpu.memory_space<hbm>>
      tpu.wait_dma2 semaphore(%arg13 : memref<!tpu.dma_semaphore, #tpu.memory_space<semaphore_mem>>) src(%arg9 : memref<50x32x16xf32, #tpu.memory_space<vmem>>) dst(%dma_wait3A_149 : memref<50x32x16xf32, #tpu.memory_space<hbm>>)
      %iota3A_150 = tpu.iota {dimensions = array<i32: 0>} : vector<16xi32>
      %add3A_151 = arith.constant 16 : i32
      %add3A_152 = vector.broadcast %add3A_151 : i32 to vector<16xi32>
      %add3A_153 = arith.addi %iota3A_150, %add3A_152 : vector<16xi32>
      %parallel_loop3A_154 = arith.constant 0 : i32
      %parallel_loop3A_155 = arith.constant 50 : i32
      %parallel_loop3A_156 = arith.constant 1 : i32
      scf.for %parallel_loop3A_173 = %parallel_loop3A_154 to %parallel_loop3A_155 step %parallel_loop3A_156  : i32 {
        %parallel_loop3A_174 = vector.broadcast %parallel_loop3A_173 : i32 to vector<16xi32>
        %parallel_loop3A_175 = arith.constant 0 : i32
        %parallel_loop3A_176 = arith.addi %parallel_loop3A_175, %parallel_loop3A_173 : i32
        %parallel_loop3A_177 = arith.constant 0 : i32
        %parallel_loop3A_178 = vector.broadcast %parallel_loop3A_177 : i32 to vector<16xi32>
        %parallel_loop3A_179 = arith.index_cast %parallel_loop3A_176 : i32 to index
        %parallel_loop3A_180 = arith.constant 0 : index
        %parallel_loop3A_181 = tpu.vector_load %arg7[%parallel_loop3A_179, %parallel_loop3A_180] {strides = array<i32>} : memref<800x32xf32, #tpu.memory_space<vmem>>, vector<16xf32>,
        %parallel_loop3A_182 = arith.index_cast %parallel_loop3A_176 : i32 to index
        %parallel_loop3A_183 = arith.constant 16 : index
        %parallel_loop3A_184 = tpu.vector_load %arg7[%parallel_loop3A_182, %parallel_loop3A_183] {strides = array<i32>} : memref<800x32xf32, #tpu.memory_space<vmem>>, vector<16xf32>,
        tpu.vector_store_idx %arg9[%parallel_loop3A_174, %iota3A_150, %parallel_loop3A_178], %parallel_loop3A_181 : memref<50x32x16xf32, #tpu.memory_space<vmem>>[vector<16xi32>, vector<16xi32>, vector<16xi32>], vector<16xf32>,
        tpu.vector_store_idx %arg9[%parallel_loop3A_174, %add3A_153, %parallel_loop3A_178], %parallel_loop3A_184 : memref<50x32x16xf32, #tpu.memory_space<vmem>>[vector<16xi32>, vector<16xi32>, vector<16xi32>], vector<16xf32>,
        %parallel_loop3A_185 = arith.constant 50 : i32
        %parallel_loop3A_186 = arith.addi %parallel_loop3A_185, %parallel_loop3A_173 : i32
        %parallel_loop3A_187 = arith.constant 1 : i32
        %parallel_loop3A_188 = vector.broadcast %parallel_loop3A_187 : i32 to vector<16xi32>
        %parallel_loop3A_189 = arith.index_cast %parallel_loop3A_186 : i32 to index
        %parallel_loop3A_190 = arith.constant 0 : index
        %parallel_loop3A_191 = tpu.vector_load %arg7[%parallel_loop3A_189, %parallel_loop3A_190] {strides = array<i32>} : memref<800x32xf32, #tpu.memory_space<vmem>>, vector<16xf32>,
        %parallel_loop3A_192 = arith.index_cast %parallel_loop3A_186 : i32 to index
        %parallel_loop3A_193 = arith.constant 16 : index
        %parallel_loop3A_194 = tpu.vector_load %arg7[%parallel_loop3A_192, %parallel_loop3A_193] {strides = array<i32>} : memref<800x32xf32, #tpu.memory_space<vmem>>, vector<16xf32>,
        tpu.vector_store_idx %arg9[%parallel_loop3A_174, %iota3A_150, %parallel_loop3A_188], %parallel_loop3A_191 : memref<50x32x16xf32, #tpu.memory_space<vmem>>[vector<16xi32>, vector<16xi32>, vector<16xi32>], vector<16xf32>,
        tpu.vector_store_idx %arg9[%parallel_loop3A_174, %add3A_153, %parallel_loop3A_188], %parallel_loop3A_194 : memref<50x32x16xf32, #tpu.memory_space<vmem>>[vector<16xi32>, vector<16xi32>, vector<16xi32>], vector<16xf32>,
        %parallel_loop3A_195 = arith.constant 100 : i32
        %parallel_loop3A_196 = arith.addi %parallel_loop3A_195, %parallel_loop3A_173 : i32
        %parallel_loop3A_197 = arith.constant 2 : i32
        %parallel_loop3A_198 = vector.broadcast %parallel_loop3A_197 : i32 to vector<16xi32>
        %parallel_loop3A_199 = arith.index_cast %parallel_loop3A_196 : i32 to index
        %parallel_loop3A_200 = arith.constant 0 : index
        %parallel_loop3A_201 = tpu.vector_load %arg7[%parallel_loop3A_199, %parallel_loop3A_200] {strides = array<i32>} : memref<800x32xf32, #tpu.memory_space<vmem>>, vector<16xf32>,
        %parallel_loop3A_202 = arith.index_cast %parallel_loop3A_196 : i32 to index
        %parallel_loop3A_203 = arith.constant 16 : index
        %parallel_loop3A_204 = tpu.vector_load %arg7[%parallel_loop3A_202, %parallel_loop3A_203] {strides = array<i32>} : memref<800x32xf32, #tpu.memory_space<vmem>>, vector<16xf32>,
        tpu.vector_store_idx %arg9[%parallel_loop3A_174, %iota3A_150, %parallel_loop3A_198], %parallel_loop3A_201 : memref<50x32x16xf32, #tpu.memory_space<vmem>>[vector<16xi32>, vector<16xi32>, vector<16xi32>], vector<16xf32>,
        tpu.vector_store_idx %arg9[%parallel_loop3A_174, %add3A_153, %parallel_loop3A_198], %parallel_loop3A_204 : memref<50x32x16xf32, #tpu.memory_space<vmem>>[vector<16xi32>, vector<16xi32>, vector<16xi32>], vector<16xf32>,
        %parallel_loop3A_205 = arith.constant 150 : i32
        %parallel_loop3A_206 = arith.addi %parallel_loop3A_205, %parallel_loop3A_173 : i32
        %parallel_loop3A_207 = arith.constant 3 : i32
        %parallel_loop3A_208 = vector.broadcast %parallel_loop3A_207 : i32 to vector<16xi32>
        %parallel_loop3A_209 = arith.index_cast %parallel_loop3A_206 : i32 to index
        %parallel_loop3A_210 = arith.constant 0 : index
        %parallel_loop3A_211 = tpu.vector_load %arg7[%parallel_loop3A_209, %parallel_loop3A_210] {strides = array<i32>} : memref<800x32xf32, #tpu.memory_space<vmem>>, vector<16xf32>,
        %parallel_loop3A_212 = arith.index_cast %parallel_loop3A_206 : i32 to index
        %parallel_loop3A_213 = arith.constant 16 : index
        %parallel_loop3A_214 = tpu.vector_load %arg7[%parallel_loop3A_212, %parallel_loop3A_213] {strides = array<i32>} : memref<800x32xf32, #tpu.memory_space<vmem>>, vector<16xf32>,
        tpu.vector_store_idx %arg9[%parallel_loop3A_174, %iota3A_150, %parallel_loop3A_208], %parallel_loop3A_211 : memref<50x32x16xf32, #tpu.memory_space<vmem>>[vector<16xi32>, vector<16xi32>, vector<16xi32>], vector<16xf32>,
        tpu.vector_store_idx %arg9[%parallel_loop3A_174, %add3A_153, %parallel_loop3A_208], %parallel_loop3A_214 : memref<50x32x16xf32, #tpu.memory_space<vmem>>[vector<16xi32>, vector<16xi32>, vector<16xi32>], vector<16xf32>,
        %parallel_loop3A_215 = arith.constant 200 : i32
        %parallel_loop3A_216 = arith.addi %parallel_loop3A_215, %parallel_loop3A_173 : i32
        %parallel_loop3A_217 = arith.constant 4 : i32
        %parallel_loop3A_218 = vector.broadcast %parallel_loop3A_217 : i32 to vector<16xi32>
        %parallel_loop3A_219 = arith.index_cast %parallel_loop3A_216 : i32 to index
        %parallel_loop3A_220 = arith.constant 0 : index
        %parallel_loop3A_221 = tpu.vector_load %arg7[%parallel_loop3A_219, %parallel_loop3A_220] {strides = array<i32>} : memref<800x32xf32, #tpu.memory_space<vmem>>, vector<16xf32>,
        %parallel_loop3A_222 = arith.index_cast %parallel_loop3A_216 : i32 to index
        %parallel_loop3A_223 = arith.constant 16 : index
        %parallel_loop3A_224 = tpu.vector_load %arg7[%parallel_loop3A_222, %parallel_loop3A_223] {strides = array<i32>} : memref<800x32xf32, #tpu.memory_space<vmem>>, vector<16xf32>,
        tpu.vector_store_idx %arg9[%parallel_loop3A_174, %iota3A_150, %parallel_loop3A_218], %parallel_loop3A_221 : memref<50x32x16xf32, #tpu.memory_space<vmem>>[vector<16xi32>, vector<16xi32>, vector<16xi32>], vector<16xf32>,
        tpu.vector_store_idx %arg9[%parallel_loop3A_174, %add3A_153, %parallel_loop3A_218], %parallel_loop3A_224 : memref<50x32x16xf32, #tpu.memory_space<vmem>>[vector<16xi32>, vector<16xi32>, vector<16xi32>], vector<16xf32>,
        %parallel_loop3A_225 = arith.constant 250 : i32
        %parallel_loop3A_226 = arith.addi %parallel_loop3A_225, %parallel_loop3A_173 : i32
        %parallel_loop3A_227 = arith.constant 5 : i32
        %parallel_loop3A_228 = vector.broadcast %parallel_loop3A_227 : i32 to vector<16xi32>
        %parallel_loop3A_229 = arith.index_cast %parallel_loop3A_226 : i32 to index
        %parallel_loop3A_230 = arith.constant 0 : index
        %parallel_loop3A_231 = tpu.vector_load %arg7[%parallel_loop3A_229, %parallel_loop3A_230] {strides = array<i32>} : memref<800x32xf32, #tpu.memory_space<vmem>>, vector<16xf32>,
        %parallel_loop3A_232 = arith.index_cast %parallel_loop3A_226 : i32 to index
        %parallel_loop3A_233 = arith.constant 16 : index
        %parallel_loop3A_234 = tpu.vector_load %arg7[%parallel_loop3A_232, %parallel_loop3A_233] {strides = array<i32>} : memref<800x32xf32, #tpu.memory_space<vmem>>, vector<16xf32>,
        tpu.vector_store_idx %arg9[%parallel_loop3A_174, %iota3A_150, %parallel_loop3A_228], %parallel_loop3A_231 : memref<50x32x16xf32, #tpu.memory_space<vmem>>[vector<16xi32>, vector<16xi32>, vector<16xi32>], vector<16xf32>,
        tpu.vector_store_idx %arg9[%parallel_loop3A_174, %add3A_153, %parallel_loop3A_228], %parallel_loop3A_234 : memref<50x32x16xf32, #tpu.memory_space<vmem>>[vector<16xi32>, vector<16xi32>, vector<16xi32>], vector<16xf32>,
        %parallel_loop3A_235 = arith.constant 300 : i32
        %parallel_loop3A_236 = arith.addi %parallel_loop3A_235, %parallel_loop3A_173 : i32
        %parallel_loop3A_237 = arith.constant 6 : i32
        %parallel_loop3A_238 = vector.broadcast %parallel_loop3A_237 : i32 to vector<16xi32>
        %parallel_loop3A_239 = arith.index_cast %parallel_loop3A_236 : i32 to index
        %parallel_loop3A_240 = arith.constant 0 : index
        %parallel_loop3A_241 = tpu.vector_load %arg7[%parallel_loop3A_239, %parallel_loop3A_240] {strides = array<i32>} : memref<800x32xf32, #tpu.memory_space<vmem>>, vector<16xf32>,
        %parallel_loop3A_242 = arith.index_cast %parallel_loop3A_236 : i32 to index
        %parallel_loop3A_243 = arith.constant 16 : index
        %parallel_loop3A_244 = tpu.vector_load %arg7[%parallel_loop3A_242, %parallel_loop3A_243] {strides = array<i32>} : memref<800x32xf32, #tpu.memory_space<vmem>>, vector<16xf32>,
        tpu.vector_store_idx %arg9[%parallel_loop3A_174, %iota3A_150, %parallel_loop3A_238], %parallel_loop3A_241 : memref<50x32x16xf32, #tpu.memory_space<vmem>>[vector<16xi32>, vector<16xi32>, vector<16xi32>], vector<16xf32>,
        tpu.vector_store_idx %arg9[%parallel_loop3A_174, %add3A_153, %parallel_loop3A_238], %parallel_loop3A_244 : memref<50x32x16xf32, #tpu.memory_space<vmem>>[vector<16xi32>, vector<16xi32>, vector<16xi32>], vector<16xf32>,
        %parallel_loop3A_245 = arith.constant 350 : i32
        %parallel_loop3A_246 = arith.addi %parallel_loop3A_245, %parallel_loop3A_173 : i32
        %parallel_loop3A_247 = arith.constant 7 : i32
        %parallel_loop3A_248 = vector.broadcast %parallel_loop3A_247 : i32 to vector<16xi32>
        %parallel_loop3A_249 = arith.index_cast %parallel_loop3A_246 : i32 to index
        %parallel_loop3A_250 = arith.constant 0 : index
        %parallel_loop3A_251 = tpu.vector_load %arg7[%parallel_loop3A_249, %parallel_loop3A_250] {strides = array<i32>} : memref<800x32xf32, #tpu.memory_space<vmem>>, vector<16xf32>,
        %parallel_loop3A_252 = arith.index_cast %parallel_loop3A_246 : i32 to index
        %parallel_loop3A_253 = arith.constant 16 : index
        %parallel_loop3A_254 = tpu.vector_load %arg7[%parallel_loop3A_252, %parallel_loop3A_253] {strides = array<i32>} : memref<800x32xf32, #tpu.memory_space<vmem>>, vector<16xf32>,
        tpu.vector_store_idx %arg9[%parallel_loop3A_174, %iota3A_150, %parallel_loop3A_248], %parallel_loop3A_251 : memref<50x32x16xf32, #tpu.memory_space<vmem>>[vector<16xi32>, vector<16xi32>, vector<16xi32>], vector<16xf32>,
        tpu.vector_store_idx %arg9[%parallel_loop3A_174, %add3A_153, %parallel_loop3A_248], %parallel_loop3A_254 : memref<50x32x16xf32, #tpu.memory_space<vmem>>[vector<16xi32>, vector<16xi32>, vector<16xi32>], vector<16xf32>,
        %parallel_loop3A_255 = arith.constant 400 : i32
        %parallel_loop3A_256 = arith.addi %parallel_loop3A_255, %parallel_loop3A_173 : i32
        %parallel_loop3A_257 = arith.constant 8 : i32
        %parallel_loop3A_258 = vector.broadcast %parallel_loop3A_257 : i32 to vector<16xi32>
        %parallel_loop3A_259 = arith.index_cast %parallel_loop3A_256 : i32 to index
        %parallel_loop3A_260 = arith.constant 0 : index
        %parallel_loop3A_261 = tpu.vector_load %arg7[%parallel_loop3A_259, %parallel_loop3A_260] {strides = array<i32>} : memref<800x32xf32, #tpu.memory_space<vmem>>, vector<16xf32>,
        %parallel_loop3A_262 = arith.index_cast %parallel_loop3A_256 : i32 to index
        %parallel_loop3A_263 = arith.constant 16 : index
        %parallel_loop3A_264 = tpu.vector_load %arg7[%parallel_loop3A_262, %parallel_loop3A_263] {strides = array<i32>} : memref<800x32xf32, #tpu.memory_space<vmem>>, vector<16xf32>,
        tpu.vector_store_idx %arg9[%parallel_loop3A_174, %iota3A_150, %parallel_loop3A_258], %parallel_loop3A_261 : memref<50x32x16xf32, #tpu.memory_space<vmem>>[vector<16xi32>, vector<16xi32>, vector<16xi32>], vector<16xf32>,
        tpu.vector_store_idx %arg9[%parallel_loop3A_174, %add3A_153, %parallel_loop3A_258], %parallel_loop3A_264 : memref<50x32x16xf32, #tpu.memory_space<vmem>>[vector<16xi32>, vector<16xi32>, vector<16xi32>], vector<16xf32>,
        %parallel_loop3A_265 = arith.constant 450 : i32
        %parallel_loop3A_266 = arith.addi %parallel_loop3A_265, %parallel_loop3A_173 : i32
        %parallel_loop3A_267 = arith.constant 9 : i32
        %parallel_loop3A_268 = vector.broadcast %parallel_loop3A_267 : i32 to vector<16xi32>
        %parallel_loop3A_269 = arith.index_cast %parallel_loop3A_266 : i32 to index
        %parallel_loop3A_270 = arith.constant 0 : index
        %parallel_loop3A_271 = tpu.vector_load %arg7[%parallel_loop3A_269, %parallel_loop3A_270] {strides = array<i32>} : memref<800x32xf32, #tpu.memory_space<vmem>>, vector<16xf32>,
        %parallel_loop3A_272 = arith.index_cast %parallel_loop3A_266 : i32 to index
        %parallel_loop3A_273 = arith.constant 16 : index
        %parallel_loop3A_274 = tpu.vector_load %arg7[%parallel_loop3A_272, %parallel_loop3A_273] {strides = array<i32>} : memref<800x32xf32, #tpu.memory_space<vmem>>, vector<16xf32>,
        tpu.vector_store_idx %arg9[%parallel_loop3A_174, %iota3A_150, %parallel_loop3A_268], %parallel_loop3A_271 : memref<50x32x16xf32, #tpu.memory_space<vmem>>[vector<16xi32>, vector<16xi32>, vector<16xi32>], vector<16xf32>,
        tpu.vector_store_idx %arg9[%parallel_loop3A_174, %add3A_153, %parallel_loop3A_268], %parallel_loop3A_274 : memref<50x32x16xf32, #tpu.memory_space<vmem>>[vector<16xi32>, vector<16xi32>, vector<16xi32>], vector<16xf32>,
        %parallel_loop3A_275 = arith.constant 500 : i32
        %parallel_loop3A_276 = arith.addi %parallel_loop3A_275, %parallel_loop3A_173 : i32
        %parallel_loop3A_277 = arith.constant 10 : i32
        %parallel_loop3A_278 = vector.broadcast %parallel_loop3A_277 : i32 to vector<16xi32>
        %parallel_loop3A_279 = arith.index_cast %parallel_loop3A_276 : i32 to index
        %parallel_loop3A_280 = arith.constant 0 : index
        %parallel_loop3A_281 = tpu.vector_load %arg7[%parallel_loop3A_279, %parallel_loop3A_280] {strides = array<i32>} : memref<800x32xf32, #tpu.memory_space<vmem>>, vector<16xf32>,
        %parallel_loop3A_282 = arith.index_cast %parallel_loop3A_276 : i32 to index
        %parallel_loop3A_283 = arith.constant 16 : index
        %parallel_loop3A_284 = tpu.vector_load %arg7[%parallel_loop3A_282, %parallel_loop3A_283] {strides = array<i32>} : memref<800x32xf32, #tpu.memory_space<vmem>>, vector<16xf32>,
        tpu.vector_store_idx %arg9[%parallel_loop3A_174, %iota3A_150, %parallel_loop3A_278], %parallel_loop3A_281 : memref<50x32x16xf32, #tpu.memory_space<vmem>>[vector<16xi32>, vector<16xi32>, vector<16xi32>], vector<16xf32>,
        tpu.vector_store_idx %arg9[%parallel_loop3A_174, %add3A_153, %parallel_loop3A_278], %parallel_loop3A_284 : memref<50x32x16xf32, #tpu.memory_space<vmem>>[vector<16xi32>, vector<16xi32>, vector<16xi32>], vector<16xf32>,
        %parallel_loop3A_285 = arith.constant 550 : i32
        %parallel_loop3A_286 = arith.addi %parallel_loop3A_285, %parallel_loop3A_173 : i32
        %parallel_loop3A_287 = arith.constant 11 : i32
        %parallel_loop3A_288 = vector.broadcast %parallel_loop3A_287 : i32 to vector<16xi32>
        %parallel_loop3A_289 = arith.index_cast %parallel_loop3A_286 : i32 to index
        %parallel_loop3A_290 = arith.constant 0 : index
        %parallel_loop3A_291 = tpu.vector_load %arg7[%parallel_loop3A_289, %parallel_loop3A_290] {strides = array<i32>} : memref<800x32xf32, #tpu.memory_space<vmem>>, vector<16xf32>,
        %parallel_loop3A_292 = arith.index_cast %parallel_loop3A_286 : i32 to index
        %parallel_loop3A_293 = arith.constant 16 : index
        %parallel_loop3A_294 = tpu.vector_load %arg7[%parallel_loop3A_292, %parallel_loop3A_293] {strides = array<i32>} : memref<800x32xf32, #tpu.memory_space<vmem>>, vector<16xf32>,
        tpu.vector_store_idx %arg9[%parallel_loop3A_174, %iota3A_150, %parallel_loop3A_288], %parallel_loop3A_291 : memref<50x32x16xf32, #tpu.memory_space<vmem>>[vector<16xi32>, vector<16xi32>, vector<16xi32>], vector<16xf32>,
        tpu.vector_store_idx %arg9[%parallel_loop3A_174, %add3A_153, %parallel_loop3A_288], %parallel_loop3A_294 : memref<50x32x16xf32, #tpu.memory_space<vmem>>[vector<16xi32>, vector<16xi32>, vector<16xi32>], vector<16xf32>,
        %parallel_loop3A_295 = arith.constant 600 : i32
        %parallel_loop3A_296 = arith.addi %parallel_loop3A_295, %parallel_loop3A_173 : i32
        %parallel_loop3A_297 = arith.constant 12 : i32
        %parallel_loop3A_298 = vector.broadcast %parallel_loop3A_297 : i32 to vector<16xi32>
        %parallel_loop3A_299 = arith.index_cast %parallel_loop3A_296 : i32 to index
        %parallel_loop3A_300 = arith.constant 0 : index
        %parallel_loop3A_301 = tpu.vector_load %arg7[%parallel_loop3A_299, %parallel_loop3A_300] {strides = array<i32>} : memref<800x32xf32, #tpu.memory_space<vmem>>, vector<16xf32>,
        %parallel_loop3A_302 = arith.index_cast %parallel_loop3A_296 : i32 to index
        %parallel_loop3A_303 = arith.constant 16 : index
        %parallel_loop3A_304 = tpu.vector_load %arg7[%parallel_loop3A_302, %parallel_loop3A_303] {strides = array<i32>} : memref<800x32xf32, #tpu.memory_space<vmem>>, vector<16xf32>,
        tpu.vector_store_idx %arg9[%parallel_loop3A_174, %iota3A_150, %parallel_loop3A_298], %parallel_loop3A_301 : memref<50x32x16xf32, #tpu.memory_space<vmem>>[vector<16xi32>, vector<16xi32>, vector<16xi32>], vector<16xf32>,
        tpu.vector_store_idx %arg9[%parallel_loop3A_174, %add3A_153, %parallel_loop3A_298], %parallel_loop3A_304 : memref<50x32x16xf32, #tpu.memory_space<vmem>>[vector<16xi32>, vector<16xi32>, vector<16xi32>], vector<16xf32>,
        %parallel_loop3A_305 = arith.constant 650 : i32
        %parallel_loop3A_306 = arith.addi %parallel_loop3A_305, %parallel_loop3A_173 : i32
        %parallel_loop3A_307 = arith.constant 13 : i32
        %parallel_loop3A_308 = vector.broadcast %parallel_loop3A_307 : i32 to vector<16xi32>
        %parallel_loop3A_309 = arith.index_cast %parallel_loop3A_306 : i32 to index
        %parallel_loop3A_310 = arith.constant 0 : index
        %parallel_loop3A_311 = tpu.vector_load %arg7[%parallel_loop3A_309, %parallel_loop3A_310] {strides = array<i32>} : memref<800x32xf32, #tpu.memory_space<vmem>>, vector<16xf32>,
        %parallel_loop3A_312 = arith.index_cast %parallel_loop3A_306 : i32 to index
        %parallel_loop3A_313 = arith.constant 16 : index
        %parallel_loop3A_314 = tpu.vector_load %arg7[%parallel_loop3A_312, %parallel_loop3A_313] {strides = array<i32>} : memref<800x32xf32, #tpu.memory_space<vmem>>, vector<16xf32>,
        tpu.vector_store_idx %arg9[%parallel_loop3A_174, %iota3A_150, %parallel_loop3A_308], %parallel_loop3A_311 : memref<50x32x16xf32, #tpu.memory_space<vmem>>[vector<16xi32>, vector<16xi32>, vector<16xi32>], vector<16xf32>,
        tpu.vector_store_idx %arg9[%parallel_loop3A_174, %add3A_153, %parallel_loop3A_308], %parallel_loop3A_314 : memref<50x32x16xf32, #tpu.memory_space<vmem>>[vector<16xi32>, vector<16xi32>, vector<16xi32>], vector<16xf32>,
        %parallel_loop3A_315 = arith.constant 700 : i32
        %parallel_loop3A_316 = arith.addi %parallel_loop3A_315, %parallel_loop3A_173 : i32
        %parallel_loop3A_317 = arith.constant 14 : i32
        %parallel_loop3A_318 = vector.broadcast %parallel_loop3A_317 : i32 to vector<16xi32>
        %parallel_loop3A_319 = arith.index_cast %parallel_loop3A_316 : i32 to index
        %parallel_loop3A_320 = arith.constant 0 : index
        %parallel_loop3A_321 = tpu.vector_load %arg7[%parallel_loop3A_319, %parallel_loop3A_320] {strides = array<i32>} : memref<800x32xf32, #tpu.memory_space<vmem>>, vector<16xf32>,
        %parallel_loop3A_322 = arith.index_cast %parallel_loop3A_316 : i32 to index
        %parallel_loop3A_323 = arith.constant 16 : index
        %parallel_loop3A_324 = tpu.vector_load %arg7[%parallel_loop3A_322, %parallel_loop3A_323] {strides = array<i32>} : memref<800x32xf32, #tpu.memory_space<vmem>>, vector<16xf32>,
        tpu.vector_store_idx %arg9[%parallel_loop3A_174, %iota3A_150, %parallel_loop3A_318], %parallel_loop3A_321 : memref<50x32x16xf32, #tpu.memory_space<vmem>>[vector<16xi32>, vector<16xi32>, vector<16xi32>], vector<16xf32>,
        tpu.vector_store_idx %arg9[%parallel_loop3A_174, %add3A_153, %parallel_loop3A_318], %parallel_loop3A_324 : memref<50x32x16xf32, #tpu.memory_space<vmem>>[vector<16xi32>, vector<16xi32>, vector<16xi32>], vector<16xf32>,
        %parallel_loop3A_325 = arith.constant 750 : i32
        %parallel_loop3A_326 = arith.addi %parallel_loop3A_325, %parallel_loop3A_173 : i32
        %parallel_loop3A_327 = arith.constant 15 : i32
        %parallel_loop3A_328 = vector.broadcast %parallel_loop3A_327 : i32 to vector<16xi32>
        %parallel_loop3A_329 = arith.index_cast %parallel_loop3A_326 : i32 to index
        %parallel_loop3A_330 = arith.constant 0 : index
        %parallel_loop3A_331 = tpu.vector_load %arg7[%parallel_loop3A_329, %parallel_loop3A_330] {strides = array<i32>} : memref<800x32xf32, #tpu.memory_space<vmem>>, vector<16xf32>,
        %parallel_loop3A_332 = arith.index_cast %parallel_loop3A_326 : i32 to index
        %parallel_loop3A_333 = arith.constant 16 : index
        %parallel_loop3A_334 = tpu.vector_load %arg7[%parallel_loop3A_332, %parallel_loop3A_333] {strides = array<i32>} : memref<800x32xf32, #tpu.memory_space<vmem>>, vector<16xf32>,
        tpu.vector_store_idx %arg9[%parallel_loop3A_174, %iota3A_150, %parallel_loop3A_328], %parallel_loop3A_331 : memref<50x32x16xf32, #tpu.memory_space<vmem>>[vector<16xi32>, vector<16xi32>, vector<16xi32>], vector<16xf32>,
        tpu.vector_store_idx %arg9[%parallel_loop3A_174, %add3A_153, %parallel_loop3A_328], %parallel_loop3A_334 : memref<50x32x16xf32, #tpu.memory_space<vmem>>[vector<16xi32>, vector<16xi32>, vector<16xi32>], vector<16xf32>,
      } {sc.loop_unroll_factor = 2 : i64, sc.parallel_access}
      %mul3A_157 = arith.constant 16 : i32
      %mul3A_158 = arith.muli %add3A_132, %mul3A_157 : i32
      %add3A_159 = arith.addi %mul3A_2, %mul3A_158 : i32
      %dma_start3A_160 = arith.constant 0 : i32
      %dma_start3A_161 = arith.constant 0 : i32
      %dma_start3A_162 = tpu.memref_slice %arg4[%dma_start3A_160, %dma_start3A_161, %add3A_159] : memref<50x32x16384xf32, #tpu.memory_space<hbm>> -> memref<50x32x16xf32, #tpu.memory_space<hbm>>
      %dma_start3A_163 = arith.constant 0 : i32
      %dma_start3A_164 = arith.constant 0 : i32
      %dma_start3A_165 = tpu.memref_slice %arg4[%dma_start3A_163, %dma_start3A_164, %add3A_159] : memref<50x32x16384xf32, #tpu.memory_space<hbm>> -> memref<50x32x16xf32, #tpu.memory_space<hbm>>
      tpu.enqueue_dma source(%arg9 : memref<50x32x16xf32, #tpu.memory_space<vmem>>) target(%dma_start3A_165 : memref<50x32x16xf32, #tpu.memory_space<hbm>>) target_semaphore(%arg13 : memref<!tpu.dma_semaphore, #tpu.memory_space<semaphore_mem>>)
      %add3A_166 = arith.constant 2 : i32
      %add3A_167 = arith.addi %add3A_132, %add3A_166 : i32
      %lt3A_168 = arith.constant 32 : i32
      %lt3A_169 = arith.cmpi slt, %add3A_167, %lt3A_168 : i32
      %convert_element_type3A_170 = arith.extui %lt3A_169 : i1 to i32
      %cond3A_171 = arith.constant 0 : i32
      %cond3A_172 = arith.cmpi ne, %convert_element_type3A_170, %cond3A_171 : i32
      scf.if %cond3A_172 {
        %add3A_173 = arith.constant 2 : i32
        %add3A_174 = arith.addi %add3A_132, %add3A_173 : i32
        %dma_start3A_175 = arith.constant 0 : i32
        %dma_start3A_176 = tpu.memref_slice %arg5[%add3A_174, %dma_start3A_175] : memref<32x800xi32, #tpu.memory_space<vmem>> -> memref<1x800xi32, #tpu.memory_space<vmem>>
        %dma_start3A_177 = tpu.memref_squeeze %dma_start3A_176 : memref<1x800xi32, #tpu.memory_space<vmem>> -> memref<800xi32, #tpu.memory_space<vmem>>
        %dma_start3A_178 = arith.constant 0 : i32
        %dma_start3A_179 = arith.constant 0 : i32
        %dma_start3A_180 = tpu.memref_slice %arg3[%dma_start3A_178, %dma_start3A_179] : memref<1000000x32xf32, #tpu.memory_space<hbm>> -> memref<1000000x32xf32, #tpu.memory_space<hbm>>
        tpu.enqueue_indirect_dma source(%dma_start3A_180 : memref<1000000x32xf32, #tpu.memory_space<hbm>>) target(%arg7 : memref<800x32xf32, #tpu.memory_space<vmem>>) offsets(%dma_start3A_177 : memref<800xi32, #tpu.memory_space<vmem>>) semaphore(%arg11 : memref<!tpu.dma_semaphore, #tpu.memory_space<semaphore_mem>>)
      } else {
      }
    }
    %scan3A_75 = arith.constant 15 : i32
    %add3A_76 = arith.constant 480 : i32
    %add3A_77 = arith.addi %mul3A_2, %add3A_76 : i32
    %dma_wait3A_78 = arith.constant 0 : i32
    %dma_wait3A_79 = arith.constant 0 : i32
    %dma_wait3A_80 = tpu.memref_slice %arg4[%dma_wait3A_78, %dma_wait3A_79, %add3A_77] : memref<50x32x16384xf32, #tpu.memory_space<hbm>> -> memref<50x32x16xf32, #tpu.memory_space<hbm>>
    %dma_wait3A_81 = arith.constant 0 : i32
    %dma_wait3A_82 = arith.constant 0 : i32
    %dma_wait3A_83 = tpu.memref_slice %arg4[%dma_wait3A_81, %dma_wait3A_82, %add3A_77] : memref<50x32x16384xf32, #tpu.memory_space<hbm>> -> memref<50x32x16xf32, #tpu.memory_space<hbm>>
    tpu.wait_dma2 semaphore(%arg12 : memref<!tpu.dma_semaphore, #tpu.memory_space<semaphore_mem>>) src(%arg8 : memref<50x32x16xf32, #tpu.memory_space<vmem>>) dst(%dma_wait3A_83 : memref<50x32x16xf32, #tpu.memory_space<hbm>>)
    %add3A_84 = arith.constant 496 : i32
    %add3A_85 = arith.addi %mul3A_2, %add3A_84 : i32
    %dma_wait3A_86 = arith.constant 0 : i32
    %dma_wait3A_87 = arith.constant 0 : i32
    %dma_wait3A_88 = tpu.memref_slice %arg4[%dma_wait3A_86, %dma_wait3A_87, %add3A_85] : memref<50x32x16384xf32, #tpu.memory_space<hbm>> -> memref<50x32x16xf32, #tpu.memory_space<hbm>>
    %dma_wait3A_89 = arith.constant 0 : i32
    %dma_wait3A_90 = arith.constant 0 : i32
    %dma_wait3A_91 = tpu.memref_slice %arg4[%dma_wait3A_89, %dma_wait3A_90, %add3A_85] : memref<50x32x16384xf32, #tpu.memory_space<hbm>> -> memref<50x32x16xf32, #tpu.memory_space<hbm>>
    tpu.wait_dma2 semaphore(%arg13 : memref<!tpu.dma_semaphore, #tpu.memory_space<semaphore_mem>>) src(%arg9 : memref<50x32x16xf32, #tpu.memory_space<vmem>>) dst(%dma_wait3A_91 : memref<50x32x16xf32, #tpu.memory_space<hbm>>)
    return
  }
}

</mosaic_0001>

<sc_bundles>
// kernel: kernel.3.cloned.1.call-start
scs
__scs_entry_jumppad:
0x0: {  	(pc) =	sbr.rel $0x88, $3  }
0x1: {  	(tag) =	ssettag $0x0;
	lr =	simm.s32 $0x1  }
0x2: {  	[smem:$0x3F9F] =	sst lr;
	_ =	strace $0xD0000000  }
0x3: {  	_ = 	snop  }
0x4: {  	_ = 	snop  }
0x5: {  	_ = 	snop  }
0x6: {  	_ = 	snop  }
0x7: {  	_ = 	snop  }
__scs_overlays_trampoline_lowered:
0x8: {  	[smem:$0x3FAE] =	sst s0  }
0x9: {  	[smem:$0x3FAF] =	sst s1  }
0xa: {  	[smem:$0x3FB0] =	sst s2  }
0xb: {  	[smem:$0x3FB1] =	sst s3  }
0xc: {  	[smem:$0x3FB2] =	sst s4  }
0xd: {  	[smem:$0x3FB3] =	sst s5  }
0xe: {  	[smem:$0x3FB4] =	sst s6  }
0xf: {  	[smem:$0x3FB5] =	sst s7  }
0x10: {  	[smem:$0x3FB6] =	sst s8  }
0x11: {  	[smem:$0x3FB7] =	sst s9;
	s0 =	simm.s32 @!p0 $0x0  }
0x12: {  	s1 =	sld [smem:$0x3F9D];
	s0 =	simm.s32 @p0 $0x1  }
0x13: {  	[smem:$0x3FB8] =	sst s0;
	s0 =	simm.s32 @!p1 $0x0  }
0x14: {  	s2 =	sld [smem:$0x3F9C];
	s0 =	simm.s32 @p1 $0x1  }
0x15: {  	[smem:$0x3FB9] =	sst s0;
	s0 =	simm.s32 @!p2 $0x0  }
0x16: {  	s3 =	sld [smem:$0x3FDB];
	s0 =	simm.s32 @p2 $0x1  }
0x17: {  	s4 =	simm.s32 $0x1BF5;
	[smem:$0x3FBB] =	sst s0  }
0x18: {  	s0 =	sld [smem:$0x3F9E];
	_ =	swait.ge [sflag:s4], $0x0  }
0x19: {  	s7 =	sld [smem:$0x3F9F]  }
0x1a: {  	s8 =	sadd.s32 $0xFFFFE003, lr  }
0x1b: {  	s9 =	sadd.s32 $0xFFFFFEF7, lr;
	s5 =	simm.s32 $0xFFFFFFFF;
	p2 =	slt.u32 s8, $0xFFFFF086  }
0x1c: {  	p1 =	slt.u32 s9, $0xF7A;
	s5 =	simm.s32 @!p2 $0x0  }
0x1d: {  	s5 =	simm.s32 @p1 $0x1;
	p0 =	seq.s32 s7, s2  }
0x1e: {  	s7 =	smul.u32 @!p0 $0xF7A, s2;
	p2 =	seq.s32 @!p0 s5, $0x0  }
0x1f: {  	s9 =	smul.u32 $0xF7A, s1;
	s8 =	simm.s32 @!p0 $0x1BF5;
	p2 =	por !p2, p0  }
0x20: {  	[sflag:s8] =	ssyncset.s32 @!p0 $0xFFFFF086;
	s6 =	sadd.s32 @!p0 s3, s7;
	s7 =	simm.s32 @!p0 $0x108  }
0x21: {  	s3 =	sadd.s32 s3, s9;
	s6 =	sadd.s32 @!p0 $0x88, s6;
	s7 =	simm.s32 @p2 $0x1082  }
0x22: {  	[simem:s7], [sflag:s8] =	dma.local @!p0 [hbm:s6], $0xF7A  }
0x23: {  	s9 =	sor.u32 $0xD0000000, s2;
	s6 =	simm.s32 $0x108;
	_ =	swait.ge @!p0 [sflag:s8], $0x0  }
0x24: {  	s3 =	sadd.s32 $0x88, s3;
	s6 =	simm.s32 @!p1 $0x1082;
	[sflag:s4] =	ssyncset.s32 $0xFFFFF086  }
0x25: {  	[simem:s6], [sflag:s4] =	dma.local [hbm:s3], $0xF7A  }
0x26: {  	[smem:$0x3F9F] =	sst s1;
	(tag) =	ssettag s2;
	_ =	strace s9  }
0x27: {  	s1 =	sld [smem:$0x3FAF]  }
0x28: {  	s2 =	sld [smem:$0x3FB0]  }
0x29: {  	s4 =	sld [smem:$0x3FB2]  }
0x2a: {  	p0 =	seq.s32 s5, $0x0;
	s5 =	sld [smem:$0x3FB3]  }
0x2b: {  	s6 =	sld [smem:$0x3FB4]  }
0x2c: {  	s7 =	sld [smem:$0x3FB5]  }
0x2d: {  	s3 =	simm.s32 $0x108;
	s8 =	sld [smem:$0x3FB6]  }
0x2e: {  	s3 =	simm.s32 @!p0 $0x1082;
	s9 =	sld [smem:$0x3FB7]  }
0x2f: {  	lr =	sadd.s32 s0, s3;
	s0 =	sld [smem:$0x3FAE]  }
0x30: {  	s3 =	sld [smem:$0x3FB1]  }
0x31: {  	[smem:$0x3FBA] =	sst s10  }
0x32: {  	s10 =	sld [smem:$0x3FB8];
	_ =	sdelay $0x3  }
0x33: {  	p0 =	seq.s32 s10, $0x1;
	s10 =	sld [smem:$0x3FBA];
	_ =	sdelay $0x3  }
0x34: {  	[smem:$0x3FBA] =	sst s10  }
0x35: {  	s10 =	sld [smem:$0x3FB9];
	_ =	sdelay $0x3  }
0x36: {  	p1 =	seq.s32 s10, $0x1;
	s10 =	sld [smem:$0x3FBA];
	_ =	sdelay $0x3  }
0x37: {  	[smem:$0x3FBA] =	sst s10  }
0x38: {  	s10 =	sld [smem:$0x3FBB]  }
0x39: {  	_ = 	snop;
	(pc) =	sbr.ind lr, $3  }
0x3a: {  	_ = 	snop  }
0x3b: {  	_ = 	snop  }
0x3c: {  	p2 =	seq.s32 s10, $0x1;
	s10 =	sld [smem:$0x3FBA]  }
0x3d: {  	_ =	shalt  }
0x3e: {  	_ =	shalt  }
0x3f: {  	_ =	shalt  }
0x40: {  	_ =	shalt  }
0x41: {  	_ =	shalt  }
0x42: {  	_ =	shalt  }
0x43: {  	_ =	shalt  }
0x44: {  	_ =	shalt  }
0x45: {  	_ =	shalt  }
0x46: {  	_ =	shalt  }
0x47: {  	_ =	shalt  }
0x48: {  	_ =	shalt  }
0x49: {  	_ =	shalt  }
0x4a: {  	_ =	shalt  }
0x4b: {  	_ =	shalt  }
0x4c: {  	_ =	shalt  }
0x4d: {  	_ =	shalt  }
0x4e: {  	_ =	shalt  }
0x4f: {  	_ =	shalt  }
0x50: {  	_ =	shalt  }
0x51: {  	_ =	shalt  }
0x52: {  	_ =	shalt  }
0x53: {  	_ =	shalt  }
0x54: {  	_ =	shalt  }
0x55: {  	_ =	shalt  }
0x56: {  	_ =	shalt  }
0x57: {  	_ =	shalt  }
0x58: {  	_ =	shalt  }
0x59: {  	_ =	shalt  }
0x5a: {  	_ =	shalt  }
0x5b: {  	_ =	shalt  }
0x5c: {  	_ =	shalt  }
0x5d: {  	_ =	shalt  }
0x5e: {  	_ =	shalt  }
0x5f: {  	_ =	shalt  }
0x60: {  	_ =	shalt  }
0x61: {  	_ =	shalt  }
0x62: {  	_ =	shalt  }
0x63: {  	_ =	shalt  }
0x64: {  	_ =	shalt  }
0x65: {  	_ =	shalt  }
0x66: {  	_ =	shalt  }
0x67: {  	_ =	shalt  }
0x68: {  	_ =	shalt  }
0x69: {  	_ =	shalt  }
0x6a: {  	_ =	shalt  }
0x6b: {  	_ =	shalt  }
0x6c: {  	_ =	shalt  }
0x6d: {  	_ =	shalt  }
0x6e: {  	_ =	shalt  }
0x6f: {  	_ =	shalt  }
0x70: {  	_ =	shalt  }
0x71: {  	_ =	shalt  }
0x72: {  	_ =	shalt  }
0x73: {  	_ =	shalt  }
0x74: {  	_ =	shalt  }
0x75: {  	_ =	shalt  }
0x76: {  	_ =	shalt  }
0x77: {  	_ =	shalt  }
0x78: {  	_ =	shalt  }
0x79: {  	_ =	shalt  }
0x7a: {  	_ =	shalt  }
0x7b: {  	_ =	shalt  }
0x7c: {  	_ =	shalt  }
0x7d: {  	_ =	shalt  }
0x7e: {  	_ =	shalt  }
0x7f: {  	_ =	shalt  }
0x80: {  	_ =	shalt  }
0x81: {  	_ =	shalt  }
0x82: {  	_ =	shalt  }
0x83: {  	_ =	shalt  }
0x84: {  	_ =	shalt  }
0x85: {  	_ =	shalt  }
0x86: {  	_ =	shalt  }
0x87: {  	_ =	shalt  }
.Lfunc_end0:
.L_simem_size_0:
called_computation_lowered:
.L_overlay_start_0:
0x88: {  	s2 =	sld [smem:$0x3FD9]  }
0x89: {  	s3 =	sld [smem:$0x3FFE];
	_ =	sdelay $0x1  }
0x8a: {  	s1 =	srdreg.scid  }
0x8b: {  	s0 =	sand.u32 $0x1, s1  }
0x8c: {  	s17 =	sshll.u32 s0, $0xA;
	s2 =	sadd.s32 s3, s2  }
0x8d: {  	s2 =	sadd.s32 s2, s17  }
0x8e: {  	[smem:$0x3FC6] =	sst s2  }
0x8f: {  	_ = 	snop  }
0x90: {  	s2 =	sld [smem:$0x3FD0];
	(tm) =	ssettm $0x1  }
0x91: {  	s18 =	sld [smem:$0x3FFB];
	_ =	sdelay $0x3  }
0x92: {  	_ =	strace s18  }
0x93: {  	s3 =	sld [smem:$0x3FFC];
	_ =	sdelay $0x3  }
0x94: {  	_ =	strace s3  }
0x95: {  	s3 =	sld [smem:$0x3FFD];
	_ =	sdelay $0x3  }
0x96: {  	_ =	strace s3  }
0x97: {  	_ =	strace $0x8FFFFFFF  }
0x98: {  	s19 =	sld [smem:$0x3FDB];
	_ =	sdelay $0x1  }
0x99: {  	s4 =	simm.s32 $_scs_section_size  }
0x9a: {  	s5 =	simm.s32 $_size__tile_overlayer_lowered;
	s6 =	simm.s32 $_tile_overlayer_lowered  }
0x9b: {  	s22 =	simm.s32 $0x1BFF;
	s21 =	sshll.u32 s6, $0x1;
	s3 =	sadd.s32 s4, s19  }
0x9c: {  	s7 =	simm.s32 $0x0;
	s20 =	sshll.u32 s5, $0x1;
	s5 =	sadd.s32 s21, s3  }
0x9d: {  	[timem:s7], [sflag:s22] =	dma.local [hbm:s5], s20  }
0x9e: {  	_ =	swait.ge [sflag:s22], s20  }
0x9f: {  	s4 =	ssub.s32 $0x0, s20;
	[sflag:s22] =	ssyncset.done $0x0  }
0xa0: {  	[sflag:s22] =	ssyncadd.s32 s4;
	_ =	sdelay $0x1  }
0xa1: {  	s23 =	simm.s32 $0x1B8B  }
0xa2: {  	_ =	swait.ge [sflag:s23], $0x1  }
0xa3: {  	[sflag:s23] =	ssyncset.done $0x0  }
0xa4: {  	s25 =	simm.s32 $0x1B8E;
	s24 =	sld [smem:$0x3FFE];
	[sflag:s23] =	ssyncadd.s32 $0xFFFFFFFF  }
0xa5: {  	s26 =	simm.s32 $execute0_lowered;
	[smem:$0x3FD2] =	sst s25  }
0xa6: {  	s5 =	sshll.u32 s26, $0x1;
	_ =	strace $0x80000046;
	[dreg:$0x1] =	wrdreg $0xFFFFFFFF  }
0xa7: {  	s28 =	simm.s32 $_size_execute0_lowered;
	s3 =	sadd.s32 s3, s5;
	[dreg:$0x0] =	wrdreg $0x0  }
0xa8: {  	s5 =	sshll.u32 s28, $0x1;
	[dreg:$0x2] =	wrdreg s3  }
0xa9: {  	[dreg:$0x3] =	wrdreg s5  }
0xaa: {  	[dreg:$0x4] =	wrdreg $0xC0  }
0xab: {  	_ =	task [dreg:s7], $0x5FFFF  }
0xac: {  	[dreg:$0x1] =	wrdreg $0xFFFFFFFF  }
0xad: {  	[dreg:$0x0] =	wrdreg $0x60  }
0xae: {  	[dreg:$0x2] =	wrdreg s2  }
0xaf: {  	[dreg:$0x3] =	wrdreg s24  }
0xb0: {  	[dreg:$0x4] =	wrdreg $0x9  }
0xb1: {  	_ =	task.clear_ibuf [dreg:s7], $0x5FFFF;
	_ =	strace $0x90000046  }
0xb2: {  	s29 =	simm.s32 $0x9;
	_ =	strace $0x80000048  }
0xb3: {  	_ =	swait.ge [sflag:s29], $0x1  }
0xb4: {  	[sflag:s29] =	ssyncadd.s32 $0xFFFFFFFF  }
0xb5: {  	_ =	strace $0x90000048  }
0xb6: {  	_ =	sfence  }
0xb7: {  	s30 =	sld [smem:$0x0];
	_ =	sdelay $0x2  }
0xb8: {  	s31 =	sshll.u32 s1, $0xD;
	s1 =	sshrl.u32 s1, $0x2  }
0xb9: {  	s3 =	sand.u32 $0x4000, s31;
	s1 =	sadd.s32 s1, s30  }
0xba: {  	s0 =	sor.u32 s3, s0;
	s1 =	sshll.u32 s1, $0x11  }
0xbb: {  	s0 =	sor.u32 s1, s0  }
0xbc: {  	s0 =	sadd.s32 $0x8F2B, s0  }
0xbd: {  	[sflag:s0] =	ssyncadd.remote.s32 $0x1  }
0xbe: {  	_ =	sfence.sel $0xFFFF  }
0xbf: {  	[dreg:$0x0] =	wrdreg $0xFFFFFFFF;
	(pc) =	sbr.abs _section_cstart, $3  }
0xc0: {  	[dreg:$0x1] =	wrdreg $0xFFFFFFFF  }
0xc1: {  	_ =	task.clear_ibuf [dreg:s7], $0x2FFFF;
	_ =	strace $0x9FFFFFFF  }
0xc2: {  	(tm) =	ssettm $0x7FFFFFFF  }
0xc3: {  	_ =	shalt  }
tec
execute0_lowered:
.L_overlay_start_1:
0x0: {  	(tag) =	ssettag $0x1  }
0x1: {  	v0 =	vlaneseq.u32  }
0x2: {  	s0 =	rddreg [dreg:$0x0];
	s2 =	simm.s32 $0x0;
	v24 =	vmul.u32 $0x10, v0  }
0x3: {  	[smem:$0x7FF] =	sst s2  }
0x4: {  	s1 =	rddreg [dreg:$0x1];
	_ =	strace $0x80000047;
	v0 =	vor.u32 $0x2, v24;
	[tilespmem:$0x1FE40] =	vst v24  }
0x5: {  	v61 =	vor.u32 $0x102, v24;
	[tilespmem:$0x1FE00] =	vst v0  }
0x6: {  	v62 =	vor.u32 $0x106, v24;
	[tilespmem:$0x1FE10] =	vst v61  }
0x7: {  	v63 =	vor.u32 $0x7, v24;
	[tilespmem:$0x1FE20] =	vst v62  }
0x8: {  	v30 =	vor.u32 $0x100, v24;
	[tilespmem:$0x1FE30] =	vst v63  }
0x9: {  	v31 =	vor.u32 $0x1, v24;
	[tilespmem:$0x1FE50] =	vst v30  }
0xa: {  	v45 =	vor.u32 $0x101, v24;
	[tilespmem:$0x1FE60] =	vst v31  }
0xb: {  	v34 =	vor.u32 $0x3, v24;
	[tilespmem:$0x1FE70] =	vst v45  }
0xc: {  	v29 =	vor.u32 $0x103, v24;
	[tilespmem:$0x1FE80] =	vst v34  }
0xd: {  	v33 =	vor.u32 $0x4, v24;
	[tilespmem:$0x1FE90] =	vst v29  }
0xe: {  	v25 =	vor.u32 $0x104, v24;
	[tilespmem:$0x1FEA0] =	vst v33  }
0xf: {  	v23 =	vor.u32 $0x10C, v24;
	[tilespmem:$0x1FEB0] =	vst v25  }
0x10: {  	v55 =	vor.u32 $0xD, v24;
	[tilespmem:$0x1FEC0] =	vst v23  }
0x11: {  	v15 =	vor.u32 $0x10B, v24;
	[tilespmem:$0x1FED0] =	vst v55  }
0x12: {  	v38 =	vor.u32 $0x10E, v24;
	[tilespmem:$0x1FEE0] =	vst v15  }
0x13: {  	v36 =	vor.u32 $0xE, v24;
	[tilespmem:$0x1FEF0] =	vst v38  }
0x14: {  	v39 =	vor.u32 $0xF, v24;
	[tilespmem:$0x1FF00] =	vst v36  }
0x15: {  	v17 =	vor.u32 $0x10A, v24;
	[tilespmem:$0x1FF10] =	vst v39  }
0x16: {  	v14 =	vor.u32 $0x10D, v24;
	[tilespmem:$0x1FF20] =	vst v17  }
0x17: {  	v40 =	vor.u32 $0x10F, v24;
	[tilespmem:$0x1FF30] =	vst v14  }
0x18: {  	v16 =	vor.u32 $0xA, v24;
	[tilespmem:$0x1FF40] =	vst v40  }
0x19: {  	s29 =	srdreg.scid;
	v21 =	vor.u32 $0x108, v24;
	[tilespmem:$0x1FF50] =	vst v16  }
0x1a: {  	s4 =	stileid.u32;
	s10 =	simm.s32 $0x5;
	s11 =	simm.s32 $0x320;
	v19 =	vor.u32 $0x109, v24;
	[tilespmem:$0x1FF60] =	vst v21  }
0x1b: {  	s12 =	simm.s32 $0xC800;
	s13 =	simm.s32 $0x1;
	s14 =	simm.s32 $0x12C00;
	v20 =	vor.u32 $0x8, v24;
	[tilespmem:$0x1FF70] =	vst v19  }
0x1c: {  	s15 =	simm.s32 $0x10;
	s16 =	simm.s32 $0x4000;
	s18 =	simm.s32 $0x6400;
	v22 =	vor.u32 $0xB, v24;
	[tilespmem:$0x1FF80] =	vst v20  }
0x1d: {  	s19 =	simm.s32 $0x2;
	s20 =	simm.s32 $0x19000;
	s22 =	simm.s32 $0x3;
	v18 =	vor.u32 $0x107, v24;
	[tilespmem:$0x1FF90] =	vst v22  }
0x1e: {  	s23 =	simm.s32 $0x4;
	s24 =	simm.s32 $0x0;
	s3 =	sadd.s32 $0xF42A00, s1;
	v26 =	vor.u32 $0x6, v24;
	[tilespmem:$0x1FFA0] =	vst v18  }
.Ltmp0:
0x1f: {  	s2 =	sand.u32 $0x1, s29;
	s5 =	sshll.u32 s4, $0x1;
	v28 =	vor.u32 $0x5, v24;
	[tilespmem:$0x1FFB0] =	vst v26;
	(pc) =	sbr.rel .LBB2_1-.Ltmp0, $4  }
0x20: {  	s4 =	sadd.s32 $0x600, s1;
	s30 =	ssub.s32 $0x2, s2;
	s2 =	sor.u32 s2, s5;
	v54 =	vor.u32 $0x9, v24;
	[tilespmem:$0x1FFC0] =	vst v28  }
0x21: {  	s31 =	sshrl.u32 s30, $0x1;
	s7 =	smul.u32 $0xC80, s2;
	s6 =	sshll.u32 s2, $0x6;
	v46 =	vor.u32 $0xC, v24;
	[tilespmem:$0x1FFD0] =	vst v54  }
0x22: {  	s5 =	sshll.u32 s2, $0x9;
	v32 =	vor.u32 $0x105, v24;
	s1 =	ssub.s32 s30, s31;
	s6 =	sadd.s32 s4, s6;
	[tilespmem:$0x1FFE0] =	vst v46  }
0x23: {  	[tilespmem:$0x1FFF0] =	vst v32;
	s7 =	sadd.s32 s0, s7;
	s8 =	sadd.s32 $0x2, s6;
	s9 =	smax.u32 s1, $0x1  }
.LBB2_12:
0x24: {  	_ =	swait.ge [sflag:s22], $0x6400  }
0x25: {  	s24 =	sadd.s32 $0x1, s24;
	[sflag:s22] =	ssyncset.done $0x0  }
0x26: {  	p0 =	sne.s32 s24, s9;
	[sflag:s22] =	ssyncadd.s32 $0xFFFF9C00  }
.Ltmp1:
0x27: {  	_ =	swait.ge [sflag:s23], $0x6400;
	(pc) =	sbr.rel @!p0 .LBB2_13-.Ltmp1, $4  }
0x28: {  	v24 =	vld [tilespmem:$0x1FE40]  }
0x29: {  	v30 =	vld [tilespmem:$0x1FE50]  }
0x2a: {  	[sflag:s23] =	ssyncset.done $0x0;
	v31 =	vld [tilespmem:$0x1FE60]  }
0x2b: {  	v32 =	vmov v27;
	v25 =	vld [tilespmem:$0x1FEB0];
	[sflag:s23] =	ssyncadd.s32 $0xFFFF9C00  }
.LBB2_1:
0x2c: {  	s0 =	simm.s32 $0x0  }
0x2d: {  	[tilespmem:s0], [sflag:$0x5] =	stream.linear.gather [hbm4b:s7+s0], $0x6400, $0x38;
	[tilespmem:$0x1F400] =	vst v63  }
0x2e: {  	_ =	swait.ge [sflag:s10], $0x6400  }
0x2f: {  	[sflag:s10] =	ssyncset.done $0x0  }
0x30: {  	[sflag:s10] =	ssyncadd.s32 $0xFFFF9C00  }
0x31: {  	[tilespmem:s18], [sflag:$0x1] =	stream.indirect.gather [hbm4b:s3+s11], $0x20, s0, s11, $0xb8;
	[tilespmem:$0x1F400] =	vst v63  }
0x32: {  	_ = 	snop  }
0x33: {  	[tilespmem:s12], [sflag:$0x2] =	stream.indirect.gather [hbm4b:s3+s11], $0x20, s11, s11, $0xb8;
	[tilespmem:$0x1F400] =	vst v63  }
0x34: {  	_ =	swait.ge [sflag:s13], $0x6400  }
0x35: {  	[sflag:s13] =	ssyncset.done $0x0  }
0x36: {  	s17 =	simm.s32 $0x200;
	[sflag:s13] =	ssyncadd.s32 $0xFFFF9C00  }
0x37: {  	v1 =	vor.u32 s17, v24;
	v0 =	vld [tilespmem:s18+$0x20]  }
0x38: {  	v3 =	vor.u32 s17, v30;
	v2 =	vld [tilespmem:s18+$0x30];
	_ =	sdelay $0x3  }
0x39: {  	[tilespmem:v1+s14+$0x0] =	vst.idx.msk $0xffff, v0  }
0x3a: {  	[tilespmem:v3+s14+$0x0] =	vst.idx.msk $0xffff, v2  }
0x3b: {  	v1 =	vor.u32 s17, v31;
	v0 =	vld [tilespmem:s18+$0x660]  }
0x3c: {  	s31 =	simm.s32 $0x0;
	v3 =	vor.u32 s17, v45;
	v2 =	vld [tilespmem:s18+$0x670]  }
0x3d: {  	v4 =	vor.u32 s31, v24;
	v5 =	vld [tilespmem:s18+$0x0];
	_ =	sdelay $0x1  }
0x3e: {  	v6 =	vor.u32 s31, v30;
	v7 =	vld [tilespmem:s18+$0x10]  }
0x3f: {  	[tilespmem:v1+s14+$0x0] =	vst.idx.msk $0xffff, v0  }
0x40: {  	[tilespmem:v3+s14+$0x0] =	vst.idx.msk $0xffff, v2  }
0x41: {  	v35 =	vld [tilespmem:$0x1FE00];
	[tilespmem:v4+s14+$0x0] =	vst.idx.msk $0xffff, v5  }
0x42: {  	v48 =	vld [tilespmem:$0x1FE10]  }
0x43: {  	[tilespmem:v6+s14+$0x0] =	vst.idx.msk $0xffff, v7  }
0x44: {  	v4 =	vor.u32 s31, v31;
	v5 =	vld [tilespmem:s18+$0x640]  }
0x45: {  	v6 =	vor.u32 s31, v45;
	v7 =	vld [tilespmem:s18+$0x650]  }
0x46: {  	v0 =	vld [tilespmem:s18+$0xCA0];
	v1 =	vor.u32 s17, v35  }
0x47: {  	v2 =	vld [tilespmem:s18+$0xCB0];
	v3 =	vor.u32 s17, v48;
	_ =	sdelay $0x1  }
0x48: {  	[tilespmem:v4+s14+$0x0] =	vst.idx.msk $0xffff, v5  }
0x49: {  	[tilespmem:v6+s14+$0x0] =	vst.idx.msk $0xffff, v7  }
0x4a: {  	v4 =	vor.u32 s31, v35;
	v5 =	vld [tilespmem:s18+$0xC80];
	[tilespmem:v1+s14+$0x0] =	vst.idx.msk $0xffff, v0  }
0x4b: {  	v6 =	vor.u32 s31, v48;
	v7 =	vld [tilespmem:s18+$0xC90];
	[tilespmem:v3+s14+$0x0] =	vst.idx.msk $0xffff, v2  }
0x4c: {  	v1 =	vor.u32 s17, v34;
	v0 =	vld [tilespmem:s18+$0x12E0]  }
0x4d: {  	v3 =	vor.u32 s17, v29;
	v2 =	vld [tilespmem:s18+$0x12F0];
	_ =	sdelay $0x1  }
0x4e: {  	[tilespmem:v4+s14+$0x0] =	vst.idx.msk $0xffff, v5  }
0x4f: {  	[tilespmem:v6+s14+$0x0] =	vst.idx.msk $0xffff, v7  }
0x50: {  	v4 =	vor.u32 s31, v34;
	v5 =	vld [tilespmem:s18+$0x12C0];
	[tilespmem:v1+s14+$0x0] =	vst.idx.msk $0xffff, v0  }
0x51: {  	v6 =	vor.u32 s31, v29;
	v7 =	vld [tilespmem:s18+$0x12D0];
	[tilespmem:v3+s14+$0x0] =	vst.idx.msk $0xffff, v2  }
0x52: {  	v1 =	vor.u32 s17, v33;
	v0 =	vld [tilespmem:s18+$0x1920]  }
0x53: {  	v3 =	vor.u32 s17, v25;
	v2 =	vld [tilespmem:s18+$0x1930];
	_ =	sdelay $0x1  }
0x54: {  	[tilespmem:v4+s14+$0x0] =	vst.idx.msk $0xffff, v5  }
0x55: {  	[tilespmem:v6+s14+$0x0] =	vst.idx.msk $0xffff, v7  }
0x56: {  	[tilespmem:v1+s14+$0x0] =	vst.idx.msk $0xffff, v0  }
0x57: {  	v4 =	vor.u32 s31, v33;
	v5 =	vld [tilespmem:s18+$0x1900];
	[tilespmem:v3+s14+$0x0] =	vst.idx.msk $0xffff, v2  }
0x58: {  	v1 =	vor.u32 s17, v28;
	v0 =	vld [tilespmem:s18+$0x1F60]  }
0x59: {  	v3 =	vor.u32 s17, v32;
	v2 =	vld [tilespmem:s18+$0x1F70];
	_ =	sdelay $0x2  }
0x5a: {  	v7 =	vld [tilespmem:s18+$0x1910];
	[tilespmem:v4+s14+$0x0] =	vst.idx.msk $0xffff, v5  }
0x5b: {  	[tilespmem:v1+s14+$0x0] =	vst.idx.msk $0xffff, v0  }
0x5c: {  	[tilespmem:v3+s14+$0x0] =	vst.idx.msk $0xffff, v2  }
0x5d: {  	v50 =	vld [tilespmem:$0x1FE20];
	_ =	sdelay $0x2  }
0x5e: {  	v6 =	vor.u32 s31, v25  }
0x5f: {  	v1 =	vor.u32 s17, v26;
	v0 =	vld [tilespmem:s18+$0x25A0]  }
0x60: {  	v2 =	vld [tilespmem:s18+$0x25B0];
	v3 =	vor.u32 s17, v50;
	_ =	sdelay $0x2  }
0x61: {  	[tilespmem:v6+s14+$0x0] =	vst.idx.msk $0xffff, v7  }
0x62: {  	[tilespmem:v1+s14+$0x0] =	vst.idx.msk $0xffff, v0  }
0x63: {  	[tilespmem:v3+s14+$0x0] =	vst.idx.msk $0xffff, v2  }
0x64: {  	v56 =	vld [tilespmem:$0x1FE30];
	_ =	sdelay $0x1  }
0x65: {  	v4 =	vor.u32 s31, v28;
	v5 =	vld [tilespmem:s18+$0x1F40]  }
0x66: {  	v6 =	vor.u32 s31, v32;
	v7 =	vld [tilespmem:s18+$0x1F50];
	_ =	sdelay $0x1  }
0x67: {  	v0 =	vld [tilespmem:s18+$0x2BE0];
	v1 =	vor.u32 s17, v56  }
0x68: {  	v3 =	vor.u32 s17, v18;
	v2 =	vld [tilespmem:s18+$0x2BF0]  }
0x69: {  	[tilespmem:v4+s14+$0x0] =	vst.idx.msk $0xffff, v5  }
0x6a: {  	[tilespmem:v6+s14+$0x0] =	vst.idx.msk $0xffff, v7  }
0x6b: {  	v4 =	vor.u32 s31, v26;
	v5 =	vld [tilespmem:s18+$0x2580]  }
0x6c: {  	v6 =	vor.u32 s31, v50;
	v7 =	vld [tilespmem:s18+$0x2590];
	[tilespmem:v1+s14+$0x0] =	vst.idx.msk $0xffff, v0  }
0x6d: {  	[tilespmem:v3+s14+$0x0] =	vst.idx.msk $0xffff, v2  }
0x6e: {  	v1 =	vor.u32 s17, v20;
	v0 =	vld [tilespmem:s18+$0x3220]  }
0x6f: {  	v3 =	vor.u32 s17, v21;
	v2 =	vld [tilespmem:s18+$0x3230]  }
0x70: {  	s25 =	simm.s32 $0x6440;
	[tilespmem:v4+s14+$0x0] =	vst.idx.msk $0xffff, v5  }
0x71: {  	[tilespmem:v6+s14+$0x0] =	vst.idx.msk $0xffff, v7;
	v7 =	vld [tilespmem:s25+$0x20]  }
0x72: {  	s29 =	simm.s32 $0x600;
	v5 =	vor.u32 s31, v56;
	v4 =	vld [tilespmem:s18+$0x2BC0]  }
0x73: {  	v8 =	vor.u32 s29, v24;
	v6 =	vld [tilespmem:s18+$0x2BD0];
	[tilespmem:v1+s14+$0x0] =	vst.idx.msk $0xffff, v0  }
0x74: {  	v0 =	vld [tilespmem:s25+$0x30];
	v1 =	vor.u32 s29, v30;
	[tilespmem:v3+s14+$0x0] =	vst.idx.msk $0xffff, v2  }
0x75: {  	v3 =	vor.u32 s17, v54;
	v2 =	vld [tilespmem:s18+$0x3860]  }
0x76: {  	s2 =	simm.s32 $0x400;
	v10 =	vor.u32 s17, v19;
	v9 =	vld [tilespmem:s18+$0x3870]  }
0x77: {  	[tilespmem:v5+s14+$0x0] =	vst.idx.msk $0xffff, v4;
	v4 =	vor.u32 s2, v24;
	v5 =	vld [tilespmem:s25+$0x0]  }
0x78: {  	v11 =	vor.u32 s2, v30;
	v12 =	vld [tilespmem:s25+$0x10];
	[tilespmem:v8+s14+$0x0] =	vst.idx.msk $0xffff, v7  }
0x79: {  	v7 =	vor.u32 s31, v18;
	[tilespmem:v1+s14+$0x0] =	vst.idx.msk $0xffff, v0  }
0x7a: {  	v1 =	vor.u32 s29, v31;
	v0 =	vld [tilespmem:s25+$0x660];
	[tilespmem:v3+s14+$0x0] =	vst.idx.msk $0xffff, v2  }
0x7b: {  	v2 =	vld [tilespmem:s25+$0x670];
	v3 =	vor.u32 s29, v45;
	[tilespmem:v10+s14+$0x0] =	vst.idx.msk $0xffff, v9  }
0x7c: {  	[tilespmem:v4+s14+$0x0] =	vst.idx.msk $0xffff, v5;
	v9 =	vor.u32 s17, v16;
	v8 =	vld [tilespmem:s18+$0x3EA0]  }
0x7d: {  	v5 =	vor.u32 s17, v17;
	[tilespmem:v11+s14+$0x0] =	vst.idx.msk $0xffff, v12;
	v4 =	vld [tilespmem:s18+$0x3EB0]  }
0x7e: {  	[tilespmem:v7+s14+$0x0] =	vst.idx.msk $0xffff, v6;
	v6 =	vor.u32 s2, v31;
	v7 =	vld [tilespmem:s25+$0x640]  }
0x7f: {  	v10 =	vor.u32 s2, v45;
	[tilespmem:v1+s14+$0x0] =	vst.idx.msk $0xffff, v0;
	v0 =	vld [tilespmem:s25+$0x650]  }
0x80: {  	v12 =	vld [tilespmem:s18+$0x3210];
	[tilespmem:v3+s14+$0x0] =	vst.idx.msk $0xffff, v2  }
0x81: {  	v3 =	vor.u32 s29, v35;
	v2 =	vld [tilespmem:s25+$0xCA0];
	[tilespmem:v9+s14+$0x0] =	vst.idx.msk $0xffff, v8  }
0x82: {  	v8 =	vld [tilespmem:s25+$0xCB0];
	v9 =	vor.u32 s29, v48;
	[tilespmem:v5+s14+$0x0] =	vst.idx.msk $0xffff, v4  }
0x83: {  	[tilespmem:v6+s14+$0x0] =	vst.idx.msk $0xffff, v7;
	v5 =	vor.u32 s17, v22;
	v4 =	vld [tilespmem:s18+$0x44E0]  }
0x84: {  	v7 =	vor.u32 s17, v15;
	v6 =	vld [tilespmem:s18+$0x44F0];
	[tilespmem:v10+s14+$0x0] =	vst.idx.msk $0xffff, v0  }
0x85: {  	v0 =	vor.u32 s2, v35;
	v10 =	vld [tilespmem:s25+$0xC80]  }
0x86: {  	v11 =	vor.u32 s2, v48;
	[tilespmem:v3+s14+$0x0] =	vst.idx.msk $0xffff, v2;
	v2 =	vld [tilespmem:s25+$0xC90]  }
0x87: {  	v1 =	vld [tilespmem:s18+$0x3200];
	v3 =	vor.u32 s31, v20;
	[tilespmem:v9+s14+$0x0] =	vst.idx.msk $0xffff, v8  }
0x88: {  	v9 =	vor.u32 s29, v34;
	v8 =	vld [tilespmem:s25+$0x12E0];
	[tilespmem:v5+s14+$0x0] =	vst.idx.msk $0xffff, v4  }
0x89: {  	v4 =	vld [tilespmem:s25+$0x12F0];
	v5 =	vor.u32 s29, v29;
	[tilespmem:v7+s14+$0x0] =	vst.idx.msk $0xffff, v6  }
0x8a: {  	v7 =	vor.u32 s17, v46;
	[tilespmem:v0+s14+$0x0] =	vst.idx.msk $0xffff, v10;
	v6 =	vld [tilespmem:s18+$0x4B20]  }
0x8b: {  	v10 =	vor.u32 s17, v23;
	v0 =	vld [tilespmem:s18+$0x4B30];
	[tilespmem:v11+s14+$0x0] =	vst.idx.msk $0xffff, v2  }
0x8c: {  	v2 =	vor.u32 s2, v34;
	[tilespmem:v3+s14+$0x0] =	vst.idx.msk $0xffff, v1;
	v1 =	vld [tilespmem:s25+$0x12C0]  }
0x8d: {  	v3 =	vor.u32 s2, v29;
	[tilespmem:v9+s14+$0x0] =	vst.idx.msk $0xffff, v8;
	v8 =	vld [tilespmem:s25+$0x12D0]  }
0x8e: {  	v9 =	vor.u32 s31, v21;
	[tilespmem:v5+s14+$0x0] =	vst.idx.msk $0xffff, v4  }
0x8f: {  	v5 =	vor.u32 s29, v33;
	v4 =	vld [tilespmem:s25+$0x1920];
	[tilespmem:v7+s14+$0x0] =	vst.idx.msk $0xffff, v6  }
0x90: {  	v6 =	vld [tilespmem:s25+$0x1930];
	v7 =	vor.u32 s29, v25;
	[tilespmem:v10+s14+$0x0] =	vst.idx.msk $0xffff, v0  }
0x91: {  	v10 =	vor.u32 s17, v55;
	[tilespmem:v2+s14+$0x0] =	vst.idx.msk $0xffff, v1;
	v0 =	vld [tilespmem:s18+$0x5160]  }
0x92: {  	v2 =	vor.u32 s17, v14;
	v1 =	vld [tilespmem:s18+$0x5170];
	[tilespmem:v3+s14+$0x0] =	vst.idx.msk $0xffff, v8  }
0x93: {  	v3 =	vor.u32 s2, v33;
	[tilespmem:v9+s14+$0x0] =	vst.idx.msk $0xffff, v12;
	v8 =	vld [tilespmem:s25+$0x1900]  }
0x94: {  	v9 =	vor.u32 s2, v25;
	[tilespmem:v5+s14+$0x0] =	vst.idx.msk $0xffff, v4;
	v4 =	vld [tilespmem:s25+$0x1910]  }
0x95: {  	v11 =	vld [tilespmem:s18+$0x3840];
	v5 =	vor.u32 s31, v54;
	[tilespmem:v7+s14+$0x0] =	vst.idx.msk $0xffff, v6  }
0x96: {  	v7 =	vor.u32 s29, v28;
	v6 =	vld [tilespmem:s25+$0x1F60];
	[tilespmem:v10+s14+$0x0] =	vst.idx.msk $0xffff, v0  }
0x97: {  	v0 =	vld [tilespmem:s25+$0x1F70];
	v10 =	vor.u32 s29, v32;
	[tilespmem:v2+s14+$0x0] =	vst.idx.msk $0xffff, v1  }
0x98: {  	v1 =	vor.u32 s31, v19;
	v2 =	vld [tilespmem:s18+$0x3850];
	[tilespmem:v3+s14+$0x0] =	vst.idx.msk $0xffff, v8  }
0x99: {  	v8 =	vor.u32 s17, v36;
	v3 =	vld [tilespmem:s18+$0x57A0];
	[tilespmem:v9+s14+$0x0] =	vst.idx.msk $0xffff, v4  }
0x9a: {  	v4 =	vor.u32 s2, v28;
	[tilespmem:v5+s14+$0x0] =	vst.idx.msk $0xffff, v11;
	v5 =	vld [tilespmem:s25+$0x1F40]  }
0x9b: {  	v9 =	vor.u32 s2, v32;
	[tilespmem:v7+s14+$0x0] =	vst.idx.msk $0xffff, v6;
	v6 =	vld [tilespmem:s25+$0x1F50]  }
0x9c: {  	v11 =	vor.u32 s17, v38;
	v7 =	vld [tilespmem:s18+$0x57B0];
	[tilespmem:v10+s14+$0x0] =	vst.idx.msk $0xffff, v0  }
0x9d: {  	[tilespmem:v1+s14+$0x0] =	vst.idx.msk $0xffff, v2;
	v0 =	vld [tilespmem:s25+$0x25A0];
	v1 =	vor.u32 s29, v26  }
0x9e: {  	v2 =	vld [tilespmem:s25+$0x25B0];
	[tilespmem:v8+s14+$0x0] =	vst.idx.msk $0xffff, v3;
	v3 =	vor.u32 s29, v50  }
0x9f: {  	v8 =	vor.u32 s31, v16;
	v10 =	vld [tilespmem:s18+$0x3E80];
	[tilespmem:v4+s14+$0x0] =	vst.idx.msk $0xffff, v5  }
0xa0: {  	v4 =	vor.u32 s31, v17;
	v5 =	vld [tilespmem:s18+$0x3E90];
	[tilespmem:v9+s14+$0x0] =	vst.idx.msk $0xffff, v6  }
0xa1: {  	[tilespmem:v11+s14+$0x0] =	vst.idx.msk $0xffff, v7  }
0xa2: {  	v6 =	vor.u32 s2, v26;
	v7 =	vld [tilespmem:s25+$0x2580];
	[tilespmem:v1+s14+$0x0] =	vst.idx.msk $0xffff, v0  }
0xa3: {  	v9 =	vor.u32 s2, v50;
	v11 =	vld [tilespmem:s25+$0x2590];
	[tilespmem:v3+s14+$0x0] =	vst.idx.msk $0xffff, v2  }
0xa4: {  	[tilespmem:v8+s14+$0x0] =	vst.idx.msk $0xffff, v10;
	v2 =	vor.u32 s29, v56;
	v1 =	vld [tilespmem:s25+$0x2BE0]  }
0xa5: {  	[tilespmem:v4+s14+$0x0] =	vst.idx.msk $0xffff, v5;
	v3 =	vld [tilespmem:s25+$0x2BF0];
	v4 =	vor.u32 s29, v18  }
0xa6: {  	v5 =	vor.u32 s31, v22;
	v8 =	vld [tilespmem:s18+$0x44C0]  }
0xa7: {  	[tilespmem:v6+s14+$0x0] =	vst.idx.msk $0xffff, v7;
	v6 =	vor.u32 s31, v15;
	v7 =	vld [tilespmem:s18+$0x44D0]  }
0xa8: {  	[tilespmem:v9+s14+$0x0] =	vst.idx.msk $0xffff, v11  }
0xa9: {  	v9 =	vor.u32 s2, v56;
	v10 =	vld [tilespmem:s25+$0x2BC0];
	[tilespmem:v2+s14+$0x0] =	vst.idx.msk $0xffff, v1  }
0xaa: {  	v11 =	vor.u32 s2, v18;
	v12 =	vld [tilespmem:s25+$0x2BD0];
	[tilespmem:v4+s14+$0x0] =	vst.idx.msk $0xffff, v3  }
0xab: {  	[tilespmem:v5+s14+$0x0] =	vst.idx.msk $0xffff, v8;
	v3 =	vor.u32 s29, v20;
	v2 =	vld [tilespmem:s25+$0x3220]  }
0xac: {  	v0 =	vld [tilespmem:s18+$0x5DE0];
	[tilespmem:v6+s14+$0x0] =	vst.idx.msk $0xffff, v7;
	v6 =	vor.u32 s17, v39  }
0xad: {  	v5 =	vor.u32 s29, v21;
	v4 =	vld [tilespmem:s25+$0x3230]  }
0xae: {  	v8 =	vor.u32 s31, v46;
	v7 =	vld [tilespmem:s18+$0x4B00];
	[tilespmem:v9+s14+$0x0] =	vst.idx.msk $0xffff, v10  }
0xaf: {  	v9 =	vld [tilespmem:s18+$0x4B10];
	v10 =	vor.u32 s31, v23;
	[tilespmem:v11+s14+$0x0] =	vst.idx.msk $0xffff, v12  }
0xb0: {  	s28 =	simm.s32 $0xA00;
	s26 =	simm.s32 $0x6480;
	v1 =	vld [tilespmem:s18+$0x5DF0];
	[tilespmem:v3+s14+$0x0] =	vst.idx.msk $0xffff, v2  }
0xb1: {  	v13 =	vor.u32 s28, v24;
	v12 =	vld [tilespmem:s26+$0x20];
	[tilespmem:v6+s14+$0x0] =	vst.idx.msk $0xffff, v0  }
0xb2: {  	v2 =	vld [tilespmem:s26+$0x30];
	v3 =	vor.u32 s28, v30;
	[tilespmem:v5+s14+$0x0] =	vst.idx.msk $0xffff, v4  }
0xb3: {  	s21 =	simm.s32 $0x800;
	v4 =	vor.u32 s29, v54;
	[tilespmem:v8+s14+$0x0] =	vst.idx.msk $0xffff, v7;
	v0 =	vld [tilespmem:s25+$0x3860]  }
0xb4: {  	[tilespmem:v10+s14+$0x0] =	vst.idx.msk $0xffff, v9;
	v9 =	vor.u32 s21, v24;
	v10 =	vld [tilespmem:s26+$0x0]  }
0xb5: {  	v6 =	vor.u32 s29, v19;
	v5 =	vld [tilespmem:s25+$0x3870]  }
0xb6: {  	[tilespmem:v13+s14+$0x0] =	vst.idx.msk $0xffff, v12;
	v12 =	vor.u32 s21, v30;
	v13 =	vld [tilespmem:s26+$0x10]  }
0xb7: {  	v11 =	vld [tilespmem:s25+$0x3200];
	v7 =	vor.u32 s2, v20;
	[tilespmem:v3+s14+$0x0] =	vst.idx.msk $0xffff, v2  }
0xb8: {  	v3 =	vor.u32 s28, v31;
	v2 =	vld [tilespmem:s26+$0x660];
	[tilespmem:v4+s14+$0x0] =	vst.idx.msk $0xffff, v0  }
0xb9: {  	v0 =	vld [tilespmem:s26+$0x670];
	v4 =	vor.u32 s28, v45;
	[tilespmem:v9+s14+$0x0] =	vst.idx.msk $0xffff, v10  }
0xba: {  	v8 =	vld [tilespmem:s25+$0x3210];
	v10 =	vor.u32 s2, v21;
	[tilespmem:v6+s14+$0x0] =	vst.idx.msk $0xffff, v5  }
0xbb: {  	v6 =	vor.u32 s29, v16;
	[tilespmem:v12+s14+$0x0] =	vst.idx.msk $0xffff, v13;
	v5 =	vld [tilespmem:s25+$0x3EA0]  }
0xbc: {  	[tilespmem:v7+s14+$0x0] =	vst.idx.msk $0xffff, v11;
	v12 =	vor.u32 s21, v31;
	v13 =	vld [tilespmem:s26+$0x640]  }
0xbd: {  	v9 =	vor.u32 s29, v17;
	v7 =	vld [tilespmem:s25+$0x3EB0];
	[tilespmem:v3+s14+$0x0] =	vst.idx.msk $0xffff, v2  }
0xbe: {  	[tilespmem:v4+s14+$0x0] =	vst.idx.msk $0xffff, v0  }
0xbf: {  	v2 =	vor.u32 s21, v45;
	v3 =	vld [tilespmem:s26+$0x650];
	[tilespmem:v10+s14+$0x0] =	vst.idx.msk $0xffff, v8  }
0xc0: {  	v4 =	vor.u32 s28, v35;
	v0 =	vld [tilespmem:s26+$0xCA0];
	[tilespmem:v6+s14+$0x0] =	vst.idx.msk $0xffff, v5  }
0xc1: {  	v5 =	vld [tilespmem:s26+$0xCB0];
	v6 =	vor.u32 s28, v48;
	[tilespmem:v12+s14+$0x0] =	vst.idx.msk $0xffff, v13  }
0xc2: {  	v12 =	vor.u32 s17, v40;
	v13 =	vld [tilespmem:s25+$0x3840];
	[tilespmem:v9+s14+$0x0] =	vst.idx.msk $0xffff, v7  }
0xc3: {  	v8 =	vor.u32 s29, v22;
	v7 =	vld [tilespmem:s25+$0x44E0]  }
0xc4: {  	v10 =	vor.u32 s29, v15;
	v9 =	vld [tilespmem:s25+$0x44F0];
	[tilespmem:v2+s14+$0x0] =	vst.idx.msk $0xffff, v3  }
0xc5: {  	v2 =	vor.u32 s21, v35;
	v3 =	vld [tilespmem:s26+$0xC80];
	[tilespmem:v4+s14+$0x0] =	vst.idx.msk $0xffff, v0  }
0xc6: {  	v0 =	vor.u32 s21, v48;
	v4 =	vld [tilespmem:s26+$0xC90];
	[tilespmem:v6+s14+$0x0] =	vst.idx.msk $0xffff, v5  }
0xc7: {  	v6 =	vor.u32 s28, v34;
	[tilespmem:v12+s14+$0x0] =	vst.idx.msk $0xffff, v1;
	v5 =	vld [tilespmem:s26+$0x12E0]  }
0xc8: {  	[tilespmem:v8+s14+$0x0] =	vst.idx.msk $0xffff, v7;
	v7 =	vld [tilespmem:s26+$0x12F0];
	v8 =	vor.u32 s28, v29  }
0xc9: {  	v12 =	vld [tilespmem:s25+$0x3850];
	[tilespmem:v10+s14+$0x0] =	vst.idx.msk $0xffff, v9;
	v10 =	vor.u32 s2, v54  }
0xca: {  	v9 =	vor.u32 s29, v46;
	[tilespmem:v2+s14+$0x0] =	vst.idx.msk $0xffff, v3;
	v1 =	vld [tilespmem:s25+$0x4B20]  }
0xcb: {  	v3 =	vor.u32 s29, v23;
	v2 =	vld [tilespmem:s25+$0x4B30];
	[tilespmem:v0+s14+$0x0] =	vst.idx.msk $0xffff, v4  }
0xcc: {  	v0 =	vor.u32 s21, v34;
	v4 =	vld [tilespmem:s26+$0x12C0];
	[tilespmem:v6+s14+$0x0] =	vst.idx.msk $0xffff, v5  }
0xcd: {  	v5 =	vor.u32 s21, v29;
	v6 =	vld [tilespmem:s26+$0x12D0];
	[tilespmem:v8+s14+$0x0] =	vst.idx.msk $0xffff, v7  }
0xce: {  	v8 =	vor.u32 s28, v33;
	v7 =	vld [tilespmem:s26+$0x1920];
	[tilespmem:v10+s14+$0x0] =	vst.idx.msk $0xffff, v13  }
0xcf: {  	v11 =	vld [tilespmem:s18+$0x5140];
	v10 =	vor.u32 s2, v19;
	[tilespmem:v9+s14+$0x0] =	vst.idx.msk $0xffff, v1  }
0xd0: {  	v1 =	vld [tilespmem:s26+$0x1930];
	v9 =	vor.u32 s28, v25;
	[tilespmem:v3+s14+$0x0] =	vst.idx.msk $0xffff, v2  }
0xd1: {  	v3 =	vor.u32 s29, v55;
	[tilespmem:v0+s14+$0x0] =	vst.idx.msk $0xffff, v4;
	v2 =	vld [tilespmem:s25+$0x5160]  }
0xd2: {  	v4 =	vor.u32 s29, v14;
	v0 =	vld [tilespmem:s25+$0x5170];
	[tilespmem:v5+s14+$0x0] =	vst.idx.msk $0xffff, v6  }
0xd3: {  	v5 =	vor.u32 s21, v33;
	v6 =	vld [tilespmem:s26+$0x1900];
	[tilespmem:v8+s14+$0x0] =	vst.idx.msk $0xffff, v7  }
0xd4: {  	v7 =	vor.u32 s21, v25;
	v8 =	vld [tilespmem:s26+$0x1910];
	[tilespmem:v10+s14+$0x0] =	vst.idx.msk $0xffff, v12  }
0xd5: {  	v13 =	vld [tilespmem:s18+$0x5150];
	v10 =	vor.u32 s31, v55;
	[tilespmem:v9+s14+$0x0] =	vst.idx.msk $0xffff, v1  }
0xd6: {  	v9 =	vor.u32 s28, v28;
	v1 =	vld [tilespmem:s26+$0x1F60];
	[tilespmem:v3+s14+$0x0] =	vst.idx.msk $0xffff, v2  }
0xd7: {  	v2 =	vld [tilespmem:s26+$0x1F70];
	v3 =	vor.u32 s28, v32;
	[tilespmem:v4+s14+$0x0] =	vst.idx.msk $0xffff, v0  }
0xd8: {  	v4 =	vor.u32 s29, v36;
	[tilespmem:v5+s14+$0x0] =	vst.idx.msk $0xffff, v6;
	v0 =	vld [tilespmem:s25+$0x57A0]  }
0xd9: {  	v6 =	vor.u32 s29, v38;
	v5 =	vld [tilespmem:s25+$0x57B0];
	[tilespmem:v7+s14+$0x0] =	vst.idx.msk $0xffff, v8  }
0xda: {  	v7 =	vor.u32 s21, v28;
	[tilespmem:v10+s14+$0x0] =	vst.idx.msk $0xffff, v11;
	v8 =	vld [tilespmem:s26+$0x1F40]  }
0xdb: {  	[tilespmem:v9+s14+$0x0] =	vst.idx.msk $0xffff, v1;
	v1 =	vor.u32 s21, v32;
	v9 =	vld [tilespmem:s26+$0x1F50]  }
0xdc: {  	v12 =	vld [tilespmem:s25+$0x3E80];
	[tilespmem:v3+s14+$0x0] =	vst.idx.msk $0xffff, v2;
	v2 =	vor.u32 s2, v16  }
0xdd: {  	v3 =	vld [tilespmem:s25+$0x3E90];
	[tilespmem:v4+s14+$0x0] =	vst.idx.msk $0xffff, v0;
	v0 =	vor.u32 s2, v17  }
0xde: {  	v10 =	vor.u32 s28, v26;
	v4 =	vld [tilespmem:s26+$0x25A0];
	[tilespmem:v6+s14+$0x0] =	vst.idx.msk $0xffff, v5  }
0xdf: {  	v5 =	vor.u32 s31, v14;
	[tilespmem:v7+s14+$0x0] =	vst.idx.msk $0xffff, v8;
	v6 =	vld [tilespmem:s25+$0x5DE0]  }
0xe0: {  	v8 =	vor.u32 s28, v50;
	[tilespmem:v1+s14+$0x0] =	vst.idx.msk $0xffff, v9;
	v1 =	vld [tilespmem:s26+$0x25B0]  }
0xe1: {  	v9 =	vor.u32 s21, v26;
	[tilespmem:v2+s14+$0x0] =	vst.idx.msk $0xffff, v12;
	v2 =	vld [tilespmem:s26+$0x2580]  }
0xe2: {  	v11 =	vor.u32 s21, v50;
	[tilespmem:v0+s14+$0x0] =	vst.idx.msk $0xffff, v3;
	v0 =	vld [tilespmem:s26+$0x2590]  }
0xe3: {  	v7 =	vld [tilespmem:s25+$0x5DF0];
	[tilespmem:v10+s14+$0x0] =	vst.idx.msk $0xffff, v4;
	v10 =	vor.u32 s29, v39  }
0xe4: {  	v3 =	vor.u32 s2, v22;
	[tilespmem:v5+s14+$0x0] =	vst.idx.msk $0xffff, v13;
	v5 =	vld [tilespmem:s25+$0x44C0]  }
0xe5: {  	v12 =	vor.u32 s2, v15;
	v4 =	vld [tilespmem:s25+$0x44D0];
	[tilespmem:v8+s14+$0x0] =	vst.idx.msk $0xffff, v1  }
0xe6: {  	[tilespmem:v9+s14+$0x0] =	vst.idx.msk $0xffff, v2;
	v1 =	vld [tilespmem:s26+$0x2BE0];
	v2 =	vor.u32 s28, v56  }
0xe7: {  	v8 =	vld [tilespmem:s18+$0x5780];
	[tilespmem:v11+s14+$0x0] =	vst.idx.msk $0xffff, v0  }
0xe8: {  	v0 =	vld [tilespmem:s26+$0x2BF0];
	[tilespmem:v10+s14+$0x0] =	vst.idx.msk $0xffff, v6  }
0xe9: {  	v9 =	vor.u32 s28, v18;
	v13 =	vld [tilespmem:s26+$0x2BC0];
	[tilespmem:v3+s14+$0x0] =	vst.idx.msk $0xffff, v5  }
0xea: {  	v11 =	vor.u32 s21, v56;
	v5 =	vld [tilespmem:s26+$0x2BD0];
	[tilespmem:v12+s14+$0x0] =	vst.idx.msk $0xffff, v4  }
0xeb: {  	v6 =	vld [tilespmem:s25+$0x4B00];
	[tilespmem:v2+s14+$0x0] =	vst.idx.msk $0xffff, v1;
	v2 =	vor.u32 s31, v39  }
0xec: {  	v1 =	vld [tilespmem:s25+$0x4B10];
	[tilespmem:$0x1FCF0] =	vst v2;
	v2 =	vor.u32 s31, v40  }
0xed: {  	v3 =	vor.u32 s21, v18;
	[tilespmem:$0x1FD00] =	vst v2  }
0xee: {  	[tilespmem:v9+s14+$0x0] =	vst.idx.msk $0xffff, v0  }
0xef: {  	v0 =	vld [tilespmem:s18+$0x5790];
	[tilespmem:v11+s14+$0x0] =	vst.idx.msk $0xffff, v13;
	v13 =	vor.u32 s2, v14  }
0xf0: {  	v4 =	vor.u32 s2, v46;
	v9 =	vld [tilespmem:s26+$0x3220];
	[tilespmem:$0x1FD10] =	vst v13;
	v13 =	vor.u32 s2, v36  }
0xf1: {  	[tilespmem:$0x1FD20] =	vst v13  }
0xf2: {  	v12 =	vor.u32 s2, v23;
	v13 =	vor.u32 s2, v38;
	[tilespmem:v3+s14+$0x0] =	vst.idx.msk $0xffff, v5  }
0xf3: {  	v2 =	vor.u32 s29, v40;
	v3 =	vld [tilespmem:s26+$0x3230];
	[tilespmem:$0x1FD30] =	vst v13;
	v13 =	vor.u32 s2, v39  }
0xf4: {  	[tilespmem:$0x1FD40] =	vst v13  }
0xf5: {  	v57 =	vmovc v21;
	v5 =	vor.u32 s28, v21;
	[tilespmem:v4+s14+$0x0] =	vst.idx.msk $0xffff, v6;
	v6 =	vor.u32 s21, v21;
	v21 =	vor.u32 s21, v54  }
0xf6: {  	v11 =	vor.u32 s28, v20;
	v13 =	vld [tilespmem:s26+$0x3200];
	[tilespmem:$0x1FDE0] =	vst v21  }
0xf7: {  	[tilespmem:v12+s14+$0x0] =	vst.idx.msk $0xffff, v1  }
0xf8: {  	[tilespmem:v2+s14+$0x0] =	vst.idx.msk $0xffff, v7;
	v2 =	vor.u32 s21, v22;
	v21 =	vmov v14;
	v14 =	vld [tilespmem:s26+$0x3210]  }
0xf9: {  	v1 =	vld [tilespmem:s25+$0x5140];
	[tilespmem:$0x1FD50] =	vst v2;
	v2 =	vor.u32 s21, v15  }
0xfa: {  	[tilespmem:$0x1FD60] =	vst v2  }
0xfb: {  	s29 =	simm.s32 $0x64C0;
	[tilespmem:v11+s14+$0x0] =	vst.idx.msk $0xffff, v9;
	v9 =	vor.u32 s21, v46  }
0xfc: {  	v10 =	vor.u32 s31, v36;
	v2 =	vld [tilespmem:s29+$0x20];
	[tilespmem:$0x1FD70] =	vst v9;
	v9 =	vor.u32 s21, v23  }
0xfd: {  	v37 =	vmov v55;
	[tilespmem:$0x1FD80] =	vst v9  }
0xfe: {  	[tilespmem:v5+s14+$0x0] =	vst.idx.msk $0xffff, v3;
	v3 =	vor.u32 s21, v37  }
0xff: {  	v4 =	vor.u32 s21, v20;
	v9 =	vld [tilespmem:s29+$0x30];
	[tilespmem:$0x1FD90] =	vst v3;
	v3 =	vor.u32 s21, v21  }
0x100: {  	[tilespmem:$0x1FDA0] =	vst v3  }
0x101: {  	[tilespmem:v10+s14+$0x0] =	vst.idx.msk $0xffff, v8;
	v8 =	vor.u32 s21, v36  }
0x102: {  	s0 =	simm.s32 $0xE00;
	v3 =	vld [tilespmem:s26+$0x3860];
	[tilespmem:$0x1FDB0] =	vst v8;
	v8 =	vor.u32 s21, v38  }
0x103: {  	v7 =	vor.u32 s0, v24;
	[tilespmem:$0x1FDC0] =	vst v8  }
0x104: {  	v5 =	vor.u32 s28, v54;
	v10 =	vor.u32 s21, v39;
	[tilespmem:v4+s14+$0x0] =	vst.idx.msk $0xffff, v13  }
0x105: {  	s1 =	simm.s32 $0xC00;
	v12 =	vor.u32 s0, v30;
	v4 =	vld [tilespmem:s26+$0x3870];
	[tilespmem:$0x1FDD0] =	vst v10  }
0x106: {  	v8 =	vor.u32 s28, v19;
	[tilespmem:v6+s14+$0x0] =	vst.idx.msk $0xffff, v14;
	v6 =	vor.u32 s1, v31  }
0x107: {  	v58 =	vmov v18;
	v18 =	vld [tilespmem:s29+$0x10];
	[tilespmem:$0x1FDF0] =	vst v6  }
0x108: {  	v55 =	vmov v17;
	v17 =	vor.u32 s31, v38;
	[tilespmem:v7+s14+$0x0] =	vst.idx.msk $0xffff, v2  }
0x109: {  	v59 =	vmov v20;
	v13 =	vor.u32 s1, v24;
	v20 =	vld [tilespmem:s29+$0x0];
	[tilespmem:v5+s14+$0x0] =	vst.idx.msk $0xffff, v3  }
0x10a: {  	v42 =	vmov v19;
	v60 =	vor.u32 s21, v19;
	v19 =	vor.u32 s1, v30;
	[tilespmem:v12+s14+$0x0] =	vst.idx.msk $0xffff, v9  }
0x10b: {  	v43 =	vmov v16;
	v41 =	vmov v22;
	v22 =	vor.u32 s0, v31;
	[tilespmem:v8+s14+$0x0] =	vst.idx.msk $0xffff, v4;
	v2 =	vld [tilespmem:s29+$0x660]  }
0x10c: {  	v6 =	vor.u32 s1, v28;
	v28 =	vor.u32 s28, v43;
	v7 =	vor.u32 s1, v32;
	v32 =	vld [tilespmem:s26+$0x3EA0]  }
0x10d: {  	v52 =	vor.u32 s21, v16;
	v3 =	vmov v26;
	v26 =	vor.u32 s0, v45;
	[tilespmem:v17+s14+$0x0] =	vst.idx.msk $0xffff, v0;
	v24 =	vld [tilespmem:s29+$0x670]  }
0x10e: {  	v61 =	vor.u32 s28, v55;
	v16 =	vor.u32 s1, v45;
	v45 =	vld [tilespmem:s26+$0x3EB0];
	[tilespmem:v13+s14+$0x0] =	vst.idx.msk $0xffff, v20  }
0x10f: {  	[tilespmem:v19+s14+$0x0] =	vst.idx.msk $0xffff, v18  }
0x110: {  	[tilespmem:v22+s14+$0x0] =	vst.idx.msk $0xffff, v2  }
0x111: {  	[tilespmem:v28+s14+$0x0] =	vst.idx.msk $0xffff, v32  }
0x112: {  	[tilespmem:v26+s14+$0x0] =	vst.idx.msk $0xffff, v24  }
0x113: {  	[tilespmem:v61+s14+$0x0] =	vst.idx.msk $0xffff, v45  }
0x114: {  	v32 =	vor.u32 s1, v21;
	v21 =	vld [tilespmem:$0x1FDE0];
	_ =	sdelay $0x2  }
0x115: {  	v30 =	vmov v23;
	v23 =	vld [tilespmem:s26+$0x3840];
	_ =	sdelay $0x3  }
0x116: {  	v51 =	vor.u32 s2, v37;
	v44 =	vor.u32 s2, v40;
	v47 =	vor.u32 s21, v40  }
0x117: {  	v27 =	vmovc v15;
	v59 =	vor.u32 s1, v59;
	v57 =	vor.u32 s1, v57;
	v63 =	vor.u32 s1, v41;
	v17 =	vld [tilespmem:s26+$0x3850];
	[tilespmem:v21+s14+$0x0] =	vst.idx.msk $0xffff, v23  }
0x118: {  	v62 =	vor.u32 s1, v27;
	v53 =	vor.u32 s1, v38;
	v49 =	vor.u32 s21, v55;
	v26 =	vld [tilespmem:$0x1FDF0]  }
0x119: {  	v15 =	vor.u32 s1, v48;
	v11 =	vor.u32 s1, v34;
	v54 =	vor.u32 s1, v54  }
0x11a: {  	v10 =	vor.u32 s1, v25;
	v14 =	vor.u32 s1, v35;
	v0 =	vor.u32 s1, v56  }
0x11b: {  	v5 =	vor.u32 s1, v43;
	v56 =	vor.u32 s1, v30;
	v12 =	vor.u32 s1, v29;
	v25 =	vld [tilespmem:s29+$0x640]  }
0x11c: {  	v9 =	vor.u32 s1, v33;
	v4 =	vor.u32 s1, v3;
	v3 =	vor.u32 s1, v50;
	v18 =	vld [tilespmem:s29+$0x650]  }
0x11d: {  	v33 =	vor.u32 s1, v58;
	v58 =	vor.u32 s1, v46;
	v8 =	vor.u32 s1, v37;
	v19 =	vld [tilespmem:s29+$0xCA0]  }
0x11e: {  	v50 =	vor.u32 s1, v40;
	v13 =	vor.u32 s1, v42;
	v2 =	vor.u32 s1, v55;
	v20 =	vld [tilespmem:s29+$0xCB0]  }
0x11f: {  	v55 =	vor.u32 s1, v36;
	v22 =	vor.u32 s0, v35;
	v61 =	vor.u32 s1, v39;
	v21 =	vld [tilespmem:s26+$0x44E0]  }
0x120: {  	s17 =	simm.s32 $0x8;
	s2 =	simm.s32 $0x6400;
	v24 =	vor.u32 s28, v41;
	v23 =	vor.u32 s0, v48;
	[tilespmem:v26+s14+$0x0] =	vst.idx.msk $0xffff, v25;
	v25 =	vld [tilespmem:s26+$0x44F0];
	v26 =	vor.u32 s28, v27  }
.LBB2_2:
0x121: {  	v48 =	vmov v47;
	v47 =	vmov v44;
	v44 =	vld [tilespmem:$0x1FFE0]  }
0x122: {  	v46 =	vld [tilespmem:$0x1FEC0]  }
0x123: {  	v35 =	vld [tilespmem:$0x1FED0]  }
0x124: {  	v41 =	vld [tilespmem:$0x1FF30]  }
0x125: {  	v45 =	vld [tilespmem:$0x1FFF0]  }
0x126: {  	v39 =	vld [tilespmem:$0x1FF00]  }
0x127: {  	v38 =	vld [tilespmem:$0x1FEF0]  }
0x128: {  	v30 =	vld [tilespmem:$0x1FFB0]  }
0x129: {  	v40 =	vld [tilespmem:$0x1FF10];
	[tilespmem:v16+s14+$0x0] =	vst.idx.msk $0xffff, v18  }
0x12a: {  	[tilespmem:v22+s14+$0x0] =	vst.idx.msk $0xffff, v19;
	v18 =	vld [tilespmem:s29+$0xC80]  }
0x12b: {  	[tilespmem:v23+s14+$0x0] =	vst.idx.msk $0xffff, v20;
	v19 =	vld [tilespmem:s29+$0xC90]  }
0x12c: {  	v20 =	vld [tilespmem:s29+$0x12E0];
	[tilespmem:v24+s14+$0x0] =	vst.idx.msk $0xffff, v21  }
0x12d: {  	v16 =	vld [tilespmem:s25+$0x5150];
	[tilespmem:v60+s14+$0x0] =	vst.idx.msk $0xffff, v17  }
0x12e: {  	v22 =	vor.u32 s0, v34;
	v21 =	vld [tilespmem:s29+$0x12F0];
	[tilespmem:v26+s14+$0x0] =	vst.idx.msk $0xffff, v25  }
0x12f: {  	v17 =	vld [tilespmem:s26+$0x4B20];
	[tilespmem:v14+s14+$0x0] =	vst.idx.msk $0xffff, v18  }
0x130: {  	v23 =	vor.u32 s0, v29;
	v60 =	vmov v13;
	v13 =	vld [tilespmem:s26+$0x4B30];
	[tilespmem:v15+s14+$0x0] =	vst.idx.msk $0xffff, v19  }
0x131: {  	v15 =	vld [tilespmem:s26+$0x3E80]  }
0x132: {  	v24 =	vor.u32 s28, v44;
	v18 =	vld [tilespmem:s29+$0x12C0]  }
0x133: {  	v14 =	vor.u32 s28, v46;
	[tilespmem:v22+s14+$0x0] =	vst.idx.msk $0xffff, v20;
	v19 =	vld [tilespmem:s29+$0x12D0]  }
0x134: {  	[tilespmem:v51+s14+$0x0] =	vst.idx.msk $0xffff, v1;
	v1 =	vld [tilespmem:$0x1FD90]  }
0x135: {  	[tilespmem:v23+s14+$0x0] =	vst.idx.msk $0xffff, v21;
	v23 =	vld [tilespmem:$0x1FEA0]  }
0x136: {  	v26 =	vld [tilespmem:$0x1FEB0]  }
0x137: {  	v20 =	vld [tilespmem:s29+$0x1920];
	[tilespmem:v24+s14+$0x0] =	vst.idx.msk $0xffff, v17  }
0x138: {  	v17 =	vld [tilespmem:s29+$0x1930];
	[tilespmem:v14+s14+$0x0] =	vst.idx.msk $0xffff, v13  }
0x139: {  	v24 =	vld [tilespmem:$0x1FFC0];
	v51 =	vmov v1;
	v1 =	vmov v8;
	[tilespmem:v11+s14+$0x0] =	vst.idx.msk $0xffff, v18  }
0x13a: {  	v21 =	vor.u32 s0, v23;
	v13 =	vld [tilespmem:s26+$0x5160];
	[tilespmem:$0x1FD90] =	vst v1  }
0x13b: {  	v22 =	vor.u32 s0, v26;
	v1 =	vld [tilespmem:s26+$0x5170];
	[tilespmem:v12+s14+$0x0] =	vst.idx.msk $0xffff, v19  }
0x13c: {  	v14 =	vor.u32 s28, v35;
	v11 =	vld [tilespmem:s26+$0x3E90]  }
0x13d: {  	v8 =	vor.u32 s28, v41;
	v12 =	vld [tilespmem:s29+$0x1900]  }
0x13e: {  	v18 =	vld [tilespmem:s29+$0x1910];
	[tilespmem:v52+s14+$0x0] =	vst.idx.msk $0xffff, v15  }
0x13f: {  	v42 =	vld [tilespmem:$0x1FF40];
	[tilespmem:v21+s14+$0x0] =	vst.idx.msk $0xffff, v20  }
0x140: {  	v28 =	vld [tilespmem:$0x1FE20];
	[tilespmem:v22+s14+$0x0] =	vst.idx.msk $0xffff, v17  }
0x141: {  	v19 =	vor.u32 s0, v24;
	v17 =	vld [tilespmem:s29+$0x1F60];
	[tilespmem:v14+s14+$0x0] =	vst.idx.msk $0xffff, v13  }
0x142: {  	v14 =	vor.u32 s0, v45;
	v13 =	vld [tilespmem:s29+$0x1F70];
	[tilespmem:v8+s14+$0x0] =	vst.idx.msk $0xffff, v1  }
0x143: {  	[tilespmem:v9+s14+$0x0] =	vst.idx.msk $0xffff, v12;
	v1 =	vld [tilespmem:s26+$0x57A0]  }
0x144: {  	v52 =	vmov v5;
	v8 =	vor.u32 s28, v39;
	v5 =	vld [tilespmem:s26+$0x57B0];
	[tilespmem:v10+s14+$0x0] =	vst.idx.msk $0xffff, v18  }
0x145: {  	v9 =	vor.u32 s28, v38;
	v10 =	vld [tilespmem:s2+$0x5DC0]  }
0x146: {  	v12 =	vld [tilespmem:s29+$0x1F40];
	[tilespmem:v19+s14+$0x0] =	vst.idx.msk $0xffff, v17  }
0x147: {  	[tilespmem:v14+s14+$0x0] =	vst.idx.msk $0xffff, v13;
	v14 =	vld [tilespmem:$0x1FD10]  }
0x148: {  	v15 =	vld [tilespmem:s29+$0x1F50]  }
0x149: {  	[tilespmem:v8+s14+$0x0] =	vst.idx.msk $0xffff, v1;
	v8 =	vld [tilespmem:s2+$0x5DD0]  }
0x14a: {  	s2 =	smov.u32 s25;
	s25 =	smov.u32 s26;
	v1 =	vld [tilespmem:s29+$0x25A0];
	[tilespmem:v9+s14+$0x0] =	vst.idx.msk $0xffff, v5  }
0x14b: {  	[tilespmem:v49+s14+$0x0] =	vst.idx.msk $0xffff, v11;
	v5 =	vld [tilespmem:s25+$0x5DE0]  }
0x14c: {  	v13 =	vor.u32 s0, v30;
	v49 =	vmov v2;
	[tilespmem:v6+s14+$0x0] =	vst.idx.msk $0xffff, v12;
	v2 =	vld [tilespmem:s25+$0x5DF0]  }
0x14d: {  	v9 =	vor.u32 s28, v40;
	[tilespmem:v7+s14+$0x0] =	vst.idx.msk $0xffff, v15;
	v7 =	vld [tilespmem:s29+$0x25B0]  }
0x14e: {  	v6 =	vor.u32 s28, v42;
	s28 =	smov.u32 s0;
	v12 =	vld [tilespmem:s29+$0x2580]  }
0x14f: {  	v11 =	vor.u32 s28, v28;
	[tilespmem:v14+s14+$0x0] =	vst.idx.msk $0xffff, v16;
	v14 =	vld [tilespmem:$0x1FDA0];
	_ =	sdelay $0x1  }
0x150: {  	[tilespmem:v13+s14+$0x0] =	vst.idx.msk $0xffff, v1  }
0x151: {  	[tilespmem:v9+s14+$0x0] =	vst.idx.msk $0xffff, v5  }
0x152: {  	[tilespmem:v6+s14+$0x0] =	vst.idx.msk $0xffff, v2  }
0x153: {  	[tilespmem:v11+s14+$0x0] =	vst.idx.msk $0xffff, v7;
	v11 =	vld [tilespmem:$0x1FD50];
	v15 =	vmov v14;
	v14 =	vmov v32  }
0x154: {  	[tilespmem:$0x1FDA0] =	vst v14;
	v14 =	vld [tilespmem:s29+$0x2590];
	_ =	sdelay $0x1  }
0x155: {  	v1 =	vld [tilespmem:s25+$0x44C0]  }
0x156: {  	v5 =	vld [tilespmem:s25+$0x44D0]  }
0x157: {  	v2 =	vld [tilespmem:s2+$0x5780];
	[tilespmem:v4+s14+$0x0] =	vst.idx.msk $0xffff, v12  }
0x158: {  	[tilespmem:v3+s14+$0x0] =	vst.idx.msk $0xffff, v14  }
0x159: {  	v9 =	vld [tilespmem:s29+$0x2BC0]  }
0x15a: {  	[tilespmem:v11+s14+$0x0] =	vst.idx.msk $0xffff, v1;
	v11 =	vld [tilespmem:$0x1FD60];
	_ =	sdelay $0x5  }
0x15b: {  	v32 =	vld [tilespmem:$0x1FE30];
	v1 =	vmov v63  }
0x15c: {  	[tilespmem:$0x1FD50] =	vst v1;
	v1 =	vld [tilespmem:s29+$0x2BD0]  }
0x15d: {  	[tilespmem:v11+s14+$0x0] =	vst.idx.msk $0xffff, v5;
	v11 =	vld [tilespmem:$0x1FCF0];
	_ =	sdelay $0x3  }
0x15e: {  	v4 =	vld [tilespmem:s29+$0x2BE0];
	v6 =	vor.u32 s28, v32  }
0x15f: {  	v43 =	vld [tilespmem:$0x1FFA0]  }
0x160: {  	v3 =	vld [tilespmem:s29+$0x2BF0];
	v5 =	vmov v62  }
0x161: {  	[tilespmem:$0x1FD60] =	vst v5;
	v5 =	vld [tilespmem:s25+$0x4B00]  }
0x162: {  	[tilespmem:v11+s14+$0x0] =	vst.idx.msk $0xffff, v10;
	v10 =	vld [tilespmem:$0x1FD40]  }
0x163: {  	[tilespmem:v6+s14+$0x0] =	vst.idx.msk $0xffff, v4;
	v4 =	vld [tilespmem:s25+$0x4B10]  }
0x164: {  	v13 =	vld [tilespmem:s2+$0x5790];
	[tilespmem:v0+s14+$0x0] =	vst.idx.msk $0xffff, v9  }
0x165: {  	[tilespmem:v33+s14+$0x0] =	vst.idx.msk $0xffff, v1;
	v1 =	vld [tilespmem:$0x1FD70]  }
0x166: {  	v7 =	vor.u32 s28, v43;
	_ =	sdelay $0x1  }
0x167: {  	v36 =	vld [tilespmem:$0x1FE00]  }
0x168: {  	v37 =	vld [tilespmem:$0x1FE10];
	v11 =	vmov v10  }
0x169: {  	s1 =	sshll.u32 s17, $0x9;
	[tilespmem:$0x1FCF0] =	vst v11;
	v11 =	vld [tilespmem:$0x1FDD0]  }
0x16a: {  	v12 =	vor.u32 s1, v29;
	v29 =	vld [tilespmem:$0x1FFD0];
	[tilespmem:v7+s14+$0x0] =	vst.idx.msk $0xffff, v3;
	v10 =	vmov v61  }
0x16b: {  	v6 =	vld [tilespmem:s29+$0x3230];
	[tilespmem:$0x1FDD0] =	vst v10  }
0x16c: {  	v10 =	vld [tilespmem:s29+$0x3200];
	[tilespmem:v1+s14+$0x0] =	vst.idx.msk $0xffff, v5;
	v1 =	vmov v58  }
0x16d: {  	[tilespmem:$0x1FD70] =	vst v1;
	v1 =	vld [tilespmem:$0x1FD80]  }
0x16e: {  	v62 =	vld [tilespmem:$0x1FF80];
	v11 =	vmov v11  }
0x16f: {  	[tilespmem:$0x1FD40] =	vst v11;
	v11 =	vld [tilespmem:$0x1FD20]  }
0x170: {  	v0 =	vld [tilespmem:s29+$0x3220]  }
0x171: {  	v9 =	vld [tilespmem:$0x1FE50]  }
0x172: {  	v33 =	vor.u32 s1, v43;
	v43 =	vld [tilespmem:$0x1FEE0]  }
0x173: {  	v61 =	vld [tilespmem:$0x1FF60]  }
0x174: {  	v5 =	vld [tilespmem:s29+$0x3210]  }
0x175: {  	v3 =	vor.u32 s28, v62;
	[tilespmem:v1+s14+$0x0] =	vst.idx.msk $0xffff, v4;
	v1 =	vmov v56;
	v4 =	vld [tilespmem:$0x1FE40]  }
0x176: {  	[tilespmem:$0x1FD80] =	vst v1;
	v1 =	vld [tilespmem:s25+$0x5140]  }
0x177: {  	[tilespmem:v11+s14+$0x0] =	vst.idx.msk $0xffff, v2;
	v11 =	vld [tilespmem:$0x1FDB0]  }
0x178: {  	s26 =	smov.u32 s29;
	v7 =	vor.u32 s28, v61;
	s29 =	sadd.s32 $0x40, s29;
	v2 =	vmov v55;
	v55 =	vld [tilespmem:$0x1FE70]  }
0x179: {  	[tilespmem:$0x1FDB0] =	vst v2;
	v2 =	vld [tilespmem:s29+$0x20]  }
0x17a: {  	[tilespmem:v3+s14+$0x0] =	vst.idx.msk $0xffff, v0;
	v0 =	vld [tilespmem:$0x1FD30]  }
0x17b: {  	[tilespmem:v59+s14+$0x0] =	vst.idx.msk $0xffff, v10;
	v20 =	vld [tilespmem:s29+$0x30]  }
0x17c: {  	[tilespmem:v57+s14+$0x0] =	vst.idx.msk $0xffff, v5;
	v5 =	vld [tilespmem:$0x1FF70]  }
0x17d: {  	s0 =	sadd.s32 $0x200, s1;
	[tilespmem:v7+s14+$0x0] =	vst.idx.msk $0xffff, v6;
	v57 =	vor.u32 s1, v61;
	v61 =	vld [tilespmem:$0x1FD00]  }
0x17e: {  	v22 =	vld [tilespmem:s26+$0x3860];
	v19 =	vor.u32 s0, v4  }
0x17f: {  	v6 =	vor.u32 s1, v24;
	v24 =	vld [tilespmem:s26+$0x3870]  }
0x180: {  	[tilespmem:$0x1FD10] =	vst v15;
	v18 =	vor.u32 s1, v9;
	v21 =	vor.u32 s0, v9;
	v27 =	vld [tilespmem:s29+$0x10];
	v11 =	vmov v11  }
0x181: {  	v9 =	vor.u32 s1, v23;
	v17 =	vor.u32 s1, v4;
	v4 =	vor.u32 s1, v30;
	v30 =	vld [tilespmem:$0x1FF90];
	[tilespmem:$0x1FD20] =	vst v11  }
0x182: {  	v23 =	vor.u32 s28, v29;
	v11 =	vor.u32 s1, v34;
	v34 =	vor.u32 s1, v29;
	v29 =	vld [tilespmem:$0x1FF20];
	[tilespmem:v0+s14+$0x0] =	vst.idx.msk $0xffff, v13  }
0x183: {  	v13 =	vld [tilespmem:$0x1FDC0];
	v0 =	vmov v53;
	[tilespmem:v19+s14+$0x0] =	vst.idx.msk $0xffff, v2  }
0x184: {  	v10 =	vor.u32 s1, v26;
	v26 =	vor.u32 s28, v5;
	v53 =	vld [tilespmem:$0x1FF50];
	[tilespmem:$0x1FDC0] =	vst v0  }
0x185: {  	v3 =	vor.u32 s1, v28;
	v28 =	vld [tilespmem:s29+$0x0];
	[tilespmem:v21+s14+$0x0] =	vst.idx.msk $0xffff, v20  }
0x186: {  	v21 =	vld [tilespmem:s26+$0x3840];
	[tilespmem:v61+s14+$0x0] =	vst.idx.msk $0xffff, v8  }
0x187: {  	v0 =	vor.u32 s1, v32;
	v20 =	vor.u32 s0, v31;
	v8 =	vmov v47;
	v19 =	vld [tilespmem:s29+$0x660];
	[tilespmem:v23+s14+$0x0] =	vst.idx.msk $0xffff, v22  }
0x188: {  	v32 =	vor.u32 s1, v41;
	v2 =	vor.u32 s1, v29;
	[tilespmem:$0x1FD00] =	vst v8;
	v41 =	vor.u32 s28, v29;
	v29 =	vld [tilespmem:$0x1FE90]  }
0x189: {  	v23 =	vor.u32 s0, v55;
	v22 =	vld [tilespmem:s29+$0x670];
	[tilespmem:v26+s14+$0x0] =	vst.idx.msk $0xffff, v24  }
0x18a: {  	v24 =	vld [tilespmem:s26+$0x3EA0];
	[tilespmem:v17+s14+$0x0] =	vst.idx.msk $0xffff, v28  }
0x18b: {  	v13 =	vmov v13;
	v26 =	vor.u32 s28, v53;
	v28 =	vld [tilespmem:s26+$0x3EB0];
	[tilespmem:v18+s14+$0x0] =	vst.idx.msk $0xffff, v27  }
0x18c: {  	[tilespmem:$0x1FD30] =	vst v13;
	v17 =	vld [tilespmem:s26+$0x3850]  }
0x18d: {  	v25 =	vor.u32 s1, v31;
	v15 =	vor.u32 s1, v37;
	v14 =	vor.u32 s1, v36;
	[tilespmem:v20+s14+$0x0] =	vst.idx.msk $0xffff, v19;
	v27 =	vld [tilespmem:s29+$0x640]  }
0x18e: {  	p0 =	slt.u32 s17, $0x30;
	v58 =	vor.u32 s1, v44;
	v56 =	vor.u32 s1, v46;
	v59 =	vor.u32 s1, v62;
	v18 =	vld [tilespmem:s29+$0x650];
	[tilespmem:v23+s14+$0x0] =	vst.idx.msk $0xffff, v22  }
.Ltmp2:
0x18f: {  	v62 =	vor.u32 s1, v43;
	v7 =	vor.u32 s1, v45;
	v16 =	vor.u32 s1, v55;
	[tilespmem:v54+s14+$0x0] =	vst.idx.msk $0xffff, v21;
	v54 =	vmovc v34;
	v34 =	vld [tilespmem:$0x1FE80];
	(pc) =	sbr.rel @p0 .LBB2_2-.Ltmp2, $4  }
0x190: {  	v63 =	vor.u32 s1, v30;
	v47 =	vmovc v50;
	v61 =	vor.u32 s1, v40;
	v50 =	vor.u32 s1, v42;
	v19 =	vld [tilespmem:s29+$0xCA0];
	[tilespmem:v26+s14+$0x0] =	vst.idx.msk $0xffff, v24  }
0x191: {  	v8 =	vor.u32 s1, v35;
	v55 =	vor.u32 s1, v39;
	v13 =	vor.u32 s1, v5;
	v20 =	vld [tilespmem:s29+$0xCB0];
	[tilespmem:v41+s14+$0x0] =	vst.idx.msk $0xffff, v28  }
0x192: {  	v5 =	vor.u32 s1, v53;
	v53 =	vor.u32 s1, v38;
	v22 =	vor.u32 s0, v36;
	v21 =	vld [tilespmem:s26+$0x44E0]  }
0x193: {  	s17 =	sadd.s32 $0x2, s17;
	v44 =	vmovc v48;
	v23 =	vor.u32 s0, v37;
	v24 =	vor.u32 s28, v30;
	v26 =	vor.u32 s28, v43;
	[tilespmem:v25+s14+$0x0] =	vst.idx.msk $0xffff, v27;
	v25 =	vld [tilespmem:s26+$0x44F0]  }
0x194: {  	_ =	sdelay $0x3  }
0x195: {  	[tilespmem:v16+s14+$0x0] =	vst.idx.msk $0xffff, v18  }
0x196: {  	v18 =	vld [tilespmem:s29+$0xC80];
	[tilespmem:v22+s14+$0x0] =	vst.idx.msk $0xffff, v19  }
0x197: {  	v19 =	vld [tilespmem:s29+$0xC90];
	[tilespmem:v23+s14+$0x0] =	vst.idx.msk $0xffff, v20  }
0x198: {  	v20 =	vld [tilespmem:s29+$0x12E0];
	[tilespmem:v24+s14+$0x0] =	vst.idx.msk $0xffff, v21;
	v21 =	vor.u32 s0, v34  }
0x199: {  	[tilespmem:v60+s14+$0x0] =	vst.idx.msk $0xffff, v17;
	v23 =	vor.u32 s0, v29;
	v22 =	vld [tilespmem:s29+$0x12F0]  }
0x19a: {  	[tilespmem:v26+s14+$0x0] =	vst.idx.msk $0xffff, v25  }
0x19b: {  	[tilespmem:v14+s14+$0x0] =	vst.idx.msk $0xffff, v18  }
0x19c: {  	[tilespmem:v15+s14+$0x0] =	vst.idx.msk $0xffff, v19  }
0x19d: {  	[tilespmem:v21+s14+$0x0] =	vst.idx.msk $0xffff, v20  }
0x19e: {  	[tilespmem:v23+s14+$0x0] =	vst.idx.msk $0xffff, v22  }
0x19f: {  	v46 =	vld [tilespmem:$0x1FEA0]  }
0x1a0: {  	v25 =	vld [tilespmem:$0x1FEB0];
	_ =	sdelay $0x3  }
0x1a1: {  	v19 =	vld [tilespmem:s29+$0x1920];
	v20 =	vor.u32 s0, v46  }
0x1a2: {  	v21 =	vld [tilespmem:s29+$0x1930];
	v22 =	vor.u32 s0, v25;
	_ =	sdelay $0x3  }
0x1a3: {  	[tilespmem:v20+s14+$0x0] =	vst.idx.msk $0xffff, v19  }
0x1a4: {  	[tilespmem:v22+s14+$0x0] =	vst.idx.msk $0xffff, v21  }
0x1a5: {  	v24 =	vld [tilespmem:$0x1FFC0]  }
0x1a6: {  	v27 =	vld [tilespmem:$0x1FFF0];
	_ =	sdelay $0x1  }
0x1a7: {  	v18 =	vld [tilespmem:s29+$0x12C0]  }
0x1a8: {  	v23 =	vld [tilespmem:s29+$0x12D0]  }
0x1a9: {  	v19 =	vld [tilespmem:s29+$0x1F60];
	v20 =	vor.u32 s0, v24  }
0x1aa: {  	v21 =	vld [tilespmem:s29+$0x1F70];
	v22 =	vor.u32 s0, v27;
	_ =	sdelay $0x1  }
0x1ab: {  	[tilespmem:v11+s14+$0x0] =	vst.idx.msk $0xffff, v18  }
0x1ac: {  	[tilespmem:v12+s14+$0x0] =	vst.idx.msk $0xffff, v23  }
0x1ad: {  	[tilespmem:v20+s14+$0x0] =	vst.idx.msk $0xffff, v19  }
0x1ae: {  	[tilespmem:v22+s14+$0x0] =	vst.idx.msk $0xffff, v21  }
0x1af: {  	v26 =	vld [tilespmem:$0x1FFB0]  }
0x1b0: {  	v48 =	vld [tilespmem:$0x1FE20];
	_ =	sdelay $0x1  }
0x1b1: {  	v11 =	vld [tilespmem:s29+$0x1900]  }
0x1b2: {  	v12 =	vld [tilespmem:s29+$0x1910]  }
0x1b3: {  	v18 =	vld [tilespmem:s29+$0x25A0];
	v19 =	vor.u32 s0, v26  }
0x1b4: {  	v20 =	vld [tilespmem:s29+$0x25B0];
	v21 =	vor.u32 s0, v48;
	_ =	sdelay $0x1  }
0x1b5: {  	[tilespmem:v9+s14+$0x0] =	vst.idx.msk $0xffff, v11  }
0x1b6: {  	[tilespmem:v10+s14+$0x0] =	vst.idx.msk $0xffff, v12  }
0x1b7: {  	[tilespmem:v19+s14+$0x0] =	vst.idx.msk $0xffff, v18  }
0x1b8: {  	[tilespmem:v21+s14+$0x0] =	vst.idx.msk $0xffff, v20  }
0x1b9: {  	v28 =	vld [tilespmem:$0x1FE30]  }
0x1ba: {  	v20 =	vld [tilespmem:$0x1FFA0]  }
0x1bb: {  	v9 =	vld [tilespmem:s29+$0x1F40]  }
0x1bc: {  	v10 =	vld [tilespmem:s29+$0x1F50];
	_ =	sdelay $0x1  }
0x1bd: {  	v11 =	vld [tilespmem:s29+$0x2BE0];
	v12 =	vor.u32 s0, v28  }
0x1be: {  	v18 =	vld [tilespmem:s29+$0x2BF0];
	v19 =	vor.u32 s0, v20  }
0x1bf: {  	[tilespmem:v6+s14+$0x0] =	vst.idx.msk $0xffff, v9  }
0x1c0: {  	[tilespmem:v7+s14+$0x0] =	vst.idx.msk $0xffff, v10  }
0x1c1: {  	v6 =	vld [tilespmem:s29+$0x2580]  }
0x1c2: {  	[tilespmem:v12+s14+$0x0] =	vst.idx.msk $0xffff, v11  }
0x1c3: {  	v7 =	vld [tilespmem:s29+$0x2590];
	[tilespmem:v19+s14+$0x0] =	vst.idx.msk $0xffff, v18  }
0x1c4: {  	v60 =	vld [tilespmem:$0x1FF80]  }
0x1c5: {  	v19 =	vld [tilespmem:$0x1FFE0]  }
0x1c6: {  	v23 =	vld [tilespmem:$0x1FF60];
	[tilespmem:v4+s14+$0x0] =	vst.idx.msk $0xffff, v6  }
0x1c7: {  	v45 =	vld [tilespmem:$0x1FEC0];
	_ =	sdelay $0x1  }
0x1c8: {  	v9 =	vld [tilespmem:s29+$0x3220];
	v10 =	vor.u32 s0, v60  }
0x1c9: {  	v17 =	vld [tilespmem:s26+$0x4B20];
	v18 =	vor.u32 s28, v19  }
0x1ca: {  	v11 =	vld [tilespmem:s29+$0x3230];
	v12 =	vor.u32 s0, v23  }
0x1cb: {  	v14 =	vld [tilespmem:s26+$0x4B30];
	v4 =	vor.u32 s28, v45  }
0x1cc: {  	[tilespmem:v3+s14+$0x0] =	vst.idx.msk $0xffff, v7  }
0x1cd: {  	v3 =	vld [tilespmem:s29+$0x2BC0];
	[tilespmem:v10+s14+$0x0] =	vst.idx.msk $0xffff, v9  }
0x1ce: {  	v16 =	vld [tilespmem:s25+$0x5150];
	[tilespmem:v18+s14+$0x0] =	vst.idx.msk $0xffff, v17  }
0x1cf: {  	v6 =	vld [tilespmem:s29+$0x2BD0];
	[tilespmem:v12+s14+$0x0] =	vst.idx.msk $0xffff, v11  }
0x1d0: {  	v30 =	vld [tilespmem:$0x1FFD0];
	[tilespmem:v4+s14+$0x0] =	vst.idx.msk $0xffff, v14  }
0x1d1: {  	v21 =	vld [tilespmem:$0x1FF70]  }
0x1d2: {  	v17 =	vld [tilespmem:$0x1FED0];
	[tilespmem:v0+s14+$0x0] =	vst.idx.msk $0xffff, v3  }
0x1d3: {  	v18 =	vld [tilespmem:$0x1FF30]  }
0x1d4: {  	v15 =	vld [tilespmem:s26+$0x3E80]  }
0x1d5: {  	v7 =	vld [tilespmem:s29+$0x3860];
	v9 =	vor.u32 s0, v30  }
0x1d6: {  	v4 =	vld [tilespmem:s29+$0x3870];
	v10 =	vor.u32 s0, v21  }
0x1d7: {  	v11 =	vld [tilespmem:s26+$0x5160];
	v12 =	vor.u32 s28, v17  }
0x1d8: {  	v0 =	vld [tilespmem:s26+$0x5170];
	[tilespmem:v33+s14+$0x0] =	vst.idx.msk $0xffff, v6;
	v3 =	vor.u32 s28, v18  }
0x1d9: {  	[tilespmem:v51+s14+$0x0] =	vst.idx.msk $0xffff, v1  }
0x1da: {  	v1 =	vld [tilespmem:s29+$0x3200];
	[tilespmem:v9+s14+$0x0] =	vst.idx.msk $0xffff, v7  }
0x1db: {  	[tilespmem:v10+s14+$0x0] =	vst.idx.msk $0xffff, v4  }
0x1dc: {  	v6 =	vld [tilespmem:s29+$0x3210];
	[tilespmem:v12+s14+$0x0] =	vst.idx.msk $0xffff, v11  }
0x1dd: {  	v43 =	vld [tilespmem:$0x1FF50];
	[tilespmem:v3+s14+$0x0] =	vst.idx.msk $0xffff, v0  }
0x1de: {  	v37 =	vld [tilespmem:$0x1FF20]  }
0x1df: {  	v42 =	vld [tilespmem:$0x1FF00];
	[tilespmem:v59+s14+$0x0] =	vst.idx.msk $0xffff, v1  }
0x1e0: {  	v41 =	vld [tilespmem:$0x1FEF0];
	_ =	sdelay $0x1  }
0x1e1: {  	v4 =	vld [tilespmem:s29+$0x3EA0];
	v9 =	vor.u32 s0, v43  }
0x1e2: {  	v0 =	vld [tilespmem:s29+$0x3EB0];
	v3 =	vor.u32 s0, v37  }
0x1e3: {  	v10 =	vld [tilespmem:s26+$0x57A0];
	v11 =	vor.u32 s28, v42  }
0x1e4: {  	v1 =	vld [tilespmem:s26+$0x57B0];
	[tilespmem:v57+s14+$0x0] =	vst.idx.msk $0xffff, v6;
	v12 =	vor.u32 s28, v41  }
0x1e5: {  	v7 =	vld [tilespmem:s26+$0x3E90];
	[tilespmem:v52+s14+$0x0] =	vst.idx.msk $0xffff, v15  }
0x1e6: {  	[tilespmem:v9+s14+$0x0] =	vst.idx.msk $0xffff, v4  }
0x1e7: {  	[tilespmem:v3+s14+$0x0] =	vst.idx.msk $0xffff, v0  }
0x1e8: {  	[tilespmem:v11+s14+$0x0] =	vst.idx.msk $0xffff, v10  }
0x1e9: {  	v38 =	vld [tilespmem:$0x1FF90];
	[tilespmem:v12+s14+$0x0] =	vst.idx.msk $0xffff, v1  }
0x1ea: {  	v40 =	vld [tilespmem:$0x1FEE0]  }
0x1eb: {  	v6 =	vld [tilespmem:s29+$0x3840]  }
0x1ec: {  	v14 =	vld [tilespmem:s29+$0x3850];
	_ =	sdelay $0x1  }
0x1ed: {  	v0 =	vld [tilespmem:s29+$0x44E0];
	v3 =	vor.u32 s0, v38  }
0x1ee: {  	v1 =	vld [tilespmem:s29+$0x44F0];
	v9 =	vor.u32 s0, v40  }
0x1ef: {  	[tilespmem:v54+s14+$0x0] =	vst.idx.msk $0xffff, v6  }
0x1f0: {  	v39 =	vld [tilespmem:$0x1FF10];
	[tilespmem:v13+s14+$0x0] =	vst.idx.msk $0xffff, v14  }
0x1f1: {  	[tilespmem:v49+s14+$0x0] =	vst.idx.msk $0xffff, v7  }
0x1f2: {  	[tilespmem:v3+s14+$0x0] =	vst.idx.msk $0xffff, v0  }
0x1f3: {  	v36 =	vld [tilespmem:$0x1FF40];
	[tilespmem:v9+s14+$0x0] =	vst.idx.msk $0xffff, v1  }
0x1f4: {  	v1 =	vld [tilespmem:$0x1FD10];
	_ =	sdelay $0x3  }
0x1f5: {  	v6 =	vld [tilespmem:s26+$0x5DE0];
	v11 =	vor.u32 s28, v39  }
0x1f6: {  	v7 =	vld [tilespmem:s29+$0x3E80]  }
0x1f7: {  	v0 =	vld [tilespmem:s29+$0x3E90]  }
0x1f8: {  	v3 =	vld [tilespmem:s26+$0x5DF0];
	v12 =	vor.u32 s28, v36  }
0x1f9: {  	v9 =	vor.u32 s0, v19;
	[tilespmem:v1+s14+$0x0] =	vst.idx.msk $0xffff, v16;
	v1 =	vld [tilespmem:s29+$0x4B20]  }
0x1fa: {  	[tilespmem:v11+s14+$0x0] =	vst.idx.msk $0xffff, v6;
	v6 =	vld [tilespmem:s29+$0x4B30];
	v11 =	vor.u32 s0, v45  }
0x1fb: {  	[tilespmem:v5+s14+$0x0] =	vst.idx.msk $0xffff, v7  }
0x1fc: {  	[tilespmem:v2+s14+$0x0] =	vst.idx.msk $0xffff, v0  }
0x1fd: {  	[tilespmem:v12+s14+$0x0] =	vst.idx.msk $0xffff, v3  }
0x1fe: {  	[tilespmem:v9+s14+$0x0] =	vst.idx.msk $0xffff, v1  }
0x1ff: {  	[tilespmem:v11+s14+$0x0] =	vst.idx.msk $0xffff, v6  }
0x200: {  	v3 =	vld [tilespmem:$0x1FD50];
	_ =	sdelay $0x2  }
0x201: {  	v13 =	vld [tilespmem:s26+$0x44C0];
	_ =	sdelay $0x4  }
0x202: {  	v5 =	vld [tilespmem:s26+$0x44D0];
	[tilespmem:v3+s14+$0x0] =	vst.idx.msk $0xffff, v13  }
0x203: {  	v7 =	vld [tilespmem:$0x1FD60]  }
0x204: {  	v0 =	vld [tilespmem:s29+$0x44C0]  }
0x205: {  	v1 =	vld [tilespmem:s29+$0x44D0];
	_ =	sdelay $0x3  }
0x206: {  	[tilespmem:v63+s14+$0x0] =	vst.idx.msk $0xffff, v0  }
0x207: {  	[tilespmem:v62+s14+$0x0] =	vst.idx.msk $0xffff, v1  }
0x208: {  	[tilespmem:v7+s14+$0x0] =	vst.idx.msk $0xffff, v5  }
0x209: {  	v1 =	vld [tilespmem:$0x1FCF0]  }
0x20a: {  	v6 =	vor.u32 s0, v17;
	v3 =	vld [tilespmem:s29+$0x5160]  }
0x20b: {  	v5 =	vld [tilespmem:s29+$0x5170];
	v7 =	vor.u32 s0, v18  }
0x20c: {  	v4 =	vld [tilespmem:s2+$0x5DC0];
	_ =	sdelay $0x2  }
0x20d: {  	[tilespmem:v6+s14+$0x0] =	vst.idx.msk $0xffff, v3  }
0x20e: {  	[tilespmem:v7+s14+$0x0] =	vst.idx.msk $0xffff, v5  }
0x20f: {  	v10 =	vld [tilespmem:s2+$0x5DD0];
	[tilespmem:v1+s14+$0x0] =	vst.idx.msk $0xffff, v4  }
0x210: {  	v5 =	vld [tilespmem:$0x1FD70];
	_ =	sdelay $0x2  }
0x211: {  	v9 =	vld [tilespmem:s26+$0x4B00];
	_ =	sdelay $0x4  }
0x212: {  	v0 =	vld [tilespmem:s26+$0x4B10];
	[tilespmem:v5+s14+$0x0] =	vst.idx.msk $0xffff, v9  }
0x213: {  	v7 =	vld [tilespmem:$0x1FD80]  }
0x214: {  	v1 =	vld [tilespmem:s29+$0x4B00]  }
0x215: {  	v3 =	vld [tilespmem:s29+$0x4B10];
	_ =	sdelay $0x3  }
0x216: {  	[tilespmem:v58+s14+$0x0] =	vst.idx.msk $0xffff, v1  }
0x217: {  	[tilespmem:v56+s14+$0x0] =	vst.idx.msk $0xffff, v3  }
0x218: {  	[tilespmem:v7+s14+$0x0] =	vst.idx.msk $0xffff, v0  }
0x219: {  	v3 =	vld [tilespmem:$0x1FD20]  }
0x21a: {  	v6 =	vor.u32 s0, v42;
	v5 =	vld [tilespmem:s29+$0x57A0]  }
0x21b: {  	v0 =	vld [tilespmem:s29+$0x57B0];
	v7 =	vor.u32 s0, v41  }
0x21c: {  	v2 =	vld [tilespmem:s25+$0x5780];
	_ =	sdelay $0x2  }
0x21d: {  	[tilespmem:v6+s14+$0x0] =	vst.idx.msk $0xffff, v5  }
0x21e: {  	[tilespmem:v7+s14+$0x0] =	vst.idx.msk $0xffff, v0  }
0x21f: {  	v4 =	vld [tilespmem:s25+$0x5790];
	[tilespmem:v3+s14+$0x0] =	vst.idx.msk $0xffff, v2  }
0x220: {  	v0 =	vld [tilespmem:$0x1FD90];
	_ =	sdelay $0x2  }
0x221: {  	v9 =	vld [tilespmem:s26+$0x5140];
	_ =	sdelay $0x4  }
0x222: {  	v1 =	vld [tilespmem:s26+$0x5150];
	[tilespmem:v0+s14+$0x0] =	vst.idx.msk $0xffff, v9  }
0x223: {  	v7 =	vld [tilespmem:$0x1FDA0]  }
0x224: {  	v2 =	vld [tilespmem:s29+$0x5140]  }
0x225: {  	v3 =	vld [tilespmem:s29+$0x5150];
	_ =	sdelay $0x3  }
0x226: {  	[tilespmem:v8+s14+$0x0] =	vst.idx.msk $0xffff, v2  }
0x227: {  	[tilespmem:v32+s14+$0x0] =	vst.idx.msk $0xffff, v3  }
0x228: {  	[tilespmem:v7+s14+$0x0] =	vst.idx.msk $0xffff, v1  }
0x229: {  	v3 =	vld [tilespmem:$0x1FD30];
	_ =	sdelay $0x7  }
0x22a: {  	[tilespmem:v3+s14+$0x0] =	vst.idx.msk $0xffff, v4  }
0x22b: {  	v4 =	vld [tilespmem:$0x1FD00];
	_ =	sdelay $0x1  }
0x22c: {  	v5 =	vor.u32 s0, v39;
	v0 =	vld [tilespmem:s29+$0x5DE0];
	_ =	sdelay $0x4  }
0x22d: {  	v6 =	vld [tilespmem:s29+$0x5DF0];
	[tilespmem:v5+s14+$0x0] =	vst.idx.msk $0xffff, v0  }
0x22e: {  	[tilespmem:v4+s14+$0x0] =	vst.idx.msk $0xffff, v10  }
0x22f: {  	v5 =	vld [tilespmem:$0x1FDB0];
	_ =	sdelay $0x2  }
0x230: {  	v1 =	vld [tilespmem:s26+$0x5780];
	_ =	sdelay $0x3  }
0x231: {  	v2 =	vld [tilespmem:s26+$0x5790]  }
0x232: {  	v3 =	vld [tilespmem:s29+$0x5780];
	[tilespmem:v5+s14+$0x0] =	vst.idx.msk $0xffff, v1  }
0x233: {  	v5 =	vld [tilespmem:$0x1FDC0]  }
0x234: {  	v7 =	vor.u32 s0, v36  }
0x235: {  	v4 =	vld [tilespmem:s29+$0x5790];
	_ =	sdelay $0x2  }
0x236: {  	[tilespmem:v55+s14+$0x0] =	vst.idx.msk $0xffff, v3  }
0x237: {  	[tilespmem:v7+s14+$0x0] =	vst.idx.msk $0xffff, v6  }
0x238: {  	[tilespmem:v53+s14+$0x0] =	vst.idx.msk $0xffff, v4  }
0x239: {  	[tilespmem:v5+s14+$0x0] =	vst.idx.msk $0xffff, v2  }
0x23a: {  	v5 =	vld [tilespmem:$0x1FD40];
	_ =	sdelay $0x2  }
0x23b: {  	v0 =	vld [tilespmem:s25+$0x5DC0]  }
0x23c: {  	v1 =	vld [tilespmem:s25+$0x5DD0];
	_ =	sdelay $0x3  }
0x23d: {  	[tilespmem:v5+s14+$0x0] =	vst.idx.msk $0xffff, v0  }
0x23e: {  	[tilespmem:v44+s14+$0x0] =	vst.idx.msk $0xffff, v1  }
0x23f: {  	v1 =	vld [tilespmem:$0x1FDD0]  }
0x240: {  	v4 =	vld [tilespmem:s29+$0x5DC0]  }
0x241: {  	v0 =	vld [tilespmem:s29+$0x5DD0]  }
0x242: {  	v2 =	vld [tilespmem:s26+$0x5DC0]  }
0x243: {  	v3 =	vld [tilespmem:s26+$0x5DD0];
	_ =	sdelay $0x1  }
0x244: {  	[tilespmem:v61+s14+$0x0] =	vst.idx.msk $0xffff, v4  }
0x245: {  	[tilespmem:v50+s14+$0x0] =	vst.idx.msk $0xffff, v0  }
0x246: {  	[tilespmem:v1+s14+$0x0] =	vst.idx.msk $0xffff, v2  }
0x247: {  	[tilespmem:v47+s14+$0x0] =	vst.idx.msk $0xffff, v3  }
0x248: {  	[hbm4b:s6+s15] =	stream.strided.scatter [tilespmem:s14], [sflag:$0x3], $0x6400, s16, s15, $0x38;
	[tilespmem:$0x1F400] =	vst v63  }
0x249: {  	s1 =	simm.s32 $0x640  }
0x24a: {  	[tilespmem:s18], [sflag:$0x1] =	stream.indirect.gather [hbm4b:s3+s11], $0x20, s1, s11, $0xb8;
	[tilespmem:$0x1F400] =	vst v63  }
0x24b: {  	_ =	swait.ge [sflag:s19], $0x6400  }
0x24c: {  	v15 =	vld [tilespmem:$0x1FE40]  }
0x24d: {  	v16 =	vld [tilespmem:$0x1FE50];
	_ =	sdelay $0x1  }
0x24e: {  	[sflag:s19] =	ssyncset.done $0x0  }
0x24f: {  	s17 =	simm.s32 $0x200;
	s25 =	simm.s32 $0xC800;
	[sflag:s19] =	ssyncadd.s32 $0xFFFF9C00  }
0x250: {  	v0 =	vld [tilespmem:s25+$0x20];
	v1 =	vor.u32 s17, v15  }
0x251: {  	v2 =	vld [tilespmem:s25+$0x30];
	v3 =	vor.u32 s17, v16;
	_ =	sdelay $0x3  }
0x252: {  	[tilespmem:v1+s20+$0x0] =	vst.idx.msk $0xffff, v0  }
0x253: {  	[tilespmem:v3+s20+$0x0] =	vst.idx.msk $0xffff, v2  }
0x254: {  	v44 =	vld [tilespmem:$0x1FE70];
	_ =	sdelay $0x3  }
0x255: {  	v1 =	vor.u32 s17, v31;
	v0 =	vld [tilespmem:s25+$0x660]  }
0x256: {  	s2 =	simm.s32 $0x0;
	v2 =	vld [tilespmem:s25+$0x670];
	v3 =	vor.u32 s17, v44  }
0x257: {  	v5 =	vld [tilespmem:s25+$0x0];
	v4 =	vor.u32 s2, v15;
	_ =	sdelay $0x2  }
0x258: {  	[tilespmem:v1+s20+$0x0] =	vst.idx.msk $0xffff, v0  }
0x259: {  	v7 =	vld [tilespmem:s25+$0x10];
	[tilespmem:v3+s20+$0x0] =	vst.idx.msk $0xffff, v2  }
0x25a: {  	v33 =	vld [tilespmem:$0x1FE00];
	[tilespmem:v4+s20+$0x0] =	vst.idx.msk $0xffff, v5  }
0x25b: {  	v35 =	vld [tilespmem:$0x1FE10];
	_ =	sdelay $0x1  }
0x25c: {  	v6 =	vor.u32 s2, v16;
	_ =	sdelay $0x1  }
0x25d: {  	v0 =	vld [tilespmem:s25+$0xCA0];
	v1 =	vor.u32 s17, v33  }
0x25e: {  	v2 =	vld [tilespmem:s25+$0xCB0];
	v3 =	vor.u32 s17, v35;
	_ =	sdelay $0x1  }
0x25f: {  	[tilespmem:v6+s20+$0x0] =	vst.idx.msk $0xffff, v7  }
0x260: {  	v4 =	vor.u32 s2, v31;
	v5 =	vld [tilespmem:s25+$0x640]  }
0x261: {  	v6 =	vor.u32 s2, v44;
	v7 =	vld [tilespmem:s25+$0x650];
	[tilespmem:v1+s20+$0x0] =	vst.idx.msk $0xffff, v0  }
0x262: {  	[tilespmem:v3+s20+$0x0] =	vst.idx.msk $0xffff, v2  }
0x263: {  	v1 =	vor.u32 s17, v34;
	v0 =	vld [tilespmem:s25+$0x12E0]  }
0x264: {  	v3 =	vor.u32 s17, v29;
	v2 =	vld [tilespmem:s25+$0x12F0]  }
0x265: {  	[tilespmem:v4+s20+$0x0] =	vst.idx.msk $0xffff, v5  }
0x266: {  	[tilespmem:v6+s20+$0x0] =	vst.idx.msk $0xffff, v7  }
0x267: {  	v4 =	vor.u32 s2, v33;
	v5 =	vld [tilespmem:s25+$0xC80]  }
0x268: {  	v6 =	vor.u32 s2, v35;
	v7 =	vld [tilespmem:s25+$0xC90];
	[tilespmem:v1+s20+$0x0] =	vst.idx.msk $0xffff, v0  }
0x269: {  	[tilespmem:v3+s20+$0x0] =	vst.idx.msk $0xffff, v2  }
0x26a: {  	v1 =	vor.u32 s17, v46;
	v0 =	vld [tilespmem:s25+$0x1920]  }
0x26b: {  	v3 =	vor.u32 s17, v25;
	v2 =	vld [tilespmem:s25+$0x1930]  }
0x26c: {  	[tilespmem:v4+s20+$0x0] =	vst.idx.msk $0xffff, v5  }
0x26d: {  	[tilespmem:v6+s20+$0x0] =	vst.idx.msk $0xffff, v7  }
0x26e: {  	v4 =	vor.u32 s2, v34;
	v5 =	vld [tilespmem:s25+$0x12C0]  }
0x26f: {  	v6 =	vor.u32 s2, v29;
	v7 =	vld [tilespmem:s25+$0x12D0];
	[tilespmem:v1+s20+$0x0] =	vst.idx.msk $0xffff, v0  }
0x270: {  	[tilespmem:v3+s20+$0x0] =	vst.idx.msk $0xffff, v2  }
0x271: {  	v1 =	vor.u32 s17, v24;
	v0 =	vld [tilespmem:s25+$0x1F60]  }
0x272: {  	v3 =	vor.u32 s17, v27;
	v2 =	vld [tilespmem:s25+$0x1F70]  }
0x273: {  	[tilespmem:v4+s20+$0x0] =	vst.idx.msk $0xffff, v5  }
0x274: {  	[tilespmem:v6+s20+$0x0] =	vst.idx.msk $0xffff, v7  }
0x275: {  	v4 =	vor.u32 s2, v46;
	v5 =	vld [tilespmem:s25+$0x1900]  }
0x276: {  	v6 =	vor.u32 s2, v25;
	v7 =	vld [tilespmem:s25+$0x1910];
	[tilespmem:v1+s20+$0x0] =	vst.idx.msk $0xffff, v0  }
0x277: {  	[tilespmem:v3+s20+$0x0] =	vst.idx.msk $0xffff, v2  }
0x278: {  	v1 =	vor.u32 s17, v26;
	v0 =	vld [tilespmem:s25+$0x25A0]  }
0x279: {  	v3 =	vor.u32 s17, v48;
	v2 =	vld [tilespmem:s25+$0x25B0]  }
0x27a: {  	[tilespmem:v4+s20+$0x0] =	vst.idx.msk $0xffff, v5  }
0x27b: {  	[tilespmem:v6+s20+$0x0] =	vst.idx.msk $0xffff, v7  }
0x27c: {  	v4 =	vor.u32 s2, v24;
	v5 =	vld [tilespmem:s25+$0x1F40]  }
0x27d: {  	v6 =	vor.u32 s2, v27;
	v7 =	vld [tilespmem:s25+$0x1F50];
	[tilespmem:v1+s20+$0x0] =	vst.idx.msk $0xffff, v0  }
0x27e: {  	[tilespmem:v3+s20+$0x0] =	vst.idx.msk $0xffff, v2  }
0x27f: {  	v1 =	vor.u32 s17, v28;
	v0 =	vld [tilespmem:s25+$0x2BE0]  }
0x280: {  	v3 =	vor.u32 s17, v20;
	v2 =	vld [tilespmem:s25+$0x2BF0]  }
0x281: {  	[tilespmem:v4+s20+$0x0] =	vst.idx.msk $0xffff, v5  }
0x282: {  	[tilespmem:v6+s20+$0x0] =	vst.idx.msk $0xffff, v7  }
0x283: {  	v4 =	vor.u32 s2, v26;
	v5 =	vld [tilespmem:s25+$0x2580]  }
0x284: {  	v6 =	vor.u32 s2, v48;
	v7 =	vld [tilespmem:s25+$0x2590];
	[tilespmem:v1+s20+$0x0] =	vst.idx.msk $0xffff, v0  }
0x285: {  	[tilespmem:v3+s20+$0x0] =	vst.idx.msk $0xffff, v2  }
0x286: {  	v1 =	vor.u32 s17, v60;
	v0 =	vld [tilespmem:s25+$0x3220]  }
0x287: {  	v3 =	vor.u32 s17, v23;
	v2 =	vld [tilespmem:s25+$0x3230]  }
0x288: {  	s26 =	simm.s32 $0xC840;
	[tilespmem:v4+s20+$0x0] =	vst.idx.msk $0xffff, v5  }
0x289: {  	[tilespmem:v6+s20+$0x0] =	vst.idx.msk $0xffff, v7;
	v7 =	vld [tilespmem:s26+$0x20]  }
0x28a: {  	s30 =	simm.s32 $0x600;
	v5 =	vor.u32 s2, v28;
	v4 =	vld [tilespmem:s25+$0x2BC0]  }
0x28b: {  	v8 =	vor.u32 s30, v15;
	v6 =	vld [tilespmem:s25+$0x2BD0];
	[tilespmem:v1+s20+$0x0] =	vst.idx.msk $0xffff, v0  }
0x28c: {  	v0 =	vld [tilespmem:s26+$0x30];
	v1 =	vor.u32 s30, v16;
	[tilespmem:v3+s20+$0x0] =	vst.idx.msk $0xffff, v2  }
0x28d: {  	v3 =	vor.u32 s17, v30;
	v2 =	vld [tilespmem:s25+$0x3860]  }
0x28e: {  	s31 =	simm.s32 $0x400;
	v10 =	vor.u32 s17, v21;
	v9 =	vld [tilespmem:s25+$0x3870]  }
0x28f: {  	[tilespmem:v5+s20+$0x0] =	vst.idx.msk $0xffff, v4;
	v4 =	vor.u32 s31, v15;
	v5 =	vld [tilespmem:s26+$0x0]  }
0x290: {  	v12 =	vld [tilespmem:s26+$0x10];
	v11 =	vor.u32 s31, v16;
	[tilespmem:v8+s20+$0x0] =	vst.idx.msk $0xffff, v7  }
0x291: {  	v7 =	vor.u32 s2, v20;
	[tilespmem:v1+s20+$0x0] =	vst.idx.msk $0xffff, v0  }
0x292: {  	v1 =	vor.u32 s30, v31;
	v0 =	vld [tilespmem:s26+$0x660];
	[tilespmem:v3+s20+$0x0] =	vst.idx.msk $0xffff, v2  }
0x293: {  	v2 =	vld [tilespmem:s26+$0x670];
	v3 =	vor.u32 s30, v44;
	[tilespmem:v10+s20+$0x0] =	vst.idx.msk $0xffff, v9  }
0x294: {  	[tilespmem:v4+s20+$0x0] =	vst.idx.msk $0xffff, v5;
	v9 =	vor.u32 s17, v43;
	v8 =	vld [tilespmem:s25+$0x3EA0]  }
0x295: {  	v5 =	vor.u32 s17, v37;
	[tilespmem:v11+s20+$0x0] =	vst.idx.msk $0xffff, v12;
	v4 =	vld [tilespmem:s25+$0x3EB0]  }
0x296: {  	[tilespmem:v7+s20+$0x0] =	vst.idx.msk $0xffff, v6;
	v6 =	vor.u32 s31, v31;
	v7 =	vld [tilespmem:s26+$0x640]  }
0x297: {  	v10 =	vor.u32 s31, v44;
	[tilespmem:v1+s20+$0x0] =	vst.idx.msk $0xffff, v0;
	v0 =	vld [tilespmem:s26+$0x650]  }
0x298: {  	v12 =	vld [tilespmem:s25+$0x3210];
	[tilespmem:v3+s20+$0x0] =	vst.idx.msk $0xffff, v2  }
0x299: {  	v3 =	vor.u32 s30, v33;
	v2 =	vld [tilespmem:s26+$0xCA0];
	[tilespmem:v9+s20+$0x0] =	vst.idx.msk $0xffff, v8  }
0x29a: {  	v8 =	vld [tilespmem:s26+$0xCB0];
	v9 =	vor.u32 s30, v35;
	[tilespmem:v5+s20+$0x0] =	vst.idx.msk $0xffff, v4  }
0x29b: {  	[tilespmem:v6+s20+$0x0] =	vst.idx.msk $0xffff, v7;
	v5 =	vor.u32 s17, v38;
	v4 =	vld [tilespmem:s25+$0x44E0]  }
0x29c: {  	v7 =	vor.u32 s17, v40;
	v6 =	vld [tilespmem:s25+$0x44F0];
	[tilespmem:v10+s20+$0x0] =	vst.idx.msk $0xffff, v0  }
0x29d: {  	v0 =	vor.u32 s31, v33;
	v10 =	vld [tilespmem:s26+$0xC80]  }
0x29e: {  	v11 =	vor.u32 s31, v35;
	[tilespmem:v3+s20+$0x0] =	vst.idx.msk $0xffff, v2;
	v2 =	vld [tilespmem:s26+$0xC90]  }
0x29f: {  	v1 =	vld [tilespmem:s25+$0x3200];
	v3 =	vor.u32 s2, v60;
	[tilespmem:v9+s20+$0x0] =	vst.idx.msk $0xffff, v8  }
0x2a0: {  	v9 =	vor.u32 s30, v34;
	v8 =	vld [tilespmem:s26+$0x12E0];
	[tilespmem:v5+s20+$0x0] =	vst.idx.msk $0xffff, v4  }
0x2a1: {  	v4 =	vld [tilespmem:s26+$0x12F0];
	v5 =	vor.u32 s30, v29;
	[tilespmem:v7+s20+$0x0] =	vst.idx.msk $0xffff, v6  }
0x2a2: {  	v7 =	vor.u32 s17, v19;
	[tilespmem:v0+s20+$0x0] =	vst.idx.msk $0xffff, v10;
	v6 =	vld [tilespmem:s25+$0x4B20]  }
0x2a3: {  	v10 =	vor.u32 s17, v45;
	v0 =	vld [tilespmem:s25+$0x4B30];
	[tilespmem:v11+s20+$0x0] =	vst.idx.msk $0xffff, v2  }
0x2a4: {  	v2 =	vor.u32 s31, v34;
	[tilespmem:v3+s20+$0x0] =	vst.idx.msk $0xffff, v1;
	v1 =	vld [tilespmem:s26+$0x12C0]  }
0x2a5: {  	v3 =	vor.u32 s31, v29;
	[tilespmem:v9+s20+$0x0] =	vst.idx.msk $0xffff, v8;
	v8 =	vld [tilespmem:s26+$0x12D0]  }
0x2a6: {  	v9 =	vor.u32 s2, v23;
	[tilespmem:v5+s20+$0x0] =	vst.idx.msk $0xffff, v4  }
0x2a7: {  	v5 =	vor.u32 s30, v46;
	v4 =	vld [tilespmem:s26+$0x1920];
	[tilespmem:v7+s20+$0x0] =	vst.idx.msk $0xffff, v6  }
0x2a8: {  	v6 =	vld [tilespmem:s26+$0x1930];
	v7 =	vor.u32 s30, v25;
	[tilespmem:v10+s20+$0x0] =	vst.idx.msk $0xffff, v0  }
0x2a9: {  	v10 =	vor.u32 s17, v17;
	[tilespmem:v2+s20+$0x0] =	vst.idx.msk $0xffff, v1;
	v0 =	vld [tilespmem:s25+$0x5160]  }
0x2aa: {  	v2 =	vor.u32 s17, v18;
	v1 =	vld [tilespmem:s25+$0x5170];
	[tilespmem:v3+s20+$0x0] =	vst.idx.msk $0xffff, v8  }
0x2ab: {  	v3 =	vor.u32 s31, v46;
	[tilespmem:v9+s20+$0x0] =	vst.idx.msk $0xffff, v12;
	v8 =	vld [tilespmem:s26+$0x1900]  }
0x2ac: {  	v9 =	vor.u32 s31, v25;
	[tilespmem:v5+s20+$0x0] =	vst.idx.msk $0xffff, v4;
	v4 =	vld [tilespmem:s26+$0x1910]  }
0x2ad: {  	v11 =	vld [tilespmem:s25+$0x3840];
	v5 =	vor.u32 s2, v30;
	[tilespmem:v7+s20+$0x0] =	vst.idx.msk $0xffff, v6  }
0x2ae: {  	v7 =	vor.u32 s30, v24;
	v6 =	vld [tilespmem:s26+$0x1F60];
	[tilespmem:v10+s20+$0x0] =	vst.idx.msk $0xffff, v0  }
0x2af: {  	v0 =	vld [tilespmem:s26+$0x1F70];
	v10 =	vor.u32 s30, v27;
	[tilespmem:v2+s20+$0x0] =	vst.idx.msk $0xffff, v1  }
0x2b0: {  	v1 =	vor.u32 s2, v21;
	v2 =	vld [tilespmem:s25+$0x3850];
	[tilespmem:v3+s20+$0x0] =	vst.idx.msk $0xffff, v8  }
0x2b1: {  	v8 =	vor.u32 s17, v42;
	v3 =	vld [tilespmem:s25+$0x57A0];
	[tilespmem:v9+s20+$0x0] =	vst.idx.msk $0xffff, v4  }
0x2b2: {  	v4 =	vor.u32 s31, v24;
	[tilespmem:v5+s20+$0x0] =	vst.idx.msk $0xffff, v11;
	v5 =	vld [tilespmem:s26+$0x1F40]  }
0x2b3: {  	v9 =	vor.u32 s31, v27;
	[tilespmem:v7+s20+$0x0] =	vst.idx.msk $0xffff, v6;
	v6 =	vld [tilespmem:s26+$0x1F50]  }
0x2b4: {  	v11 =	vor.u32 s17, v41;
	v7 =	vld [tilespmem:s25+$0x57B0];
	[tilespmem:v10+s20+$0x0] =	vst.idx.msk $0xffff, v0  }
0x2b5: {  	[tilespmem:v1+s20+$0x0] =	vst.idx.msk $0xffff, v2;
	v0 =	vld [tilespmem:s26+$0x25A0];
	v1 =	vor.u32 s30, v26  }
0x2b6: {  	v2 =	vld [tilespmem:s26+$0x25B0];
	[tilespmem:v8+s20+$0x0] =	vst.idx.msk $0xffff, v3;
	v3 =	vor.u32 s30, v48  }
0x2b7: {  	v8 =	vor.u32 s2, v43;
	v10 =	vld [tilespmem:s25+$0x3E80];
	[tilespmem:v4+s20+$0x0] =	vst.idx.msk $0xffff, v5  }
0x2b8: {  	v4 =	vor.u32 s2, v37;
	v5 =	vld [tilespmem:s25+$0x3E90];
	[tilespmem:v9+s20+$0x0] =	vst.idx.msk $0xffff, v6  }
0x2b9: {  	[tilespmem:v11+s20+$0x0] =	vst.idx.msk $0xffff, v7  }
0x2ba: {  	v6 =	vor.u32 s31, v26;
	v7 =	vld [tilespmem:s26+$0x2580];
	[tilespmem:v1+s20+$0x0] =	vst.idx.msk $0xffff, v0  }
0x2bb: {  	v9 =	vor.u32 s31, v48;
	v11 =	vld [tilespmem:s26+$0x2590];
	[tilespmem:v3+s20+$0x0] =	vst.idx.msk $0xffff, v2  }
0x2bc: {  	[tilespmem:v8+s20+$0x0] =	vst.idx.msk $0xffff, v10;
	v2 =	vor.u32 s30, v28;
	v1 =	vld [tilespmem:s26+$0x2BE0]  }
0x2bd: {  	[tilespmem:v4+s20+$0x0] =	vst.idx.msk $0xffff, v5;
	v3 =	vld [tilespmem:s26+$0x2BF0];
	v4 =	vor.u32 s30, v20  }
0x2be: {  	v5 =	vor.u32 s2, v38;
	v8 =	vld [tilespmem:s25+$0x44C0]  }
0x2bf: {  	[tilespmem:v6+s20+$0x0] =	vst.idx.msk $0xffff, v7;
	v6 =	vor.u32 s2, v40;
	v7 =	vld [tilespmem:s25+$0x44D0]  }
0x2c0: {  	[tilespmem:v9+s20+$0x0] =	vst.idx.msk $0xffff, v11  }
0x2c1: {  	v9 =	vor.u32 s31, v28;
	v10 =	vld [tilespmem:s26+$0x2BC0];
	[tilespmem:v2+s20+$0x0] =	vst.idx.msk $0xffff, v1  }
0x2c2: {  	v11 =	vor.u32 s31, v20;
	v12 =	vld [tilespmem:s26+$0x2BD0];
	[tilespmem:v4+s20+$0x0] =	vst.idx.msk $0xffff, v3  }
0x2c3: {  	[tilespmem:v5+s20+$0x0] =	vst.idx.msk $0xffff, v8;
	v3 =	vor.u32 s30, v60;
	v2 =	vld [tilespmem:s26+$0x3220]  }
0x2c4: {  	v0 =	vld [tilespmem:s25+$0x5DE0];
	[tilespmem:v6+s20+$0x0] =	vst.idx.msk $0xffff, v7;
	v6 =	vor.u32 s17, v39  }
0x2c5: {  	v5 =	vor.u32 s30, v23;
	v4 =	vld [tilespmem:s26+$0x3230]  }
0x2c6: {  	v8 =	vor.u32 s2, v19;
	v7 =	vld [tilespmem:s25+$0x4B00];
	[tilespmem:v9+s20+$0x0] =	vst.idx.msk $0xffff, v10  }
0x2c7: {  	v9 =	vld [tilespmem:s25+$0x4B10];
	v10 =	vor.u32 s2, v45;
	[tilespmem:v11+s20+$0x0] =	vst.idx.msk $0xffff, v12  }
0x2c8: {  	s28 =	simm.s32 $0xC880;
	s29 =	simm.s32 $0xA00;
	v1 =	vld [tilespmem:s25+$0x5DF0];
	[tilespmem:v3+s20+$0x0] =	vst.idx.msk $0xffff, v2  }
0x2c9: {  	v13 =	vor.u32 s29, v15;
	v12 =	vld [tilespmem:s28+$0x20];
	[tilespmem:v6+s20+$0x0] =	vst.idx.msk $0xffff, v0  }
0x2ca: {  	v2 =	vld [tilespmem:s28+$0x30];
	v3 =	vor.u32 s29, v16;
	[tilespmem:v5+s20+$0x0] =	vst.idx.msk $0xffff, v4  }
0x2cb: {  	s21 =	simm.s32 $0x800;
	v4 =	vor.u32 s30, v30;
	[tilespmem:v8+s20+$0x0] =	vst.idx.msk $0xffff, v7;
	v0 =	vld [tilespmem:s26+$0x3860]  }
0x2cc: {  	[tilespmem:v10+s20+$0x0] =	vst.idx.msk $0xffff, v9;
	v9 =	vor.u32 s21, v15;
	v10 =	vld [tilespmem:s28+$0x0]  }
0x2cd: {  	v6 =	vor.u32 s30, v21;
	v5 =	vld [tilespmem:s26+$0x3870]  }
0x2ce: {  	[tilespmem:v13+s20+$0x0] =	vst.idx.msk $0xffff, v12;
	v12 =	vor.u32 s21, v16;
	v13 =	vld [tilespmem:s28+$0x10]  }
0x2cf: {  	v11 =	vld [tilespmem:s26+$0x3200];
	v7 =	vor.u32 s31, v60;
	[tilespmem:v3+s20+$0x0] =	vst.idx.msk $0xffff, v2  }
0x2d0: {  	v3 =	vor.u32 s29, v31;
	v2 =	vld [tilespmem:s28+$0x660];
	[tilespmem:v4+s20+$0x0] =	vst.idx.msk $0xffff, v0  }
0x2d1: {  	v0 =	vld [tilespmem:s28+$0x670];
	v4 =	vor.u32 s29, v44;
	[tilespmem:v9+s20+$0x0] =	vst.idx.msk $0xffff, v10  }
0x2d2: {  	v8 =	vld [tilespmem:s26+$0x3210];
	v10 =	vor.u32 s31, v23;
	[tilespmem:v6+s20+$0x0] =	vst.idx.msk $0xffff, v5  }
0x2d3: {  	v6 =	vor.u32 s30, v43;
	[tilespmem:v12+s20+$0x0] =	vst.idx.msk $0xffff, v13;
	v5 =	vld [tilespmem:s26+$0x3EA0]  }
0x2d4: {  	[tilespmem:v7+s20+$0x0] =	vst.idx.msk $0xffff, v11;
	v12 =	vor.u32 s21, v31;
	v13 =	vld [tilespmem:s28+$0x640]  }
0x2d5: {  	v9 =	vor.u32 s30, v37;
	v7 =	vld [tilespmem:s26+$0x3EB0];
	[tilespmem:v3+s20+$0x0] =	vst.idx.msk $0xffff, v2  }
0x2d6: {  	[tilespmem:v4+s20+$0x0] =	vst.idx.msk $0xffff, v0  }
0x2d7: {  	v2 =	vor.u32 s21, v44;
	v3 =	vld [tilespmem:s28+$0x650];
	[tilespmem:v10+s20+$0x0] =	vst.idx.msk $0xffff, v8  }
0x2d8: {  	v4 =	vor.u32 s29, v33;
	v0 =	vld [tilespmem:s28+$0xCA0];
	[tilespmem:v6+s20+$0x0] =	vst.idx.msk $0xffff, v5  }
0x2d9: {  	v5 =	vld [tilespmem:s28+$0xCB0];
	v6 =	vor.u32 s29, v35;
	[tilespmem:v12+s20+$0x0] =	vst.idx.msk $0xffff, v13  }
0x2da: {  	v12 =	vor.u32 s17, v36;
	v13 =	vld [tilespmem:s26+$0x3840];
	[tilespmem:v9+s20+$0x0] =	vst.idx.msk $0xffff, v7  }
0x2db: {  	v8 =	vor.u32 s30, v38;
	v7 =	vld [tilespmem:s26+$0x44E0]  }
0x2dc: {  	v10 =	vor.u32 s30, v40;
	v9 =	vld [tilespmem:s26+$0x44F0];
	[tilespmem:v2+s20+$0x0] =	vst.idx.msk $0xffff, v3  }
0x2dd: {  	v2 =	vor.u32 s21, v33;
	v3 =	vld [tilespmem:s28+$0xC80];
	[tilespmem:v4+s20+$0x0] =	vst.idx.msk $0xffff, v0  }
0x2de: {  	v0 =	vor.u32 s21, v35;
	v4 =	vld [tilespmem:s28+$0xC90];
	[tilespmem:v6+s20+$0x0] =	vst.idx.msk $0xffff, v5  }
0x2df: {  	v6 =	vor.u32 s29, v34;
	[tilespmem:v12+s20+$0x0] =	vst.idx.msk $0xffff, v1;
	v5 =	vld [tilespmem:s28+$0x12E0]  }
0x2e0: {  	[tilespmem:v8+s20+$0x0] =	vst.idx.msk $0xffff, v7;
	v7 =	vld [tilespmem:s28+$0x12F0];
	v8 =	vor.u32 s29, v29  }
0x2e1: {  	v12 =	vld [tilespmem:s26+$0x3850];
	[tilespmem:v10+s20+$0x0] =	vst.idx.msk $0xffff, v9;
	v10 =	vor.u32 s31, v30  }
0x2e2: {  	v9 =	vor.u32 s30, v19;
	[tilespmem:v2+s20+$0x0] =	vst.idx.msk $0xffff, v3;
	v1 =	vld [tilespmem:s26+$0x4B20]  }
0x2e3: {  	v3 =	vor.u32 s30, v45;
	v2 =	vld [tilespmem:s26+$0x4B30];
	[tilespmem:v0+s20+$0x0] =	vst.idx.msk $0xffff, v4  }
0x2e4: {  	v0 =	vor.u32 s21, v34;
	v4 =	vld [tilespmem:s28+$0x12C0];
	[tilespmem:v6+s20+$0x0] =	vst.idx.msk $0xffff, v5  }
0x2e5: {  	v5 =	vor.u32 s21, v29;
	v6 =	vld [tilespmem:s28+$0x12D0];
	[tilespmem:v8+s20+$0x0] =	vst.idx.msk $0xffff, v7  }
0x2e6: {  	v8 =	vor.u32 s29, v46;
	v7 =	vld [tilespmem:s28+$0x1920];
	[tilespmem:v10+s20+$0x0] =	vst.idx.msk $0xffff, v13  }
0x2e7: {  	v11 =	vld [tilespmem:s25+$0x5140];
	v10 =	vor.u32 s31, v21;
	[tilespmem:v9+s20+$0x0] =	vst.idx.msk $0xffff, v1  }
0x2e8: {  	v1 =	vld [tilespmem:s28+$0x1930];
	v9 =	vor.u32 s29, v25;
	[tilespmem:v3+s20+$0x0] =	vst.idx.msk $0xffff, v2  }
0x2e9: {  	v3 =	vor.u32 s30, v17;
	[tilespmem:v0+s20+$0x0] =	vst.idx.msk $0xffff, v4;
	v2 =	vld [tilespmem:s26+$0x5160]  }
0x2ea: {  	v4 =	vor.u32 s30, v18;
	v0 =	vld [tilespmem:s26+$0x5170];
	[tilespmem:v5+s20+$0x0] =	vst.idx.msk $0xffff, v6  }
0x2eb: {  	v5 =	vor.u32 s21, v46;
	v6 =	vld [tilespmem:s28+$0x1900];
	[tilespmem:v8+s20+$0x0] =	vst.idx.msk $0xffff, v7  }
0x2ec: {  	v7 =	vor.u32 s21, v25;
	v8 =	vld [tilespmem:s28+$0x1910];
	[tilespmem:v10+s20+$0x0] =	vst.idx.msk $0xffff, v12  }
0x2ed: {  	v13 =	vld [tilespmem:s25+$0x5150];
	v10 =	vor.u32 s2, v17;
	[tilespmem:v9+s20+$0x0] =	vst.idx.msk $0xffff, v1  }
0x2ee: {  	v9 =	vor.u32 s29, v24;
	v1 =	vld [tilespmem:s28+$0x1F60];
	[tilespmem:v3+s20+$0x0] =	vst.idx.msk $0xffff, v2  }
0x2ef: {  	v2 =	vld [tilespmem:s28+$0x1F70];
	v3 =	vor.u32 s29, v27;
	[tilespmem:v4+s20+$0x0] =	vst.idx.msk $0xffff, v0  }
0x2f0: {  	v4 =	vor.u32 s30, v42;
	[tilespmem:v5+s20+$0x0] =	vst.idx.msk $0xffff, v6;
	v0 =	vld [tilespmem:s26+$0x57A0]  }
0x2f1: {  	v6 =	vor.u32 s30, v41;
	v5 =	vld [tilespmem:s26+$0x57B0];
	[tilespmem:v7+s20+$0x0] =	vst.idx.msk $0xffff, v8  }
0x2f2: {  	v7 =	vor.u32 s21, v24;
	[tilespmem:v10+s20+$0x0] =	vst.idx.msk $0xffff, v11;
	v8 =	vld [tilespmem:s28+$0x1F40]  }
0x2f3: {  	[tilespmem:v9+s20+$0x0] =	vst.idx.msk $0xffff, v1;
	v1 =	vor.u32 s21, v27;
	v9 =	vld [tilespmem:s28+$0x1F50]  }
0x2f4: {  	v12 =	vld [tilespmem:s26+$0x3E80];
	[tilespmem:v3+s20+$0x0] =	vst.idx.msk $0xffff, v2;
	v2 =	vor.u32 s31, v43  }
0x2f5: {  	v3 =	vld [tilespmem:s26+$0x3E90];
	[tilespmem:v4+s20+$0x0] =	vst.idx.msk $0xffff, v0;
	v0 =	vor.u32 s31, v37  }
0x2f6: {  	v10 =	vor.u32 s29, v26;
	v4 =	vld [tilespmem:s28+$0x25A0];
	[tilespmem:v6+s20+$0x0] =	vst.idx.msk $0xffff, v5  }
0x2f7: {  	v5 =	vor.u32 s2, v18;
	[tilespmem:v7+s20+$0x0] =	vst.idx.msk $0xffff, v8;
	v6 =	vld [tilespmem:s26+$0x5DE0]  }
0x2f8: {  	v8 =	vor.u32 s29, v48;
	[tilespmem:v1+s20+$0x0] =	vst.idx.msk $0xffff, v9;
	v1 =	vld [tilespmem:s28+$0x25B0]  }
0x2f9: {  	v9 =	vor.u32 s21, v26;
	[tilespmem:v2+s20+$0x0] =	vst.idx.msk $0xffff, v12;
	v2 =	vld [tilespmem:s28+$0x2580]  }
0x2fa: {  	v11 =	vor.u32 s21, v48;
	[tilespmem:v0+s20+$0x0] =	vst.idx.msk $0xffff, v3;
	v0 =	vld [tilespmem:s28+$0x2590]  }
0x2fb: {  	v7 =	vld [tilespmem:s26+$0x5DF0];
	[tilespmem:v10+s20+$0x0] =	vst.idx.msk $0xffff, v4;
	v10 =	vor.u32 s30, v39  }
0x2fc: {  	v3 =	vor.u32 s31, v38;
	[tilespmem:v5+s20+$0x0] =	vst.idx.msk $0xffff, v13;
	v5 =	vld [tilespmem:s26+$0x44C0]  }
0x2fd: {  	v12 =	vor.u32 s31, v40;
	v4 =	vld [tilespmem:s26+$0x44D0];
	[tilespmem:v8+s20+$0x0] =	vst.idx.msk $0xffff, v1  }
0x2fe: {  	v8 =	vor.u32 s29, v28;
	[tilespmem:v9+s20+$0x0] =	vst.idx.msk $0xffff, v2;
	v2 =	vld [tilespmem:s28+$0x2BE0]  }
0x2ff: {  	v1 =	vld [tilespmem:s25+$0x5780];
	[tilespmem:v11+s20+$0x0] =	vst.idx.msk $0xffff, v0  }
0x300: {  	v0 =	vld [tilespmem:s28+$0x2BF0];
	[tilespmem:v10+s20+$0x0] =	vst.idx.msk $0xffff, v6  }
0x301: {  	v9 =	vor.u32 s29, v20;
	v13 =	vld [tilespmem:s28+$0x2BC0];
	[tilespmem:v3+s20+$0x0] =	vst.idx.msk $0xffff, v5  }
0x302: {  	v11 =	vor.u32 s21, v28;
	v5 =	vld [tilespmem:s28+$0x2BD0];
	[tilespmem:v12+s20+$0x0] =	vst.idx.msk $0xffff, v4  }
0x303: {  	v6 =	vld [tilespmem:s26+$0x4B00];
	[tilespmem:v8+s20+$0x0] =	vst.idx.msk $0xffff, v2;
	v8 =	vor.u32 s2, v39  }
0x304: {  	v2 =	vld [tilespmem:s26+$0x4B10];
	[tilespmem:$0x1FBD0] =	vst v8;
	v8 =	vor.u32 s2, v36  }
0x305: {  	v3 =	vor.u32 s21, v20;
	[tilespmem:$0x1FBE0] =	vst v8  }
0x306: {  	v56 =	vmov v17;
	v17 =	vmov v18;
	[tilespmem:v9+s20+$0x0] =	vst.idx.msk $0xffff, v0  }
0x307: {  	v0 =	vld [tilespmem:s25+$0x5790];
	[tilespmem:v11+s20+$0x0] =	vst.idx.msk $0xffff, v13;
	v13 =	vor.u32 s31, v17  }
0x308: {  	v9 =	vld [tilespmem:s28+$0x3220];
	[tilespmem:$0x1FBF0] =	vst v13;
	v13 =	vor.u32 s31, v42  }
0x309: {  	v4 =	vor.u32 s31, v19;
	[tilespmem:$0x1FC00] =	vst v13  }
0x30a: {  	v8 =	vor.u32 s30, v36;
	v13 =	vor.u32 s31, v41;
	[tilespmem:v3+s20+$0x0] =	vst.idx.msk $0xffff, v5  }
0x30b: {  	v12 =	vor.u32 s31, v45;
	v3 =	vld [tilespmem:s28+$0x3230];
	[tilespmem:$0x1FC10] =	vst v13;
	v13 =	vor.u32 s31, v39  }
0x30c: {  	[tilespmem:$0x1FC20] =	vst v13;
	v13 =	vor.u32 s31, v36  }
0x30d: {  	[tilespmem:$0x1FC30] =	vst v13  }
0x30e: {  	v11 =	vor.u32 s29, v60;
	[tilespmem:v4+s20+$0x0] =	vst.idx.msk $0xffff, v6  }
0x30f: {  	v13 =	vld [tilespmem:s28+$0x3200];
	[tilespmem:v8+s20+$0x0] =	vst.idx.msk $0xffff, v7  }
0x310: {  	v14 =	vld [tilespmem:s28+$0x3210];
	[tilespmem:v12+s20+$0x0] =	vst.idx.msk $0xffff, v2;
	v2 =	vor.u32 s21, v38  }
0x311: {  	v5 =	vor.u32 s29, v23;
	v32 =	vld [tilespmem:s26+$0x5140];
	[tilespmem:$0x1FC40] =	vst v2;
	v2 =	vor.u32 s21, v40  }
0x312: {  	v50 =	vmov v19;
	[tilespmem:$0x1FC50] =	vst v2  }
0x313: {  	s30 =	simm.s32 $0xC8C0;
	v8 =	vor.u32 s21, v50;
	[tilespmem:v11+s20+$0x0] =	vst.idx.msk $0xffff, v9  }
0x314: {  	v10 =	vor.u32 s2, v42;
	v2 =	vld [tilespmem:s30+$0x20];
	[tilespmem:$0x1FC60] =	vst v8;
	v8 =	vor.u32 s21, v45  }
0x315: {  	[tilespmem:$0x1FC70] =	vst v8  }
0x316: {  	[tilespmem:v5+s20+$0x0] =	vst.idx.msk $0xffff, v3;
	v3 =	vor.u32 s21, v56  }
0x317: {  	v4 =	vor.u32 s21, v60;
	v8 =	vld [tilespmem:s30+$0x30];
	[tilespmem:$0x1FC80] =	vst v3;
	v3 =	vor.u32 s21, v17  }
0x318: {  	[tilespmem:$0x1FC90] =	vst v3  }
0x319: {  	v5 =	vor.u32 s21, v42;
	[tilespmem:v10+s20+$0x0] =	vst.idx.msk $0xffff, v1  }
0x31a: {  	v6 =	vor.u32 s21, v23;
	v1 =	vld [tilespmem:s28+$0x3860];
	[tilespmem:$0x1FCA0] =	vst v5;
	v5 =	vor.u32 s21, v41  }
0x31b: {  	s0 =	simm.s32 $0xE00;
	[tilespmem:$0x1FCB0] =	vst v5  }
0x31c: {  	v7 =	vor.u32 s0, v15;
	v10 =	vor.u32 s21, v39;
	[tilespmem:v4+s20+$0x0] =	vst.idx.msk $0xffff, v13  }
0x31d: {  	v3 =	vor.u32 s29, v30;
	v4 =	vld [tilespmem:s28+$0x3870];
	[tilespmem:$0x1FCC0] =	vst v10;
	v10 =	vor.u32 s21, v36  }
0x31e: {  	s1 =	simm.s32 $0xC00;
	v18 =	vor.u32 s2, v41;
	[tilespmem:$0x1FCD0] =	vst v10  }
0x31f: {  	v9 =	vor.u32 s0, v16;
	v10 =	vor.u32 s1, v31;
	[tilespmem:v6+s20+$0x0] =	vst.idx.msk $0xffff, v14  }
0x320: {  	v5 =	vor.u32 s29, v21;
	v6 =	vld [tilespmem:s30+$0x10];
	[tilespmem:$0x1FCE0] =	vst v10  }
0x321: {  	[tilespmem:v7+s20+$0x0] =	vst.idx.msk $0xffff, v2  }
0x322: {  	v13 =	vor.u32 s1, v15;
	v22 =	vld [tilespmem:s30+$0x0];
	[tilespmem:v3+s20+$0x0] =	vst.idx.msk $0xffff, v1  }
0x323: {  	v47 =	vmov v27;
	v19 =	vor.u32 s21, v30;
	v27 =	vld [tilespmem:s28+$0x3840];
	[tilespmem:v18+s20+$0x0] =	vst.idx.msk $0xffff, v0  }
0x324: {  	v58 =	vmov v20;
	v20 =	vor.u32 s1, v16;
	v18 =	vld [tilespmem:s28+$0x3850];
	[tilespmem:v9+s20+$0x0] =	vst.idx.msk $0xffff, v8  }
0x325: {  	v59 =	vmov v23;
	v23 =	vor.u32 s0, v31;
	[tilespmem:v5+s20+$0x0] =	vst.idx.msk $0xffff, v4;
	v8 =	vld [tilespmem:s30+$0x660]  }
0x326: {  	v5 =	vor.u32 s1, v26;
	v26 =	vor.u32 s29, v43;
	v0 =	vld [tilespmem:s28+$0x3EA0]  }
0x327: {  	v11 =	vor.u32 s1, v25;
	v25 =	vor.u32 s0, v44;
	v7 =	vor.u32 s1, v24;
	v24 =	vld [tilespmem:s30+$0x670];
	[tilespmem:v13+s20+$0x0] =	vst.idx.msk $0xffff, v22  }
0x328: {  	v2 =	vor.u32 s1, v28;
	v28 =	vor.u32 s29, v37;
	v22 =	vld [tilespmem:s28+$0x3EB0];
	[tilespmem:v19+s20+$0x0] =	vst.idx.msk $0xffff, v27  }
0x329: {  	[tilespmem:v20+s20+$0x0] =	vst.idx.msk $0xffff, v6  }
0x32a: {  	[tilespmem:v23+s20+$0x0] =	vst.idx.msk $0xffff, v8  }
0x32b: {  	[tilespmem:v26+s20+$0x0] =	vst.idx.msk $0xffff, v0  }
0x32c: {  	v52 =	vor.u32 s21, v43;
	v54 =	vor.u32 s21, v21;
	v49 =	vor.u32 s21, v37;
	[tilespmem:v25+s20+$0x0] =	vst.idx.msk $0xffff, v24  }
0x32d: {  	v51 =	vor.u32 s31, v56;
	v55 =	vor.u32 s1, v30;
	v63 =	vor.u32 s1, v38;
	[tilespmem:v28+s20+$0x0] =	vst.idx.msk $0xffff, v22  }
0x32e: {  	v62 =	vor.u32 s1, v40;
	v57 =	vor.u32 s1, v45;
	v53 =	vor.u32 s1, v41;
	v22 =	vld [tilespmem:$0x1FCE0]  }
0x32f: {  	v60 =	vor.u32 s1, v60;
	v12 =	vor.u32 s1, v34;
	v16 =	vor.u32 s1, v35  }
0x330: {  	v61 =	vmovc v17;
	v17 =	vor.u32 s1, v44;
	v15 =	vor.u32 s1, v33;
	v14 =	vor.u32 s1, v29  }
0x331: {  	v10 =	vor.u32 s1, v46;
	v1 =	vor.u32 s1, v58;
	v13 =	vor.u32 s1, v21;
	v21 =	vld [tilespmem:s30+$0x640]  }
0x332: {  	v58 =	vor.u32 s1, v59;
	v3 =	vor.u32 s1, v37;
	v59 =	vor.u32 s1, v50;
	v23 =	vld [tilespmem:s30+$0x650]  }
0x333: {  	v50 =	vor.u32 s1, v36;
	v9 =	vor.u32 s1, v47;
	v4 =	vor.u32 s1, v48;
	v24 =	vld [tilespmem:s30+$0xCA0]  }
0x334: {  	v27 =	vor.u32 s0, v35;
	v6 =	vor.u32 s1, v43;
	v8 =	vor.u32 s1, v56;
	v25 =	vld [tilespmem:s30+$0xCB0]  }
0x335: {  	v0 =	vor.u32 s1, v61;
	v56 =	vor.u32 s1, v42;
	v61 =	vor.u32 s1, v39;
	v19 =	vld [tilespmem:s28+$0x44E0]  }
0x336: {  	s2 =	simm.s32 $0x8;
	v20 =	vor.u32 s29, v38;
	v26 =	vor.u32 s0, v33;
	v33 =	vmovc v46;
	[tilespmem:v22+s20+$0x0] =	vst.idx.msk $0xffff, v21;
	v21 =	vld [tilespmem:s28+$0x44F0];
	v22 =	vor.u32 s29, v40  }
.LBB2_4:
0x337: {  	v47 =	vld [tilespmem:$0x1FFE0]  }
0x338: {  	v48 =	vld [tilespmem:$0x1FEC0]  }
0x339: {  	v37 =	vld [tilespmem:$0x1FED0]  }
0x33a: {  	v43 =	vld [tilespmem:$0x1FF30]  }
0x33b: {  	v46 =	vld [tilespmem:$0x1FFF0]  }
0x33c: {  	v41 =	vld [tilespmem:$0x1FF00];
	[tilespmem:v17+s20+$0x0] =	vst.idx.msk $0xffff, v23  }
0x33d: {  	[tilespmem:v26+s20+$0x0] =	vst.idx.msk $0xffff, v24;
	v17 =	vld [tilespmem:s26+$0x5150]  }
0x33e: {  	[tilespmem:v27+s20+$0x0] =	vst.idx.msk $0xffff, v25;
	v23 =	vld [tilespmem:s30+$0xC80]  }
0x33f: {  	v25 =	vld [tilespmem:s30+$0x12E0];
	v26 =	vor.u32 s0, v34  }
0x340: {  	v24 =	vld [tilespmem:s30+$0xC90];
	[tilespmem:v20+s20+$0x0] =	vst.idx.msk $0xffff, v19  }
0x341: {  	v19 =	vld [tilespmem:s30+$0x12F0];
	[tilespmem:v22+s20+$0x0] =	vst.idx.msk $0xffff, v21  }
0x342: {  	[tilespmem:v54+s20+$0x0] =	vst.idx.msk $0xffff, v18;
	v18 =	vld [tilespmem:s28+$0x4B20]  }
0x343: {  	v20 =	vor.u32 s0, v29;
	v54 =	vmov v13;
	v13 =	vld [tilespmem:s28+$0x4B30]  }
0x344: {  	v21 =	vor.u32 s29, v47;
	[tilespmem:v26+s20+$0x0] =	vst.idx.msk $0xffff, v25;
	v26 =	vld [tilespmem:$0x1FEB0]  }
0x345: {  	[tilespmem:v15+s20+$0x0] =	vst.idx.msk $0xffff, v23;
	v25 =	vld [tilespmem:$0x1FFC0]  }
0x346: {  	v15 =	vor.u32 s29, v48;
	[tilespmem:v16+s20+$0x0] =	vst.idx.msk $0xffff, v24;
	v24 =	vld [tilespmem:$0x1FC80]  }
0x347: {  	v22 =	vld [tilespmem:s30+$0x12C0]  }
0x348: {  	[tilespmem:v20+s20+$0x0] =	vst.idx.msk $0xffff, v19;
	v23 =	vld [tilespmem:s30+$0x12D0]  }
0x349: {  	v19 =	vld [tilespmem:s30+$0x1920];
	[tilespmem:v21+s20+$0x0] =	vst.idx.msk $0xffff, v18  }
0x34a: {  	v20 =	vor.u32 s0, v33;
	v16 =	vld [tilespmem:s28+$0x3E80];
	[tilespmem:v51+s20+$0x0] =	vst.idx.msk $0xffff, v32  }
0x34b: {  	v18 =	vld [tilespmem:s30+$0x1930];
	[tilespmem:v15+s20+$0x0] =	vst.idx.msk $0xffff, v13  }
0x34c: {  	v21 =	vor.u32 s0, v26;
	v13 =	vld [tilespmem:s28+$0x5160];
	[tilespmem:v12+s20+$0x0] =	vst.idx.msk $0xffff, v22  }
0x34d: {  	v15 =	vor.u32 s29, v37;
	v51 =	vmov v24;
	v24 =	vmov v8;
	v8 =	vld [tilespmem:s28+$0x5170];
	[tilespmem:v14+s20+$0x0] =	vst.idx.msk $0xffff, v23  }
0x34e: {  	v12 =	vor.u32 s29, v43;
	v14 =	vld [tilespmem:s28+$0x3E90]  }
0x34f: {  	[tilespmem:v20+s20+$0x0] =	vst.idx.msk $0xffff, v19;
	v22 =	vld [tilespmem:s30+$0x1900]  }
0x350: {  	v19 =	vld [tilespmem:s30+$0x1910];
	[tilespmem:v52+s20+$0x0] =	vst.idx.msk $0xffff, v16  }
0x351: {  	[tilespmem:v21+s20+$0x0] =	vst.idx.msk $0xffff, v18  }
0x352: {  	v20 =	vor.u32 s0, v25;
	v18 =	vld [tilespmem:s30+$0x1F60];
	[tilespmem:v15+s20+$0x0] =	vst.idx.msk $0xffff, v13  }
0x353: {  	v15 =	vor.u32 s0, v46;
	v13 =	vld [tilespmem:s30+$0x1F70];
	[tilespmem:v12+s20+$0x0] =	vst.idx.msk $0xffff, v8  }
0x354: {  	v12 =	vor.u32 s29, v41;
	v8 =	vld [tilespmem:s28+$0x57A0];
	[tilespmem:v10+s20+$0x0] =	vst.idx.msk $0xffff, v22  }
0x355: {  	v38 =	vld [tilespmem:$0x1FEF0];
	[tilespmem:v11+s20+$0x0] =	vst.idx.msk $0xffff, v19  }
0x356: {  	v16 =	vld [tilespmem:s30+$0x1F40]  }
0x357: {  	v52 =	vmov v6;
	v6 =	vld [tilespmem:s28+$0x57B0];
	[tilespmem:v20+s20+$0x0] =	vst.idx.msk $0xffff, v18  }
0x358: {  	v11 =	vld [tilespmem:s25+$0x5DC0];
	[tilespmem:v15+s20+$0x0] =	vst.idx.msk $0xffff, v13  }
0x359: {  	v18 =	vld [tilespmem:s30+$0x1F50];
	[tilespmem:v12+s20+$0x0] =	vst.idx.msk $0xffff, v8  }
0x35a: {  	v8 =	vld [tilespmem:s25+$0x5DD0];
	[tilespmem:v49+s20+$0x0] =	vst.idx.msk $0xffff, v14  }
0x35b: {  	v10 =	vor.u32 s29, v38;
	[tilespmem:v7+s20+$0x0] =	vst.idx.msk $0xffff, v16;
	v16 =	vld [tilespmem:$0x1FBF0]  }
0x35c: {  	v45 =	vld [tilespmem:$0x1FFB0]  }
0x35d: {  	v42 =	vld [tilespmem:$0x1FF10];
	_ =	sdelay $0x1  }
0x35e: {  	v44 =	vld [tilespmem:$0x1FF40]  }
0x35f: {  	s25 =	smov.u32 s26;
	s26 =	smov.u32 s28;
	v12 =	vld [tilespmem:s30+$0x25A0];
	[tilespmem:v10+s20+$0x0] =	vst.idx.msk $0xffff, v6  }
0x360: {  	v13 =	vor.u32 s0, v45;
	v6 =	vld [tilespmem:s26+$0x5DE0];
	[tilespmem:v9+s20+$0x0] =	vst.idx.msk $0xffff, v18  }
0x361: {  	v10 =	vor.u32 s29, v42;
	v15 =	vld [tilespmem:s30+$0x2580]  }
0x362: {  	[tilespmem:v16+s20+$0x0] =	vst.idx.msk $0xffff, v17;
	v16 =	vld [tilespmem:$0x1FC90]  }
0x363: {  	v28 =	vld [tilespmem:$0x1FE20]  }
0x364: {  	v49 =	vmov v3;
	v3 =	vld [tilespmem:s26+$0x5DF0]  }
0x365: {  	v7 =	vor.u32 s29, v44;
	v9 =	vld [tilespmem:s30+$0x25B0];
	[tilespmem:v13+s20+$0x0] =	vst.idx.msk $0xffff, v12  }
0x366: {  	[tilespmem:v10+s20+$0x0] =	vst.idx.msk $0xffff, v6;
	v10 =	vld [tilespmem:$0x1FC40]  }
0x367: {  	s29 =	smov.u32 s0;
	v17 =	vmov v16;
	v16 =	vmov v0;
	v0 =	vld [tilespmem:s30+$0x2590]  }
0x368: {  	v14 =	vor.u32 s29, v28  }
0x369: {  	v12 =	vld [tilespmem:s26+$0x44C0]  }
0x36a: {  	[tilespmem:v7+s20+$0x0] =	vst.idx.msk $0xffff, v3;
	v6 =	vld [tilespmem:s26+$0x44D0]  }
0x36b: {  	v3 =	vld [tilespmem:s25+$0x5780];
	[tilespmem:v5+s20+$0x0] =	vst.idx.msk $0xffff, v15  }
0x36c: {  	[tilespmem:v4+s20+$0x0] =	vst.idx.msk $0xffff, v0  }
0x36d: {  	[tilespmem:v14+s20+$0x0] =	vst.idx.msk $0xffff, v9;
	v9 =	vld [tilespmem:s30+$0x2BC0]  }
0x36e: {  	[tilespmem:v10+s20+$0x0] =	vst.idx.msk $0xffff, v12;
	v12 =	vld [tilespmem:$0x1FC50];
	_ =	sdelay $0x3  }
0x36f: {  	v36 =	vld [tilespmem:$0x1FE30];
	_ =	sdelay $0x1  }
0x370: {  	v30 =	vld [tilespmem:$0x1FFA0];
	v10 =	vmov v63  }
0x371: {  	[tilespmem:$0x1FC40] =	vst v10;
	v10 =	vld [tilespmem:s30+$0x2BD0]  }
0x372: {  	[tilespmem:v12+s20+$0x0] =	vst.idx.msk $0xffff, v6;
	v12 =	vld [tilespmem:$0x1FBD0]  }
0x373: {  	v7 =	vor.u32 s29, v36;
	v5 =	vld [tilespmem:s30+$0x2BE0];
	_ =	sdelay $0x2  }
0x374: {  	v0 =	vld [tilespmem:s30+$0x2BF0];
	v4 =	vor.u32 s29, v30;
	_ =	sdelay $0x1  }
0x375: {  	[tilespmem:v7+s20+$0x0] =	vst.idx.msk $0xffff, v5;
	v6 =	vmov v62  }
0x376: {  	[tilespmem:$0x1FC50] =	vst v6  }
0x377: {  	v6 =	vld [tilespmem:s26+$0x4B00];
	[tilespmem:v12+s20+$0x0] =	vst.idx.msk $0xffff, v11  }
0x378: {  	[tilespmem:v4+s20+$0x0] =	vst.idx.msk $0xffff, v0;
	v5 =	vld [tilespmem:s26+$0x4B10]  }
0x379: {  	v0 =	vld [tilespmem:s25+$0x5790];
	[tilespmem:v2+s20+$0x0] =	vst.idx.msk $0xffff, v9  }
0x37a: {  	[tilespmem:v1+s20+$0x0] =	vst.idx.msk $0xffff, v10;
	v10 =	vld [tilespmem:$0x1FC60];
	_ =	sdelay $0x2  }
0x37b: {  	v35 =	vld [tilespmem:$0x1FF60]  }
0x37c: {  	v11 =	vld [tilespmem:$0x1FC20]  }
0x37d: {  	v39 =	vld [tilespmem:$0x1FE00]  }
0x37e: {  	v40 =	vld [tilespmem:$0x1FE10]  }
0x37f: {  	v9 =	vld [tilespmem:s30+$0x3200]  }
0x380: {  	[tilespmem:v10+s20+$0x0] =	vst.idx.msk $0xffff, v6;
	v10 =	vld [tilespmem:$0x1FC70]  }
0x381: {  	v12 =	vmov v11;
	v11 =	vmov v61;
	v61 =	vld [tilespmem:$0x1FF80]  }
0x382: {  	[tilespmem:$0x1FBD0] =	vst v12;
	v12 =	vld [tilespmem:$0x1FCC0]  }
0x383: {  	s1 =	sshll.u32 s2, $0x9;
	[tilespmem:$0x1FCC0] =	vst v11;
	v11 =	vld [tilespmem:$0x1FC00]  }
0x384: {  	v14 =	vor.u32 s1, v29;
	v29 =	vld [tilespmem:$0x1FFD0]  }
0x385: {  	v2 =	vld [tilespmem:s30+$0x3220]  }
0x386: {  	v1 =	vld [tilespmem:s30+$0x3230];
	v6 =	vmov v59  }
0x387: {  	[tilespmem:$0x1FC60] =	vst v6;
	v6 =	vld [tilespmem:s30+$0x3210]  }
0x388: {  	v4 =	vor.u32 s29, v61;
	[tilespmem:v10+s20+$0x0] =	vst.idx.msk $0xffff, v5;
	v5 =	vmov v57;
	v10 =	vld [tilespmem:$0x1FE50]  }
0x389: {  	[tilespmem:$0x1FC70] =	vst v5;
	v5 =	vld [tilespmem:$0x1FE40]  }
0x38a: {  	v7 =	vor.u32 s29, v35;
	v32 =	vld [tilespmem:s26+$0x5140]  }
0x38b: {  	[tilespmem:v11+s20+$0x0] =	vst.idx.msk $0xffff, v3;
	v11 =	vld [tilespmem:$0x1FCA0];
	v3 =	vmov v56  }
0x38c: {  	s28 =	smov.u32 s30;
	s30 =	sadd.s32 $0x40, s30;
	v56 =	vld [tilespmem:$0x1FE70];
	[tilespmem:$0x1FCA0] =	vst v3  }
0x38d: {  	s0 =	sadd.s32 $0x200, s1;
	v3 =	vld [tilespmem:s30+$0x20];
	[tilespmem:v4+s20+$0x0] =	vst.idx.msk $0xffff, v2  }
0x38e: {  	v20 =	vld [tilespmem:s30+$0x30];
	v13 =	vor.u32 s0, v5  }
0x38f: {  	[tilespmem:v7+s20+$0x0] =	vst.idx.msk $0xffff, v1;
	v1 =	vld [tilespmem:$0x1FC10];
	v22 =	vor.u32 s0, v10  }
0x390: {  	[tilespmem:$0x1FC80] =	vst v24;
	v24 =	vor.u32 s29, v29;
	v4 =	vor.u32 s1, v28;
	v28 =	vor.u32 s1, v29;
	v29 =	vld [tilespmem:$0x1FF20]  }
0x391: {  	[tilespmem:v60+s20+$0x0] =	vst.idx.msk $0xffff, v9;
	v23 =	vld [tilespmem:s28+$0x3860]  }
0x392: {  	[tilespmem:v58+s20+$0x0] =	vst.idx.msk $0xffff, v6;
	v6 =	vld [tilespmem:$0x1FF70]  }
0x393: {  	v7 =	vor.u32 s1, v25;
	v25 =	vld [tilespmem:s28+$0x3870];
	[tilespmem:v13+s20+$0x0] =	vst.idx.msk $0xffff, v3  }
0x394: {  	v27 =	vld [tilespmem:s30+$0x10];
	v11 =	vmov v11;
	[tilespmem:v22+s20+$0x0] =	vst.idx.msk $0xffff, v20  }
0x395: {  	[tilespmem:$0x1FC00] =	vst v11;
	v22 =	vld [tilespmem:s30+$0x660]  }
0x396: {  	[tilespmem:v24+s20+$0x0] =	vst.idx.msk $0xffff, v23;
	v23 =	vld [tilespmem:$0x1FBE0]  }
0x397: {  	v11 =	vor.u32 s1, v26;
	v26 =	vor.u32 s29, v6;
	[tilespmem:v1+s20+$0x0] =	vst.idx.msk $0xffff, v0;
	v1 =	vld [tilespmem:$0x1FCB0]  }
0x398: {  	v9 =	vor.u32 s1, v46;
	v46 =	vld [tilespmem:$0x1FF90]  }
0x399: {  	v18 =	vor.u32 s1, v5;
	v5 =	vor.u32 s1, v45;
	v45 =	vld [tilespmem:$0x1FEE0];
	v0 =	vmov v53  }
0x39a: {  	v12 =	vmov v12;
	[tilespmem:$0x1FCB0] =	vst v0;
	v0 =	vld [tilespmem:s30+$0x0]  }
0x39b: {  	[tilespmem:$0x1FC20] =	vst v12;
	v20 =	vld [tilespmem:s28+$0x3840]  }
0x39c: {  	v19 =	vor.u32 s1, v10;
	v10 =	vor.u32 s1, v33;
	v33 =	vor.u32 s0, v31;
	v24 =	vld [tilespmem:s30+$0x670];
	[tilespmem:v26+s20+$0x0] =	vst.idx.msk $0xffff, v25;
	v1 =	vmovc v1  }
0x39d: {  	v12 =	vor.u32 s1, v34;
	v34 =	vor.u32 s0, v56;
	[tilespmem:$0x1FC10] =	vst v1;
	v1 =	vor.u32 s1, v30;
	v30 =	vld [tilespmem:$0x1FF50]  }
0x39e: {  	[tilespmem:v23+s20+$0x0] =	vst.idx.msk $0xffff, v8;
	v8 =	vld [tilespmem:$0x1FC30]  }
0x39f: {  	[tilespmem:$0x1FBF0] =	vst v17;
	v25 =	vld [tilespmem:s28+$0x3EA0]  }
0x3a0: {  	[tilespmem:$0x1FC90] =	vst v16;
	v2 =	vor.u32 s1, v36;
	v36 =	vld [tilespmem:s28+$0x3EB0]  }
0x3a1: {  	[tilespmem:v33+s20+$0x0] =	vst.idx.msk $0xffff, v22;
	v33 =	vld [tilespmem:$0x1FEA0]  }
0x3a2: {  	v58 =	vor.u32 s1, v35;
	[tilespmem:v34+s20+$0x0] =	vst.idx.msk $0xffff, v24;
	v34 =	vld [tilespmem:$0x1FE80];
	v35 =	vor.u32 s29, v30  }
0x3a3: {  	v24 =	vld [tilespmem:s30+$0xCA0];
	[tilespmem:v18+s20+$0x0] =	vst.idx.msk $0xffff, v0;
	v0 =	vor.u32 s1, v43;
	v43 =	vor.u32 s29, v29;
	v23 =	vmov v8  }
0x3a4: {  	[tilespmem:$0x1FBE0] =	vst v23;
	v23 =	vld [tilespmem:$0x1FCD0]  }
0x3a5: {  	v21 =	vor.u32 s1, v31;
	v15 =	vor.u32 s1, v39;
	v3 =	vor.u32 s1, v29;
	v18 =	vmovc v50;
	v29 =	vld [tilespmem:$0x1FE90];
	[tilespmem:v19+s20+$0x0] =	vst.idx.msk $0xffff, v27  }
0x3a6: {  	p0 =	slt.u32 s2, $0x30;
	v16 =	vor.u32 s1, v40;
	v59 =	vor.u32 s1, v47;
	v57 =	vor.u32 s1, v48;
	v47 =	vld [tilespmem:s30+$0x640];
	[tilespmem:$0x1FCD0] =	vst v18  }
.Ltmp3:
0x3a7: {  	v60 =	vor.u32 s1, v61;
	v61 =	vor.u32 s1, v42;
	v17 =	vor.u32 s1, v56;
	v18 =	vld [tilespmem:s28+$0x3850];
	[tilespmem:v35+s20+$0x0] =	vst.idx.msk $0xffff, v25;
	(pc) =	sbr.rel @p0 .LBB2_4-.Ltmp3, $4  }
0x3a8: {  	v56 =	vor.u32 s1, v41;
	v63 =	vor.u32 s1, v46;
	v13 =	vor.u32 s1, v6;
	v25 =	vld [tilespmem:s30+$0xCB0];
	[tilespmem:v43+s20+$0x0] =	vst.idx.msk $0xffff, v36  }
0x3a9: {  	v62 =	vor.u32 s1, v45;
	v53 =	vor.u32 s1, v38;
	v26 =	vor.u32 s0, v39;
	v8 =	vmovc v23;
	v23 =	vld [tilespmem:s30+$0x650];
	[tilespmem:v55+s20+$0x0] =	vst.idx.msk $0xffff, v20  }
0x3aa: {  	v22 =	vor.u32 s29, v45;
	v6 =	vor.u32 s1, v30;
	v27 =	vor.u32 s0, v40;
	v19 =	vld [tilespmem:s28+$0x44E0];
	[tilespmem:$0x1FC30] =	vst v8  }
0x3ab: {  	s2 =	sadd.s32 $0x2, s2;
	v50 =	vor.u32 s1, v44;
	v20 =	vor.u32 s29, v46;
	v55 =	vmovc v28;
	v8 =	vor.u32 s1, v37;
	[tilespmem:v21+s20+$0x0] =	vst.idx.msk $0xffff, v47;
	v21 =	vld [tilespmem:s28+$0x44F0]  }
0x3ac: {  	_ =	sdelay $0x3  }
0x3ad: {  	[tilespmem:v26+s20+$0x0] =	vst.idx.msk $0xffff, v24  }
0x3ae: {  	[tilespmem:v27+s20+$0x0] =	vst.idx.msk $0xffff, v25  }
0x3af: {  	v25 =	vor.u32 s0, v34;
	v24 =	vld [tilespmem:s30+$0x12E0]  }
0x3b0: {  	v27 =	vor.u32 s0, v29;
	v26 =	vld [tilespmem:s30+$0x12F0];
	_ =	sdelay $0x2  }
0x3b1: {  	[tilespmem:v17+s20+$0x0] =	vst.idx.msk $0xffff, v23  }
0x3b2: {  	[tilespmem:v25+s20+$0x0] =	vst.idx.msk $0xffff, v24  }
0x3b3: {  	[tilespmem:v27+s20+$0x0] =	vst.idx.msk $0xffff, v26  }
0x3b4: {  	v30 =	vld [tilespmem:$0x1FEB0];
	_ =	sdelay $0x1  }
0x3b5: {  	v17 =	vld [tilespmem:s30+$0xC80]  }
0x3b6: {  	v23 =	vld [tilespmem:s30+$0xC90]  }
0x3b7: {  	v25 =	vor.u32 s0, v33;
	v24 =	vld [tilespmem:s30+$0x1920]  }
0x3b8: {  	v26 =	vld [tilespmem:s30+$0x1930];
	v27 =	vor.u32 s0, v30;
	_ =	sdelay $0x1  }
0x3b9: {  	[tilespmem:v15+s20+$0x0] =	vst.idx.msk $0xffff, v17  }
0x3ba: {  	[tilespmem:v16+s20+$0x0] =	vst.idx.msk $0xffff, v23  }
0x3bb: {  	[tilespmem:v25+s20+$0x0] =	vst.idx.msk $0xffff, v24  }
0x3bc: {  	[tilespmem:v27+s20+$0x0] =	vst.idx.msk $0xffff, v26  }
0x3bd: {  	v28 =	vld [tilespmem:$0x1FFC0]  }
0x3be: {  	v27 =	vld [tilespmem:$0x1FFF0];
	_ =	sdelay $0x1  }
0x3bf: {  	v15 =	vld [tilespmem:s30+$0x12C0]  }
0x3c0: {  	v16 =	vld [tilespmem:s30+$0x12D0]  }
0x3c1: {  	v17 =	vld [tilespmem:s30+$0x1F60];
	v23 =	vor.u32 s0, v28  }
0x3c2: {  	v24 =	vld [tilespmem:s30+$0x1F70];
	v25 =	vor.u32 s0, v27;
	_ =	sdelay $0x1  }
0x3c3: {  	[tilespmem:v12+s20+$0x0] =	vst.idx.msk $0xffff, v15  }
0x3c4: {  	[tilespmem:v14+s20+$0x0] =	vst.idx.msk $0xffff, v16  }
0x3c5: {  	[tilespmem:v23+s20+$0x0] =	vst.idx.msk $0xffff, v17  }
0x3c6: {  	[tilespmem:v25+s20+$0x0] =	vst.idx.msk $0xffff, v24  }
0x3c7: {  	v26 =	vld [tilespmem:$0x1FFB0]  }
0x3c8: {  	v24 =	vld [tilespmem:$0x1FE20];
	_ =	sdelay $0x1  }
0x3c9: {  	v12 =	vld [tilespmem:s30+$0x1900]  }
0x3ca: {  	v14 =	vld [tilespmem:s30+$0x1910]  }
0x3cb: {  	v15 =	vld [tilespmem:s30+$0x25A0];
	v16 =	vor.u32 s0, v26  }
0x3cc: {  	v17 =	vld [tilespmem:s30+$0x25B0];
	v23 =	vor.u32 s0, v24;
	_ =	sdelay $0x1  }
0x3cd: {  	[tilespmem:v10+s20+$0x0] =	vst.idx.msk $0xffff, v12  }
0x3ce: {  	[tilespmem:v11+s20+$0x0] =	vst.idx.msk $0xffff, v14  }
0x3cf: {  	[tilespmem:v16+s20+$0x0] =	vst.idx.msk $0xffff, v15  }
0x3d0: {  	v10 =	vld [tilespmem:s30+$0x1F40];
	[tilespmem:v23+s20+$0x0] =	vst.idx.msk $0xffff, v17  }
0x3d1: {  	v25 =	vld [tilespmem:$0x1FE30]  }
0x3d2: {  	v41 =	vld [tilespmem:$0x1FFA0]  }
0x3d3: {  	v11 =	vld [tilespmem:s30+$0x1F50];
	_ =	sdelay $0x2  }
0x3d4: {  	v12 =	vld [tilespmem:s30+$0x2BE0];
	v14 =	vor.u32 s0, v25  }
0x3d5: {  	v15 =	vld [tilespmem:s30+$0x2BF0];
	[tilespmem:v7+s20+$0x0] =	vst.idx.msk $0xffff, v10;
	v16 =	vor.u32 s0, v41  }
0x3d6: {  	[tilespmem:v9+s20+$0x0] =	vst.idx.msk $0xffff, v11  }
0x3d7: {  	v7 =	vld [tilespmem:s30+$0x2580]  }
0x3d8: {  	[tilespmem:v20+s20+$0x0] =	vst.idx.msk $0xffff, v19;
	v9 =	vld [tilespmem:s30+$0x2590]  }
0x3d9: {  	[tilespmem:v14+s20+$0x0] =	vst.idx.msk $0xffff, v12  }
0x3da: {  	[tilespmem:v16+s20+$0x0] =	vst.idx.msk $0xffff, v15  }
0x3db: {  	v20 =	vld [tilespmem:$0x1FF80];
	[tilespmem:v22+s20+$0x0] =	vst.idx.msk $0xffff, v21  }
0x3dc: {  	v21 =	vld [tilespmem:$0x1FF60];
	[tilespmem:v5+s20+$0x0] =	vst.idx.msk $0xffff, v7  }
0x3dd: {  	v46 =	vld [tilespmem:$0x1FFE0];
	[tilespmem:v4+s20+$0x0] =	vst.idx.msk $0xffff, v9  }
0x3de: {  	v23 =	vld [tilespmem:$0x1FEC0];
	_ =	sdelay $0x1  }
0x3df: {  	v38 =	vld [tilespmem:s30+$0x3220];
	v12 =	vor.u32 s0, v20  }
0x3e0: {  	v14 =	vld [tilespmem:s30+$0x3230];
	v15 =	vor.u32 s0, v21  }
0x3e1: {  	v39 =	vld [tilespmem:s28+$0x4B20];
	v40 =	vor.u32 s29, v46  }
0x3e2: {  	v42 =	vld [tilespmem:s28+$0x4B30];
	v43 =	vor.u32 s29, v23  }
0x3e3: {  	[tilespmem:v54+s20+$0x0] =	vst.idx.msk $0xffff, v18;
	v16 =	vld [tilespmem:s30+$0x2BC0]  }
0x3e4: {  	v44 =	vld [tilespmem:s30+$0x2BD0];
	[tilespmem:v12+s20+$0x0] =	vst.idx.msk $0xffff, v38  }
0x3e5: {  	[tilespmem:v15+s20+$0x0] =	vst.idx.msk $0xffff, v14  }
0x3e6: {  	[tilespmem:v40+s20+$0x0] =	vst.idx.msk $0xffff, v39  }
0x3e7: {  	v54 =	vld [tilespmem:$0x1FFD0];
	[tilespmem:v43+s20+$0x0] =	vst.idx.msk $0xffff, v42  }
0x3e8: {  	v19 =	vld [tilespmem:$0x1FF70];
	[tilespmem:v2+s20+$0x0] =	vst.idx.msk $0xffff, v16  }
0x3e9: {  	v36 =	vld [tilespmem:$0x1FED0];
	[tilespmem:v1+s20+$0x0] =	vst.idx.msk $0xffff, v44  }
0x3ea: {  	v37 =	vld [tilespmem:$0x1FF30]  }
0x3eb: {  	v10 =	vld [tilespmem:s26+$0x5150]  }
0x3ec: {  	v45 =	vld [tilespmem:s30+$0x3860];
	v47 =	vor.u32 s0, v54  }
0x3ed: {  	v48 =	vld [tilespmem:s30+$0x3870];
	v35 =	vor.u32 s0, v19  }
0x3ee: {  	v40 =	vld [tilespmem:s28+$0x5160];
	v14 =	vor.u32 s29, v36  }
0x3ef: {  	v42 =	vld [tilespmem:s28+$0x5170];
	v43 =	vor.u32 s29, v37  }
0x3f0: {  	[tilespmem:v51+s20+$0x0] =	vst.idx.msk $0xffff, v32;
	v15 =	vld [tilespmem:s30+$0x3200]  }
0x3f1: {  	v44 =	vld [tilespmem:s30+$0x3210];
	[tilespmem:v47+s20+$0x0] =	vst.idx.msk $0xffff, v45  }
0x3f2: {  	[tilespmem:v35+s20+$0x0] =	vst.idx.msk $0xffff, v48  }
0x3f3: {  	[tilespmem:v14+s20+$0x0] =	vst.idx.msk $0xffff, v40  }
0x3f4: {  	v16 =	vld [tilespmem:$0x1FF50];
	[tilespmem:v43+s20+$0x0] =	vst.idx.msk $0xffff, v42  }
0x3f5: {  	v17 =	vld [tilespmem:$0x1FF20];
	[tilespmem:v60+s20+$0x0] =	vst.idx.msk $0xffff, v15  }
0x3f6: {  	v32 =	vld [tilespmem:$0x1FF00];
	[tilespmem:v58+s20+$0x0] =	vst.idx.msk $0xffff, v44  }
0x3f7: {  	v38 =	vld [tilespmem:$0x1FEF0]  }
0x3f8: {  	v12 =	vld [tilespmem:s28+$0x3E80]  }
0x3f9: {  	v45 =	vld [tilespmem:s30+$0x3EA0];
	v47 =	vor.u32 s0, v16  }
0x3fa: {  	v48 =	vld [tilespmem:s30+$0x3EB0];
	v51 =	vor.u32 s0, v17  }
0x3fb: {  	v11 =	vld [tilespmem:s28+$0x57A0];
	v14 =	vor.u32 s29, v32  }
0x3fc: {  	v35 =	vld [tilespmem:s28+$0x57B0];
	v15 =	vor.u32 s29, v38  }
0x3fd: {  	v4 =	vld [tilespmem:s28+$0x3E90];
	[tilespmem:v52+s20+$0x0] =	vst.idx.msk $0xffff, v12  }
0x3fe: {  	[tilespmem:v47+s20+$0x0] =	vst.idx.msk $0xffff, v45  }
0x3ff: {  	v12 =	vld [tilespmem:s30+$0x3840];
	[tilespmem:v51+s20+$0x0] =	vst.idx.msk $0xffff, v48  }
0x400: {  	v40 =	vld [tilespmem:s30+$0x3850];
	[tilespmem:v14+s20+$0x0] =	vst.idx.msk $0xffff, v11  }
0x401: {  	v22 =	vld [tilespmem:$0x1FF90];
	[tilespmem:v15+s20+$0x0] =	vst.idx.msk $0xffff, v35  }
0x402: {  	v15 =	vld [tilespmem:$0x1FEE0];
	_ =	sdelay $0x1  }
0x403: {  	[tilespmem:v55+s20+$0x0] =	vst.idx.msk $0xffff, v12  }
0x404: {  	v7 =	vld [tilespmem:s30+$0x44E0];
	[tilespmem:v13+s20+$0x0] =	vst.idx.msk $0xffff, v40  }
0x405: {  	v39 =	vld [tilespmem:$0x1FF10];
	v42 =	vor.u32 s0, v22  }
0x406: {  	v43 =	vld [tilespmem:s30+$0x44F0];
	v44 =	vor.u32 s0, v15;
	_ =	sdelay $0x1  }
0x407: {  	v45 =	vld [tilespmem:s28+$0x5DE0]  }
0x408: {  	[tilespmem:v49+s20+$0x0] =	vst.idx.msk $0xffff, v4;
	v47 =	vld [tilespmem:s30+$0x3E80]  }
0x409: {  	v48 =	vld [tilespmem:s30+$0x3E90];
	v13 =	vor.u32 s29, v39;
	[tilespmem:v42+s20+$0x0] =	vst.idx.msk $0xffff, v7  }
0x40a: {  	v49 =	vld [tilespmem:s28+$0x5DF0];
	[tilespmem:v44+s20+$0x0] =	vst.idx.msk $0xffff, v43  }
0x40b: {  	v40 =	vld [tilespmem:$0x1FF40]  }
0x40c: {  	v11 =	vld [tilespmem:$0x1FBF0]  }
0x40d: {  	v55 =	vor.u32 s0, v46;
	v52 =	vld [tilespmem:s30+$0x4B20]  }
0x40e: {  	v58 =	vld [tilespmem:s30+$0x4B30];
	[tilespmem:v13+s20+$0x0] =	vst.idx.msk $0xffff, v45;
	v13 =	vor.u32 s0, v23;
	_ =	sdelay $0x1  }
0x40f: {  	[tilespmem:v6+s20+$0x0] =	vst.idx.msk $0xffff, v47;
	v51 =	vor.u32 s29, v40  }
0x410: {  	[tilespmem:v3+s20+$0x0] =	vst.idx.msk $0xffff, v48  }
0x411: {  	[tilespmem:v55+s20+$0x0] =	vst.idx.msk $0xffff, v52  }
0x412: {  	[tilespmem:v13+s20+$0x0] =	vst.idx.msk $0xffff, v58  }
0x413: {  	[tilespmem:v11+s20+$0x0] =	vst.idx.msk $0xffff, v10  }
0x414: {  	[tilespmem:v51+s20+$0x0] =	vst.idx.msk $0xffff, v49  }
0x415: {  	v7 =	vld [tilespmem:$0x1FC40];
	_ =	sdelay $0x2  }
0x416: {  	v60 =	vld [tilespmem:s28+$0x44C0];
	_ =	sdelay $0x4  }
0x417: {  	v35 =	vld [tilespmem:s28+$0x44D0];
	[tilespmem:v7+s20+$0x0] =	vst.idx.msk $0xffff, v60  }
0x418: {  	v9 =	vld [tilespmem:$0x1FC50]  }
0x419: {  	v42 =	vld [tilespmem:s30+$0x44C0]  }
0x41a: {  	v6 =	vld [tilespmem:s30+$0x44D0];
	_ =	sdelay $0x3  }
0x41b: {  	[tilespmem:v63+s20+$0x0] =	vst.idx.msk $0xffff, v42  }
0x41c: {  	[tilespmem:v62+s20+$0x0] =	vst.idx.msk $0xffff, v6  }
0x41d: {  	[tilespmem:v9+s20+$0x0] =	vst.idx.msk $0xffff, v35  }
0x41e: {  	v10 =	vld [tilespmem:$0x1FBD0]  }
0x41f: {  	v44 =	vor.u32 s0, v36;
	v43 =	vld [tilespmem:s30+$0x5160]  }
0x420: {  	v47 =	vor.u32 s0, v37;
	v45 =	vld [tilespmem:s30+$0x5170]  }
0x421: {  	v1 =	vld [tilespmem:s25+$0x5DC0];
	_ =	sdelay $0x2  }
0x422: {  	[tilespmem:v44+s20+$0x0] =	vst.idx.msk $0xffff, v43  }
0x423: {  	[tilespmem:v47+s20+$0x0] =	vst.idx.msk $0xffff, v45  }
0x424: {  	v12 =	vld [tilespmem:s25+$0x5DD0];
	[tilespmem:v10+s20+$0x0] =	vst.idx.msk $0xffff, v1  }
0x425: {  	v7 =	vld [tilespmem:$0x1FC60];
	_ =	sdelay $0x2  }
0x426: {  	v48 =	vld [tilespmem:s28+$0x4B00];
	_ =	sdelay $0x4  }
0x427: {  	v49 =	vld [tilespmem:s28+$0x4B10];
	[tilespmem:v7+s20+$0x0] =	vst.idx.msk $0xffff, v48  }
0x428: {  	v9 =	vld [tilespmem:$0x1FC70]  }
0x429: {  	v51 =	vld [tilespmem:s30+$0x4B00]  }
0x42a: {  	v52 =	vld [tilespmem:s30+$0x4B10];
	_ =	sdelay $0x3  }
0x42b: {  	[tilespmem:v59+s20+$0x0] =	vst.idx.msk $0xffff, v51  }
0x42c: {  	[tilespmem:v57+s20+$0x0] =	vst.idx.msk $0xffff, v52  }
0x42d: {  	[tilespmem:v9+s20+$0x0] =	vst.idx.msk $0xffff, v49  }
0x42e: {  	v10 =	vld [tilespmem:$0x1FC00]  }
0x42f: {  	v60 =	vor.u32 s0, v32;
	v58 =	vld [tilespmem:s30+$0x57A0]  }
0x430: {  	v63 =	vor.u32 s0, v38;
	v62 =	vld [tilespmem:s30+$0x57B0]  }
0x431: {  	v2 =	vld [tilespmem:s26+$0x5780];
	_ =	sdelay $0x2  }
0x432: {  	[tilespmem:v60+s20+$0x0] =	vst.idx.msk $0xffff, v58  }
0x433: {  	[tilespmem:v63+s20+$0x0] =	vst.idx.msk $0xffff, v62  }
0x434: {  	v55 =	vld [tilespmem:s26+$0x5790];
	[tilespmem:v10+s20+$0x0] =	vst.idx.msk $0xffff, v2  }
0x435: {  	v6 =	vld [tilespmem:$0x1FC80];
	_ =	sdelay $0x2  }
0x436: {  	v35 =	vld [tilespmem:s28+$0x5140];
	_ =	sdelay $0x4  }
0x437: {  	v42 =	vld [tilespmem:s28+$0x5150];
	[tilespmem:v6+s20+$0x0] =	vst.idx.msk $0xffff, v35  }
0x438: {  	v6 =	vld [tilespmem:$0x1FC90]  }
0x439: {  	v43 =	vld [tilespmem:s30+$0x5140]  }
0x43a: {  	v44 =	vld [tilespmem:s30+$0x5150];
	_ =	sdelay $0x3  }
0x43b: {  	[tilespmem:v8+s20+$0x0] =	vst.idx.msk $0xffff, v43  }
0x43c: {  	[tilespmem:v0+s20+$0x0] =	vst.idx.msk $0xffff, v44  }
0x43d: {  	[tilespmem:v6+s20+$0x0] =	vst.idx.msk $0xffff, v42  }
0x43e: {  	v5 =	vld [tilespmem:$0x1FC10];
	_ =	sdelay $0x7  }
0x43f: {  	[tilespmem:v5+s20+$0x0] =	vst.idx.msk $0xffff, v55  }
0x440: {  	v5 =	vld [tilespmem:$0x1FBE0];
	_ =	sdelay $0x1  }
0x441: {  	v47 =	vor.u32 s0, v39;
	v45 =	vld [tilespmem:s30+$0x5DE0];
	_ =	sdelay $0x4  }
0x442: {  	v48 =	vld [tilespmem:s30+$0x5DF0];
	[tilespmem:v47+s20+$0x0] =	vst.idx.msk $0xffff, v45  }
0x443: {  	[tilespmem:v5+s20+$0x0] =	vst.idx.msk $0xffff, v12  }
0x444: {  	v4 =	vld [tilespmem:$0x1FCA0];
	_ =	sdelay $0x2  }
0x445: {  	v49 =	vld [tilespmem:s28+$0x5780];
	_ =	sdelay $0x3  }
0x446: {  	v52 =	vld [tilespmem:s30+$0x5780]  }
0x447: {  	v51 =	vld [tilespmem:s28+$0x5790];
	[tilespmem:v4+s20+$0x0] =	vst.idx.msk $0xffff, v49  }
0x448: {  	v4 =	vld [tilespmem:$0x1FCB0]  }
0x449: {  	v57 =	vor.u32 s0, v40  }
0x44a: {  	v55 =	vld [tilespmem:s30+$0x5790];
	_ =	sdelay $0x2  }
0x44b: {  	[tilespmem:v56+s20+$0x0] =	vst.idx.msk $0xffff, v52  }
0x44c: {  	[tilespmem:v57+s20+$0x0] =	vst.idx.msk $0xffff, v48  }
0x44d: {  	[tilespmem:v53+s20+$0x0] =	vst.idx.msk $0xffff, v55  }
0x44e: {  	[tilespmem:v4+s20+$0x0] =	vst.idx.msk $0xffff, v51  }
0x44f: {  	v5 =	vld [tilespmem:$0x1FC20];
	_ =	sdelay $0x2  }
0x450: {  	v58 =	vld [tilespmem:s26+$0x5DC0];
	_ =	sdelay $0x4  }
0x451: {  	v59 =	vld [tilespmem:s26+$0x5DD0];
	[tilespmem:v5+s20+$0x0] =	vst.idx.msk $0xffff, v58  }
0x452: {  	v5 =	vld [tilespmem:$0x1FC30];
	_ =	sdelay $0x7  }
0x453: {  	[tilespmem:v5+s20+$0x0] =	vst.idx.msk $0xffff, v59  }
0x454: {  	v0 =	vld [tilespmem:$0x1FCC0];
	_ =	sdelay $0x2  }
0x455: {  	v60 =	vld [tilespmem:s28+$0x5DC0];
	_ =	sdelay $0x4  }
0x456: {  	v4 =	vld [tilespmem:s28+$0x5DD0];
	[tilespmem:v0+s20+$0x0] =	vst.idx.msk $0xffff, v60  }
0x457: {  	v0 =	vld [tilespmem:$0x1FCD0]  }
0x458: {  	v62 =	vld [tilespmem:s30+$0x5DC0]  }
0x459: {  	v63 =	vld [tilespmem:s30+$0x5DD0];
	_ =	sdelay $0x3  }
0x45a: {  	[tilespmem:v61+s20+$0x0] =	vst.idx.msk $0xffff, v62  }
0x45b: {  	[tilespmem:v50+s20+$0x0] =	vst.idx.msk $0xffff, v63  }
0x45c: {  	[tilespmem:v0+s20+$0x0] =	vst.idx.msk $0xffff, v4  }
0x45d: {  	[hbm4b:s8+s15] =	stream.strided.scatter [tilespmem:s20], [sflag:$0x4], $0x6400, s16, s15, $0x38;
	v45 =	vld [tilespmem:$0x1FE70]  }
0x45e: {  	s31 =	simm.s32 $0x960;
	s25 =	simm.s32 $0x1;
	v55 =	vmov v36;
	v36 =	vmov v32;
	v32 =	vld [tilespmem:$0x1FE50]  }
0x45f: {  	v18 =	vmovc v41;
	v14 =	vmov v37;
	v23 =	vmov v30;
	v50 =	vmov v25;
	v42 =	vld [tilespmem:$0x1FE40];
	[tilespmem:s12], [sflag:$0x2] =	stream.indirect.gather [hbm4b:s3+s11], $0x20, s31, s11, $0xb8  }
.LBB2_6:
0x460: {  	_ =	swait.ge [sflag:s13], $0x6400  }
0x461: {  	[sflag:s13] =	ssyncset.done $0x0  }
0x462: {  	[sflag:s13] =	ssyncadd.s32 $0xFFFF9C00  }
0x463: {  	_ =	swait.ge [sflag:s22], $0x6400  }
0x464: {  	[sflag:s22] =	ssyncset.done $0x0  }
0x465: {  	s26 =	simm.s32 $0x6400;
	s17 =	simm.s32 $0x200;
	[sflag:s22] =	ssyncadd.s32 $0xFFFF9C00  }
0x466: {  	v1 =	vor.u32 s17, v42;
	v0 =	vld [tilespmem:s26+$0x20]  }
0x467: {  	v3 =	vor.u32 s17, v32;
	v2 =	vld [tilespmem:s26+$0x30];
	_ =	sdelay $0x3  }
0x468: {  	[tilespmem:v1+s14+$0x0] =	vst.idx.msk $0xffff, v0  }
0x469: {  	[tilespmem:v3+s14+$0x0] =	vst.idx.msk $0xffff, v2  }
0x46a: {  	v1 =	vor.u32 s17, v31;
	v0 =	vld [tilespmem:s26+$0x660]  }
0x46b: {  	s0 =	simm.s32 $0x0;
	v3 =	vor.u32 s17, v45;
	v2 =	vld [tilespmem:s26+$0x670]  }
0x46c: {  	v4 =	vor.u32 s0, v42;
	v5 =	vld [tilespmem:s26+$0x0];
	_ =	sdelay $0x2  }
0x46d: {  	[tilespmem:v1+s14+$0x0] =	vst.idx.msk $0xffff, v0  }
0x46e: {  	v7 =	vld [tilespmem:s26+$0x10];
	[tilespmem:v3+s14+$0x0] =	vst.idx.msk $0xffff, v2  }
0x46f: {  	v47 =	vld [tilespmem:$0x1FE00];
	[tilespmem:v4+s14+$0x0] =	vst.idx.msk $0xffff, v5  }
0x470: {  	v41 =	vld [tilespmem:$0x1FE10];
	_ =	sdelay $0x1  }
0x471: {  	v6 =	vor.u32 s0, v32;
	_ =	sdelay $0x1  }
0x472: {  	v0 =	vld [tilespmem:s26+$0xCA0];
	v1 =	vor.u32 s17, v47  }
0x473: {  	v2 =	vld [tilespmem:s26+$0xCB0];
	v3 =	vor.u32 s17, v41;
	_ =	sdelay $0x1  }
0x474: {  	[tilespmem:v6+s14+$0x0] =	vst.idx.msk $0xffff, v7  }
0x475: {  	v4 =	vor.u32 s0, v31;
	v5 =	vld [tilespmem:s26+$0x640]  }
0x476: {  	v6 =	vor.u32 s0, v45;
	v7 =	vld [tilespmem:s26+$0x650];
	[tilespmem:v1+s14+$0x0] =	vst.idx.msk $0xffff, v0  }
0x477: {  	[tilespmem:v3+s14+$0x0] =	vst.idx.msk $0xffff, v2  }
0x478: {  	v1 =	vor.u32 s17, v34;
	v0 =	vld [tilespmem:s26+$0x12E0]  }
0x479: {  	v3 =	vor.u32 s17, v29;
	v2 =	vld [tilespmem:s26+$0x12F0]  }
0x47a: {  	[tilespmem:v4+s14+$0x0] =	vst.idx.msk $0xffff, v5  }
0x47b: {  	[tilespmem:v6+s14+$0x0] =	vst.idx.msk $0xffff, v7  }
0x47c: {  	v4 =	vor.u32 s0, v47;
	v5 =	vld [tilespmem:s26+$0xC80]  }
0x47d: {  	v6 =	vor.u32 s0, v41;
	v7 =	vld [tilespmem:s26+$0xC90];
	[tilespmem:v1+s14+$0x0] =	vst.idx.msk $0xffff, v0  }
0x47e: {  	[tilespmem:v3+s14+$0x0] =	vst.idx.msk $0xffff, v2  }
0x47f: {  	v1 =	vor.u32 s17, v33;
	v0 =	vld [tilespmem:s26+$0x1920]  }
0x480: {  	v3 =	vor.u32 s17, v23;
	v2 =	vld [tilespmem:s26+$0x1930]  }
0x481: {  	[tilespmem:v4+s14+$0x0] =	vst.idx.msk $0xffff, v5  }
0x482: {  	[tilespmem:v6+s14+$0x0] =	vst.idx.msk $0xffff, v7  }
0x483: {  	v4 =	vor.u32 s0, v34;
	v5 =	vld [tilespmem:s26+$0x12C0]  }
0x484: {  	v6 =	vor.u32 s0, v29;
	v7 =	vld [tilespmem:s26+$0x12D0];
	[tilespmem:v1+s14+$0x0] =	vst.idx.msk $0xffff, v0  }
0x485: {  	[tilespmem:v3+s14+$0x0] =	vst.idx.msk $0xffff, v2  }
0x486: {  	v1 =	vor.u32 s17, v28;
	v0 =	vld [tilespmem:s26+$0x1F60]  }
0x487: {  	v3 =	vor.u32 s17, v27;
	v2 =	vld [tilespmem:s26+$0x1F70]  }
0x488: {  	[tilespmem:v4+s14+$0x0] =	vst.idx.msk $0xffff, v5  }
0x489: {  	[tilespmem:v6+s14+$0x0] =	vst.idx.msk $0xffff, v7  }
0x48a: {  	v4 =	vor.u32 s0, v33;
	v5 =	vld [tilespmem:s26+$0x1900]  }
0x48b: {  	v6 =	vor.u32 s0, v23;
	v7 =	vld [tilespmem:s26+$0x1910];
	[tilespmem:v1+s14+$0x0] =	vst.idx.msk $0xffff, v0  }
0x48c: {  	[tilespmem:v3+s14+$0x0] =	vst.idx.msk $0xffff, v2  }
0x48d: {  	v1 =	vor.u32 s17, v26;
	v0 =	vld [tilespmem:s26+$0x25A0]  }
0x48e: {  	v3 =	vor.u32 s17, v24;
	v2 =	vld [tilespmem:s26+$0x25B0]  }
0x48f: {  	[tilespmem:v4+s14+$0x0] =	vst.idx.msk $0xffff, v5  }
0x490: {  	[tilespmem:v6+s14+$0x0] =	vst.idx.msk $0xffff, v7  }
0x491: {  	v4 =	vor.u32 s0, v28;
	v5 =	vld [tilespmem:s26+$0x1F40]  }
0x492: {  	v6 =	vor.u32 s0, v27;
	v7 =	vld [tilespmem:s26+$0x1F50];
	[tilespmem:v1+s14+$0x0] =	vst.idx.msk $0xffff, v0  }
0x493: {  	[tilespmem:v3+s14+$0x0] =	vst.idx.msk $0xffff, v2  }
0x494: {  	v1 =	vor.u32 s17, v50;
	v0 =	vld [tilespmem:s26+$0x2BE0]  }
0x495: {  	v3 =	vor.u32 s17, v18;
	v2 =	vld [tilespmem:s26+$0x2BF0]  }
0x496: {  	[tilespmem:v4+s14+$0x0] =	vst.idx.msk $0xffff, v5  }
0x497: {  	[tilespmem:v6+s14+$0x0] =	vst.idx.msk $0xffff, v7  }
0x498: {  	v4 =	vor.u32 s0, v26;
	v5 =	vld [tilespmem:s26+$0x2580]  }
0x499: {  	v6 =	vor.u32 s0, v24;
	v7 =	vld [tilespmem:s26+$0x2590];
	[tilespmem:v1+s14+$0x0] =	vst.idx.msk $0xffff, v0  }
0x49a: {  	[tilespmem:v3+s14+$0x0] =	vst.idx.msk $0xffff, v2  }
0x49b: {  	v1 =	vor.u32 s17, v20;
	v0 =	vld [tilespmem:s26+$0x3220]  }
0x49c: {  	v3 =	vor.u32 s17, v21;
	v2 =	vld [tilespmem:s26+$0x3230]  }
0x49d: {  	s28 =	simm.s32 $0x6440;
	[tilespmem:v4+s14+$0x0] =	vst.idx.msk $0xffff, v5  }
0x49e: {  	[tilespmem:v6+s14+$0x0] =	vst.idx.msk $0xffff, v7;
	v7 =	vld [tilespmem:s28+$0x20]  }
0x49f: {  	s31 =	simm.s32 $0x600;
	v5 =	vor.u32 s0, v50;
	v4 =	vld [tilespmem:s26+$0x2BC0]  }
0x4a0: {  	v8 =	vor.u32 s31, v42;
	v6 =	vld [tilespmem:s26+$0x2BD0];
	[tilespmem:v1+s14+$0x0] =	vst.idx.msk $0xffff, v0  }
0x4a1: {  	v0 =	vld [tilespmem:s28+$0x30];
	v1 =	vor.u32 s31, v32;
	[tilespmem:v3+s14+$0x0] =	vst.idx.msk $0xffff, v2  }
0x4a2: {  	v3 =	vor.u32 s17, v54;
	v2 =	vld [tilespmem:s26+$0x3860]  }
0x4a3: {  	s2 =	simm.s32 $0x400;
	v10 =	vor.u32 s17, v19;
	v9 =	vld [tilespmem:s26+$0x3870]  }
0x4a4: {  	[tilespmem:v5+s14+$0x0] =	vst.idx.msk $0xffff, v4;
	v4 =	vor.u32 s2, v42;
	v5 =	vld [tilespmem:s28+$0x0]  }
0x4a5: {  	v11 =	vor.u32 s2, v32;
	v12 =	vld [tilespmem:s28+$0x10];
	[tilespmem:v8+s14+$0x0] =	vst.idx.msk $0xffff, v7  }
0x4a6: {  	v7 =	vor.u32 s0, v18;
	[tilespmem:v1+s14+$0x0] =	vst.idx.msk $0xffff, v0  }
0x4a7: {  	v1 =	vor.u32 s31, v31;
	v0 =	vld [tilespmem:s28+$0x660];
	[tilespmem:v3+s14+$0x0] =	vst.idx.msk $0xffff, v2  }
0x4a8: {  	v2 =	vld [tilespmem:s28+$0x670];
	v3 =	vor.u32 s31, v45;
	[tilespmem:v10+s14+$0x0] =	vst.idx.msk $0xffff, v9  }
0x4a9: {  	[tilespmem:v4+s14+$0x0] =	vst.idx.msk $0xffff, v5;
	v9 =	vor.u32 s17, v16;
	v8 =	vld [tilespmem:s26+$0x3EA0]  }
0x4aa: {  	v5 =	vor.u32 s17, v17;
	[tilespmem:v11+s14+$0x0] =	vst.idx.msk $0xffff, v12;
	v4 =	vld [tilespmem:s26+$0x3EB0]  }
0x4ab: {  	[tilespmem:v7+s14+$0x0] =	vst.idx.msk $0xffff, v6;
	v6 =	vor.u32 s2, v31;
	v7 =	vld [tilespmem:s28+$0x640]  }
0x4ac: {  	v10 =	vor.u32 s2, v45;
	[tilespmem:v1+s14+$0x0] =	vst.idx.msk $0xffff, v0;
	v0 =	vld [tilespmem:s28+$0x650]  }
0x4ad: {  	[tilespmem:v3+s14+$0x0] =	vst.idx.msk $0xffff, v2  }
0x4ae: {  	v3 =	vor.u32 s31, v47;
	v2 =	vld [tilespmem:s28+$0xCA0];
	[tilespmem:v9+s14+$0x0] =	vst.idx.msk $0xffff, v8  }
0x4af: {  	v8 =	vld [tilespmem:s28+$0xCB0];
	v9 =	vor.u32 s31, v41;
	[tilespmem:v5+s14+$0x0] =	vst.idx.msk $0xffff, v4  }
0x4b0: {  	[tilespmem:v6+s14+$0x0] =	vst.idx.msk $0xffff, v7;
	v5 =	vor.u32 s17, v22;
	v4 =	vld [tilespmem:s26+$0x44E0]  }
0x4b1: {  	v7 =	vor.u32 s17, v15;
	v6 =	vld [tilespmem:s26+$0x44F0];
	[tilespmem:v10+s14+$0x0] =	vst.idx.msk $0xffff, v0  }
0x4b2: {  	v0 =	vor.u32 s2, v47;
	v10 =	vld [tilespmem:s28+$0xC80]  }
0x4b3: {  	[tilespmem:v3+s14+$0x0] =	vst.idx.msk $0xffff, v2  }
0x4b4: {  	v12 =	vld [tilespmem:s26+$0x3210];
	[tilespmem:v9+s14+$0x0] =	vst.idx.msk $0xffff, v8  }
0x4b5: {  	v11 =	vor.u32 s2, v41;
	v2 =	vld [tilespmem:s28+$0xC90];
	[tilespmem:v5+s14+$0x0] =	vst.idx.msk $0xffff, v4  }
0x4b6: {  	v1 =	vld [tilespmem:s26+$0x3200];
	v3 =	vor.u32 s0, v20;
	[tilespmem:v7+s14+$0x0] =	vst.idx.msk $0xffff, v6  }
0x4b7: {  	v9 =	vor.u32 s31, v34;
	v8 =	vld [tilespmem:s28+$0x12E0];
	[tilespmem:v0+s14+$0x0] =	vst.idx.msk $0xffff, v10  }
0x4b8: {  	v56 =	vld [tilespmem:$0x1FEC0]  }
0x4b9: {  	v4 =	vld [tilespmem:s28+$0x12F0];
	v5 =	vor.u32 s31, v29  }
0x4ba: {  	v7 =	vor.u32 s17, v46;
	v6 =	vld [tilespmem:s26+$0x4B20];
	[tilespmem:v11+s14+$0x0] =	vst.idx.msk $0xffff, v2  }
0x4bb: {  	v2 =	vor.u32 s2, v34;
	[tilespmem:v3+s14+$0x0] =	vst.idx.msk $0xffff, v1;
	v1 =	vld [tilespmem:s28+$0x12C0]  }
0x4bc: {  	v3 =	vor.u32 s2, v29;
	[tilespmem:v9+s14+$0x0] =	vst.idx.msk $0xffff, v8;
	v8 =	vld [tilespmem:s28+$0x12D0]  }
0x4bd: {  	v0 =	vld [tilespmem:s26+$0x4B30];
	v10 =	vor.u32 s17, v56  }
0x4be: {  	[tilespmem:v5+s14+$0x0] =	vst.idx.msk $0xffff, v4  }
0x4bf: {  	v9 =	vor.u32 s0, v21;
	[tilespmem:v7+s14+$0x0] =	vst.idx.msk $0xffff, v6  }
0x4c0: {  	v5 =	vor.u32 s31, v33;
	v4 =	vld [tilespmem:s28+$0x1920];
	[tilespmem:v2+s14+$0x0] =	vst.idx.msk $0xffff, v1  }
0x4c1: {  	v6 =	vld [tilespmem:s28+$0x1930];
	v7 =	vor.u32 s31, v23;
	[tilespmem:v3+s14+$0x0] =	vst.idx.msk $0xffff, v8  }
0x4c2: {  	v3 =	vor.u32 s2, v33;
	v8 =	vld [tilespmem:s28+$0x1900];
	[tilespmem:v10+s14+$0x0] =	vst.idx.msk $0xffff, v0  }
0x4c3: {  	v10 =	vor.u32 s17, v55;
	v0 =	vld [tilespmem:s26+$0x5160]  }
0x4c4: {  	v2 =	vor.u32 s17, v14;
	[tilespmem:v9+s14+$0x0] =	vst.idx.msk $0xffff, v12;
	v1 =	vld [tilespmem:s26+$0x5170]  }
0x4c5: {  	v9 =	vor.u32 s2, v23;
	[tilespmem:v5+s14+$0x0] =	vst.idx.msk $0xffff, v4;
	v4 =	vld [tilespmem:s28+$0x1910]  }
0x4c6: {  	v11 =	vld [tilespmem:s26+$0x3840];
	v5 =	vor.u32 s0, v54;
	[tilespmem:v7+s14+$0x0] =	vst.idx.msk $0xffff, v6  }
0x4c7: {  	v7 =	vor.u32 s31, v28;
	v6 =	vld [tilespmem:s28+$0x1F60];
	[tilespmem:v3+s14+$0x0] =	vst.idx.msk $0xffff, v8  }
0x4c8: {  	[tilespmem:v10+s14+$0x0] =	vst.idx.msk $0xffff, v0;
	v0 =	vld [tilespmem:s28+$0x1F70];
	v10 =	vor.u32 s31, v27  }
0x4c9: {  	[tilespmem:v2+s14+$0x0] =	vst.idx.msk $0xffff, v1;
	v1 =	vor.u32 s0, v19;
	v2 =	vld [tilespmem:s26+$0x3850]  }
0x4ca: {  	v8 =	vor.u32 s17, v36;
	[tilespmem:v9+s14+$0x0] =	vst.idx.msk $0xffff, v4;
	v3 =	vld [tilespmem:s26+$0x57A0]  }
0x4cb: {  	v4 =	vor.u32 s2, v28;
	[tilespmem:v5+s14+$0x0] =	vst.idx.msk $0xffff, v11;
	v5 =	vld [tilespmem:s28+$0x1F40]  }
0x4cc: {  	v9 =	vor.u32 s2, v27;
	[tilespmem:v7+s14+$0x0] =	vst.idx.msk $0xffff, v6;
	v6 =	vld [tilespmem:s28+$0x1F50]  }
0x4cd: {  	v11 =	vor.u32 s17, v38;
	v7 =	vld [tilespmem:s26+$0x57B0];
	[tilespmem:v10+s14+$0x0] =	vst.idx.msk $0xffff, v0  }
0x4ce: {  	[tilespmem:v1+s14+$0x0] =	vst.idx.msk $0xffff, v2;
	v0 =	vld [tilespmem:s28+$0x25A0];
	v1 =	vor.u32 s31, v26  }
0x4cf: {  	v2 =	vld [tilespmem:s28+$0x25B0];
	[tilespmem:v8+s14+$0x0] =	vst.idx.msk $0xffff, v3;
	v3 =	vor.u32 s31, v24  }
0x4d0: {  	[tilespmem:v4+s14+$0x0] =	vst.idx.msk $0xffff, v5;
	v8 =	vor.u32 s0, v16;
	v10 =	vld [tilespmem:s26+$0x3E80]  }
0x4d1: {  	v4 =	vor.u32 s0, v17;
	v5 =	vld [tilespmem:s26+$0x3E90];
	[tilespmem:v9+s14+$0x0] =	vst.idx.msk $0xffff, v6  }
0x4d2: {  	[tilespmem:v11+s14+$0x0] =	vst.idx.msk $0xffff, v7  }
0x4d3: {  	v6 =	vor.u32 s2, v26;
	v7 =	vld [tilespmem:s28+$0x2580];
	[tilespmem:v1+s14+$0x0] =	vst.idx.msk $0xffff, v0  }
0x4d4: {  	v9 =	vor.u32 s2, v24;
	v11 =	vld [tilespmem:s28+$0x2590];
	[tilespmem:v3+s14+$0x0] =	vst.idx.msk $0xffff, v2  }
0x4d5: {  	[tilespmem:v8+s14+$0x0] =	vst.idx.msk $0xffff, v10;
	v2 =	vor.u32 s31, v50;
	v1 =	vld [tilespmem:s28+$0x2BE0]  }
0x4d6: {  	[tilespmem:v4+s14+$0x0] =	vst.idx.msk $0xffff, v5;
	v3 =	vld [tilespmem:s28+$0x2BF0];
	v4 =	vor.u32 s31, v18  }
0x4d7: {  	v5 =	vor.u32 s0, v22;
	v8 =	vld [tilespmem:s26+$0x44C0]  }
0x4d8: {  	[tilespmem:v6+s14+$0x0] =	vst.idx.msk $0xffff, v7;
	v6 =	vor.u32 s0, v15;
	v7 =	vld [tilespmem:s26+$0x44D0]  }
0x4d9: {  	[tilespmem:v9+s14+$0x0] =	vst.idx.msk $0xffff, v11  }
0x4da: {  	v9 =	vor.u32 s2, v50;
	v10 =	vld [tilespmem:s28+$0x2BC0];
	[tilespmem:v2+s14+$0x0] =	vst.idx.msk $0xffff, v1  }
0x4db: {  	v11 =	vor.u32 s2, v18;
	v12 =	vld [tilespmem:s28+$0x2BD0];
	[tilespmem:v4+s14+$0x0] =	vst.idx.msk $0xffff, v3  }
0x4dc: {  	[tilespmem:v5+s14+$0x0] =	vst.idx.msk $0xffff, v8;
	v3 =	vor.u32 s31, v20;
	v2 =	vld [tilespmem:s28+$0x3220]  }
0x4dd: {  	v0 =	vld [tilespmem:s26+$0x5DE0];
	[tilespmem:v6+s14+$0x0] =	vst.idx.msk $0xffff, v7;
	v6 =	vor.u32 s17, v39  }
0x4de: {  	v5 =	vor.u32 s31, v21;
	v4 =	vld [tilespmem:s28+$0x3230]  }
0x4df: {  	v8 =	vor.u32 s0, v46;
	[tilespmem:v9+s14+$0x0] =	vst.idx.msk $0xffff, v10;
	v7 =	vld [tilespmem:s26+$0x4B00]  }
0x4e0: {  	v10 =	vor.u32 s0, v56;
	v9 =	vld [tilespmem:s26+$0x4B10];
	[tilespmem:v11+s14+$0x0] =	vst.idx.msk $0xffff, v12  }
0x4e1: {  	s30 =	simm.s32 $0xA00;
	s29 =	simm.s32 $0x6480;
	v1 =	vld [tilespmem:s26+$0x5DF0];
	[tilespmem:v3+s14+$0x0] =	vst.idx.msk $0xffff, v2  }
0x4e2: {  	v13 =	vor.u32 s30, v42;
	v12 =	vld [tilespmem:s29+$0x20];
	[tilespmem:v6+s14+$0x0] =	vst.idx.msk $0xffff, v0  }
0x4e3: {  	v2 =	vld [tilespmem:s29+$0x30];
	v3 =	vor.u32 s30, v32;
	[tilespmem:v5+s14+$0x0] =	vst.idx.msk $0xffff, v4  }
0x4e4: {  	s21 =	simm.s32 $0x800;
	v4 =	vor.u32 s31, v54;
	[tilespmem:v8+s14+$0x0] =	vst.idx.msk $0xffff, v7;
	v0 =	vld [tilespmem:s28+$0x3860]  }
0x4e5: {  	[tilespmem:v10+s14+$0x0] =	vst.idx.msk $0xffff, v9;
	v9 =	vor.u32 s21, v42;
	v10 =	vld [tilespmem:s29+$0x0]  }
0x4e6: {  	v6 =	vor.u32 s31, v19;
	v5 =	vld [tilespmem:s28+$0x3870]  }
0x4e7: {  	[tilespmem:v13+s14+$0x0] =	vst.idx.msk $0xffff, v12;
	v12 =	vor.u32 s21, v32;
	v13 =	vld [tilespmem:s29+$0x10]  }
0x4e8: {  	v11 =	vld [tilespmem:s28+$0x3200];
	v7 =	vor.u32 s2, v20;
	[tilespmem:v3+s14+$0x0] =	vst.idx.msk $0xffff, v2  }
0x4e9: {  	v3 =	vor.u32 s30, v31;
	v2 =	vld [tilespmem:s29+$0x660];
	[tilespmem:v4+s14+$0x0] =	vst.idx.msk $0xffff, v0  }
0x4ea: {  	v0 =	vld [tilespmem:s29+$0x670];
	v4 =	vor.u32 s30, v45;
	[tilespmem:v9+s14+$0x0] =	vst.idx.msk $0xffff, v10  }
0x4eb: {  	v8 =	vld [tilespmem:s28+$0x3210];
	v10 =	vor.u32 s2, v21;
	[tilespmem:v6+s14+$0x0] =	vst.idx.msk $0xffff, v5  }
0x4ec: {  	v6 =	vor.u32 s31, v16;
	[tilespmem:v12+s14+$0x0] =	vst.idx.msk $0xffff, v13;
	v5 =	vld [tilespmem:s28+$0x3EA0]  }
0x4ed: {  	[tilespmem:v7+s14+$0x0] =	vst.idx.msk $0xffff, v11;
	v12 =	vor.u32 s21, v31;
	v13 =	vld [tilespmem:s29+$0x640]  }
0x4ee: {  	v9 =	vor.u32 s31, v17;
	v7 =	vld [tilespmem:s28+$0x3EB0];
	[tilespmem:v3+s14+$0x0] =	vst.idx.msk $0xffff, v2  }
0x4ef: {  	[tilespmem:v4+s14+$0x0] =	vst.idx.msk $0xffff, v0  }
0x4f0: {  	v2 =	vor.u32 s21, v45;
	v3 =	vld [tilespmem:s29+$0x650];
	[tilespmem:v10+s14+$0x0] =	vst.idx.msk $0xffff, v8  }
0x4f1: {  	v4 =	vor.u32 s30, v47;
	v0 =	vld [tilespmem:s29+$0xCA0];
	[tilespmem:v6+s14+$0x0] =	vst.idx.msk $0xffff, v5  }
0x4f2: {  	v5 =	vld [tilespmem:s29+$0xCB0];
	v6 =	vor.u32 s30, v41;
	[tilespmem:v12+s14+$0x0] =	vst.idx.msk $0xffff, v13  }
0x4f3: {  	v12 =	vor.u32 s17, v40;
	v13 =	vld [tilespmem:s28+$0x3840];
	[tilespmem:v9+s14+$0x0] =	vst.idx.msk $0xffff, v7  }
0x4f4: {  	v8 =	vor.u32 s31, v22;
	v7 =	vld [tilespmem:s28+$0x44E0]  }
0x4f5: {  	v10 =	vor.u32 s31, v15;
	v9 =	vld [tilespmem:s28+$0x44F0];
	[tilespmem:v2+s14+$0x0] =	vst.idx.msk $0xffff, v3  }
0x4f6: {  	v2 =	vor.u32 s21, v47;
	v3 =	vld [tilespmem:s29+$0xC80];
	[tilespmem:v4+s14+$0x0] =	vst.idx.msk $0xffff, v0  }
0x4f7: {  	v0 =	vor.u32 s21, v41;
	v4 =	vld [tilespmem:s29+$0xC90];
	[tilespmem:v6+s14+$0x0] =	vst.idx.msk $0xffff, v5  }
0x4f8: {  	v6 =	vor.u32 s30, v34;
	[tilespmem:v12+s14+$0x0] =	vst.idx.msk $0xffff, v1;
	v5 =	vld [tilespmem:s29+$0x12E0]  }
0x4f9: {  	[tilespmem:v8+s14+$0x0] =	vst.idx.msk $0xffff, v7;
	v7 =	vld [tilespmem:s29+$0x12F0];
	v8 =	vor.u32 s30, v29  }
0x4fa: {  	v12 =	vld [tilespmem:s28+$0x3850];
	[tilespmem:v10+s14+$0x0] =	vst.idx.msk $0xffff, v9;
	v10 =	vor.u32 s2, v54  }
0x4fb: {  	v9 =	vor.u32 s31, v46;
	[tilespmem:v2+s14+$0x0] =	vst.idx.msk $0xffff, v3;
	v1 =	vld [tilespmem:s28+$0x4B20]  }
0x4fc: {  	v3 =	vor.u32 s31, v56;
	v2 =	vld [tilespmem:s28+$0x4B30];
	[tilespmem:v0+s14+$0x0] =	vst.idx.msk $0xffff, v4  }
0x4fd: {  	v0 =	vor.u32 s21, v34;
	v4 =	vld [tilespmem:s29+$0x12C0];
	[tilespmem:v6+s14+$0x0] =	vst.idx.msk $0xffff, v5  }
0x4fe: {  	v5 =	vor.u32 s21, v29;
	v6 =	vld [tilespmem:s29+$0x12D0];
	[tilespmem:v8+s14+$0x0] =	vst.idx.msk $0xffff, v7  }
0x4ff: {  	v8 =	vor.u32 s30, v33;
	v7 =	vld [tilespmem:s29+$0x1920];
	[tilespmem:v10+s14+$0x0] =	vst.idx.msk $0xffff, v13  }
0x500: {  	v11 =	vld [tilespmem:s26+$0x5140];
	v10 =	vor.u32 s2, v19;
	[tilespmem:v9+s14+$0x0] =	vst.idx.msk $0xffff, v1  }
0x501: {  	v1 =	vld [tilespmem:s29+$0x1930];
	v9 =	vor.u32 s30, v23;
	[tilespmem:v3+s14+$0x0] =	vst.idx.msk $0xffff, v2  }
0x502: {  	v3 =	vor.u32 s31, v55;
	[tilespmem:v0+s14+$0x0] =	vst.idx.msk $0xffff, v4;
	v2 =	vld [tilespmem:s28+$0x5160]  }
0x503: {  	v4 =	vor.u32 s31, v14;
	v0 =	vld [tilespmem:s28+$0x5170];
	[tilespmem:v5+s14+$0x0] =	vst.idx.msk $0xffff, v6  }
0x504: {  	v5 =	vor.u32 s21, v33;
	v6 =	vld [tilespmem:s29+$0x1900];
	[tilespmem:v8+s14+$0x0] =	vst.idx.msk $0xffff, v7  }
0x505: {  	v7 =	vor.u32 s21, v23;
	v8 =	vld [tilespmem:s29+$0x1910];
	[tilespmem:v10+s14+$0x0] =	vst.idx.msk $0xffff, v12  }
0x506: {  	v13 =	vld [tilespmem:s26+$0x5150];
	v10 =	vor.u32 s0, v55;
	[tilespmem:v9+s14+$0x0] =	vst.idx.msk $0xffff, v1  }
0x507: {  	v9 =	vor.u32 s30, v28;
	v1 =	vld [tilespmem:s29+$0x1F60];
	[tilespmem:v3+s14+$0x0] =	vst.idx.msk $0xffff, v2  }
0x508: {  	v2 =	vld [tilespmem:s29+$0x1F70];
	v3 =	vor.u32 s30, v27;
	[tilespmem:v4+s14+$0x0] =	vst.idx.msk $0xffff, v0  }
0x509: {  	v4 =	vor.u32 s31, v36;
	[tilespmem:v5+s14+$0x0] =	vst.idx.msk $0xffff, v6;
	v0 =	vld [tilespmem:s28+$0x57A0]  }
0x50a: {  	v6 =	vor.u32 s31, v38;
	v5 =	vld [tilespmem:s28+$0x57B0];
	[tilespmem:v7+s14+$0x0] =	vst.idx.msk $0xffff, v8  }
0x50b: {  	v7 =	vor.u32 s21, v28;
	[tilespmem:v10+s14+$0x0] =	vst.idx.msk $0xffff, v11;
	v8 =	vld [tilespmem:s29+$0x1F40]  }
0x50c: {  	[tilespmem:v9+s14+$0x0] =	vst.idx.msk $0xffff, v1;
	v1 =	vor.u32 s21, v27;
	v9 =	vld [tilespmem:s29+$0x1F50]  }
0x50d: {  	v12 =	vld [tilespmem:s28+$0x3E80];
	[tilespmem:v3+s14+$0x0] =	vst.idx.msk $0xffff, v2;
	v2 =	vor.u32 s2, v16  }
0x50e: {  	v3 =	vld [tilespmem:s28+$0x3E90];
	[tilespmem:v4+s14+$0x0] =	vst.idx.msk $0xffff, v0;
	v0 =	vor.u32 s2, v17  }
0x50f: {  	v10 =	vor.u32 s30, v26;
	v4 =	vld [tilespmem:s29+$0x25A0];
	[tilespmem:v6+s14+$0x0] =	vst.idx.msk $0xffff, v5  }
0x510: {  	v5 =	vor.u32 s0, v14;
	[tilespmem:v7+s14+$0x0] =	vst.idx.msk $0xffff, v8;
	v6 =	vld [tilespmem:s28+$0x5DE0]  }
0x511: {  	v8 =	vor.u32 s30, v24;
	[tilespmem:v1+s14+$0x0] =	vst.idx.msk $0xffff, v9;
	v1 =	vld [tilespmem:s29+$0x25B0]  }
0x512: {  	v9 =	vor.u32 s21, v26;
	[tilespmem:v2+s14+$0x0] =	vst.idx.msk $0xffff, v12;
	v2 =	vld [tilespmem:s29+$0x2580]  }
0x513: {  	v11 =	vor.u32 s21, v24;
	[tilespmem:v0+s14+$0x0] =	vst.idx.msk $0xffff, v3;
	v0 =	vld [tilespmem:s29+$0x2590]  }
0x514: {  	v7 =	vld [tilespmem:s28+$0x5DF0];
	[tilespmem:v10+s14+$0x0] =	vst.idx.msk $0xffff, v4;
	v10 =	vor.u32 s31, v39  }
0x515: {  	v3 =	vor.u32 s2, v22;
	[tilespmem:v5+s14+$0x0] =	vst.idx.msk $0xffff, v13;
	v5 =	vld [tilespmem:s28+$0x44C0]  }
0x516: {  	v12 =	vor.u32 s2, v15;
	v4 =	vld [tilespmem:s28+$0x44D0];
	[tilespmem:v8+s14+$0x0] =	vst.idx.msk $0xffff, v1  }
0x517: {  	v8 =	vor.u32 s30, v50;
	[tilespmem:v9+s14+$0x0] =	vst.idx.msk $0xffff, v2;
	v2 =	vld [tilespmem:s29+$0x2BE0]  }
0x518: {  	v1 =	vld [tilespmem:s26+$0x5780];
	[tilespmem:v11+s14+$0x0] =	vst.idx.msk $0xffff, v0  }
0x519: {  	v0 =	vld [tilespmem:s29+$0x2BF0];
	[tilespmem:v10+s14+$0x0] =	vst.idx.msk $0xffff, v6  }
0x51a: {  	v9 =	vor.u32 s30, v18;
	v13 =	vld [tilespmem:s29+$0x2BC0];
	[tilespmem:v3+s14+$0x0] =	vst.idx.msk $0xffff, v5  }
0x51b: {  	v5 =	vld [tilespmem:s29+$0x2BD0];
	[tilespmem:v12+s14+$0x0] =	vst.idx.msk $0xffff, v4  }
0x51c: {  	v11 =	vor.u32 s21, v50;
	v6 =	vld [tilespmem:s28+$0x4B00];
	[tilespmem:v8+s14+$0x0] =	vst.idx.msk $0xffff, v2;
	v8 =	vor.u32 s0, v39  }
0x51d: {  	v2 =	vld [tilespmem:s28+$0x4B10];
	[tilespmem:$0x1FAA0] =	vst v8;
	v8 =	vor.u32 s0, v40  }
0x51e: {  	[tilespmem:$0x1FAB0] =	vst v8  }
0x51f: {  	v3 =	vor.u32 s21, v18;
	[tilespmem:v9+s14+$0x0] =	vst.idx.msk $0xffff, v0;
	v9 =	vor.u32 s2, v55  }
0x520: {  	v0 =	vld [tilespmem:s26+$0x5790];
	[tilespmem:$0x1FAC0] =	vst v9  }
0x521: {  	v35 =	vmov v36;
	[tilespmem:v11+s14+$0x0] =	vst.idx.msk $0xffff, v13;
	v13 =	vor.u32 s2, v14  }
0x522: {  	v9 =	vld [tilespmem:s29+$0x3220];
	[tilespmem:$0x1FAD0] =	vst v13;
	v13 =	vor.u32 s2, v35  }
0x523: {  	v4 =	vor.u32 s2, v46;
	[tilespmem:$0x1FAE0] =	vst v13  }
0x524: {  	v12 =	vor.u32 s2, v56;
	[tilespmem:v3+s14+$0x0] =	vst.idx.msk $0xffff, v5;
	v3 =	vor.u32 s2, v38  }
0x525: {  	v5 =	vld [tilespmem:s29+$0x3230];
	[tilespmem:$0x1FAF0] =	vst v3;
	v3 =	vor.u32 s2, v39  }
0x526: {  	v8 =	vor.u32 s31, v40;
	[tilespmem:$0x1FB00] =	vst v3;
	v3 =	vor.u32 s2, v40  }
0x527: {  	[tilespmem:$0x1FB10] =	vst v3  }
0x528: {  	[tilespmem:v4+s14+$0x0] =	vst.idx.msk $0xffff, v6  }
0x529: {  	v44 =	vmovc v29;
	v29 =	vmov v14;
	v11 =	vor.u32 s30, v20;
	v14 =	vld [tilespmem:s29+$0x3200];
	[tilespmem:v12+s14+$0x0] =	vst.idx.msk $0xffff, v2;
	v2 =	vor.u32 s21, v17  }
0x52a: {  	v37 =	vmov v16;
	v16 =	vld [tilespmem:s29+$0x3210];
	[tilespmem:$0x1FB20] =	vst v2  }
0x52b: {  	v48 =	vmov v15;
	v2 =	vor.u32 s21, v22;
	[tilespmem:v8+s14+$0x0] =	vst.idx.msk $0xffff, v7  }
0x52c: {  	v13 =	vor.u32 s30, v21;
	v3 =	vld [tilespmem:s28+$0x5140];
	[tilespmem:$0x1FB30] =	vst v2;
	v2 =	vor.u32 s21, v48  }
0x52d: {  	[tilespmem:$0x1FB40] =	vst v2  }
0x52e: {  	s31 =	simm.s32 $0x64C0;
	v8 =	vor.u32 s21, v46;
	[tilespmem:v11+s14+$0x0] =	vst.idx.msk $0xffff, v9  }
0x52f: {  	v10 =	vor.u32 s0, v36;
	v2 =	vld [tilespmem:s31+$0x20];
	[tilespmem:$0x1FB50] =	vst v8;
	v8 =	vor.u32 s21, v56  }
0x530: {  	[tilespmem:$0x1FB60] =	vst v8  }
0x531: {  	[tilespmem:v13+s14+$0x0] =	vst.idx.msk $0xffff, v5;
	v5 =	vor.u32 s21, v55  }
0x532: {  	v4 =	vor.u32 s21, v20;
	v8 =	vld [tilespmem:s31+$0x30];
	[tilespmem:$0x1FB70] =	vst v5;
	v5 =	vor.u32 s21, v29  }
0x533: {  	[tilespmem:$0x1FB80] =	vst v5  }
0x534: {  	[tilespmem:v10+s14+$0x0] =	vst.idx.msk $0xffff, v1;
	v10 =	vor.u32 s21, v35  }
0x535: {  	v15 =	vor.u32 s0, v38;
	s0 =	simm.s32 $0xE00;
	v6 =	vor.u32 s21, v21;
	v1 =	vld [tilespmem:s29+$0x3860];
	[tilespmem:$0x1FB90] =	vst v10;
	v10 =	vor.u32 s21, v38  }
0x536: {  	v7 =	vor.u32 s0, v42;
	[tilespmem:$0x1FBA0] =	vst v10  }
0x537: {  	v9 =	vor.u32 s0, v32;
	v11 =	vor.u32 s21, v39;
	[tilespmem:v4+s14+$0x0] =	vst.idx.msk $0xffff, v14  }
0x538: {  	v30 =	vmovc v34;
	v49 =	vor.u32 s21, v54;
	v5 =	vor.u32 s30, v54;
	v4 =	vld [tilespmem:s29+$0x3870];
	[tilespmem:$0x1FBB0] =	vst v11;
	v11 =	vor.u32 s21, v40  }
0x539: {  	s1 =	simm.s32 $0xC00;
	v57 =	vmovc v21;
	v25 =	vmovc v22;
	v60 =	vor.u32 s21, v19;
	v52 =	vor.u32 s21, v37;
	v10 =	vor.u32 s30, v19;
	[tilespmem:$0x1FBC0] =	vst v11  }
0x53a: {  	v51 =	vor.u32 s1, v31;
	v53 =	vor.u32 s30, v37;
	v57 =	vor.u32 s1, v57;
	v36 =	vmovc v39;
	v39 =	vmovc v20;
	[tilespmem:v6+s14+$0x0] =	vst.idx.msk $0xffff, v16;
	v20 =	vld [tilespmem:s31+$0x10]  }
0x53b: {  	v63 =	vor.u32 s1, v25;
	v62 =	vor.u32 s1, v48;
	v34 =	vmovc v38;
	v38 =	vmovc v19;
	v19 =	vor.u32 s1, v42;
	v22 =	vld [tilespmem:s31+$0x0];
	[tilespmem:v7+s14+$0x0] =	vst.idx.msk $0xffff, v2  }
0x53c: {  	v25 =	vor.u32 s30, v25;
	v21 =	vor.u32 s1, v32;
	v13 =	vor.u32 s1, v30;
	[tilespmem:v9+s14+$0x0] =	vst.idx.msk $0xffff, v8;
	v30 =	vld [tilespmem:s29+$0x3840]  }
0x53d: {  	v43 =	vmovc v45;
	v45 =	vmovc v33;
	v2 =	vmov v24;
	v6 =	vmov v26;
	v26 =	vor.u32 s0, v31;
	[tilespmem:v5+s14+$0x0] =	vst.idx.msk $0xffff, v1;
	v24 =	vld [tilespmem:s31+$0x660]  }
0x53e: {  	v33 =	vmovc v40;
	v11 =	vor.u32 s1, v45;
	v45 =	vor.u32 s0, v43;
	v8 =	vor.u32 s1, v28;
	v28 =	vld [tilespmem:s31+$0x670];
	[tilespmem:v10+s14+$0x0] =	vst.idx.msk $0xffff, v4  }
0x53f: {  	v58 =	vmovc v17;
	v33 =	vor.u32 s1, v33;
	v17 =	vor.u32 s1, v41;
	v12 =	vor.u32 s1, v23;
	[tilespmem:v15+s14+$0x0] =	vst.idx.msk $0xffff, v0;
	v0 =	vld [tilespmem:s29+$0x3EA0]  }
0x540: {  	v23 =	vor.u32 s30, v58;
	v59 =	vor.u32 s1, v39;
	v56 =	vor.u32 s1, v56;
	v61 =	vld [tilespmem:s29+$0x3EB0];
	[tilespmem:v19+s14+$0x0] =	vst.idx.msk $0xffff, v22  }
0x541: {  	v54 =	vor.u32 s1, v54;
	v14 =	vor.u32 s1, v44;
	v40 =	vmovc v18;
	v18 =	vor.u32 s1, v43;
	v19 =	vld [tilespmem:s29+$0x3850];
	[tilespmem:v21+s14+$0x0] =	vst.idx.msk $0xffff, v20  }
0x542: {  	v16 =	vor.u32 s1, v47;
	v1 =	vor.u32 s1, v40;
	v9 =	vor.u32 s1, v27;
	v27 =	vld [tilespmem:s31+$0x640];
	[tilespmem:v26+s14+$0x0] =	vst.idx.msk $0xffff, v24  }
0x543: {  	v7 =	vmovc v50;
	v15 =	vor.u32 s1, v38;
	v6 =	vor.u32 s1, v6;
	v5 =	vor.u32 s1, v2;
	v20 =	vld [tilespmem:s31+$0x650];
	[tilespmem:v45+s14+$0x0] =	vst.idx.msk $0xffff, v28  }
0x544: {  	v2 =	vor.u32 s1, v7;
	v7 =	vor.u32 s1, v37;
	v4 =	vor.u32 s1, v58;
	[tilespmem:v53+s14+$0x0] =	vst.idx.msk $0xffff, v0;
	v21 =	vld [tilespmem:s31+$0xCA0]  }
0x545: {  	v58 =	vor.u32 s1, v46;
	v10 =	vor.u32 s1, v55;
	v55 =	vor.u32 s1, v35;
	v22 =	vld [tilespmem:s31+$0xCB0];
	[tilespmem:v23+s14+$0x0] =	vst.idx.msk $0xffff, v61  }
0x546: {  	[tilespmem:v49+s14+$0x0] =	vst.idx.msk $0xffff, v30;
	v24 =	vor.u32 s0, v47;
	v26 =	vor.u32 s0, v41;
	v0 =	vor.u32 s1, v29;
	v23 =	vld [tilespmem:s29+$0x44E0]  }
0x547: {  	s2 =	simm.s32 $0x8;
	v53 =	vor.u32 s1, v34;
	v28 =	vor.u32 s30, v48;
	v61 =	vor.u32 s1, v36;
	[tilespmem:v51+s14+$0x0] =	vst.idx.msk $0xffff, v27;
	v27 =	vld [tilespmem:s29+$0x44F0]  }
.LBB2_7:
0x548: {  	_ =	sdelay $0x1  }
0x549: {  	v48 =	vld [tilespmem:$0x1FE80]  }
0x54a: {  	v49 =	vld [tilespmem:$0x1FE90]  }
0x54b: {  	v46 =	vld [tilespmem:$0x1FFE0];
	[tilespmem:v24+s14+$0x0] =	vst.idx.msk $0xffff, v21  }
0x54c: {  	v50 =	vld [tilespmem:$0x1FEA0];
	[tilespmem:v18+s14+$0x0] =	vst.idx.msk $0xffff, v20  }
0x54d: {  	[tilespmem:v26+s14+$0x0] =	vst.idx.msk $0xffff, v22;
	v18 =	vld [tilespmem:s28+$0x5150]  }
0x54e: {  	v22 =	vld [tilespmem:s31+$0x12E0];
	[tilespmem:v25+s14+$0x0] =	vst.idx.msk $0xffff, v23;
	v24 =	vor.u32 s0, v48  }
0x54f: {  	v23 =	vld [tilespmem:s31+$0x12F0];
	v25 =	vor.u32 s0, v49  }
0x550: {  	v20 =	vld [tilespmem:s31+$0xC80]  }
0x551: {  	v21 =	vld [tilespmem:s31+$0xC90];
	[tilespmem:v28+s14+$0x0] =	vst.idx.msk $0xffff, v27  }
0x552: {  	[tilespmem:v60+s14+$0x0] =	vst.idx.msk $0xffff, v19;
	v19 =	vld [tilespmem:s29+$0x4B20]  }
0x553: {  	v60 =	vmov v15;
	v15 =	vld [tilespmem:s29+$0x4B30];
	[tilespmem:v24+s14+$0x0] =	vst.idx.msk $0xffff, v22  }
0x554: {  	[tilespmem:v25+s14+$0x0] =	vst.idx.msk $0xffff, v23;
	v25 =	vld [tilespmem:$0x1FAC0]  }
0x555: {  	v51 =	vmov v33;
	v33 =	vld [tilespmem:$0x1FED0];
	[tilespmem:v16+s14+$0x0] =	vst.idx.msk $0xffff, v20  }
0x556: {  	v26 =	vor.u32 s30, v46;
	v28 =	vmov v32;
	v32 =	vld [tilespmem:$0x1FEC0];
	[tilespmem:v17+s14+$0x0] =	vst.idx.msk $0xffff, v21  }
0x557: {  	v17 =	vld [tilespmem:s29+$0x3E80]  }
0x558: {  	v20 =	vld [tilespmem:s31+$0x12C0]  }
0x559: {  	v21 =	vld [tilespmem:s31+$0x12D0]  }
0x55a: {  	v22 =	vld [tilespmem:s31+$0x1920]  }
0x55b: {  	v16 =	vor.u32 s30, v32;
	[tilespmem:v26+s14+$0x0] =	vst.idx.msk $0xffff, v19;
	v26 =	vld [tilespmem:$0x1FEB0]  }
0x55c: {  	[tilespmem:v25+s14+$0x0] =	vst.idx.msk $0xffff, v3;
	v3 =	vld [tilespmem:$0x1FB70]  }
0x55d: {  	v38 =	vld [tilespmem:$0x1FF30]  }
0x55e: {  	v47 =	vld [tilespmem:$0x1FFF0]  }
0x55f: {  	v36 =	vld [tilespmem:$0x1FF00]  }
0x560: {  	v23 =	vor.u32 s0, v50;
	v19 =	vld [tilespmem:s31+$0x1930];
	[tilespmem:v16+s14+$0x0] =	vst.idx.msk $0xffff, v15  }
0x561: {  	v15 =	vld [tilespmem:s29+$0x5160];
	v24 =	vor.u32 s0, v26;
	[tilespmem:v13+s14+$0x0] =	vst.idx.msk $0xffff, v20;
	v25 =	vmov v3  }
0x562: {  	v16 =	vor.u32 s30, v33;
	v3 =	vmov v10;
	[tilespmem:$0x1FAC0] =	vst v25;
	v25 =	vld [tilespmem:$0x1FFC0]  }
0x563: {  	v10 =	vor.u32 s30, v38;
	[tilespmem:$0x1FB70] =	vst v3;
	v3 =	vld [tilespmem:s29+$0x5170]  }
0x564: {  	v35 =	vld [tilespmem:$0x1FEF0];
	[tilespmem:v14+s14+$0x0] =	vst.idx.msk $0xffff, v21  }
0x565: {  	v13 =	vld [tilespmem:s29+$0x3E90];
	[tilespmem:v23+s14+$0x0] =	vst.idx.msk $0xffff, v22  }
0x566: {  	v14 =	vld [tilespmem:s31+$0x1900];
	[tilespmem:v24+s14+$0x0] =	vst.idx.msk $0xffff, v19  }
0x567: {  	v19 =	vld [tilespmem:s31+$0x1F60];
	[tilespmem:v16+s14+$0x0] =	vst.idx.msk $0xffff, v15;
	v21 =	vor.u32 s0, v25  }
0x568: {  	v16 =	vor.u32 s0, v47;
	v15 =	vld [tilespmem:s31+$0x1F70];
	[tilespmem:v10+s14+$0x0] =	vst.idx.msk $0xffff, v3  }
0x569: {  	v10 =	vor.u32 s30, v36;
	v3 =	vld [tilespmem:s29+$0x57A0]  }
0x56a: {  	v20 =	vld [tilespmem:s31+$0x1910];
	[tilespmem:v52+s14+$0x0] =	vst.idx.msk $0xffff, v17  }
0x56b: {  	v52 =	vmov v7;
	[tilespmem:v11+s14+$0x0] =	vst.idx.msk $0xffff, v14;
	v11 =	vor.u32 s30, v35;
	v7 =	vld [tilespmem:s29+$0x57B0]  }
0x56c: {  	[tilespmem:v21+s14+$0x0] =	vst.idx.msk $0xffff, v19  }
0x56d: {  	[tilespmem:v16+s14+$0x0] =	vst.idx.msk $0xffff, v15  }
0x56e: {  	[tilespmem:v10+s14+$0x0] =	vst.idx.msk $0xffff, v3  }
0x56f: {  	v3 =	vld [tilespmem:s31+$0x25A0]  }
0x570: {  	[tilespmem:v11+s14+$0x0] =	vst.idx.msk $0xffff, v7;
	v7 =	vld [tilespmem:$0x1FB20];
	_ =	sdelay $0x1  }
0x571: {  	v44 =	vld [tilespmem:$0x1FFB0];
	[tilespmem:v12+s14+$0x0] =	vst.idx.msk $0xffff, v20  }
0x572: {  	v14 =	vld [tilespmem:s31+$0x1F40]  }
0x573: {  	v16 =	vld [tilespmem:$0x1FAD0]  }
0x574: {  	v17 =	vld [tilespmem:s31+$0x1F50]  }
0x575: {  	v37 =	vld [tilespmem:$0x1FF10]  }
0x576: {  	v12 =	vld [tilespmem:s26+$0x5DC0]  }
0x577: {  	v10 =	vld [tilespmem:s26+$0x5DD0];
	[tilespmem:v7+s14+$0x0] =	vst.idx.msk $0xffff, v13  }
0x578: {  	v39 =	vld [tilespmem:$0x1FF40];
	s26 =	smov.u32 s28;
	s28 =	smov.u32 s29;
	[tilespmem:v8+s14+$0x0] =	vst.idx.msk $0xffff, v14  }
0x579: {  	v15 =	vor.u32 s0, v44;
	v7 =	vld [tilespmem:s28+$0x5DE0];
	[tilespmem:v9+s14+$0x0] =	vst.idx.msk $0xffff, v17  }
0x57a: {  	v11 =	vor.u32 s30, v37;
	v14 =	vld [tilespmem:s31+$0x2580]  }
0x57b: {  	[tilespmem:v16+s14+$0x0] =	vst.idx.msk $0xffff, v18;
	v16 =	vld [tilespmem:$0x1FB80]  }
0x57c: {  	v30 =	vld [tilespmem:$0x1FE20]  }
0x57d: {  	v13 =	vmov v4;
	v4 =	vld [tilespmem:s28+$0x5DF0]  }
0x57e: {  	v8 =	vor.u32 s30, v39;
	v9 =	vld [tilespmem:s31+$0x25B0];
	[tilespmem:v15+s14+$0x0] =	vst.idx.msk $0xffff, v3  }
0x57f: {  	[tilespmem:v11+s14+$0x0] =	vst.idx.msk $0xffff, v7;
	v11 =	vld [tilespmem:$0x1FB30]  }
0x580: {  	s30 =	smov.u32 s0;
	v17 =	vmov v16;
	v16 =	vmov v0;
	v0 =	vld [tilespmem:s31+$0x2590]  }
0x581: {  	[tilespmem:$0x1FB20] =	vst v13;
	v13 =	vor.u32 s30, v30  }
0x582: {  	v3 =	vld [tilespmem:s28+$0x44C0]  }
0x583: {  	v7 =	vld [tilespmem:s28+$0x44D0];
	[tilespmem:v8+s14+$0x0] =	vst.idx.msk $0xffff, v4  }
0x584: {  	v4 =	vld [tilespmem:s26+$0x5780];
	[tilespmem:v6+s14+$0x0] =	vst.idx.msk $0xffff, v14  }
0x585: {  	[tilespmem:v5+s14+$0x0] =	vst.idx.msk $0xffff, v0  }
0x586: {  	[tilespmem:v13+s14+$0x0] =	vst.idx.msk $0xffff, v9;
	v9 =	vld [tilespmem:s31+$0x2BC0]  }
0x587: {  	[tilespmem:v11+s14+$0x0] =	vst.idx.msk $0xffff, v3;
	v11 =	vld [tilespmem:$0x1FB40];
	_ =	sdelay $0x3  }
0x588: {  	v45 =	vmov v43;
	v43 =	vld [tilespmem:$0x1FE30];
	_ =	sdelay $0x1  }
0x589: {  	v40 =	vld [tilespmem:$0x1FFA0];
	v3 =	vmov v63  }
0x58a: {  	[tilespmem:$0x1FB30] =	vst v3;
	v3 =	vld [tilespmem:s31+$0x2BD0]  }
0x58b: {  	[tilespmem:v11+s14+$0x0] =	vst.idx.msk $0xffff, v7;
	v11 =	vld [tilespmem:$0x1FAA0]  }
0x58c: {  	v8 =	vor.u32 s30, v43;
	v6 =	vld [tilespmem:s31+$0x2BE0];
	_ =	sdelay $0x2  }
0x58d: {  	v0 =	vld [tilespmem:s31+$0x2BF0];
	v5 =	vor.u32 s30, v40;
	_ =	sdelay $0x1  }
0x58e: {  	[tilespmem:v8+s14+$0x0] =	vst.idx.msk $0xffff, v6;
	v7 =	vmov v62  }
0x58f: {  	[tilespmem:$0x1FB40] =	vst v7  }
0x590: {  	v7 =	vld [tilespmem:s28+$0x4B00];
	[tilespmem:v11+s14+$0x0] =	vst.idx.msk $0xffff, v12  }
0x591: {  	[tilespmem:v5+s14+$0x0] =	vst.idx.msk $0xffff, v0;
	v6 =	vld [tilespmem:s28+$0x4B10]  }
0x592: {  	v0 =	vld [tilespmem:s26+$0x5790];
	[tilespmem:v2+s14+$0x0] =	vst.idx.msk $0xffff, v9  }
0x593: {  	[tilespmem:v1+s14+$0x0] =	vst.idx.msk $0xffff, v3;
	v3 =	vld [tilespmem:$0x1FB50];
	_ =	sdelay $0x7  }
0x594: {  	v9 =	vld [tilespmem:s31+$0x3200];
	[tilespmem:v3+s14+$0x0] =	vst.idx.msk $0xffff, v7;
	v3 =	vmov v58  }
0x595: {  	[tilespmem:$0x1FB50] =	vst v3;
	v3 =	vld [tilespmem:$0x1FB60];
	_ =	sdelay $0x5  }
0x596: {  	v29 =	vld [tilespmem:$0x1FF80]  }
0x597: {  	v7 =	vld [tilespmem:s31+$0x3210]  }
0x598: {  	[tilespmem:v3+s14+$0x0] =	vst.idx.msk $0xffff, v6;
	v6 =	vld [tilespmem:$0x1FAE0]  }
0x599: {  	v34 =	vld [tilespmem:$0x1FF60];
	s1 =	sshll.u32 s2, $0x9  }
0x59a: {  	v41 =	vld [tilespmem:$0x1FE00];
	s0 =	sadd.s32 $0x200, s1  }
0x59b: {  	v19 =	vor.u32 s1, v42;
	v15 =	vor.u32 s0, v42;
	v42 =	vld [tilespmem:$0x1FE10]  }
0x59c: {  	v13 =	vor.u32 s1, v48;
	v48 =	vld [tilespmem:$0x1FF90]  }
0x59d: {  	v5 =	vor.u32 s30, v29;
	v2 =	vld [tilespmem:s31+$0x3220]  }
0x59e: {  	v11 =	vld [tilespmem:$0x1FB00];
	v3 =	vmov v56  }
0x59f: {  	v1 =	vld [tilespmem:s31+$0x3230];
	[tilespmem:$0x1FB60] =	vst v3  }
0x5a0: {  	v8 =	vor.u32 s30, v34;
	v3 =	vld [tilespmem:s28+$0x5140];
	[tilespmem:v6+s14+$0x0] =	vst.idx.msk $0xffff, v4;
	v4 =	vmov v55  }
0x5a1: {  	s29 =	smov.u32 s31;
	s31 =	sadd.s32 $0x40, s31;
	v6 =	vld [tilespmem:$0x1FB90];
	[tilespmem:$0x1FB90] =	vst v4  }
0x5a2: {  	v4 =	vld [tilespmem:s31+$0x20];
	[tilespmem:v5+s14+$0x0] =	vst.idx.msk $0xffff, v2  }
0x5a3: {  	v22 =	vor.u32 s0, v28;
	v21 =	vld [tilespmem:s31+$0x30]  }
0x5a4: {  	v14 =	vor.u32 s1, v49;
	v49 =	vld [tilespmem:$0x1FEE0]  }
0x5a5: {  	[tilespmem:v8+s14+$0x0] =	vst.idx.msk $0xffff, v1;
	v1 =	vld [tilespmem:$0x1FAF0]  }
0x5a6: {  	v23 =	vld [tilespmem:s29+$0x3860]  }
0x5a7: {  	v8 =	vor.u32 s1, v25;
	v25 =	vld [tilespmem:s29+$0x3870];
	[tilespmem:v15+s14+$0x0] =	vst.idx.msk $0xffff, v4  }
0x5a8: {  	v27 =	vor.u32 s1, v31;
	v12 =	vmov v11;
	[tilespmem:v22+s14+$0x0] =	vst.idx.msk $0xffff, v21;
	v22 =	vor.u32 s0, v31;
	v31 =	vld [tilespmem:$0x1FAB0]  }
0x5a9: {  	[tilespmem:$0x1FAA0] =	vst v12;
	v12 =	vld [tilespmem:$0x1FBB0]  }
0x5aa: {  	v63 =	vld [tilespmem:$0x1FFD0];
	[tilespmem:v59+s14+$0x0] =	vst.idx.msk $0xffff, v9  }
0x5ab: {  	[tilespmem:v57+s14+$0x0] =	vst.idx.msk $0xffff, v7;
	v7 =	vld [tilespmem:$0x1FF70]  }
0x5ac: {  	v20 =	vor.u32 s1, v28;
	[tilespmem:$0x1FAD0] =	vst v17;
	v28 =	vld [tilespmem:s31+$0x10]  }
0x5ad: {  	[tilespmem:v1+s14+$0x0] =	vst.idx.msk $0xffff, v0;
	v1 =	vld [tilespmem:$0x1FBA0];
	v0 =	vmov v53  }
0x5ae: {  	v12 =	vmov v12;
	[tilespmem:$0x1FBA0] =	vst v0;
	v0 =	vld [tilespmem:s31+$0x0]  }
0x5af: {  	v24 =	vor.u32 s30, v63;
	[tilespmem:$0x1FB00] =	vst v12;
	v5 =	vor.u32 s1, v30;
	v30 =	vld [tilespmem:s29+$0x3840]  }
0x5b0: {  	v12 =	vor.u32 s1, v26;
	v26 =	vor.u32 s30, v7;
	[tilespmem:v31+s14+$0x0] =	vst.idx.msk $0xffff, v10;
	v10 =	vld [tilespmem:$0x1FB10]  }
0x5b1: {  	[tilespmem:$0x1FB80] =	vst v16;
	v11 =	vmov v61;
	v56 =	vor.u32 s1, v32;
	v32 =	vld [tilespmem:$0x1FE50]  }
0x5b2: {  	[tilespmem:$0x1FBB0] =	vst v11;
	v9 =	vor.u32 s1, v47;
	v47 =	vld [tilespmem:$0x1FF20];
	v6 =	vmov v6  }
0x5b3: {  	[tilespmem:$0x1FAE0] =	vst v6;
	v6 =	vor.u32 s1, v44;
	v44 =	vld [tilespmem:$0x1FF50]  }
0x5b4: {  	v21 =	vld [tilespmem:s31+$0x660];
	[tilespmem:v24+s14+$0x0] =	vst.idx.msk $0xffff, v23  }
0x5b5: {  	v23 =	vld [tilespmem:s31+$0x670];
	[tilespmem:v26+s14+$0x0] =	vst.idx.msk $0xffff, v25;
	v31 =	vmov v10  }
0x5b6: {  	[tilespmem:$0x1FAB0] =	vst v31;
	v31 =	vld [tilespmem:$0x1FBC0]  }
0x5b7: {  	v2 =	vor.u32 s1, v43;
	v43 =	vld [tilespmem:$0x1FE70];
	v24 =	vor.u32 s0, v45;
	[tilespmem:v19+s14+$0x0] =	vst.idx.msk $0xffff, v0  }
0x5b8: {  	v25 =	vld [tilespmem:s29+$0x3EA0];
	v1 =	vmov v1;
	[tilespmem:v20+s14+$0x0] =	vst.idx.msk $0xffff, v28  }
0x5b9: {  	v26 =	vor.u32 s30, v44;
	[tilespmem:$0x1FAF0] =	vst v1;
	v19 =	vmov v51;
	v28 =	vld [tilespmem:s31+$0x640]  }
0x5ba: {  	v18 =	vor.u32 s1, v45;
	v20 =	vld [tilespmem:s31+$0x650];
	[tilespmem:$0x1FBC0] =	vst v19  }
0x5bb: {  	v16 =	vor.u32 s1, v41;
	v11 =	vor.u32 s1, v50;
	v50 =	vor.u32 s30, v47;
	v10 =	vmovc v31;
	v31 =	vld [tilespmem:s29+$0x3EB0];
	[tilespmem:v22+s14+$0x0] =	vst.idx.msk $0xffff, v21  }
0x5bc: {  	v17 =	vor.u32 s1, v42;
	v62 =	vor.u32 s1, v49;
	v61 =	vor.u32 s1, v37;
	v19 =	vld [tilespmem:s29+$0x3850];
	[tilespmem:v24+s14+$0x0] =	vst.idx.msk $0xffff, v23  }
0x5bd: {  	p0 =	slt.u32 s2, $0x30;
	v58 =	vor.u32 s1, v46;
	v55 =	vor.u32 s1, v36;
	v59 =	vor.u32 s1, v29;
	[tilespmem:v54+s14+$0x0] =	vst.idx.msk $0xffff, v30;
	v21 =	vld [tilespmem:s31+$0xCA0]  }
.Ltmp4:
0x5be: {  	v29 =	vor.u32 s1, v63;
	v63 =	vor.u32 s1, v48;
	[tilespmem:v26+s14+$0x0] =	vst.idx.msk $0xffff, v25;
	v26 =	vor.u32 s0, v42;
	v42 =	vld [tilespmem:$0x1FE40];
	(pc) =	sbr.rel @p0 .LBB2_7-.Ltmp4, $4  }
0x5bf: {  	v57 =	vor.u32 s1, v34;
	v4 =	vor.u32 s1, v47;
	v15 =	vor.u32 s1, v7;
	[tilespmem:v27+s14+$0x0] =	vst.idx.msk $0xffff, v28;
	v22 =	vld [tilespmem:s31+$0xCB0]  }
0x5c0: {  	v53 =	vor.u32 s1, v35;
	v7 =	vor.u32 s1, v44;
	v1 =	vor.u32 s1, v40;
	[tilespmem:v50+s14+$0x0] =	vst.idx.msk $0xffff, v31;
	v31 =	vld [tilespmem:$0x1FE60]  }
0x5c1: {  	v0 =	vor.u32 s1, v38;
	v28 =	vor.u32 s30, v49;
	[tilespmem:$0x1FB10] =	vst v10;
	v10 =	vor.u32 s1, v33;
	v23 =	vld [tilespmem:s29+$0x44E0]  }
0x5c2: {  	s2 =	sadd.s32 $0x2, s2;
	v54 =	vmovc v29;
	v33 =	vor.u32 s1, v39;
	v24 =	vor.u32 s0, v41;
	v25 =	vor.u32 s30, v48;
	v27 =	vld [tilespmem:s29+$0x44F0]  }
0x5c3: {  	_ =	sdelay $0x3  }
0x5c4: {  	[tilespmem:v18+s14+$0x0] =	vst.idx.msk $0xffff, v20  }
0x5c5: {  	[tilespmem:v24+s14+$0x0] =	vst.idx.msk $0xffff, v21  }
0x5c6: {  	[tilespmem:v26+s14+$0x0] =	vst.idx.msk $0xffff, v22  }
0x5c7: {  	v29 =	vld [tilespmem:$0x1FE80];
	[tilespmem:v25+s14+$0x0] =	vst.idx.msk $0xffff, v23  }
0x5c8: {  	[tilespmem:v28+s14+$0x0] =	vst.idx.msk $0xffff, v27  }
0x5c9: {  	v34 =	vld [tilespmem:$0x1FE90];
	_ =	sdelay $0x1  }
0x5ca: {  	v20 =	vld [tilespmem:s31+$0xC80]  }
0x5cb: {  	v21 =	vld [tilespmem:s31+$0xC90]  }
0x5cc: {  	v22 =	vld [tilespmem:s31+$0x12E0];
	v24 =	vor.u32 s0, v29  }
0x5cd: {  	v23 =	vld [tilespmem:s31+$0x12F0];
	v25 =	vor.u32 s0, v34  }
0x5ce: {  	[tilespmem:v60+s14+$0x0] =	vst.idx.msk $0xffff, v19  }
0x5cf: {  	[tilespmem:v16+s14+$0x0] =	vst.idx.msk $0xffff, v20  }
0x5d0: {  	[tilespmem:v17+s14+$0x0] =	vst.idx.msk $0xffff, v21  }
0x5d1: {  	[tilespmem:v24+s14+$0x0] =	vst.idx.msk $0xffff, v22  }
0x5d2: {  	[tilespmem:v25+s14+$0x0] =	vst.idx.msk $0xffff, v23  }
0x5d3: {  	v35 =	vld [tilespmem:$0x1FEA0]  }
0x5d4: {  	v27 =	vld [tilespmem:$0x1FEB0];
	_ =	sdelay $0x3  }
0x5d5: {  	v22 =	vld [tilespmem:s31+$0x1920];
	v23 =	vor.u32 s0, v35  }
0x5d6: {  	v24 =	vld [tilespmem:s31+$0x1930];
	v25 =	vor.u32 s0, v27;
	_ =	sdelay $0x3  }
0x5d7: {  	[tilespmem:v23+s14+$0x0] =	vst.idx.msk $0xffff, v22  }
0x5d8: {  	[tilespmem:v25+s14+$0x0] =	vst.idx.msk $0xffff, v24  }
0x5d9: {  	v26 =	vld [tilespmem:$0x1FFC0]  }
0x5da: {  	v60 =	vld [tilespmem:$0x1FFF0];
	_ =	sdelay $0x1  }
0x5db: {  	v20 =	vld [tilespmem:s31+$0x12C0]  }
0x5dc: {  	v21 =	vld [tilespmem:s31+$0x12D0]  }
0x5dd: {  	v22 =	vld [tilespmem:s31+$0x1F60];
	v23 =	vor.u32 s0, v26  }
0x5de: {  	v24 =	vld [tilespmem:s31+$0x1F70];
	v25 =	vor.u32 s0, v60;
	_ =	sdelay $0x1  }
0x5df: {  	[tilespmem:v13+s14+$0x0] =	vst.idx.msk $0xffff, v20  }
0x5e0: {  	[tilespmem:v14+s14+$0x0] =	vst.idx.msk $0xffff, v21  }
0x5e1: {  	[tilespmem:v23+s14+$0x0] =	vst.idx.msk $0xffff, v22  }
0x5e2: {  	[tilespmem:v25+s14+$0x0] =	vst.idx.msk $0xffff, v24  }
0x5e3: {  	v25 =	vld [tilespmem:$0x1FFB0]  }
0x5e4: {  	v24 =	vld [tilespmem:$0x1FE20];
	_ =	sdelay $0x1  }
0x5e5: {  	v13 =	vld [tilespmem:s31+$0x1900]  }
0x5e6: {  	v14 =	vld [tilespmem:s31+$0x1910]  }
0x5e7: {  	v20 =	vld [tilespmem:s31+$0x25A0];
	v21 =	vor.u32 s0, v25  }
0x5e8: {  	v22 =	vld [tilespmem:s31+$0x25B0];
	v23 =	vor.u32 s0, v24;
	_ =	sdelay $0x1  }
0x5e9: {  	[tilespmem:v11+s14+$0x0] =	vst.idx.msk $0xffff, v13  }
0x5ea: {  	[tilespmem:v12+s14+$0x0] =	vst.idx.msk $0xffff, v14  }
0x5eb: {  	[tilespmem:v21+s14+$0x0] =	vst.idx.msk $0xffff, v20  }
0x5ec: {  	[tilespmem:v23+s14+$0x0] =	vst.idx.msk $0xffff, v22  }
0x5ed: {  	v30 =	vld [tilespmem:$0x1FE30]  }
0x5ee: {  	v23 =	vld [tilespmem:$0x1FFA0]  }
0x5ef: {  	v11 =	vld [tilespmem:s31+$0x1F40]  }
0x5f0: {  	v12 =	vld [tilespmem:s31+$0x1F50];
	_ =	sdelay $0x1  }
0x5f1: {  	v13 =	vld [tilespmem:s31+$0x2BE0];
	v14 =	vor.u32 s0, v30  }
0x5f2: {  	v20 =	vld [tilespmem:s31+$0x2BF0];
	v21 =	vor.u32 s0, v23  }
0x5f3: {  	[tilespmem:v8+s14+$0x0] =	vst.idx.msk $0xffff, v11  }
0x5f4: {  	[tilespmem:v9+s14+$0x0] =	vst.idx.msk $0xffff, v12  }
0x5f5: {  	v8 =	vld [tilespmem:s31+$0x2580]  }
0x5f6: {  	[tilespmem:v14+s14+$0x0] =	vst.idx.msk $0xffff, v13  }
0x5f7: {  	v9 =	vld [tilespmem:s31+$0x2590];
	[tilespmem:v21+s14+$0x0] =	vst.idx.msk $0xffff, v20  }
0x5f8: {  	v50 =	vld [tilespmem:$0x1FF80]  }
0x5f9: {  	v21 =	vld [tilespmem:$0x1FFE0]  }
0x5fa: {  	v47 =	vld [tilespmem:$0x1FF60];
	[tilespmem:v6+s14+$0x0] =	vst.idx.msk $0xffff, v8  }
0x5fb: {  	v22 =	vld [tilespmem:$0x1FEC0];
	_ =	sdelay $0x1  }
0x5fc: {  	v11 =	vld [tilespmem:s31+$0x3220];
	v12 =	vor.u32 s0, v50  }
0x5fd: {  	v19 =	vld [tilespmem:s29+$0x4B20];
	v20 =	vor.u32 s30, v21  }
0x5fe: {  	v13 =	vld [tilespmem:s31+$0x3230];
	v14 =	vor.u32 s0, v47  }
0x5ff: {  	v16 =	vld [tilespmem:s29+$0x4B30];
	v6 =	vor.u32 s30, v22  }
0x600: {  	[tilespmem:v5+s14+$0x0] =	vst.idx.msk $0xffff, v9  }
0x601: {  	v5 =	vld [tilespmem:s31+$0x2BC0];
	[tilespmem:v12+s14+$0x0] =	vst.idx.msk $0xffff, v11  }
0x602: {  	v8 =	vld [tilespmem:s31+$0x2BD0];
	[tilespmem:v20+s14+$0x0] =	vst.idx.msk $0xffff, v19  }
0x603: {  	[tilespmem:v14+s14+$0x0] =	vst.idx.msk $0xffff, v13  }
0x604: {  	v49 =	vld [tilespmem:$0x1FFD0];
	[tilespmem:v6+s14+$0x0] =	vst.idx.msk $0xffff, v16  }
0x605: {  	v48 =	vld [tilespmem:$0x1FF70]  }
0x606: {  	v19 =	vld [tilespmem:$0x1FED0];
	[tilespmem:v2+s14+$0x0] =	vst.idx.msk $0xffff, v5  }
0x607: {  	v16 =	vld [tilespmem:$0x1FF30];
	[tilespmem:v1+s14+$0x0] =	vst.idx.msk $0xffff, v8  }
0x608: {  	v1 =	vld [tilespmem:$0x1FAC0];
	_ =	sdelay $0x1  }
0x609: {  	v18 =	vld [tilespmem:s28+$0x5150]  }
0x60a: {  	v17 =	vld [tilespmem:s29+$0x3E80]  }
0x60b: {  	v9 =	vld [tilespmem:s31+$0x3860];
	v11 =	vor.u32 s0, v49  }
0x60c: {  	v13 =	vld [tilespmem:s29+$0x5160];
	v14 =	vor.u32 s30, v19  }
0x60d: {  	v6 =	vld [tilespmem:s31+$0x3870];
	v12 =	vor.u32 s0, v48  }
0x60e: {  	v2 =	vld [tilespmem:s29+$0x5170];
	v5 =	vor.u32 s30, v16  }
0x60f: {  	[tilespmem:v1+s14+$0x0] =	vst.idx.msk $0xffff, v3;
	v1 =	vld [tilespmem:s31+$0x3200]  }
0x610: {  	v3 =	vld [tilespmem:s31+$0x3210];
	[tilespmem:v11+s14+$0x0] =	vst.idx.msk $0xffff, v9  }
0x611: {  	[tilespmem:v14+s14+$0x0] =	vst.idx.msk $0xffff, v13  }
0x612: {  	[tilespmem:v12+s14+$0x0] =	vst.idx.msk $0xffff, v6  }
0x613: {  	v38 =	vld [tilespmem:$0x1FF50];
	[tilespmem:v5+s14+$0x0] =	vst.idx.msk $0xffff, v2  }
0x614: {  	v37 =	vld [tilespmem:$0x1FF20]  }
0x615: {  	v44 =	vld [tilespmem:$0x1FF00];
	[tilespmem:v59+s14+$0x0] =	vst.idx.msk $0xffff, v1  }
0x616: {  	v46 =	vld [tilespmem:$0x1FEF0]  }
0x617: {  	v8 =	vld [tilespmem:s29+$0x3E90]  }
0x618: {  	v6 =	vld [tilespmem:s31+$0x3EA0];
	v9 =	vor.u32 s0, v38  }
0x619: {  	v2 =	vld [tilespmem:s31+$0x3EB0];
	v5 =	vor.u32 s0, v37  }
0x61a: {  	v11 =	vld [tilespmem:s29+$0x57A0];
	v12 =	vor.u32 s30, v44  }
0x61b: {  	v1 =	vld [tilespmem:s29+$0x57B0];
	[tilespmem:v57+s14+$0x0] =	vst.idx.msk $0xffff, v3;
	v13 =	vor.u32 s30, v46  }
0x61c: {  	[tilespmem:v52+s14+$0x0] =	vst.idx.msk $0xffff, v17;
	v3 =	vld [tilespmem:s31+$0x3840]  }
0x61d: {  	v14 =	vld [tilespmem:s31+$0x3850];
	[tilespmem:v9+s14+$0x0] =	vst.idx.msk $0xffff, v6  }
0x61e: {  	[tilespmem:v5+s14+$0x0] =	vst.idx.msk $0xffff, v2  }
0x61f: {  	[tilespmem:v12+s14+$0x0] =	vst.idx.msk $0xffff, v11  }
0x620: {  	v36 =	vld [tilespmem:$0x1FF90];
	[tilespmem:v13+s14+$0x0] =	vst.idx.msk $0xffff, v1  }
0x621: {  	v45 =	vld [tilespmem:$0x1FEE0];
	[tilespmem:v54+s14+$0x0] =	vst.idx.msk $0xffff, v3  }
0x622: {  	v40 =	vld [tilespmem:$0x1FF10];
	[tilespmem:v15+s14+$0x0] =	vst.idx.msk $0xffff, v14  }
0x623: {  	v13 =	vld [tilespmem:$0x1FB20];
	_ =	sdelay $0x1  }
0x624: {  	v2 =	vld [tilespmem:s31+$0x44E0];
	v5 =	vor.u32 s0, v36;
	_ =	sdelay $0x1  }
0x625: {  	v1 =	vld [tilespmem:s31+$0x44F0];
	v9 =	vor.u32 s0, v45;
	_ =	sdelay $0x2  }
0x626: {  	[tilespmem:v5+s14+$0x0] =	vst.idx.msk $0xffff, v2  }
0x627: {  	[tilespmem:v13+s14+$0x0] =	vst.idx.msk $0xffff, v8  }
0x628: {  	v39 =	vld [tilespmem:$0x1FF40];
	[tilespmem:v9+s14+$0x0] =	vst.idx.msk $0xffff, v1  }
0x629: {  	v1 =	vld [tilespmem:$0x1FAD0];
	_ =	sdelay $0x3  }
0x62a: {  	v3 =	vld [tilespmem:s29+$0x5DE0];
	v12 =	vor.u32 s30, v40  }
0x62b: {  	v8 =	vld [tilespmem:s31+$0x3E80]  }
0x62c: {  	v2 =	vld [tilespmem:s31+$0x3E90]  }
0x62d: {  	v5 =	vld [tilespmem:s29+$0x5DF0];
	v13 =	vor.u32 s30, v39  }
0x62e: {  	v9 =	vor.u32 s0, v21;
	[tilespmem:v1+s14+$0x0] =	vst.idx.msk $0xffff, v18;
	v1 =	vld [tilespmem:s31+$0x4B20]  }
0x62f: {  	[tilespmem:v12+s14+$0x0] =	vst.idx.msk $0xffff, v3;
	v3 =	vld [tilespmem:s31+$0x4B30];
	v12 =	vor.u32 s0, v22  }
0x630: {  	[tilespmem:v7+s14+$0x0] =	vst.idx.msk $0xffff, v8  }
0x631: {  	[tilespmem:v4+s14+$0x0] =	vst.idx.msk $0xffff, v2  }
0x632: {  	[tilespmem:v13+s14+$0x0] =	vst.idx.msk $0xffff, v5  }
0x633: {  	[tilespmem:v9+s14+$0x0] =	vst.idx.msk $0xffff, v1  }
0x634: {  	[tilespmem:v12+s14+$0x0] =	vst.idx.msk $0xffff, v3  }
0x635: {  	v3 =	vld [tilespmem:$0x1FB30];
	_ =	sdelay $0x2  }
0x636: {  	v14 =	vld [tilespmem:s29+$0x44C0];
	_ =	sdelay $0x4  }
0x637: {  	v7 =	vld [tilespmem:s29+$0x44D0];
	[tilespmem:v3+s14+$0x0] =	vst.idx.msk $0xffff, v14  }
0x638: {  	v8 =	vld [tilespmem:$0x1FB40]  }
0x639: {  	v2 =	vld [tilespmem:s31+$0x44C0]  }
0x63a: {  	v1 =	vld [tilespmem:s31+$0x44D0];
	_ =	sdelay $0x3  }
0x63b: {  	[tilespmem:v63+s14+$0x0] =	vst.idx.msk $0xffff, v2  }
0x63c: {  	[tilespmem:v62+s14+$0x0] =	vst.idx.msk $0xffff, v1  }
0x63d: {  	[tilespmem:v8+s14+$0x0] =	vst.idx.msk $0xffff, v7  }
0x63e: {  	v1 =	vld [tilespmem:$0x1FAA0]  }
0x63f: {  	v5 =	vor.u32 s0, v19;
	v3 =	vld [tilespmem:s31+$0x5160]  }
0x640: {  	v7 =	vld [tilespmem:s31+$0x5170];
	v8 =	vor.u32 s0, v16  }
0x641: {  	v6 =	vld [tilespmem:s26+$0x5DC0];
	_ =	sdelay $0x2  }
0x642: {  	[tilespmem:v5+s14+$0x0] =	vst.idx.msk $0xffff, v3  }
0x643: {  	[tilespmem:v8+s14+$0x0] =	vst.idx.msk $0xffff, v7  }
0x644: {  	v11 =	vld [tilespmem:s26+$0x5DD0];
	[tilespmem:v1+s14+$0x0] =	vst.idx.msk $0xffff, v6  }
0x645: {  	v6 =	vld [tilespmem:$0x1FB50];
	_ =	sdelay $0x2  }
0x646: {  	v9 =	vld [tilespmem:s29+$0x4B00];
	_ =	sdelay $0x4  }
0x647: {  	v2 =	vld [tilespmem:s29+$0x4B10];
	[tilespmem:v6+s14+$0x0] =	vst.idx.msk $0xffff, v9  }
0x648: {  	v8 =	vld [tilespmem:$0x1FB60]  }
0x649: {  	v1 =	vld [tilespmem:s31+$0x4B00]  }
0x64a: {  	v3 =	vld [tilespmem:s31+$0x4B10];
	_ =	sdelay $0x3  }
0x64b: {  	[tilespmem:v58+s14+$0x0] =	vst.idx.msk $0xffff, v1  }
0x64c: {  	[tilespmem:v56+s14+$0x0] =	vst.idx.msk $0xffff, v3  }
0x64d: {  	[tilespmem:v8+s14+$0x0] =	vst.idx.msk $0xffff, v2  }
0x64e: {  	v3 =	vld [tilespmem:$0x1FAE0]  }
0x64f: {  	v7 =	vor.u32 s0, v44;
	v6 =	vld [tilespmem:s31+$0x57A0]  }
0x650: {  	v2 =	vld [tilespmem:s31+$0x57B0];
	v8 =	vor.u32 s0, v46  }
0x651: {  	v4 =	vld [tilespmem:s28+$0x5780];
	_ =	sdelay $0x2  }
0x652: {  	[tilespmem:v7+s14+$0x0] =	vst.idx.msk $0xffff, v6  }
0x653: {  	[tilespmem:v8+s14+$0x0] =	vst.idx.msk $0xffff, v2  }
0x654: {  	v5 =	vld [tilespmem:s28+$0x5790];
	[tilespmem:v3+s14+$0x0] =	vst.idx.msk $0xffff, v4  }
0x655: {  	v2 =	vld [tilespmem:$0x1FB70];
	_ =	sdelay $0x2  }
0x656: {  	v9 =	vld [tilespmem:s29+$0x5140];
	_ =	sdelay $0x4  }
0x657: {  	v1 =	vld [tilespmem:s29+$0x5150];
	[tilespmem:v2+s14+$0x0] =	vst.idx.msk $0xffff, v9  }
0x658: {  	v8 =	vld [tilespmem:$0x1FB80]  }
0x659: {  	v3 =	vld [tilespmem:s31+$0x5140]  }
0x65a: {  	v4 =	vld [tilespmem:s31+$0x5150];
	_ =	sdelay $0x3  }
0x65b: {  	[tilespmem:v10+s14+$0x0] =	vst.idx.msk $0xffff, v3  }
0x65c: {  	[tilespmem:v0+s14+$0x0] =	vst.idx.msk $0xffff, v4  }
0x65d: {  	[tilespmem:v8+s14+$0x0] =	vst.idx.msk $0xffff, v1  }
0x65e: {  	v0 =	vld [tilespmem:$0x1FAF0];
	_ =	sdelay $0x7  }
0x65f: {  	[tilespmem:v0+s14+$0x0] =	vst.idx.msk $0xffff, v5  }
0x660: {  	v4 =	vld [tilespmem:$0x1FAB0];
	_ =	sdelay $0x1  }
0x661: {  	v6 =	vor.u32 s0, v40;
	v2 =	vld [tilespmem:s31+$0x5DE0];
	_ =	sdelay $0x4  }
0x662: {  	v7 =	vld [tilespmem:s31+$0x5DF0];
	[tilespmem:v6+s14+$0x0] =	vst.idx.msk $0xffff, v2  }
0x663: {  	[tilespmem:v4+s14+$0x0] =	vst.idx.msk $0xffff, v11  }
0x664: {  	v6 =	vld [tilespmem:$0x1FB90];
	_ =	sdelay $0x2  }
0x665: {  	v1 =	vld [tilespmem:s29+$0x5780];
	_ =	sdelay $0x3  }
0x666: {  	v3 =	vld [tilespmem:s29+$0x5790]  }
0x667: {  	v0 =	vld [tilespmem:s31+$0x5780];
	[tilespmem:v6+s14+$0x0] =	vst.idx.msk $0xffff, v1  }
0x668: {  	v6 =	vld [tilespmem:$0x1FBA0]  }
0x669: {  	v5 =	vor.u32 s0, v39  }
0x66a: {  	v4 =	vld [tilespmem:s31+$0x5790];
	_ =	sdelay $0x2  }
0x66b: {  	[tilespmem:v55+s14+$0x0] =	vst.idx.msk $0xffff, v0  }
0x66c: {  	[tilespmem:v5+s14+$0x0] =	vst.idx.msk $0xffff, v7  }
0x66d: {  	[tilespmem:v53+s14+$0x0] =	vst.idx.msk $0xffff, v4  }
0x66e: {  	[tilespmem:v6+s14+$0x0] =	vst.idx.msk $0xffff, v3  }
0x66f: {  	v5 =	vld [tilespmem:$0x1FB00];
	_ =	sdelay $0x2  }
0x670: {  	v2 =	vld [tilespmem:s28+$0x5DC0];
	_ =	sdelay $0x4  }
0x671: {  	v1 =	vld [tilespmem:s28+$0x5DD0];
	[tilespmem:v5+s14+$0x0] =	vst.idx.msk $0xffff, v2  }
0x672: {  	v5 =	vld [tilespmem:$0x1FB10];
	_ =	sdelay $0x7  }
0x673: {  	[tilespmem:v5+s14+$0x0] =	vst.idx.msk $0xffff, v1  }
0x674: {  	v1 =	vld [tilespmem:$0x1FBB0];
	_ =	sdelay $0x2  }
0x675: {  	v3 =	vld [tilespmem:s29+$0x5DC0];
	_ =	sdelay $0x4  }
0x676: {  	v0 =	vld [tilespmem:s29+$0x5DD0];
	[tilespmem:v1+s14+$0x0] =	vst.idx.msk $0xffff, v3  }
0x677: {  	v1 =	vld [tilespmem:$0x1FBC0]  }
0x678: {  	v4 =	vld [tilespmem:s31+$0x5DC0]  }
0x679: {  	v2 =	vld [tilespmem:s31+$0x5DD0];
	_ =	sdelay $0x2  }
0x67a: {  	s17 =	sshll.u32 s25, $0x5  }
0x67b: {  	s0 =	sor.u32 s5, s17;
	[tilespmem:v61+s14+$0x0] =	vst.idx.msk $0xffff, v4  }
0x67c: {  	p0 =	seq.s32 s25, $0xF;
	s26 =	sshrl.u32 s0, $0x3;
	[tilespmem:v33+s14+$0x0] =	vst.idx.msk $0xffff, v2  }
0x67d: {  	s1 =	smul.u32 @!p0 $0x1900, s25;
	s0 =	sadd.s32 s4, s26;
	[tilespmem:v1+s14+$0x0] =	vst.idx.msk $0xffff, v0  }
0x67e: {  	[hbm4b:s0+s15] =	stream.strided.scatter [tilespmem:s14], [sflag:$0x3], $0x6400, s16, s15, $0x38;
	[tilespmem:$0x1F400] =	vst v63  }
0x67f: {  	s0 =	sshra.s32 @!p0 s1, $0x2  }
0x680: {  	s2 =	simm.s32 @!p0 $0x6400;
	s1 =	simm.s32 @!p0 $0x320;
	s0 =	sadd.s32 @!p0 $0x640, s0  }
0x681: {  	[tilespmem:s2], [sflag:$0x1] =	stream.indirect.gather @!p0 [hbm4b:s3+s1], $0x20, s0, s1, $0xb8;
	[tilespmem:$0x1F400] =	vst v63  }
0x682: {  	_ =	swait.ge [sflag:s19], $0x6400  }
0x683: {  	[sflag:s19] =	ssyncset.done $0x0  }
0x684: {  	[sflag:s19] =	ssyncadd.s32 $0xFFFF9C00  }
0x685: {  	_ =	swait.ge [sflag:s23], $0x6400  }
0x686: {  	[sflag:s23] =	ssyncset.done $0x0  }
0x687: {  	s21 =	simm.s32 $0x200;
	s28 =	simm.s32 $0xC800;
	[sflag:s23] =	ssyncadd.s32 $0xFFFF9C00  }
0x688: {  	v1 =	vor.u32 s21, v42;
	v0 =	vld [tilespmem:s28+$0x20]  }
0x689: {  	v3 =	vor.u32 s21, v32;
	v2 =	vld [tilespmem:s28+$0x30];
	_ =	sdelay $0x3  }
0x68a: {  	[tilespmem:v1+s20+$0x0] =	vst.idx.msk $0xffff, v0  }
0x68b: {  	[tilespmem:v3+s20+$0x0] =	vst.idx.msk $0xffff, v2  }
0x68c: {  	v1 =	vor.u32 s21, v31;
	v0 =	vld [tilespmem:s28+$0x660]  }
0x68d: {  	s0 =	simm.s32 $0x0;
	v3 =	vor.u32 s21, v43;
	v2 =	vld [tilespmem:s28+$0x670]  }
0x68e: {  	v4 =	vor.u32 s0, v42;
	v5 =	vld [tilespmem:s28+$0x0];
	_ =	sdelay $0x2  }
0x68f: {  	[tilespmem:v1+s20+$0x0] =	vst.idx.msk $0xffff, v0  }
0x690: {  	v7 =	vld [tilespmem:s28+$0x10];
	[tilespmem:v3+s20+$0x0] =	vst.idx.msk $0xffff, v2  }
0x691: {  	v13 =	vld [tilespmem:$0x1FE00];
	[tilespmem:v4+s20+$0x0] =	vst.idx.msk $0xffff, v5  }
0x692: {  	v14 =	vld [tilespmem:$0x1FE10];
	_ =	sdelay $0x1  }
0x693: {  	v6 =	vor.u32 s0, v32;
	_ =	sdelay $0x1  }
0x694: {  	v0 =	vld [tilespmem:s28+$0xCA0];
	v1 =	vor.u32 s21, v13  }
0x695: {  	v2 =	vld [tilespmem:s28+$0xCB0];
	v3 =	vor.u32 s21, v14;
	_ =	sdelay $0x1  }
0x696: {  	[tilespmem:v6+s20+$0x0] =	vst.idx.msk $0xffff, v7  }
0x697: {  	v4 =	vor.u32 s0, v31;
	v5 =	vld [tilespmem:s28+$0x640]  }
0x698: {  	v6 =	vor.u32 s0, v43;
	v7 =	vld [tilespmem:s28+$0x650];
	[tilespmem:v1+s20+$0x0] =	vst.idx.msk $0xffff, v0  }
0x699: {  	[tilespmem:v3+s20+$0x0] =	vst.idx.msk $0xffff, v2  }
0x69a: {  	v1 =	vor.u32 s21, v29;
	v0 =	vld [tilespmem:s28+$0x12E0]  }
0x69b: {  	v3 =	vor.u32 s21, v34;
	v2 =	vld [tilespmem:s28+$0x12F0]  }
0x69c: {  	[tilespmem:v4+s20+$0x0] =	vst.idx.msk $0xffff, v5  }
0x69d: {  	[tilespmem:v6+s20+$0x0] =	vst.idx.msk $0xffff, v7  }
0x69e: {  	v4 =	vor.u32 s0, v13;
	v5 =	vld [tilespmem:s28+$0xC80]  }
0x69f: {  	v6 =	vor.u32 s0, v14;
	v7 =	vld [tilespmem:s28+$0xC90];
	[tilespmem:v1+s20+$0x0] =	vst.idx.msk $0xffff, v0  }
0x6a0: {  	[tilespmem:v3+s20+$0x0] =	vst.idx.msk $0xffff, v2  }
0x6a1: {  	v1 =	vor.u32 s21, v35;
	v0 =	vld [tilespmem:s28+$0x1920]  }
0x6a2: {  	v3 =	vor.u32 s21, v27;
	v2 =	vld [tilespmem:s28+$0x1930]  }
0x6a3: {  	[tilespmem:v4+s20+$0x0] =	vst.idx.msk $0xffff, v5  }
0x6a4: {  	[tilespmem:v6+s20+$0x0] =	vst.idx.msk $0xffff, v7  }
0x6a5: {  	v4 =	vor.u32 s0, v29;
	v5 =	vld [tilespmem:s28+$0x12C0]  }
0x6a6: {  	v6 =	vor.u32 s0, v34;
	v7 =	vld [tilespmem:s28+$0x12D0];
	[tilespmem:v1+s20+$0x0] =	vst.idx.msk $0xffff, v0  }
0x6a7: {  	[tilespmem:v3+s20+$0x0] =	vst.idx.msk $0xffff, v2  }
0x6a8: {  	v1 =	vor.u32 s21, v26;
	v0 =	vld [tilespmem:s28+$0x1F60]  }
0x6a9: {  	v3 =	vor.u32 s21, v60;
	v2 =	vld [tilespmem:s28+$0x1F70]  }
0x6aa: {  	[tilespmem:v4+s20+$0x0] =	vst.idx.msk $0xffff, v5  }
0x6ab: {  	[tilespmem:v6+s20+$0x0] =	vst.idx.msk $0xffff, v7  }
0x6ac: {  	v4 =	vor.u32 s0, v35;
	v5 =	vld [tilespmem:s28+$0x1900]  }
0x6ad: {  	v6 =	vor.u32 s0, v27;
	v7 =	vld [tilespmem:s28+$0x1910];
	[tilespmem:v1+s20+$0x0] =	vst.idx.msk $0xffff, v0  }
0x6ae: {  	[tilespmem:v3+s20+$0x0] =	vst.idx.msk $0xffff, v2  }
0x6af: {  	v1 =	vor.u32 s21, v25;
	v0 =	vld [tilespmem:s28+$0x25A0]  }
0x6b0: {  	v3 =	vor.u32 s21, v24;
	v2 =	vld [tilespmem:s28+$0x25B0]  }
0x6b1: {  	[tilespmem:v4+s20+$0x0] =	vst.idx.msk $0xffff, v5  }
0x6b2: {  	[tilespmem:v6+s20+$0x0] =	vst.idx.msk $0xffff, v7  }
0x6b3: {  	v4 =	vor.u32 s0, v26;
	v5 =	vld [tilespmem:s28+$0x1F40]  }
0x6b4: {  	v6 =	vor.u32 s0, v60;
	v7 =	vld [tilespmem:s28+$0x1F50];
	[tilespmem:v1+s20+$0x0] =	vst.idx.msk $0xffff, v0  }
0x6b5: {  	[tilespmem:v3+s20+$0x0] =	vst.idx.msk $0xffff, v2  }
0x6b6: {  	v1 =	vor.u32 s21, v30;
	v0 =	vld [tilespmem:s28+$0x2BE0]  }
0x6b7: {  	v3 =	vor.u32 s21, v23;
	v2 =	vld [tilespmem:s28+$0x2BF0]  }
0x6b8: {  	[tilespmem:v4+s20+$0x0] =	vst.idx.msk $0xffff, v5  }
0x6b9: {  	[tilespmem:v6+s20+$0x0] =	vst.idx.msk $0xffff, v7  }
0x6ba: {  	v4 =	vor.u32 s0, v25;
	v5 =	vld [tilespmem:s28+$0x2580]  }
0x6bb: {  	v6 =	vor.u32 s0, v24;
	v7 =	vld [tilespmem:s28+$0x2590];
	[tilespmem:v1+s20+$0x0] =	vst.idx.msk $0xffff, v0  }
0x6bc: {  	[tilespmem:v3+s20+$0x0] =	vst.idx.msk $0xffff, v2  }
0x6bd: {  	v1 =	vor.u32 s21, v50;
	v0 =	vld [tilespmem:s28+$0x3220]  }
0x6be: {  	v3 =	vor.u32 s21, v47;
	v2 =	vld [tilespmem:s28+$0x3230]  }
0x6bf: {  	s29 =	simm.s32 $0xC840;
	[tilespmem:v4+s20+$0x0] =	vst.idx.msk $0xffff, v5  }
0x6c0: {  	[tilespmem:v6+s20+$0x0] =	vst.idx.msk $0xffff, v7;
	v7 =	vld [tilespmem:s29+$0x20]  }
0x6c1: {  	s17 =	simm.s32 $0x600;
	v5 =	vor.u32 s0, v30;
	v4 =	vld [tilespmem:s28+$0x2BC0]  }
0x6c2: {  	v8 =	vor.u32 s17, v42;
	v6 =	vld [tilespmem:s28+$0x2BD0];
	[tilespmem:v1+s20+$0x0] =	vst.idx.msk $0xffff, v0  }
0x6c3: {  	v0 =	vld [tilespmem:s29+$0x30];
	v1 =	vor.u32 s17, v32;
	[tilespmem:v3+s20+$0x0] =	vst.idx.msk $0xffff, v2  }
0x6c4: {  	v3 =	vor.u32 s21, v49;
	v2 =	vld [tilespmem:s28+$0x3860]  }
0x6c5: {  	v10 =	vor.u32 s21, v48;
	s2 =	simm.s32 $0x400;
	v9 =	vld [tilespmem:s28+$0x3870]  }
0x6c6: {  	[tilespmem:v5+s20+$0x0] =	vst.idx.msk $0xffff, v4;
	v4 =	vor.u32 s2, v42;
	v5 =	vld [tilespmem:s29+$0x0]  }
0x6c7: {  	v11 =	vor.u32 s2, v32;
	v12 =	vld [tilespmem:s29+$0x10];
	[tilespmem:v8+s20+$0x0] =	vst.idx.msk $0xffff, v7  }
0x6c8: {  	v7 =	vor.u32 s0, v23;
	[tilespmem:v1+s20+$0x0] =	vst.idx.msk $0xffff, v0  }
0x6c9: {  	v1 =	vor.u32 s17, v31;
	v0 =	vld [tilespmem:s29+$0x660];
	[tilespmem:v3+s20+$0x0] =	vst.idx.msk $0xffff, v2  }
0x6ca: {  	v2 =	vld [tilespmem:s29+$0x670];
	v3 =	vor.u32 s17, v43;
	[tilespmem:v10+s20+$0x0] =	vst.idx.msk $0xffff, v9  }
0x6cb: {  	[tilespmem:v4+s20+$0x0] =	vst.idx.msk $0xffff, v5;
	v9 =	vor.u32 s21, v38;
	v8 =	vld [tilespmem:s28+$0x3EA0]  }
0x6cc: {  	v5 =	vor.u32 s21, v37;
	[tilespmem:v11+s20+$0x0] =	vst.idx.msk $0xffff, v12;
	v4 =	vld [tilespmem:s28+$0x3EB0]  }
0x6cd: {  	[tilespmem:v7+s20+$0x0] =	vst.idx.msk $0xffff, v6;
	v6 =	vor.u32 s2, v31;
	v7 =	vld [tilespmem:s29+$0x640]  }
0x6ce: {  	v12 =	vmov v14;
	v10 =	vor.u32 s2, v43;
	[tilespmem:v1+s20+$0x0] =	vst.idx.msk $0xffff, v0;
	v0 =	vld [tilespmem:s29+$0x650]  }
0x6cf: {  	v11 =	vor.u32 s2, v12;
	v18 =	vmov v12;
	v12 =	vld [tilespmem:s28+$0x3210];
	[tilespmem:v3+s20+$0x0] =	vst.idx.msk $0xffff, v2  }
0x6d0: {  	v3 =	vor.u32 s17, v13;
	v2 =	vld [tilespmem:s29+$0xCA0];
	[tilespmem:v9+s20+$0x0] =	vst.idx.msk $0xffff, v8  }
0x6d1: {  	v8 =	vld [tilespmem:s29+$0xCB0];
	v9 =	vor.u32 s17, v14;
	[tilespmem:v5+s20+$0x0] =	vst.idx.msk $0xffff, v4  }
0x6d2: {  	[tilespmem:v6+s20+$0x0] =	vst.idx.msk $0xffff, v7;
	v5 =	vor.u32 s21, v36;
	v4 =	vld [tilespmem:s28+$0x44E0]  }
0x6d3: {  	v7 =	vor.u32 s21, v45;
	v6 =	vld [tilespmem:s28+$0x44F0];
	[tilespmem:v10+s20+$0x0] =	vst.idx.msk $0xffff, v0  }
0x6d4: {  	v0 =	vor.u32 s2, v13;
	v10 =	vld [tilespmem:s29+$0xC80]  }
0x6d5: {  	[tilespmem:v3+s20+$0x0] =	vst.idx.msk $0xffff, v2;
	v2 =	vld [tilespmem:s29+$0xC90]  }
0x6d6: {  	v1 =	vld [tilespmem:s28+$0x3200];
	v3 =	vor.u32 s0, v50;
	[tilespmem:v9+s20+$0x0] =	vst.idx.msk $0xffff, v8  }
0x6d7: {  	v9 =	vor.u32 s17, v29;
	v8 =	vld [tilespmem:s29+$0x12E0];
	[tilespmem:v5+s20+$0x0] =	vst.idx.msk $0xffff, v4  }
0x6d8: {  	v4 =	vld [tilespmem:s29+$0x12F0];
	v5 =	vor.u32 s17, v34;
	[tilespmem:v7+s20+$0x0] =	vst.idx.msk $0xffff, v6  }
0x6d9: {  	v7 =	vor.u32 s21, v21;
	[tilespmem:v0+s20+$0x0] =	vst.idx.msk $0xffff, v10;
	v6 =	vld [tilespmem:s28+$0x4B20]  }
0x6da: {  	v10 =	vor.u32 s21, v22;
	v0 =	vld [tilespmem:s28+$0x4B30];
	[tilespmem:v11+s20+$0x0] =	vst.idx.msk $0xffff, v2  }
0x6db: {  	v2 =	vor.u32 s2, v29;
	[tilespmem:v3+s20+$0x0] =	vst.idx.msk $0xffff, v1;
	v1 =	vld [tilespmem:s29+$0x12C0]  }
0x6dc: {  	v3 =	vor.u32 s2, v34;
	[tilespmem:v9+s20+$0x0] =	vst.idx.msk $0xffff, v8;
	v8 =	vld [tilespmem:s29+$0x12D0]  }
0x6dd: {  	v9 =	vor.u32 s0, v47;
	[tilespmem:v5+s20+$0x0] =	vst.idx.msk $0xffff, v4  }
0x6de: {  	v5 =	vor.u32 s17, v35;
	v4 =	vld [tilespmem:s29+$0x1920];
	[tilespmem:v7+s20+$0x0] =	vst.idx.msk $0xffff, v6  }
0x6df: {  	v6 =	vld [tilespmem:s29+$0x1930];
	v7 =	vor.u32 s17, v27;
	[tilespmem:v10+s20+$0x0] =	vst.idx.msk $0xffff, v0  }
0x6e0: {  	v10 =	vor.u32 s21, v19;
	[tilespmem:v2+s20+$0x0] =	vst.idx.msk $0xffff, v1;
	v0 =	vld [tilespmem:s28+$0x5160]  }
0x6e1: {  	v2 =	vor.u32 s21, v16;
	v1 =	vld [tilespmem:s28+$0x5170];
	[tilespmem:v3+s20+$0x0] =	vst.idx.msk $0xffff, v8  }
0x6e2: {  	v3 =	vor.u32 s2, v35;
	[tilespmem:v9+s20+$0x0] =	vst.idx.msk $0xffff, v12;
	v8 =	vld [tilespmem:s29+$0x1900]  }
0x6e3: {  	v9 =	vor.u32 s2, v27;
	[tilespmem:v5+s20+$0x0] =	vst.idx.msk $0xffff, v4;
	v4 =	vld [tilespmem:s29+$0x1910]  }
0x6e4: {  	v11 =	vld [tilespmem:s28+$0x3840];
	v5 =	vor.u32 s0, v49;
	[tilespmem:v7+s20+$0x0] =	vst.idx.msk $0xffff, v6  }
0x6e5: {  	v7 =	vor.u32 s17, v26;
	v6 =	vld [tilespmem:s29+$0x1F60];
	[tilespmem:v10+s20+$0x0] =	vst.idx.msk $0xffff, v0  }
0x6e6: {  	v0 =	vld [tilespmem:s29+$0x1F70];
	v10 =	vor.u32 s17, v60;
	[tilespmem:v2+s20+$0x0] =	vst.idx.msk $0xffff, v1  }
0x6e7: {  	v1 =	vor.u32 s0, v48;
	v2 =	vld [tilespmem:s28+$0x3850];
	[tilespmem:v3+s20+$0x0] =	vst.idx.msk $0xffff, v8  }
0x6e8: {  	v8 =	vor.u32 s21, v44;
	v3 =	vld [tilespmem:s28+$0x57A0];
	[tilespmem:v9+s20+$0x0] =	vst.idx.msk $0xffff, v4  }
0x6e9: {  	v4 =	vor.u32 s2, v26;
	[tilespmem:v5+s20+$0x0] =	vst.idx.msk $0xffff, v11;
	v5 =	vld [tilespmem:s29+$0x1F40]  }
0x6ea: {  	v9 =	vor.u32 s2, v60;
	[tilespmem:v7+s20+$0x0] =	vst.idx.msk $0xffff, v6;
	v6 =	vld [tilespmem:s29+$0x1F50]  }
0x6eb: {  	v11 =	vor.u32 s21, v46;
	v7 =	vld [tilespmem:s28+$0x57B0];
	[tilespmem:v10+s20+$0x0] =	vst.idx.msk $0xffff, v0  }
0x6ec: {  	[tilespmem:v1+s20+$0x0] =	vst.idx.msk $0xffff, v2;
	v0 =	vld [tilespmem:s29+$0x25A0];
	v1 =	vor.u32 s17, v25  }
0x6ed: {  	v2 =	vld [tilespmem:s29+$0x25B0];
	[tilespmem:v8+s20+$0x0] =	vst.idx.msk $0xffff, v3;
	v3 =	vor.u32 s17, v24  }
0x6ee: {  	v8 =	vor.u32 s0, v38;
	v10 =	vld [tilespmem:s28+$0x3E80];
	[tilespmem:v4+s20+$0x0] =	vst.idx.msk $0xffff, v5  }
0x6ef: {  	v4 =	vor.u32 s0, v37;
	v5 =	vld [tilespmem:s28+$0x3E90];
	[tilespmem:v9+s20+$0x0] =	vst.idx.msk $0xffff, v6  }
0x6f0: {  	[tilespmem:v11+s20+$0x0] =	vst.idx.msk $0xffff, v7  }
0x6f1: {  	v6 =	vor.u32 s2, v25;
	v7 =	vld [tilespmem:s29+$0x2580];
	[tilespmem:v1+s20+$0x0] =	vst.idx.msk $0xffff, v0  }
0x6f2: {  	v9 =	vor.u32 s2, v24;
	v11 =	vld [tilespmem:s29+$0x2590];
	[tilespmem:v3+s20+$0x0] =	vst.idx.msk $0xffff, v2  }
0x6f3: {  	[tilespmem:v8+s20+$0x0] =	vst.idx.msk $0xffff, v10;
	v2 =	vor.u32 s17, v30;
	v1 =	vld [tilespmem:s29+$0x2BE0]  }
0x6f4: {  	[tilespmem:v4+s20+$0x0] =	vst.idx.msk $0xffff, v5;
	v3 =	vld [tilespmem:s29+$0x2BF0];
	v4 =	vor.u32 s17, v23  }
0x6f5: {  	v5 =	vor.u32 s0, v36;
	v8 =	vld [tilespmem:s28+$0x44C0]  }
0x6f6: {  	[tilespmem:v6+s20+$0x0] =	vst.idx.msk $0xffff, v7;
	v6 =	vor.u32 s0, v45;
	v7 =	vld [tilespmem:s28+$0x44D0]  }
0x6f7: {  	[tilespmem:v9+s20+$0x0] =	vst.idx.msk $0xffff, v11  }
0x6f8: {  	v9 =	vor.u32 s2, v30;
	v10 =	vld [tilespmem:s29+$0x2BC0];
	[tilespmem:v2+s20+$0x0] =	vst.idx.msk $0xffff, v1  }
0x6f9: {  	v11 =	vor.u32 s2, v23;
	v12 =	vld [tilespmem:s29+$0x2BD0];
	[tilespmem:v4+s20+$0x0] =	vst.idx.msk $0xffff, v3  }
0x6fa: {  	[tilespmem:v5+s20+$0x0] =	vst.idx.msk $0xffff, v8;
	v3 =	vor.u32 s17, v50;
	v2 =	vld [tilespmem:s29+$0x3220]  }
0x6fb: {  	v0 =	vld [tilespmem:s28+$0x5DE0];
	[tilespmem:v6+s20+$0x0] =	vst.idx.msk $0xffff, v7;
	v6 =	vor.u32 s21, v40  }
0x6fc: {  	v5 =	vor.u32 s17, v47;
	v4 =	vld [tilespmem:s29+$0x3230]  }
0x6fd: {  	v8 =	vor.u32 s0, v21;
	v7 =	vld [tilespmem:s28+$0x4B00];
	[tilespmem:v9+s20+$0x0] =	vst.idx.msk $0xffff, v10  }
0x6fe: {  	v9 =	vld [tilespmem:s28+$0x4B10];
	v10 =	vor.u32 s0, v22;
	[tilespmem:v11+s20+$0x0] =	vst.idx.msk $0xffff, v12  }
0x6ff: {  	s30 =	simm.s32 $0xC880;
	s31 =	simm.s32 $0xA00;
	v1 =	vld [tilespmem:s28+$0x5DF0];
	[tilespmem:v3+s20+$0x0] =	vst.idx.msk $0xffff, v2  }
0x700: {  	v14 =	vmov v13;
	v13 =	vor.u32 s31, v42;
	v12 =	vld [tilespmem:s30+$0x20];
	[tilespmem:v6+s20+$0x0] =	vst.idx.msk $0xffff, v0  }
0x701: {  	v2 =	vld [tilespmem:s30+$0x30];
	v3 =	vor.u32 s31, v32;
	[tilespmem:v5+s20+$0x0] =	vst.idx.msk $0xffff, v4  }
0x702: {  	s1 =	simm.s32 $0x800;
	v4 =	vor.u32 s17, v49;
	[tilespmem:v8+s20+$0x0] =	vst.idx.msk $0xffff, v7;
	v0 =	vld [tilespmem:s29+$0x3860]  }
0x703: {  	[tilespmem:v10+s20+$0x0] =	vst.idx.msk $0xffff, v9;
	v9 =	vor.u32 s1, v42;
	v10 =	vld [tilespmem:s30+$0x0]  }
0x704: {  	v6 =	vor.u32 s17, v48;
	v5 =	vld [tilespmem:s29+$0x3870]  }
0x705: {  	[tilespmem:v13+s20+$0x0] =	vst.idx.msk $0xffff, v12;
	v12 =	vor.u32 s1, v32;
	v13 =	vld [tilespmem:s30+$0x10]  }
0x706: {  	v11 =	vld [tilespmem:s29+$0x3200];
	v7 =	vor.u32 s2, v50;
	[tilespmem:v3+s20+$0x0] =	vst.idx.msk $0xffff, v2  }
0x707: {  	v3 =	vor.u32 s31, v31;
	v2 =	vld [tilespmem:s30+$0x660];
	[tilespmem:v4+s20+$0x0] =	vst.idx.msk $0xffff, v0  }
0x708: {  	v0 =	vld [tilespmem:s30+$0x670];
	v4 =	vor.u32 s31, v43;
	[tilespmem:v9+s20+$0x0] =	vst.idx.msk $0xffff, v10  }
0x709: {  	v8 =	vld [tilespmem:s29+$0x3210];
	v10 =	vor.u32 s2, v47;
	[tilespmem:v6+s20+$0x0] =	vst.idx.msk $0xffff, v5  }
0x70a: {  	v6 =	vor.u32 s17, v38;
	[tilespmem:v12+s20+$0x0] =	vst.idx.msk $0xffff, v13;
	v5 =	vld [tilespmem:s29+$0x3EA0]  }
0x70b: {  	[tilespmem:v7+s20+$0x0] =	vst.idx.msk $0xffff, v11;
	v12 =	vor.u32 s1, v31;
	v13 =	vld [tilespmem:s30+$0x640]  }
0x70c: {  	v9 =	vor.u32 s17, v37;
	v7 =	vld [tilespmem:s29+$0x3EB0];
	[tilespmem:v3+s20+$0x0] =	vst.idx.msk $0xffff, v2  }
0x70d: {  	[tilespmem:v4+s20+$0x0] =	vst.idx.msk $0xffff, v0  }
0x70e: {  	v2 =	vor.u32 s1, v43;
	v3 =	vld [tilespmem:s30+$0x650];
	[tilespmem:v10+s20+$0x0] =	vst.idx.msk $0xffff, v8  }
0x70f: {  	v4 =	vor.u32 s31, v14;
	v0 =	vld [tilespmem:s30+$0xCA0];
	[tilespmem:v6+s20+$0x0] =	vst.idx.msk $0xffff, v5  }
0x710: {  	v5 =	vld [tilespmem:s30+$0xCB0];
	v6 =	vor.u32 s31, v18;
	[tilespmem:v12+s20+$0x0] =	vst.idx.msk $0xffff, v13  }
0x711: {  	v12 =	vor.u32 s21, v39;
	v13 =	vld [tilespmem:s29+$0x3840];
	[tilespmem:v9+s20+$0x0] =	vst.idx.msk $0xffff, v7  }
0x712: {  	v8 =	vor.u32 s17, v36;
	v7 =	vld [tilespmem:s29+$0x44E0]  }
0x713: {  	v10 =	vor.u32 s17, v45;
	v9 =	vld [tilespmem:s29+$0x44F0];
	[tilespmem:v2+s20+$0x0] =	vst.idx.msk $0xffff, v3  }
0x714: {  	v2 =	vor.u32 s1, v14;
	v3 =	vld [tilespmem:s30+$0xC80];
	[tilespmem:v4+s20+$0x0] =	vst.idx.msk $0xffff, v0  }
0x715: {  	v0 =	vor.u32 s1, v18;
	v4 =	vld [tilespmem:s30+$0xC90];
	[tilespmem:v6+s20+$0x0] =	vst.idx.msk $0xffff, v5  }
0x716: {  	v6 =	vor.u32 s31, v29;
	[tilespmem:v12+s20+$0x0] =	vst.idx.msk $0xffff, v1;
	v5 =	vld [tilespmem:s30+$0x12E0]  }
0x717: {  	[tilespmem:v8+s20+$0x0] =	vst.idx.msk $0xffff, v7;
	v7 =	vld [tilespmem:s30+$0x12F0];
	v8 =	vor.u32 s31, v34  }
0x718: {  	v12 =	vld [tilespmem:s29+$0x3850];
	[tilespmem:v10+s20+$0x0] =	vst.idx.msk $0xffff, v9;
	v10 =	vor.u32 s2, v49  }
0x719: {  	v9 =	vor.u32 s17, v21;
	[tilespmem:v2+s20+$0x0] =	vst.idx.msk $0xffff, v3;
	v1 =	vld [tilespmem:s29+$0x4B20]  }
0x71a: {  	v3 =	vor.u32 s17, v22;
	v2 =	vld [tilespmem:s29+$0x4B30];
	[tilespmem:v0+s20+$0x0] =	vst.idx.msk $0xffff, v4  }
0x71b: {  	v0 =	vor.u32 s1, v29;
	v4 =	vld [tilespmem:s30+$0x12C0];
	[tilespmem:v6+s20+$0x0] =	vst.idx.msk $0xffff, v5  }
0x71c: {  	v5 =	vor.u32 s1, v34;
	v6 =	vld [tilespmem:s30+$0x12D0];
	[tilespmem:v8+s20+$0x0] =	vst.idx.msk $0xffff, v7  }
0x71d: {  	v8 =	vor.u32 s31, v35;
	v7 =	vld [tilespmem:s30+$0x1920];
	[tilespmem:v10+s20+$0x0] =	vst.idx.msk $0xffff, v13  }
0x71e: {  	v11 =	vld [tilespmem:s28+$0x5140];
	v10 =	vor.u32 s2, v48;
	[tilespmem:v9+s20+$0x0] =	vst.idx.msk $0xffff, v1  }
0x71f: {  	v1 =	vld [tilespmem:s30+$0x1930];
	v9 =	vor.u32 s31, v27;
	[tilespmem:v3+s20+$0x0] =	vst.idx.msk $0xffff, v2  }
0x720: {  	v3 =	vor.u32 s17, v19;
	[tilespmem:v0+s20+$0x0] =	vst.idx.msk $0xffff, v4;
	v2 =	vld [tilespmem:s29+$0x5160]  }
0x721: {  	v4 =	vor.u32 s17, v16;
	v0 =	vld [tilespmem:s29+$0x5170];
	[tilespmem:v5+s20+$0x0] =	vst.idx.msk $0xffff, v6  }
0x722: {  	v5 =	vor.u32 s1, v35;
	v6 =	vld [tilespmem:s30+$0x1900];
	[tilespmem:v8+s20+$0x0] =	vst.idx.msk $0xffff, v7  }
0x723: {  	v7 =	vor.u32 s1, v27;
	v8 =	vld [tilespmem:s30+$0x1910];
	[tilespmem:v10+s20+$0x0] =	vst.idx.msk $0xffff, v12  }
0x724: {  	v13 =	vld [tilespmem:s28+$0x5150];
	v10 =	vor.u32 s0, v19;
	[tilespmem:v9+s20+$0x0] =	vst.idx.msk $0xffff, v1  }
0x725: {  	v9 =	vor.u32 s31, v26;
	v1 =	vld [tilespmem:s30+$0x1F60];
	[tilespmem:v3+s20+$0x0] =	vst.idx.msk $0xffff, v2  }
0x726: {  	v2 =	vld [tilespmem:s30+$0x1F70];
	v3 =	vor.u32 s31, v60;
	[tilespmem:v4+s20+$0x0] =	vst.idx.msk $0xffff, v0  }
0x727: {  	v4 =	vor.u32 s17, v44;
	[tilespmem:v5+s20+$0x0] =	vst.idx.msk $0xffff, v6;
	v0 =	vld [tilespmem:s29+$0x57A0]  }
0x728: {  	v6 =	vor.u32 s17, v46;
	v5 =	vld [tilespmem:s29+$0x57B0];
	[tilespmem:v7+s20+$0x0] =	vst.idx.msk $0xffff, v8  }
0x729: {  	v7 =	vor.u32 s1, v26;
	[tilespmem:v10+s20+$0x0] =	vst.idx.msk $0xffff, v11;
	v8 =	vld [tilespmem:s30+$0x1F40]  }
0x72a: {  	[tilespmem:v9+s20+$0x0] =	vst.idx.msk $0xffff, v1;
	v1 =	vor.u32 s1, v60;
	v9 =	vld [tilespmem:s30+$0x1F50]  }
0x72b: {  	v12 =	vld [tilespmem:s29+$0x3E80];
	[tilespmem:v3+s20+$0x0] =	vst.idx.msk $0xffff, v2;
	v2 =	vor.u32 s2, v38  }
0x72c: {  	v3 =	vld [tilespmem:s29+$0x3E90];
	[tilespmem:v4+s20+$0x0] =	vst.idx.msk $0xffff, v0;
	v0 =	vor.u32 s2, v37  }
0x72d: {  	v10 =	vor.u32 s31, v25;
	v4 =	vld [tilespmem:s30+$0x25A0];
	[tilespmem:v6+s20+$0x0] =	vst.idx.msk $0xffff, v5  }
0x72e: {  	v5 =	vor.u32 s0, v16;
	[tilespmem:v7+s20+$0x0] =	vst.idx.msk $0xffff, v8;
	v6 =	vld [tilespmem:s29+$0x5DE0]  }
0x72f: {  	v8 =	vor.u32 s31, v24;
	[tilespmem:v1+s20+$0x0] =	vst.idx.msk $0xffff, v9;
	v1 =	vld [tilespmem:s30+$0x25B0]  }
0x730: {  	v9 =	vor.u32 s1, v25;
	[tilespmem:v2+s20+$0x0] =	vst.idx.msk $0xffff, v12;
	v2 =	vld [tilespmem:s30+$0x2580]  }
0x731: {  	v11 =	vor.u32 s1, v24;
	[tilespmem:v0+s20+$0x0] =	vst.idx.msk $0xffff, v3;
	v0 =	vld [tilespmem:s30+$0x2590]  }
0x732: {  	v7 =	vld [tilespmem:s29+$0x5DF0];
	[tilespmem:v10+s20+$0x0] =	vst.idx.msk $0xffff, v4;
	v10 =	vor.u32 s17, v40  }
0x733: {  	v3 =	vor.u32 s2, v36;
	[tilespmem:v5+s20+$0x0] =	vst.idx.msk $0xffff, v13;
	v5 =	vld [tilespmem:s29+$0x44C0]  }
0x734: {  	v12 =	vor.u32 s2, v45;
	v4 =	vld [tilespmem:s29+$0x44D0];
	[tilespmem:v8+s20+$0x0] =	vst.idx.msk $0xffff, v1  }
0x735: {  	v8 =	vor.u32 s31, v30;
	[tilespmem:v9+s20+$0x0] =	vst.idx.msk $0xffff, v2;
	v2 =	vld [tilespmem:s30+$0x2BE0]  }
0x736: {  	v1 =	vld [tilespmem:s28+$0x5780];
	[tilespmem:v11+s20+$0x0] =	vst.idx.msk $0xffff, v0  }
0x737: {  	v0 =	vld [tilespmem:s30+$0x2BF0];
	[tilespmem:v10+s20+$0x0] =	vst.idx.msk $0xffff, v6  }
0x738: {  	v9 =	vor.u32 s31, v23;
	v13 =	vld [tilespmem:s30+$0x2BC0];
	[tilespmem:v3+s20+$0x0] =	vst.idx.msk $0xffff, v5  }
0x739: {  	v11 =	vor.u32 s1, v30;
	v5 =	vld [tilespmem:s30+$0x2BD0];
	[tilespmem:v12+s20+$0x0] =	vst.idx.msk $0xffff, v4  }
0x73a: {  	v6 =	vld [tilespmem:s29+$0x4B00];
	[tilespmem:v8+s20+$0x0] =	vst.idx.msk $0xffff, v2;
	v8 =	vor.u32 s0, v40  }
0x73b: {  	v3 =	vor.u32 s1, v23;
	v2 =	vld [tilespmem:s29+$0x4B10];
	[tilespmem:$0x1F9B0] =	vst v8;
	v8 =	vor.u32 s0, v39  }
0x73c: {  	[tilespmem:$0x1F9C0] =	vst v8  }
0x73d: {  	[tilespmem:v9+s20+$0x0] =	vst.idx.msk $0xffff, v0  }
0x73e: {  	v0 =	vld [tilespmem:s28+$0x5790];
	[tilespmem:v11+s20+$0x0] =	vst.idx.msk $0xffff, v13;
	v13 =	vor.u32 s2, v44  }
0x73f: {  	v63 =	vmov v36;
	v36 =	vmov v46;
	v4 =	vor.u32 s2, v21;
	v9 =	vld [tilespmem:s30+$0x3220];
	[tilespmem:$0x1F9D0] =	vst v13  }
0x740: {  	[tilespmem:v3+s20+$0x0] =	vst.idx.msk $0xffff, v5;
	v3 =	vor.u32 s2, v36  }
0x741: {  	v12 =	vor.u32 s2, v22;
	v5 =	vld [tilespmem:s30+$0x3230];
	[tilespmem:$0x1F9E0] =	vst v3;
	v3 =	vor.u32 s2, v40  }
0x742: {  	v8 =	vor.u32 s17, v39;
	[tilespmem:$0x1F9F0] =	vst v3;
	v3 =	vor.u32 s2, v39  }
0x743: {  	v11 =	vor.u32 s31, v50;
	[tilespmem:$0x1FA00] =	vst v3  }
0x744: {  	v3 =	vor.u32 s1, v49;
	[tilespmem:v4+s20+$0x0] =	vst.idx.msk $0xffff, v6  }
0x745: {  	v15 =	vld [tilespmem:s30+$0x3200];
	[tilespmem:$0x1FA90] =	vst v3  }
0x746: {  	v13 =	vor.u32 s31, v47;
	[tilespmem:v12+s20+$0x0] =	vst.idx.msk $0xffff, v2  }
0x747: {  	v17 =	vmovc v16;
	v29 =	vor.u32 s0, v46;
	v46 =	vor.u32 s2, v16;
	v10 =	vor.u32 s0, v44;
	s0 =	simm.s32 $0xC8C0;
	v16 =	vld [tilespmem:s30+$0x3210];
	[tilespmem:v8+s20+$0x0] =	vst.idx.msk $0xffff, v7  }
0x748: {  	v2 =	vld [tilespmem:s0+$0x20];
	[tilespmem:v11+s20+$0x0] =	vst.idx.msk $0xffff, v9;
	v8 =	vor.u32 s1, v21  }
0x749: {  	v3 =	vld [tilespmem:s29+$0x5140];
	[tilespmem:$0x1FA10] =	vst v8;
	v8 =	vor.u32 s1, v22  }
0x74a: {  	[tilespmem:$0x1FA20] =	vst v8  }
0x74b: {  	[tilespmem:v13+s20+$0x0] =	vst.idx.msk $0xffff, v5;
	v5 =	vor.u32 s1, v19  }
0x74c: {  	v4 =	vor.u32 s1, v50;
	v8 =	vld [tilespmem:s0+$0x30];
	[tilespmem:$0x1FA30] =	vst v5;
	v5 =	vor.u32 s1, v17  }
0x74d: {  	[tilespmem:$0x1FA40] =	vst v5  }
0x74e: {  	[tilespmem:v10+s20+$0x0] =	vst.idx.msk $0xffff, v1;
	v10 =	vor.u32 s1, v44  }
0x74f: {  	v51 =	vor.u32 s2, v19;
	s2 =	simm.s32 $0xE00;
	v6 =	vor.u32 s1, v47;
	v1 =	vld [tilespmem:s30+$0x3860];
	[tilespmem:$0x1FA50] =	vst v10;
	v10 =	vor.u32 s1, v36  }
0x750: {  	v7 =	vor.u32 s2, v42;
	[tilespmem:$0x1FA60] =	vst v10  }
0x751: {  	v11 =	vor.u32 s1, v40;
	[tilespmem:v4+s20+$0x0] =	vst.idx.msk $0xffff, v15  }
0x752: {  	v9 =	vor.u32 s2, v32;
	v4 =	vld [tilespmem:s30+$0x3870];
	[tilespmem:$0x1FA70] =	vst v11;
	v11 =	vor.u32 s1, v39  }
0x753: {  	[tilespmem:$0x1FA80] =	vst v11  }
0x754: {  	v57 =	vmov v21;
	v18 =	vmov v49;
	[tilespmem:v6+s20+$0x0] =	vst.idx.msk $0xffff, v16;
	v21 =	vld [tilespmem:s0+$0x10]  }
0x755: {  	v62 =	vmovc v24;
	v28 =	vmov v14;
	s21 =	simm.s32 $0xC00;
	v14 =	vmov v48;
	v5 =	vor.u32 s31, v18;
	v24 =	vld [tilespmem:s0+$0x0];
	[tilespmem:v7+s20+$0x0] =	vst.idx.msk $0xffff, v2  }
0x756: {  	v55 =	vmovc v30;
	v30 =	vmov v28;
	v10 =	vor.u32 s31, v14;
	v16 =	vor.u32 s21, v28;
	v28 =	vld [tilespmem:$0x1FE10]  }
0x757: {  	v13 =	vmov v42;
	v34 =	vld [tilespmem:$0x1FE80];
	[tilespmem:v9+s20+$0x0] =	vst.idx.msk $0xffff, v8  }
0x758: {  	v53 =	vmov v19;
	v19 =	vor.u32 s21, v13;
	v35 =	vld [tilespmem:$0x1FE90]  }
0x759: {  	v61 =	vmov v22;
	v22 =	vor.u32 s21, v32;
	v33 =	vld [tilespmem:$0x1FEA0]  }
0x75a: {  	v56 =	vmov v25;
	v25 =	vor.u32 s2, v31;
	v9 =	vld [tilespmem:s0+$0x660];
	[tilespmem:v5+s20+$0x0] =	vst.idx.msk $0xffff, v1  }
0x75b: {  	v58 =	vmovc v23;
	v23 =	vmovc v38;
	v12 =	vor.u32 s21, v27;
	v27 =	vor.u32 s2, v43;
	v8 =	vor.u32 s21, v26;
	v26 =	vld [tilespmem:s0+$0x670];
	[tilespmem:v10+s20+$0x0] =	vst.idx.msk $0xffff, v4  }
0x75c: {  	v52 =	vor.u32 s1, v38;
	[tilespmem:v29+s20+$0x0] =	vst.idx.msk $0xffff, v0;
	v29 =	vor.u32 s31, v23;
	v0 =	vld [tilespmem:s30+$0x3EA0]  }
0x75d: {  	v38 =	vor.u32 s21, v31;
	v31 =	vor.u32 s31, v37;
	v7 =	vmov v23;
	v23 =	vld [tilespmem:s30+$0x3EB0];
	[tilespmem:v19+s20+$0x0] =	vst.idx.msk $0xffff, v24  }
0x75e: {  	[tilespmem:v22+s20+$0x0] =	vst.idx.msk $0xffff, v21  }
0x75f: {  	[tilespmem:v25+s20+$0x0] =	vst.idx.msk $0xffff, v9  }
0x760: {  	v54 =	vor.u32 s1, v48;
	[tilespmem:v27+s20+$0x0] =	vst.idx.msk $0xffff, v26  }
0x761: {  	v59 =	vmovc v47;
	v48 =	vor.u32 s1, v63;
	v49 =	vor.u32 s1, v37;
	v47 =	vor.u32 s1, v45;
	[tilespmem:v29+s20+$0x0] =	vst.idx.msk $0xffff, v0  }
0x762: {  	v41 =	vmovc v63;
	v63 =	vmovc v18;
	v18 =	vor.u32 s21, v43;
	v14 =	vor.u32 s21, v14;
	v6 =	vor.u32 s21, v56;
	[tilespmem:v31+s20+$0x0] =	vst.idx.msk $0xffff, v23  }
0x763: {  	v2 =	vor.u32 s21, v55;
	v55 =	vor.u32 s21, v63;
	v63 =	vor.u32 s21, v41;
	v23 =	vld [tilespmem:$0x1FA90]  }
0x764: {  	v56 =	vor.u32 s21, v44;
	v20 =	vld [tilespmem:s30+$0x3840];
	v7 =	vor.u32 s21, v7;
	v5 =	vor.u32 s21, v62  }
0x765: {  	v1 =	vor.u32 s21, v58;
	v58 =	vor.u32 s21, v59;
	v62 =	vor.u32 s21, v45;
	v22 =	vld [tilespmem:s0+$0x640]  }
0x766: {  	v59 =	vor.u32 s21, v57;
	v57 =	vor.u32 s21, v61;
	v61 =	vor.u32 s21, v40;
	v19 =	vld [tilespmem:s30+$0x3850]  }
0x767: {  	v10 =	vor.u32 s21, v60;
	v60 =	vor.u32 s21, v50;
	v4 =	vor.u32 s21, v37;
	v24 =	vld [tilespmem:s0+$0x650]  }
0x768: {  	v42 =	vmovc v17;
	v50 =	vor.u32 s21, v39;
	v17 =	vor.u32 s21, v28;
	v13 =	vor.u32 s21, v34;
	v25 =	vld [tilespmem:s0+$0xCA0]  }
0x769: {  	v21 =	vor.u32 s31, v41;
	v15 =	vor.u32 s21, v35;
	v11 =	vor.u32 s21, v33;
	v26 =	vld [tilespmem:s0+$0xCB0]  }
0x76a: {  	v32 =	vmovc v43;
	v9 =	vor.u32 s21, v53;
	v53 =	vor.u32 s21, v36;
	v0 =	vor.u32 s21, v42;
	[tilespmem:v38+s20+$0x0] =	vst.idx.msk $0xffff, v22;
	v22 =	vld [tilespmem:s30+$0x44F0]  }
0x76b: {  	s17 =	simm.s32 $0x8;
	v27 =	vor.u32 s2, v30;
	v29 =	vmovc v35;
	v31 =	vmovc v28;
	v28 =	vor.u32 s2, v28;
	[tilespmem:v23+s20+$0x0] =	vst.idx.msk $0xffff, v20;
	v20 =	vld [tilespmem:s30+$0x44E0];
	v23 =	vor.u32 s31, v45  }
.LBB2_9:
0x76c: {  	v44 =	vld [tilespmem:$0x1FFE0]  }
0x76d: {  	v35 =	vld [tilespmem:$0x1FEC0]  }
0x76e: {  	v45 =	vld [tilespmem:$0x1FFF0]  }
0x76f: {  	v38 =	vld [tilespmem:$0x1FF00]  }
0x770: {  	v37 =	vld [tilespmem:$0x1FEF0]  }
0x771: {  	v43 =	vld [tilespmem:$0x1FFB0]  }
0x772: {  	v39 =	vld [tilespmem:$0x1FF10]  }
0x773: {  	v40 =	vld [tilespmem:$0x1FF40]  }
0x774: {  	v42 =	vld [tilespmem:$0x1FE30];
	[tilespmem:v27+s20+$0x0] =	vst.idx.msk $0xffff, v25  }
0x775: {  	v41 =	vld [tilespmem:$0x1FFA0];
	[tilespmem:v18+s20+$0x0] =	vst.idx.msk $0xffff, v24  }
0x776: {  	[tilespmem:v28+s20+$0x0] =	vst.idx.msk $0xffff, v26;
	v28 =	vld [tilespmem:$0x1FEB0]  }
0x777: {  	v24 =	vld [tilespmem:s0+$0xC80]  }
0x778: {  	v26 =	vld [tilespmem:s0+$0x12E0];
	v27 =	vor.u32 s2, v34  }
0x779: {  	v25 =	vld [tilespmem:s0+$0xC90];
	[tilespmem:v21+s20+$0x0] =	vst.idx.msk $0xffff, v20  }
0x77a: {  	v18 =	vld [tilespmem:s29+$0x5150];
	[tilespmem:v54+s20+$0x0] =	vst.idx.msk $0xffff, v19  }
0x77b: {  	v20 =	vld [tilespmem:s0+$0x12F0];
	[tilespmem:v23+s20+$0x0] =	vst.idx.msk $0xffff, v22  }
0x77c: {  	v19 =	vld [tilespmem:s30+$0x4B20];
	[tilespmem:v16+s20+$0x0] =	vst.idx.msk $0xffff, v24  }
0x77d: {  	v54 =	vmov v14;
	v14 =	vld [tilespmem:s30+$0x4B30];
	[tilespmem:v27+s20+$0x0] =	vst.idx.msk $0xffff, v26  }
0x77e: {  	v27 =	vld [tilespmem:$0x1FFC0];
	[tilespmem:v17+s20+$0x0] =	vst.idx.msk $0xffff, v25  }
0x77f: {  	v21 =	vor.u32 s2, v29;
	v17 =	vld [tilespmem:s30+$0x3E80]  }
0x780: {  	v22 =	vor.u32 s31, v44;
	v23 =	vld [tilespmem:s0+$0x12C0]  }
0x781: {  	v16 =	vor.u32 s31, v35;
	v24 =	vld [tilespmem:s0+$0x12D0]  }
0x782: {  	[tilespmem:v51+s20+$0x0] =	vst.idx.msk $0xffff, v3;
	v3 =	vld [tilespmem:$0x1FA30]  }
0x783: {  	v25 =	vmov v34;
	v34 =	vld [tilespmem:$0x1FED0]  }
0x784: {  	v26 =	vmov v33;
	[tilespmem:v21+s20+$0x0] =	vst.idx.msk $0xffff, v20;
	v21 =	vor.u32 s2, v33;
	v33 =	vld [tilespmem:$0x1FF30]  }
0x785: {  	v20 =	vld [tilespmem:s0+$0x1920];
	[tilespmem:v22+s20+$0x0] =	vst.idx.msk $0xffff, v19  }
0x786: {  	v22 =	vor.u32 s2, v28;
	v19 =	vld [tilespmem:s0+$0x1930];
	[tilespmem:v16+s20+$0x0] =	vst.idx.msk $0xffff, v14  }
0x787: {  	v14 =	vld [tilespmem:s30+$0x5160];
	v51 =	vmov v3;
	v3 =	vmov v9;
	[tilespmem:v13+s20+$0x0] =	vst.idx.msk $0xffff, v23  }
0x788: {  	v16 =	vor.u32 s31, v34;
	[tilespmem:$0x1FA30] =	vst v3;
	v3 =	vld [tilespmem:s30+$0x5170]  }
0x789: {  	v9 =	vor.u32 s31, v33;
	[tilespmem:v15+s20+$0x0] =	vst.idx.msk $0xffff, v24;
	v24 =	vmov v29;
	v29 =	vld [tilespmem:$0x1FE20]  }
0x78a: {  	[tilespmem:v21+s20+$0x0] =	vst.idx.msk $0xffff, v20;
	v15 =	vld [tilespmem:s0+$0x1900]  }
0x78b: {  	v20 =	vld [tilespmem:s0+$0x1910];
	[tilespmem:v22+s20+$0x0] =	vst.idx.msk $0xffff, v19  }
0x78c: {  	v13 =	vld [tilespmem:s30+$0x3E90];
	[tilespmem:v52+s20+$0x0] =	vst.idx.msk $0xffff, v17  }
0x78d: {  	v19 =	vld [tilespmem:s0+$0x1F60];
	[tilespmem:v16+s20+$0x0] =	vst.idx.msk $0xffff, v14  }
0x78e: {  	v21 =	vor.u32 s2, v27;
	v14 =	vld [tilespmem:s0+$0x1F70];
	[tilespmem:v9+s20+$0x0] =	vst.idx.msk $0xffff, v3  }
0x78f: {  	v16 =	vor.u32 s2, v45;
	v3 =	vld [tilespmem:s30+$0x57A0];
	[tilespmem:v11+s20+$0x0] =	vst.idx.msk $0xffff, v15  }
0x790: {  	v52 =	vmov v7;
	v9 =	vor.u32 s31, v38;
	v7 =	vld [tilespmem:s30+$0x57B0];
	[tilespmem:v12+s20+$0x0] =	vst.idx.msk $0xffff, v20  }
0x791: {  	v11 =	vor.u32 s31, v37;
	v12 =	vld [tilespmem:s28+$0x5DC0]  }
0x792: {  	v15 =	vld [tilespmem:s0+$0x1F40]  }
0x793: {  	[tilespmem:v21+s20+$0x0] =	vst.idx.msk $0xffff, v19;
	v17 =	vld [tilespmem:s0+$0x1F50]  }
0x794: {  	[tilespmem:v16+s20+$0x0] =	vst.idx.msk $0xffff, v14;
	v16 =	vld [tilespmem:$0x1FA40]  }
0x795: {  	[tilespmem:v9+s20+$0x0] =	vst.idx.msk $0xffff, v3;
	v9 =	vld [tilespmem:s28+$0x5DD0]  }
0x796: {  	v14 =	vor.u32 s2, v43;
	s28 =	smov.u32 s29;
	s29 =	smov.u32 s30;
	v3 =	vld [tilespmem:s0+$0x25A0];
	[tilespmem:v11+s20+$0x0] =	vst.idx.msk $0xffff, v7  }
0x797: {  	[tilespmem:v49+s20+$0x0] =	vst.idx.msk $0xffff, v13;
	v11 =	vor.u32 s31, v39;
	v7 =	vld [tilespmem:s29+$0x5DE0]  }
0x798: {  	v49 =	vmov v4;
	[tilespmem:v8+s20+$0x0] =	vst.idx.msk $0xffff, v15;
	v4 =	vld [tilespmem:s29+$0x5DF0]  }
0x799: {  	v8 =	vor.u32 s31, v40;
	s31 =	smov.u32 s2;
	[tilespmem:v10+s20+$0x0] =	vst.idx.msk $0xffff, v17;
	v10 =	vld [tilespmem:s0+$0x25B0]  }
0x79a: {  	v13 =	vor.u32 s31, v29;
	v15 =	vld [tilespmem:s0+$0x2580];
	[tilespmem:v46+s20+$0x0] =	vst.idx.msk $0xffff, v18  }
0x79b: {  	v46 =	vmov v16;
	v16 =	vmov v0;
	v0 =	vld [tilespmem:s0+$0x2590];
	[tilespmem:v14+s20+$0x0] =	vst.idx.msk $0xffff, v3  }
0x79c: {  	[tilespmem:v11+s20+$0x0] =	vst.idx.msk $0xffff, v7;
	v11 =	vld [tilespmem:$0x1F9B0]  }
0x79d: {  	v3 =	vld [tilespmem:s29+$0x44C0]  }
0x79e: {  	v7 =	vld [tilespmem:s29+$0x44D0];
	[tilespmem:v8+s20+$0x0] =	vst.idx.msk $0xffff, v4  }
0x79f: {  	v4 =	vld [tilespmem:s28+$0x5780];
	[tilespmem:v13+s20+$0x0] =	vst.idx.msk $0xffff, v10  }
0x7a0: {  	v8 =	vor.u32 s31, v42;
	[tilespmem:v6+s20+$0x0] =	vst.idx.msk $0xffff, v15;
	v6 =	vld [tilespmem:s0+$0x2BE0]  }
0x7a1: {  	[tilespmem:v5+s20+$0x0] =	vst.idx.msk $0xffff, v0;
	v0 =	vld [tilespmem:s0+$0x2BF0];
	v5 =	vor.u32 s31, v41  }
0x7a2: {  	v10 =	vld [tilespmem:s0+$0x2BC0];
	[tilespmem:v48+s20+$0x0] =	vst.idx.msk $0xffff, v3  }
0x7a3: {  	v3 =	vld [tilespmem:s0+$0x2BD0];
	[tilespmem:v47+s20+$0x0] =	vst.idx.msk $0xffff, v7  }
0x7a4: {  	v7 =	vld [tilespmem:s29+$0x4B00];
	[tilespmem:v11+s20+$0x0] =	vst.idx.msk $0xffff, v12  }
0x7a5: {  	[tilespmem:v8+s20+$0x0] =	vst.idx.msk $0xffff, v6  }
0x7a6: {  	v6 =	vld [tilespmem:s29+$0x4B10];
	[tilespmem:v5+s20+$0x0] =	vst.idx.msk $0xffff, v0  }
0x7a7: {  	v0 =	vld [tilespmem:s28+$0x5790];
	[tilespmem:v2+s20+$0x0] =	vst.idx.msk $0xffff, v10  }
0x7a8: {  	[tilespmem:v1+s20+$0x0] =	vst.idx.msk $0xffff, v3;
	v3 =	vld [tilespmem:$0x1FA10];
	_ =	sdelay $0x6  }
0x7a9: {  	v11 =	vld [tilespmem:$0x1F9F0]  }
0x7aa: {  	v10 =	vld [tilespmem:s0+$0x3200];
	[tilespmem:v3+s20+$0x0] =	vst.idx.msk $0xffff, v7;
	v3 =	vmov v59  }
0x7ab: {  	[tilespmem:$0x1FA10] =	vst v3;
	v3 =	vld [tilespmem:$0x1FA20];
	_ =	sdelay $0x2  }
0x7ac: {  	s1 =	sshll.u32 s17, $0x9  }
0x7ad: {  	v36 =	vld [tilespmem:$0x1FF80];
	s2 =	sadd.s32 $0x200, s1  }
0x7ae: {  	v17 =	vor.u32 s1, v31;
	v31 =	vor.u32 s2, v32;
	v18 =	vor.u32 s1, v32;
	v32 =	vld [tilespmem:$0x1FE70];
	v12 =	vmovc v11  }
0x7af: {  	[tilespmem:$0x1F9B0] =	vst v12;
	v12 =	vld [tilespmem:$0x1FA70]  }
0x7b0: {  	v7 =	vld [tilespmem:s0+$0x3210]  }
0x7b1: {  	[tilespmem:v3+s20+$0x0] =	vst.idx.msk $0xffff, v6;
	v6 =	vld [tilespmem:$0x1F9D0]  }
0x7b2: {  	[tilespmem:$0x1FA40] =	vst v16;
	v16 =	vor.u32 s1, v30;
	v30 =	vld [tilespmem:$0x1FFD0]  }
0x7b3: {  	v2 =	vld [tilespmem:s0+$0x3220]  }
0x7b4: {  	v1 =	vld [tilespmem:s0+$0x3230]  }
0x7b5: {  	v11 =	vmov v61;
	v61 =	vld [tilespmem:$0x1FF60]  }
0x7b6: {  	v5 =	vor.u32 s31, v36;
	[tilespmem:$0x1FA70] =	vst v11;
	v11 =	vld [tilespmem:$0x1FE40];
	v12 =	vmov v12  }
0x7b7: {  	[tilespmem:$0x1F9F0] =	vst v12;
	v12 =	vld [tilespmem:$0x1FE50];
	v3 =	vmov v57  }
0x7b8: {  	v57 =	vld [tilespmem:$0x1FE60];
	[tilespmem:$0x1FA20] =	vst v3  }
0x7b9: {  	v3 =	vld [tilespmem:s29+$0x5140];
	[tilespmem:v6+s20+$0x0] =	vst.idx.msk $0xffff, v4;
	v4 =	vmov v56  }
0x7ba: {  	s30 =	smov.u32 s0;
	v8 =	vor.u32 s31, v61;
	s0 =	sadd.s32 $0x40, s0;
	v6 =	vld [tilespmem:$0x1FA50];
	[tilespmem:$0x1FA50] =	vst v4  }
0x7bb: {  	v4 =	vld [tilespmem:s0+$0x20];
	[tilespmem:v5+s20+$0x0] =	vst.idx.msk $0xffff, v2  }
0x7bc: {  	[tilespmem:v60+s20+$0x0] =	vst.idx.msk $0xffff, v10;
	v10 =	vor.u32 s1, v45;
	v45 =	vld [tilespmem:$0x1FF20]  }
0x7bd: {  	v14 =	vor.u32 s2, v11;
	v21 =	vld [tilespmem:s0+$0x30]  }
0x7be: {  	v23 =	vor.u32 s2, v12;
	[tilespmem:v58+s20+$0x0] =	vst.idx.msk $0xffff, v7;
	v7 =	vld [tilespmem:$0x1FF70]  }
0x7bf: {  	[tilespmem:v8+s20+$0x0] =	vst.idx.msk $0xffff, v1;
	v1 =	vld [tilespmem:$0x1F9E0]  }
0x7c0: {  	v13 =	vor.u32 s1, v25;
	v15 =	vor.u32 s1, v24;
	v25 =	vor.u32 s31, v30;
	v24 =	vld [tilespmem:s30+$0x3860]  }
0x7c1: {  	v60 =	vor.u32 s1, v36;
	v36 =	vld [tilespmem:$0x1FEE0]  }
0x7c2: {  	v19 =	vor.u32 s1, v11;
	v11 =	vor.u32 s1, v26;
	v26 =	vld [tilespmem:s30+$0x3870];
	[tilespmem:v14+s20+$0x0] =	vst.idx.msk $0xffff, v4  }
0x7c3: {  	v20 =	vor.u32 s1, v12;
	v12 =	vor.u32 s1, v28;
	v28 =	vld [tilespmem:s0+$0x10];
	[tilespmem:v23+s20+$0x0] =	vst.idx.msk $0xffff, v21  }
0x7c4: {  	v23 =	vld [tilespmem:s0+$0x660]  }
0x7c5: {  	v8 =	vor.u32 s1, v27;
	v27 =	vor.u32 s31, v7;
	[tilespmem:v25+s20+$0x0] =	vst.idx.msk $0xffff, v24;
	v24 =	vld [tilespmem:$0x1F9C0]  }
0x7c6: {  	v25 =	vld [tilespmem:s0+$0x670]  }
0x7c7: {  	[tilespmem:v1+s20+$0x0] =	vst.idx.msk $0xffff, v0;
	v1 =	vld [tilespmem:$0x1FA60]  }
0x7c8: {  	v0 =	vmov v53;
	v53 =	vld [tilespmem:$0x1FF50]  }
0x7c9: {  	v5 =	vor.u32 s1, v29;
	v29 =	vor.u32 s1, v30;
	v30 =	vor.u32 s2, v57;
	[tilespmem:$0x1FA60] =	vst v0;
	v0 =	vld [tilespmem:s0+$0x0]  }
0x7ca: {  	v21 =	vld [tilespmem:s30+$0x3840];
	[tilespmem:v27+s20+$0x0] =	vst.idx.msk $0xffff, v26  }
0x7cb: {  	v6 =	vmov v6;
	v26 =	vld [tilespmem:s30+$0x3EA0]  }
0x7cc: {  	[tilespmem:$0x1F9D0] =	vst v6;
	v6 =	vor.u32 s1, v43;
	v43 =	vld [tilespmem:s30+$0x3EB0]  }
0x7cd: {  	[tilespmem:v24+s20+$0x0] =	vst.idx.msk $0xffff, v9;
	v9 =	vld [tilespmem:$0x1FA00]  }
0x7ce: {  	[tilespmem:v30+s20+$0x0] =	vst.idx.msk $0xffff, v23;
	v30 =	vld [tilespmem:$0x1FE00]  }
0x7cf: {  	v2 =	vor.u32 s1, v42;
	[tilespmem:v31+s20+$0x0] =	vst.idx.msk $0xffff, v25;
	v31 =	vld [tilespmem:$0x1FE10];
	v1 =	vmov v1;
	v42 =	vor.u32 s31, v53  }
0x7d0: {  	v59 =	vor.u32 s1, v44;
	v44 =	vor.u32 s31, v45;
	v25 =	vld [tilespmem:s0+$0xCA0];
	[tilespmem:$0x1F9E0] =	vst v1  }
0x7d1: {  	v1 =	vor.u32 s1, v41;
	v41 =	vld [tilespmem:$0x1FF90];
	[tilespmem:v19+s20+$0x0] =	vst.idx.msk $0xffff, v0  }
0x7d2: {  	v0 =	vor.u32 s1, v33;
	v33 =	vld [tilespmem:$0x1FEA0];
	[tilespmem:v20+s20+$0x0] =	vst.idx.msk $0xffff, v28;
	v24 =	vmov v9  }
0x7d3: {  	[tilespmem:$0x1F9C0] =	vst v24;
	v24 =	vld [tilespmem:$0x1FA80]  }
0x7d4: {  	v4 =	vor.u32 s1, v45;
	v45 =	vld [tilespmem:s0+$0x640];
	[tilespmem:v42+s20+$0x0] =	vst.idx.msk $0xffff, v26  }
0x7d5: {  	v19 =	vmov v50;
	v26 =	vld [tilespmem:s0+$0xCB0];
	[tilespmem:v44+s20+$0x0] =	vst.idx.msk $0xffff, v43  }
0x7d6: {  	p1 =	slt.u32 s17, $0x30;
	v22 =	vor.u32 s1, v57;
	[tilespmem:$0x1FA80] =	vst v19;
	v19 =	vld [tilespmem:s30+$0x3850]  }
.Ltmp5:
0x7d7: {  	v56 =	vor.u32 s1, v38;
	v57 =	vor.u32 s1, v35;
	v58 =	vor.u32 s1, v61;
	v20 =	vld [tilespmem:s30+$0x44E0];
	(pc) =	sbr.rel @p1 .LBB2_9-.Ltmp5, $4  }
0x7d8: {  	v47 =	vmovc v62;
	v61 =	vor.u32 s1, v39;
	v62 =	vor.u32 s1, v36;
	v14 =	vor.u32 s1, v7;
	v9 =	vmovc v24;
	v24 =	vld [tilespmem:s0+$0x650]  }
0x7d9: {  	v23 =	vor.u32 s31, v36;
	v7 =	vor.u32 s1, v53;
	v53 =	vor.u32 s1, v37;
	[tilespmem:v55+s20+$0x0] =	vst.idx.msk $0xffff, v21;
	v55 =	vmovc v29;
	v29 =	vld [tilespmem:$0x1FE90]  }
0x7da: {  	v27 =	vor.u32 s2, v30;
	v28 =	vor.u32 s2, v31;
	[tilespmem:$0x1FA00] =	vst v9;
	v9 =	vor.u32 s1, v34;
	v34 =	vld [tilespmem:$0x1FE80]  }
0x7db: {  	s17 =	sadd.s32 $0x2, s17;
	v48 =	vmovc v63;
	v50 =	vor.u32 s1, v40;
	v63 =	vor.u32 s1, v41;
	v21 =	vor.u32 s31, v41;
	[tilespmem:v22+s20+$0x0] =	vst.idx.msk $0xffff, v45;
	v22 =	vld [tilespmem:s30+$0x44F0]  }
0x7dc: {  	_ =	sdelay $0x3  }
0x7dd: {  	[tilespmem:v27+s20+$0x0] =	vst.idx.msk $0xffff, v25  }
0x7de: {  	[tilespmem:v28+s20+$0x0] =	vst.idx.msk $0xffff, v26  }
0x7df: {  	v25 =	vld [tilespmem:s0+$0x12E0];
	v26 =	vor.u32 s2, v34  }
0x7e0: {  	v27 =	vld [tilespmem:s0+$0x12F0];
	v28 =	vor.u32 s2, v29;
	_ =	sdelay $0x2  }
0x7e1: {  	[tilespmem:v18+s20+$0x0] =	vst.idx.msk $0xffff, v24  }
0x7e2: {  	[tilespmem:v26+s20+$0x0] =	vst.idx.msk $0xffff, v25  }
0x7e3: {  	[tilespmem:v28+s20+$0x0] =	vst.idx.msk $0xffff, v27  }
0x7e4: {  	v28 =	vld [tilespmem:$0x1FEB0];
	_ =	sdelay $0x1  }
0x7e5: {  	v18 =	vld [tilespmem:s0+$0xC80]  }
0x7e6: {  	v24 =	vld [tilespmem:s0+$0xC90]  }
0x7e7: {  	v26 =	vor.u32 s2, v33;
	v25 =	vld [tilespmem:s0+$0x1920]  }
0x7e8: {  	v27 =	vld [tilespmem:s0+$0x1930];
	v28 =	vor.u32 s2, v28;
	_ =	sdelay $0x1  }
0x7e9: {  	[tilespmem:v16+s20+$0x0] =	vst.idx.msk $0xffff, v18  }
0x7ea: {  	[tilespmem:v17+s20+$0x0] =	vst.idx.msk $0xffff, v24  }
0x7eb: {  	[tilespmem:v26+s20+$0x0] =	vst.idx.msk $0xffff, v25  }
0x7ec: {  	[tilespmem:v28+s20+$0x0] =	vst.idx.msk $0xffff, v27  }
0x7ed: {  	v28 =	vld [tilespmem:$0x1FFC0]  }
0x7ee: {  	v26 =	vld [tilespmem:$0x1FFF0];
	_ =	sdelay $0x1  }
0x7ef: {  	v16 =	vld [tilespmem:s0+$0x12C0]  }
0x7f0: {  	v17 =	vld [tilespmem:s0+$0x12D0]  }
0x7f1: {  	v18 =	vld [tilespmem:s0+$0x1F60];
	v24 =	vor.u32 s2, v28  }
0x7f2: {  	v25 =	vld [tilespmem:s0+$0x1F70];
	v27 =	vmov v26;
	v26 =	vor.u32 s2, v26;
	_ =	sdelay $0x1  }
0x7f3: {  	[tilespmem:v13+s20+$0x0] =	vst.idx.msk $0xffff, v16  }
0x7f4: {  	[tilespmem:v15+s20+$0x0] =	vst.idx.msk $0xffff, v17  }
0x7f5: {  	[tilespmem:v24+s20+$0x0] =	vst.idx.msk $0xffff, v18  }
0x7f6: {  	[tilespmem:v26+s20+$0x0] =	vst.idx.msk $0xffff, v25  }
0x7f7: {  	v26 =	vld [tilespmem:$0x1FFB0]  }
0x7f8: {  	v25 =	vld [tilespmem:$0x1FE20];
	_ =	sdelay $0x1  }
0x7f9: {  	v13 =	vld [tilespmem:s0+$0x1900]  }
0x7fa: {  	v15 =	vld [tilespmem:s0+$0x1910]  }
0x7fb: {  	v16 =	vld [tilespmem:s0+$0x25A0];
	v17 =	vor.u32 s2, v26  }
0x7fc: {  	v18 =	vld [tilespmem:s0+$0x25B0];
	v24 =	vor.u32 s2, v25;
	_ =	sdelay $0x1  }
0x7fd: {  	[tilespmem:v11+s20+$0x0] =	vst.idx.msk $0xffff, v13  }
0x7fe: {  	[tilespmem:v12+s20+$0x0] =	vst.idx.msk $0xffff, v15  }
0x7ff: {  	[tilespmem:v17+s20+$0x0] =	vst.idx.msk $0xffff, v16  }
0x800: {  	v11 =	vld [tilespmem:s0+$0x1F40];
	[tilespmem:v24+s20+$0x0] =	vst.idx.msk $0xffff, v18  }
0x801: {  	v38 =	vld [tilespmem:$0x1FE30]  }
0x802: {  	v18 =	vld [tilespmem:$0x1FFA0]  }
0x803: {  	v12 =	vld [tilespmem:s0+$0x1F50];
	_ =	sdelay $0x2  }
0x804: {  	v13 =	vld [tilespmem:s0+$0x2BE0];
	v15 =	vor.u32 s2, v38  }
0x805: {  	v16 =	vld [tilespmem:s0+$0x2BF0];
	[tilespmem:v8+s20+$0x0] =	vst.idx.msk $0xffff, v11;
	v17 =	vor.u32 s2, v18  }
0x806: {  	[tilespmem:v10+s20+$0x0] =	vst.idx.msk $0xffff, v12  }
0x807: {  	v8 =	vld [tilespmem:s0+$0x2580]  }
0x808: {  	[tilespmem:v21+s20+$0x0] =	vst.idx.msk $0xffff, v20;
	v10 =	vld [tilespmem:s0+$0x2590]  }
0x809: {  	[tilespmem:v15+s20+$0x0] =	vst.idx.msk $0xffff, v13  }
0x80a: {  	[tilespmem:v17+s20+$0x0] =	vst.idx.msk $0xffff, v16  }
0x80b: {  	v20 =	vld [tilespmem:$0x1FF80];
	[tilespmem:v23+s20+$0x0] =	vst.idx.msk $0xffff, v22  }
0x80c: {  	v21 =	vld [tilespmem:$0x1FF60];
	[tilespmem:v6+s20+$0x0] =	vst.idx.msk $0xffff, v8  }
0x80d: {  	v39 =	vld [tilespmem:$0x1FFE0];
	[tilespmem:v5+s20+$0x0] =	vst.idx.msk $0xffff, v10  }
0x80e: {  	v23 =	vld [tilespmem:$0x1FEC0];
	_ =	sdelay $0x1  }
0x80f: {  	v12 =	vld [tilespmem:s0+$0x3220];
	v13 =	vor.u32 s2, v20  }
0x810: {  	v15 =	vld [tilespmem:s0+$0x3230];
	v16 =	vor.u32 s2, v21  }
0x811: {  	v35 =	vld [tilespmem:s30+$0x4B20];
	v37 =	vor.u32 s31, v39  }
0x812: {  	v40 =	vld [tilespmem:s30+$0x4B30];
	v41 =	vor.u32 s31, v23  }
0x813: {  	[tilespmem:v54+s20+$0x0] =	vst.idx.msk $0xffff, v19;
	v17 =	vld [tilespmem:s0+$0x2BC0]  }
0x814: {  	[tilespmem:v13+s20+$0x0] =	vst.idx.msk $0xffff, v12;
	v12 =	vld [tilespmem:s0+$0x2BD0]  }
0x815: {  	[tilespmem:v16+s20+$0x0] =	vst.idx.msk $0xffff, v15  }
0x816: {  	[tilespmem:v37+s20+$0x0] =	vst.idx.msk $0xffff, v35  }
0x817: {  	v54 =	vld [tilespmem:$0x1FFD0];
	[tilespmem:v41+s20+$0x0] =	vst.idx.msk $0xffff, v40  }
0x818: {  	v19 =	vld [tilespmem:$0x1FF70];
	[tilespmem:v2+s20+$0x0] =	vst.idx.msk $0xffff, v17  }
0x819: {  	v30 =	vld [tilespmem:$0x1FED0];
	[tilespmem:v1+s20+$0x0] =	vst.idx.msk $0xffff, v12  }
0x81a: {  	v37 =	vld [tilespmem:$0x1FF30]  }
0x81b: {  	v11 =	vld [tilespmem:s29+$0x5150]  }
0x81c: {  	v6 =	vld [tilespmem:s0+$0x3860];
	v42 =	vor.u32 s2, v54  }
0x81d: {  	v43 =	vld [tilespmem:s0+$0x3870];
	v44 =	vor.u32 s2, v19  }
0x81e: {  	v35 =	vld [tilespmem:s30+$0x5160];
	v15 =	vor.u32 s31, v30  }
0x81f: {  	v40 =	vld [tilespmem:s30+$0x5170];
	v12 =	vor.u32 s31, v37  }
0x820: {  	[tilespmem:v51+s20+$0x0] =	vst.idx.msk $0xffff, v3;
	v41 =	vld [tilespmem:s0+$0x3200]  }
0x821: {  	[tilespmem:v42+s20+$0x0] =	vst.idx.msk $0xffff, v6;
	v42 =	vld [tilespmem:s0+$0x3210]  }
0x822: {  	[tilespmem:v44+s20+$0x0] =	vst.idx.msk $0xffff, v43  }
0x823: {  	[tilespmem:v15+s20+$0x0] =	vst.idx.msk $0xffff, v35  }
0x824: {  	v16 =	vld [tilespmem:$0x1FF50];
	[tilespmem:v12+s20+$0x0] =	vst.idx.msk $0xffff, v40  }
0x825: {  	v17 =	vld [tilespmem:$0x1FF20];
	[tilespmem:v60+s20+$0x0] =	vst.idx.msk $0xffff, v41  }
0x826: {  	v36 =	vld [tilespmem:$0x1FF00];
	[tilespmem:v58+s20+$0x0] =	vst.idx.msk $0xffff, v42  }
0x827: {  	v31 =	vld [tilespmem:$0x1FEF0]  }
0x828: {  	v13 =	vld [tilespmem:s30+$0x3E80]  }
0x829: {  	v43 =	vld [tilespmem:s0+$0x3EA0];
	v44 =	vor.u32 s2, v16  }
0x82a: {  	v51 =	vld [tilespmem:s0+$0x3EB0];
	v35 =	vor.u32 s2, v17  }
0x82b: {  	v40 =	vld [tilespmem:s30+$0x57A0];
	v12 =	vor.u32 s31, v36  }
0x82c: {  	v41 =	vld [tilespmem:s30+$0x57B0];
	v15 =	vor.u32 s31, v31  }
0x82d: {  	v5 =	vld [tilespmem:s30+$0x3E90];
	[tilespmem:v52+s20+$0x0] =	vst.idx.msk $0xffff, v13  }
0x82e: {  	v13 =	vld [tilespmem:s0+$0x3840];
	[tilespmem:v44+s20+$0x0] =	vst.idx.msk $0xffff, v43  }
0x82f: {  	v42 =	vld [tilespmem:s0+$0x3850];
	[tilespmem:v35+s20+$0x0] =	vst.idx.msk $0xffff, v51  }
0x830: {  	[tilespmem:v12+s20+$0x0] =	vst.idx.msk $0xffff, v40  }
0x831: {  	v22 =	vld [tilespmem:$0x1FF90];
	[tilespmem:v15+s20+$0x0] =	vst.idx.msk $0xffff, v41  }
0x832: {  	v15 =	vld [tilespmem:$0x1FEE0]  }
0x833: {  	[tilespmem:v55+s20+$0x0] =	vst.idx.msk $0xffff, v13  }
0x834: {  	[tilespmem:v14+s20+$0x0] =	vst.idx.msk $0xffff, v42  }
0x835: {  	v45 =	vmov v32;
	v32 =	vld [tilespmem:$0x1FF10]  }
0x836: {  	v43 =	vld [tilespmem:s0+$0x44E0];
	v51 =	vor.u32 s2, v22  }
0x837: {  	v52 =	vld [tilespmem:s0+$0x44F0];
	v58 =	vor.u32 s2, v15;
	_ =	sdelay $0x1  }
0x838: {  	v60 =	vld [tilespmem:s30+$0x5DE0]  }
0x839: {  	[tilespmem:v49+s20+$0x0] =	vst.idx.msk $0xffff, v5;
	v44 =	vld [tilespmem:s0+$0x3E80];
	v13 =	vor.u32 s31, v32  }
0x83a: {  	v49 =	vld [tilespmem:s0+$0x3E90];
	[tilespmem:v51+s20+$0x0] =	vst.idx.msk $0xffff, v43  }
0x83b: {  	v51 =	vld [tilespmem:s30+$0x5DF0];
	[tilespmem:v58+s20+$0x0] =	vst.idx.msk $0xffff, v52  }
0x83c: {  	v40 =	vld [tilespmem:$0x1FF40]  }
0x83d: {  	v55 =	vor.u32 s2, v39;
	v10 =	vld [tilespmem:s0+$0x4B20]  }
0x83e: {  	v58 =	vld [tilespmem:s0+$0x4B30];
	[tilespmem:v13+s20+$0x0] =	vst.idx.msk $0xffff, v60;
	v13 =	vor.u32 s2, v23  }
0x83f: {  	[tilespmem:v7+s20+$0x0] =	vst.idx.msk $0xffff, v44;
	v60 =	vld [tilespmem:s30+$0x44C0]  }
0x840: {  	v35 =	vld [tilespmem:s30+$0x44D0];
	[tilespmem:v4+s20+$0x0] =	vst.idx.msk $0xffff, v49  }
0x841: {  	[tilespmem:v46+s20+$0x0] =	vst.idx.msk $0xffff, v11;
	v4 =	vld [tilespmem:s0+$0x44C0]  }
0x842: {  	v41 =	vld [tilespmem:s0+$0x44D0];
	[tilespmem:v55+s20+$0x0] =	vst.idx.msk $0xffff, v10  }
0x843: {  	v52 =	vor.u32 s31, v40;
	[tilespmem:v13+s20+$0x0] =	vst.idx.msk $0xffff, v58  }
0x844: {  	[tilespmem:v48+s20+$0x0] =	vst.idx.msk $0xffff, v60  }
0x845: {  	[tilespmem:v47+s20+$0x0] =	vst.idx.msk $0xffff, v35  }
0x846: {  	[tilespmem:v63+s20+$0x0] =	vst.idx.msk $0xffff, v4  }
0x847: {  	[tilespmem:v62+s20+$0x0] =	vst.idx.msk $0xffff, v41  }
0x848: {  	[tilespmem:v52+s20+$0x0] =	vst.idx.msk $0xffff, v51  }
0x849: {  	v10 =	vld [tilespmem:$0x1F9B0]  }
0x84a: {  	v44 =	vor.u32 s2, v30;
	v43 =	vld [tilespmem:s0+$0x5160]  }
0x84b: {  	v46 =	vld [tilespmem:s0+$0x5170];
	v47 =	vor.u32 s2, v37  }
0x84c: {  	v1 =	vld [tilespmem:s28+$0x5DC0];
	_ =	sdelay $0x2  }
0x84d: {  	[tilespmem:v44+s20+$0x0] =	vst.idx.msk $0xffff, v43  }
0x84e: {  	[tilespmem:v47+s20+$0x0] =	vst.idx.msk $0xffff, v46  }
0x84f: {  	v12 =	vld [tilespmem:s28+$0x5DD0];
	[tilespmem:v10+s20+$0x0] =	vst.idx.msk $0xffff, v1  }
0x850: {  	v7 =	vld [tilespmem:$0x1FA10];
	_ =	sdelay $0x2  }
0x851: {  	v48 =	vld [tilespmem:s30+$0x4B00];
	_ =	sdelay $0x4  }
0x852: {  	v49 =	vld [tilespmem:s30+$0x4B10];
	[tilespmem:v7+s20+$0x0] =	vst.idx.msk $0xffff, v48  }
0x853: {  	v8 =	vld [tilespmem:$0x1FA20]  }
0x854: {  	v51 =	vld [tilespmem:s0+$0x4B00]  }
0x855: {  	v52 =	vld [tilespmem:s0+$0x4B10];
	_ =	sdelay $0x3  }
0x856: {  	[tilespmem:v59+s20+$0x0] =	vst.idx.msk $0xffff, v51  }
0x857: {  	[tilespmem:v57+s20+$0x0] =	vst.idx.msk $0xffff, v52  }
0x858: {  	[tilespmem:v8+s20+$0x0] =	vst.idx.msk $0xffff, v49  }
0x859: {  	v10 =	vld [tilespmem:$0x1F9D0]  }
0x85a: {  	v60 =	vor.u32 s2, v36;
	v58 =	vld [tilespmem:s0+$0x57A0]  }
0x85b: {  	v63 =	vor.u32 s2, v31;
	v62 =	vld [tilespmem:s0+$0x57B0]  }
0x85c: {  	v42 =	vld [tilespmem:s29+$0x5780];
	_ =	sdelay $0x2  }
0x85d: {  	[tilespmem:v60+s20+$0x0] =	vst.idx.msk $0xffff, v58  }
0x85e: {  	[tilespmem:v63+s20+$0x0] =	vst.idx.msk $0xffff, v62  }
0x85f: {  	v55 =	vld [tilespmem:s29+$0x5790];
	[tilespmem:v10+s20+$0x0] =	vst.idx.msk $0xffff, v42  }
0x860: {  	v6 =	vld [tilespmem:$0x1FA30];
	_ =	sdelay $0x2  }
0x861: {  	v35 =	vld [tilespmem:s30+$0x5140];
	_ =	sdelay $0x4  }
0x862: {  	v41 =	vld [tilespmem:s30+$0x5150];
	[tilespmem:v6+s20+$0x0] =	vst.idx.msk $0xffff, v35  }
0x863: {  	v6 =	vld [tilespmem:$0x1FA40]  }
0x864: {  	v42 =	vld [tilespmem:s0+$0x5140]  }
0x865: {  	v43 =	vld [tilespmem:s0+$0x5150];
	_ =	sdelay $0x3  }
0x866: {  	[tilespmem:v9+s20+$0x0] =	vst.idx.msk $0xffff, v42  }
0x867: {  	[tilespmem:v0+s20+$0x0] =	vst.idx.msk $0xffff, v43  }
0x868: {  	[tilespmem:v6+s20+$0x0] =	vst.idx.msk $0xffff, v41  }
0x869: {  	v4 =	vld [tilespmem:$0x1F9E0];
	_ =	sdelay $0x7  }
0x86a: {  	[tilespmem:v4+s20+$0x0] =	vst.idx.msk $0xffff, v55  }
0x86b: {  	v4 =	vld [tilespmem:$0x1F9C0];
	_ =	sdelay $0x1  }
0x86c: {  	v46 =	vor.u32 s2, v32;
	v44 =	vld [tilespmem:s0+$0x5DE0];
	_ =	sdelay $0x4  }
0x86d: {  	v47 =	vld [tilespmem:s0+$0x5DF0];
	[tilespmem:v46+s20+$0x0] =	vst.idx.msk $0xffff, v44  }
0x86e: {  	[tilespmem:v4+s20+$0x0] =	vst.idx.msk $0xffff, v12  }
0x86f: {  	v5 =	vld [tilespmem:$0x1FA50];
	_ =	sdelay $0x2  }
0x870: {  	v48 =	vld [tilespmem:s30+$0x5780];
	_ =	sdelay $0x3  }
0x871: {  	v51 =	vld [tilespmem:s0+$0x5780]  }
0x872: {  	v49 =	vld [tilespmem:s30+$0x5790];
	[tilespmem:v5+s20+$0x0] =	vst.idx.msk $0xffff, v48  }
0x873: {  	v5 =	vld [tilespmem:$0x1FA60]  }
0x874: {  	v55 =	vor.u32 s2, v40  }
0x875: {  	v52 =	vld [tilespmem:s0+$0x5790];
	_ =	sdelay $0x2  }
0x876: {  	[tilespmem:v56+s20+$0x0] =	vst.idx.msk $0xffff, v51  }
0x877: {  	[tilespmem:v55+s20+$0x0] =	vst.idx.msk $0xffff, v47  }
0x878: {  	[tilespmem:v53+s20+$0x0] =	vst.idx.msk $0xffff, v52  }
0x879: {  	[tilespmem:v5+s20+$0x0] =	vst.idx.msk $0xffff, v49  }
0x87a: {  	v5 =	vld [tilespmem:$0x1F9F0];
	_ =	sdelay $0x2  }
0x87b: {  	v57 =	vld [tilespmem:s29+$0x5DC0];
	_ =	sdelay $0x4  }
0x87c: {  	v58 =	vld [tilespmem:s29+$0x5DD0];
	[tilespmem:v5+s20+$0x0] =	vst.idx.msk $0xffff, v57  }
0x87d: {  	v5 =	vld [tilespmem:$0x1FA00];
	_ =	sdelay $0x7  }
0x87e: {  	[tilespmem:v5+s20+$0x0] =	vst.idx.msk $0xffff, v58  }
0x87f: {  	v0 =	vld [tilespmem:$0x1FA70];
	_ =	sdelay $0x2  }
0x880: {  	v59 =	vld [tilespmem:s30+$0x5DC0];
	_ =	sdelay $0x4  }
0x881: {  	v60 =	vld [tilespmem:s30+$0x5DD0];
	[tilespmem:v0+s20+$0x0] =	vst.idx.msk $0xffff, v59  }
0x882: {  	v0 =	vld [tilespmem:$0x1FA80]  }
0x883: {  	v62 =	vld [tilespmem:s0+$0x5DC0]  }
0x884: {  	v63 =	vld [tilespmem:s0+$0x5DD0];
	_ =	sdelay $0x2  }
.Ltmp6:
0x885: {  	_ = 	snop;
	(pc) =	sbr.rel @p0 .LBB2_12-.Ltmp6, $4  }
0x886: {  	[tilespmem:v61+s20+$0x0] =	vst.idx.msk $0xffff, v62  }
0x887: {  	s31 =	sadd.s32 s26, s4;
	[tilespmem:v50+s20+$0x0] =	vst.idx.msk $0xffff, v63  }
0x888: {  	v14 =	vmov v37;
	s0 =	sadd.s32 $0x2, s31;
	[tilespmem:v0+s20+$0x0] =	vst.idx.msk $0xffff, v60  }
0x889: {  	v46 =	vmovc v39;
	v39 =	vmovc v32;
	v55 =	vmov v30;
	v50 =	vmov v38;
	v38 =	vmov v31;
	[hbm4b:s0+s15] =	stream.strided.scatter [tilespmem:s20], [sflag:$0x4], $0x6400, s16, s15, $0x38;
	[tilespmem:$0x1F400] =	vst v63  }
0x88a: {  	s0 =	smul.u32 $0x1900, s25  }
.Ltmp7:
0x88b: {  	_ = 	snop;
	(pc) =	sbr.rel .LBB2_6-.Ltmp7, $4  }
0x88c: {  	v42 =	vld [tilespmem:$0x1FE40]  }
0x88d: {  	v32 =	vld [tilespmem:$0x1FE50];
	s0 =	sshra.s32 s0, $0x2  }
0x88e: {  	s25 =	sadd.s32 $0x1, s25;
	v31 =	vld [tilespmem:$0x1FE60];
	s0 =	sadd.s32 $0x960, s0  }
0x88f: {  	v24 =	vmov v25;
	v23 =	vld [tilespmem:$0x1FEB0];
	[tilespmem:s12], [sflag:$0x2] =	stream.indirect.gather [hbm4b:s3+s11], $0x20, s0, s11, $0xb8  }
.LBB2_13:
0x890: {  	_ =	sfence.sel $0x180000  }
0x891: {  	[bflag:$0x0] =	sbarrier.arrive $0xFFFF  }
0x892: {  	_ =	strace $0x90000047  }
0x893: {  	s0 =	stileid.u32;
	[bflag:$0x2] =	sbarrier.arrive $0xFFFF  }
0x894: {  	p0 =	sne.s32 s0, $0x0;
	s0 =	rddreg [dreg:$0x2]  }
0x895: {  	s0 =	sadd.s32 @!p0 $0x100000, s0  }
0x896: {  	[sflag:s0] =	ssyncadd.tile.s32 @!p0 $0x1;
	_ =	shalt  }
.Lfunc_end2:
_tile_overlayer_lowered:
.L_overlay_start_2:
0x897: {  	(tag) =	ssettag $0x2  }
0x898: {  	s0 =	rddreg [dreg:$0x0];
	s2 =	stileid.u32  }
0x899: {  	s1 =	rddreg [dreg:$0x1];
	p0 =	sne.s32 s2, $0x0  }
0x89a: {  	s3 =	rddreg [dreg:$0x2];
	[bflag:$0x3] =	sbarrier.arrive $0xFFFF;
	s2 =	simm.s32 @!p0 $0x1C05  }
0x89b: {  	[timem:s3], [sflag:s2] =	dma.local @!p0 [hbm:s0], s1  }
0x89c: {  	s0 =	simm.s32 @!p0 $0x5  }
0x89d: {  	_ =	swait.ge @!p0 [sflag:s0], s1  }
0x89e: {  	s1 =	ssub.s32 @!p0 $0x0, s1;
	[sflag:s0] =	ssyncset.done @!p0 $0x0  }
0x89f: {  	[sflag:s0] =	ssyncadd.s32 @!p0 s1  }
0x8a0: {  	[bflag:$0x3] =	sbarrier.arrive $0xFFFF  }
0x8a1: {  	_ =	shalt  }

</sc_bundles>
